<compile_context>
chip_gen: v7x
topology: tpu7x:2x2x1
jax: 0.10.2.dev20260603
libtpu: 0.0.44.dev20260713+nightly
codegen_flags: <defaults>
</compile_context>

<pallas_src>
import functools

import jax
import jax.numpy as jnp
from jax import lax
from jax.experimental import pallas as pl
from jax.experimental.pallas import tpu as pltpu
from jax.experimental.pallas import tpu_sc as plsc

BATCH = 16384
HIST = 200
EMBED_DIM = 3
PAD_DIM = 8
N_VOCAB = 1000000
N_TOTAL = BATCH * HIST
NC, NS = 2, 16
NW = NC * NS
PER_W = N_TOTAL // NW
CHUNK = 5120
NCH = PER_W // CHUNK

VC = 6400
NVCH = N_VOCAB // VC
VTAIL = N_VOCAB - NVCH * VC

_mesh = plsc.VectorSubcoreMesh(core_axis_name="c", subcore_axis_name="s")
_params = pltpu.CompilerParams(
    use_tc_tiling_on_sc=False, needs_layout_passes=False
)


@functools.partial(
    pl.kernel,
    mesh=_mesh,
    out_type=jax.ShapeDtypeStruct((PAD_DIM * N_VOCAB,), jnp.float32),
    scratch_types=[
        pltpu.VMEM((VC,), jnp.float32),
        pltpu.VMEM((VC,), jnp.float32),
        pltpu.VMEM((VC,), jnp.float32),
        pltpu.VMEM((PAD_DIM * VC,), jnp.float32),
        pltpu.SemaphoreType.DMA,
    ],
    compiler_params=_params,
)
def _prep(wt_hbm, w8_hbm, p0, p1, p2, w8v, sem):
    wid = lax.axis_index("s") * NC + lax.axis_index("c")
    lanes = lax.iota(jnp.int32, 16)
    q8 = 8 * lanes
    planes = (p0, p1, p2)

    def issue_in(k):
        @pl.when(k < NVCH)
        def _():
            v0 = pl.multiple_of(k * VC, 8)
            for d in range(EMBED_DIM):
                pltpu.async_copy(
                    wt_hbm.at[pl.ds(d * N_VOCAB + v0, VC)], planes[d], sem
                )

    def scatter(size):
        def body(t, carry):
            for d in range(EMBED_DIM):
                vals = planes[d][pl.ds(16 * t, 16)]
                plsc.store_scatter(w8v, [q8 + (128 * t + d)], vals)
            return carry

        lax.fori_loop(0, size // 16, body, 0)

    issue_in(wid)
    for i in range(5):
        k = wid + NW * i

        @pl.when(k < NVCH)
        def _():
            for d in range(EMBED_DIM):
                pltpu.make_async_copy(
                    wt_hbm.at[pl.ds(0, VC)], planes[d], sem
                ).wait()
            scatter(VC)
            issue_in(k + NW)
            v0 = pl.multiple_of(k * VC, 8)
            pltpu.sync_copy(w8v, w8_hbm.at[pl.ds(v0 * PAD_DIM, VC * PAD_DIM)])

    @pl.when(wid == 0)
    def _():
        v0 = NVCH * VC
        for d in range(EMBED_DIM):
            pltpu.sync_copy(
                wt_hbm.at[pl.ds(d * N_VOCAB + v0, VTAIL)],
                planes[d].at[pl.ds(0, VTAIL)],
            )
        scatter(VTAIL)
        pltpu.sync_copy(
            w8v.at[pl.ds(0, VTAIL * PAD_DIM)],
            w8_hbm.at[pl.ds(v0 * PAD_DIM, VTAIL * PAD_DIM)],
        )


@functools.partial(
    pl.kernel,
    mesh=_mesh,
    out_type=jax.ShapeDtypeStruct((EMBED_DIM * N_TOTAL,), jnp.float32),
    scratch_types=[
        pltpu.VMEM((CHUNK,), jnp.int32),
        pltpu.VMEM((CHUNK,), jnp.int32),
        pltpu.VMEM((CHUNK, PAD_DIM), jnp.float32),
        pltpu.VMEM((CHUNK, PAD_DIM), jnp.float32),
        pltpu.VMEM((EMBED_DIM, CHUNK), jnp.float32),
        pltpu.SemaphoreType.DMA,
        pltpu.SemaphoreType.DMA,
        pltpu.SemaphoreType.DMA,
    ],
    compiler_params=_params,
)
def _gather(idx_hbm, w8_hbm, out_hbm, idxA, idxB, rowsA, rowsB, pbuf,
            semI, semGA, semGB):
    wid = lax.axis_index("s") * NC + lax.axis_index("c")
    base = wid * PER_W
    lanes = lax.iota(jnp.int32, 16)
    idx_bufs = (idxA, idxB)
    row_bufs = (rowsA, rowsB)
    row_sems = (semGA, semGB)
    dcols = [jnp.full((16,), d, jnp.int32) for d in range(EMBED_DIM)]

    def extract_and_store(rows, j):
        start = base + j * CHUNK

        def body(t, carry):
            rid = 16 * t + lanes
            for d in range(EMBED_DIM):
                pbuf[d, pl.ds(16 * t, 16)] = plsc.load_gather(
                    rows, [rid, dcols[d]]
                )
            return carry

        lax.fori_loop(0, CHUNK // 16, body, 0)
        for d in range(EMBED_DIM):
            pltpu.sync_copy(
                pbuf.at[d], out_hbm.at[pl.ds(d * N_TOTAL + start, CHUNK)]
            )

    pltpu.async_copy(idx_hbm.at[pl.ds(base, CHUNK)], idxA, semI)
    for j in range(NCH):
        b = j & 1
        pltpu.make_async_copy(
            idx_hbm.at[pl.ds(base, CHUNK)], idx_bufs[b], semI
        ).wait()
        if j > 0:
            pltpu.make_async_copy(
                w8_hbm.at[pl.ds(0, CHUNK)], row_bufs[1 - b], row_sems[1 - b]
            ).wait()
        pltpu.async_copy(w8_hbm.at[idx_bufs[b]], row_bufs[b], row_sems[b])
        if j + 1 < NCH:
            pltpu.async_copy(
                idx_hbm.at[pl.ds(base + (j + 1) * CHUNK, CHUNK)],
                idx_bufs[1 - b], semI,
            )
        if j > 0:
            extract_and_store(row_bufs[1 - b], j - 1)
    bl = (NCH - 1) & 1
    pltpu.make_async_copy(
        w8_hbm.at[pl.ds(0, CHUNK)], row_bufs[bl], row_sems[bl]
    ).wait()
    extract_and_store(row_bufs[bl], NCH - 1)


def _asm_body(in_ref, out_ref):
    a = in_ref[...].reshape(128, 8, 128)
    a = jnp.transpose(a, (1, 0, 2))
    out_ref[0] = a.reshape(8, BATCH)


_assemble = pl.pallas_call(
    _asm_body,
    grid=(EMBED_DIM, HIST // 8),
    in_specs=[pl.BlockSpec((8 * BATCH,), lambda d, r: (d * (HIST // 8) + r,))],
    out_specs=pl.BlockSpec((1, 8, BATCH), lambda d, r: (d, r, 0)),
    out_shape=jax.ShapeDtypeStruct((EMBED_DIM, HIST, BATCH), jnp.float32),
)


def kernel(x, W):
    x1f = (jnp.transpose(x).reshape(HIST // 8, 8, BATCH // 128, 128)
           .transpose(0, 2, 1, 3).reshape(N_TOTAL))
    wt = jnp.transpose(W).reshape(EMBED_DIM * N_VOCAB)
    w8 = _prep(wt).reshape(N_VOCAB, PAD_DIM)
    planes = _gather(x1f, w8)
    asm = _assemble(planes)
    return jnp.transpose(asm, (2, 1, 0))

# --- scband reference (transcript-rebuilt; emitter-appended) ---
"""Pipeline reference for scband-riemannian-embedding-38311108280783 (READ-ONLY COPY).

The authoritative reference and input builder live on the scoring server;
editing this copy changes nothing except your own understanding.
"""

import jax, jax.numpy as jnp
import numpy as np

N_EXEMPLE = 1000000
EMBED_DIM = 3
BATCH = 16384
HIST = 200

def setup_inputs(seed: int = 0) -> dict:
    key = jax.random.key(seed)
    k1, k2 = jax.random.split(key)
    x = jax.random.randint(k1, (BATCH, HIST), 0, N_EXEMPLE, dtype=jnp.int64 if jax.config.jax_enable_x64 else jnp.int32).astype(jnp.int32)
    W = jax.random.normal(k2, (N_EXEMPLE, EMBED_DIM), dtype=jnp.float32) * 0.02
    return {"x": x, "W": W}

def reference(x, W):
    # RiemannianEmbedding.forward(x) = self.W(x), i.e. an embedding lookup
    # into the Lorentz embedding table of shape [n_exemple, 3].
    return jnp.take(W, x, axis=0)

if __name__ == "__main__":
    import jax
    _d = setup_inputs()
    print(jax.jit(kernel)(*tuple(_d.values())))

</pallas_src>

<mosaic_0001>
#map = affine_map<(d0, d1) -> (0)>
#map1 = affine_map<(d0, d1) -> (0, 0)>
module attributes {stable_mosaic.version = 14 : i64} {
  func.func @_gather(%arg0: i32, %arg1: i32, %arg2: memref<3276800xi32, #tpu.memory_space<hbm>>, %arg3: memref<1000000x8xf32, #tpu.memory_space<hbm>>, %arg4: memref<9830400xf32, #tpu.memory_space<hbm>>, %arg5: memref<5120xi32, #tpu.memory_space<vmem>>, %arg6: memref<5120xi32, #tpu.memory_space<vmem>>, %arg7: memref<5120x8xf32, #tpu.memory_space<vmem>>, %arg8: memref<5120x8xf32, #tpu.memory_space<vmem>>, %arg9: memref<3x5120xf32, #tpu.memory_space<vmem>>, %arg10: memref<!tpu.dma_semaphore, #tpu.memory_space<semaphore_mem>>, %arg11: memref<!tpu.dma_semaphore, #tpu.memory_space<semaphore_mem>>, %arg12: memref<!tpu.dma_semaphore, #tpu.memory_space<semaphore_mem>>) attributes {dimension_semantics = [#tpu.dimension_semantics<core_parallel>, #tpu.dimension_semantics<subcore_parallel>], iteration_bounds = array<i64: 2, 16>, scalar_prefetch = 0 : i64, scratch_operands = 8 : i64, tpu.core_type = #tpu.core_type<sc_vector_subcore>, window_params = [{transform_indices = #map}, {transform_indices = #map1}, {transform_indices = #map}]} {
    %mul3A = arith.constant 2 : i32
    %mul3A_0 = arith.muli %arg1, %mul3A : i32
    %add3A = arith.addi %mul3A_0, %arg0 : i32
    %mul3A_1 = arith.constant 102400 : i32
    %mul3A_2 = arith.muli %add3A, %mul3A_1 : i32
    %iota3A = tpu.iota {dimensions = array<i32: 0>} : vector<16xi32>
    %broadcast_in_dim3A = arith.constant 0 : i32
    %broadcast_in_dim3A_3 = vector.broadcast %broadcast_in_dim3A : i32 to vector<16xi32>
    %broadcast_in_dim3A_4 = arith.constant 1 : i32
    %broadcast_in_dim3A_5 = vector.broadcast %broadcast_in_dim3A_4 : i32 to vector<16xi32>
    %broadcast_in_dim3A_6 = arith.constant 2 : i32
    %broadcast_in_dim3A_7 = vector.broadcast %broadcast_in_dim3A_6 : i32 to vector<16xi32>
    %dma_start3A = tpu.memref_slice %arg2[%mul3A_2] : memref<3276800xi32, #tpu.memory_space<hbm>> -> memref<5120xi32, #tpu.memory_space<hbm>>
    %dma_start3A_8 = tpu.memref_slice %arg2[%mul3A_2] : memref<3276800xi32, #tpu.memory_space<hbm>> -> memref<5120xi32, #tpu.memory_space<hbm>>
    tpu.enqueue_dma source(%dma_start3A_8 : memref<5120xi32, #tpu.memory_space<hbm>>) target(%arg5 : memref<5120xi32, #tpu.memory_space<vmem>>) target_semaphore(%arg10 : memref<!tpu.dma_semaphore, #tpu.memory_space<semaphore_mem>>)
    %dma_wait3A = tpu.memref_slice %arg2[%mul3A_2] : memref<3276800xi32, #tpu.memory_space<hbm>> -> memref<5120xi32, #tpu.memory_space<hbm>>
    %dma_wait3A_9 = tpu.memref_slice %arg2[%mul3A_2] : memref<3276800xi32, #tpu.memory_space<hbm>> -> memref<5120xi32, #tpu.memory_space<hbm>>
    tpu.wait_dma2 semaphore(%arg10 : memref<!tpu.dma_semaphore, #tpu.memory_space<semaphore_mem>>) src(%dma_wait3A_9 : memref<5120xi32, #tpu.memory_space<hbm>>) dst(%arg5 : memref<5120xi32, #tpu.memory_space<vmem>>)
    %dma_start3A_10 = arith.constant 0 : i32
    %dma_start3A_11 = arith.constant 0 : i32
    %dma_start3A_12 = tpu.memref_slice %arg3[%dma_start3A_10, %dma_start3A_11] : memref<1000000x8xf32, #tpu.memory_space<hbm>> -> memref<1000000x8xf32, #tpu.memory_space<hbm>>
    tpu.enqueue_indirect_dma source(%dma_start3A_12 : memref<1000000x8xf32, #tpu.memory_space<hbm>>) target(%arg7 : memref<5120x8xf32, #tpu.memory_space<vmem>>) offsets(%arg5 : memref<5120xi32, #tpu.memory_space<vmem>>) semaphore(%arg11 : memref<!tpu.dma_semaphore, #tpu.memory_space<semaphore_mem>>)
    %add3A_13 = arith.constant 5120 : i32
    %add3A_14 = arith.addi %mul3A_2, %add3A_13 : i32
    %dma_start3A_15 = tpu.memref_slice %arg2[%add3A_14] : memref<3276800xi32, #tpu.memory_space<hbm>> -> memref<5120xi32, #tpu.memory_space<hbm>>
    %dma_start3A_16 = tpu.memref_slice %arg2[%add3A_14] : memref<3276800xi32, #tpu.memory_space<hbm>> -> memref<5120xi32, #tpu.memory_space<hbm>>
    tpu.enqueue_dma source(%dma_start3A_16 : memref<5120xi32, #tpu.memory_space<hbm>>) target(%arg6 : memref<5120xi32, #tpu.memory_space<vmem>>) target_semaphore(%arg10 : memref<!tpu.dma_semaphore, #tpu.memory_space<semaphore_mem>>)
    %dma_wait3A_17 = tpu.memref_slice %arg2[%mul3A_2] : memref<3276800xi32, #tpu.memory_space<hbm>> -> memref<5120xi32, #tpu.memory_space<hbm>>
    %dma_wait3A_18 = tpu.memref_slice %arg2[%mul3A_2] : memref<3276800xi32, #tpu.memory_space<hbm>> -> memref<5120xi32, #tpu.memory_space<hbm>>
    tpu.wait_dma2 semaphore(%arg10 : memref<!tpu.dma_semaphore, #tpu.memory_space<semaphore_mem>>) src(%dma_wait3A_18 : memref<5120xi32, #tpu.memory_space<hbm>>) dst(%arg6 : memref<5120xi32, #tpu.memory_space<vmem>>)
    %dma_wait3A_19 = arith.constant 0 : i32
    %dma_wait3A_20 = arith.constant 0 : i32
    %dma_wait3A_21 = tpu.memref_slice %arg3[%dma_wait3A_19, %dma_wait3A_20] : memref<1000000x8xf32, #tpu.memory_space<hbm>> -> memref<5120x8xf32, #tpu.memory_space<hbm>>
    %dma_wait3A_22 = arith.constant 0 : i32
    %dma_wait3A_23 = arith.constant 0 : i32
    %dma_wait3A_24 = tpu.memref_slice %arg3[%dma_wait3A_22, %dma_wait3A_23] : memref<1000000x8xf32, #tpu.memory_space<hbm>> -> memref<5120x8xf32, #tpu.memory_space<hbm>>
    tpu.wait_dma2 semaphore(%arg11 : memref<!tpu.dma_semaphore, #tpu.memory_space<semaphore_mem>>) src(%dma_wait3A_24 : memref<5120x8xf32, #tpu.memory_space<hbm>>) dst(%arg7 : memref<5120x8xf32, #tpu.memory_space<vmem>>)
    %dma_start3A_25 = arith.constant 0 : i32
    %dma_start3A_26 = arith.constant 0 : i32
    %dma_start3A_27 = tpu.memref_slice %arg3[%dma_start3A_25, %dma_start3A_26] : memref<1000000x8xf32, #tpu.memory_space<hbm>> -> memref<1000000x8xf32, #tpu.memory_space<hbm>>
    tpu.enqueue_indirect_dma source(%dma_start3A_27 : memref<1000000x8xf32, #tpu.memory_space<hbm>>) target(%arg8 : memref<5120x8xf32, #tpu.memory_space<vmem>>) offsets(%arg6 : memref<5120xi32, #tpu.memory_space<vmem>>) semaphore(%arg12 : memref<!tpu.dma_semaphore, #tpu.memory_space<semaphore_mem>>)
    %add3A_28 = arith.constant 10240 : i32
    %add3A_29 = arith.addi %mul3A_2, %add3A_28 : i32
    %dma_start3A_30 = tpu.memref_slice %arg2[%add3A_29] : memref<3276800xi32, #tpu.memory_space<hbm>> -> memref<5120xi32, #tpu.memory_space<hbm>>
    %dma_start3A_31 = tpu.memref_slice %arg2[%add3A_29] : memref<3276800xi32, #tpu.memory_space<hbm>> -> memref<5120xi32, #tpu.memory_space<hbm>>
    tpu.enqueue_dma source(%dma_start3A_31 : memref<5120xi32, #tpu.memory_space<hbm>>) target(%arg5 : memref<5120xi32, #tpu.memory_space<vmem>>) target_semaphore(%arg10 : memref<!tpu.dma_semaphore, #tpu.memory_space<semaphore_mem>>)
    %add3A_32 = arith.constant 0 : i32
    %add3A_33 = arith.addi %mul3A_2, %add3A_32 : i32
    %scan3A = arith.constant 0 : i32
    %scan3A_34 = arith.constant 0 : i32
    %scan3A_35 = arith.constant 320 : i32
    %scan3A_36 = arith.addi %scan3A_34, %scan3A_35 : i32
    %scan3A_37 = arith.constant 1 : i32
    scf.for %scan3A_642 = %scan3A_34 to %scan3A_36 step %scan3A_37  : i32 {
      %mul3A_643 = arith.constant 16 : i32
      %mul3A_644 = arith.muli %mul3A_643, %scan3A_642 : i32
      %add3A_645 = vector.broadcast %mul3A_644 : i32 to vector<16xi32>
      %add3A_646 = arith.addi %add3A_645, %iota3A : vector<16xi32>
      %gather3A = tpu.vector_load_idx %arg7[%add3A_646, %broadcast_in_dim3A_3] : memref<5120x8xf32, #tpu.memory_space<vmem>>[vector<16xi32>, vector<16xi32>], vector<16xf32>,
      %mul3A_647 = arith.constant 16 : i32
      %mul3A_648 = arith.muli %mul3A_647, %scan3A_642 : i32
      %swap3A = arith.constant 0 : i32
      %swap3A_649 = arith.index_cast %swap3A : i32 to index
      %swap3A_650 = arith.index_cast %mul3A_648 : i32 to index
      %swap3A_651 = tpu.vector_load %arg9[%swap3A_649, %swap3A_650] {strides = array<i32>} : memref<3x5120xf32, #tpu.memory_space<vmem>>, vector<16xf32>,
      tpu.vector_store %arg9[%swap3A_649, %swap3A_650], %gather3A {strides = array<i32>} : memref<3x5120xf32, #tpu.memory_space<vmem>>, vector<16xf32>,
      %gather3A_652 = tpu.vector_load_idx %arg7[%add3A_646, %broadcast_in_dim3A_5] : memref<5120x8xf32, #tpu.memory_space<vmem>>[vector<16xi32>, vector<16xi32>], vector<16xf32>,
      %mul3A_653 = arith.constant 16 : i32
      %mul3A_654 = arith.muli %mul3A_653, %scan3A_642 : i32
      %swap3A_655 = arith.constant 1 : i32
      %swap3A_656 = arith.index_cast %swap3A_655 : i32 to index
      %swap3A_657 = arith.index_cast %mul3A_654 : i32 to index
      %swap3A_658 = tpu.vector_load %arg9[%swap3A_656, %swap3A_657] {strides = array<i32>} : memref<3x5120xf32, #tpu.memory_space<vmem>>, vector<16xf32>,
      tpu.vector_store %arg9[%swap3A_656, %swap3A_657], %gather3A_652 {strides = array<i32>} : memref<3x5120xf32, #tpu.memory_space<vmem>>, vector<16xf32>,
      %gather3A_659 = tpu.vector_load_idx %arg7[%add3A_646, %broadcast_in_dim3A_7] : memref<5120x8xf32, #tpu.memory_space<vmem>>[vector<16xi32>, vector<16xi32>], vector<16xf32>,
      %mul3A_660 = arith.constant 16 : i32
      %mul3A_661 = arith.muli %mul3A_660, %scan3A_642 : i32
      %swap3A_662 = arith.constant 2 : i32
      %swap3A_663 = arith.index_cast %swap3A_662 : i32 to index
      %swap3A_664 = arith.index_cast %mul3A_661 : i32 to index
      %swap3A_665 = tpu.vector_load %arg9[%swap3A_663, %swap3A_664] {strides = array<i32>} : memref<3x5120xf32, #tpu.memory_space<vmem>>, vector<16xf32>,
      tpu.vector_store %arg9[%swap3A_663, %swap3A_664], %gather3A_659 {strides = array<i32>} : memref<3x5120xf32, #tpu.memory_space<vmem>>, vector<16xf32>,
    }
    %scan3A_38 = arith.constant 320 : i32
    %add3A_39 = arith.constant 0 : i32
    %add3A_40 = arith.addi %add3A_39, %add3A_33 : i32
    %run_scoped3A = arith.constant 0 : i32
    "tpu.region"() ({
      %run_scoped3A_642 = tpu.sem_alloc : memref<!tpu.dma_semaphore, #tpu.memory_space<semaphore_mem>>
      %dma_start3A_643 = arith.constant 0 : i32
      %dma_start3A_644 = tpu.memref_slice %arg9[%run_scoped3A, %dma_start3A_643] : memref<3x5120xf32, #tpu.memory_space<vmem>> -> memref<1x5120xf32, #tpu.memory_space<vmem>>
      %dma_start3A_645 = tpu.memref_squeeze %dma_start3A_644 : memref<1x5120xf32, #tpu.memory_space<vmem>> -> memref<5120xf32, #tpu.memory_space<vmem>>
      %dma_start3A_646 = tpu.memref_slice %arg4[%add3A_40] : memref<9830400xf32, #tpu.memory_space<hbm>> -> memref<5120xf32, #tpu.memory_space<hbm>>
      %dma_start3A_647 = tpu.memref_slice %arg4[%add3A_40] : memref<9830400xf32, #tpu.memory_space<hbm>> -> memref<5120xf32, #tpu.memory_space<hbm>>
      %dma_start3A_648 = arith.constant 0 : i32
      %dma_start3A_649 = tpu.memref_slice %arg9[%run_scoped3A, %dma_start3A_648] : memref<3x5120xf32, #tpu.memory_space<vmem>> -> memref<1x5120xf32, #tpu.memory_space<vmem>>
      %dma_start3A_650 = tpu.memref_squeeze %dma_start3A_649 : memref<1x5120xf32, #tpu.memory_space<vmem>> -> memref<5120xf32, #tpu.memory_space<vmem>>
      tpu.enqueue_dma source(%dma_start3A_650 : memref<5120xf32, #tpu.memory_space<vmem>>) target(%dma_start3A_647 : memref<5120xf32, #tpu.memory_space<hbm>>) target_semaphore(%run_scoped3A_642 : memref<!tpu.dma_semaphore, #tpu.memory_space<semaphore_mem>>)
      %dma_wait3A_651 = arith.constant 0 : i32
      %dma_wait3A_652 = tpu.memref_slice %arg9[%run_scoped3A, %dma_wait3A_651] : memref<3x5120xf32, #tpu.memory_space<vmem>> -> memref<1x5120xf32, #tpu.memory_space<vmem>>
      %dma_wait3A_653 = tpu.memref_squeeze %dma_wait3A_652 : memref<1x5120xf32, #tpu.memory_space<vmem>> -> memref<5120xf32, #tpu.memory_space<vmem>>
      %dma_wait3A_654 = tpu.memref_slice %arg4[%add3A_40] : memref<9830400xf32, #tpu.memory_space<hbm>> -> memref<5120xf32, #tpu.memory_space<hbm>>
      %dma_wait3A_655 = tpu.memref_slice %arg4[%add3A_40] : memref<9830400xf32, #tpu.memory_space<hbm>> -> memref<5120xf32, #tpu.memory_space<hbm>>
      %dma_wait3A_656 = arith.constant 0 : i32
      %dma_wait3A_657 = tpu.memref_slice %arg9[%run_scoped3A, %dma_wait3A_656] : memref<3x5120xf32, #tpu.memory_space<vmem>> -> memref<1x5120xf32, #tpu.memory_space<vmem>>
      %dma_wait3A_658 = tpu.memref_squeeze %dma_wait3A_657 : memref<1x5120xf32, #tpu.memory_space<vmem>> -> memref<5120xf32, #tpu.memory_space<vmem>>
      tpu.wait_dma2 semaphore(%run_scoped3A_642 : memref<!tpu.dma_semaphore, #tpu.memory_space<semaphore_mem>>) src(%dma_wait3A_658 : memref<5120xf32, #tpu.memory_space<vmem>>) dst(%dma_wait3A_655 : memref<5120xf32, #tpu.memory_space<hbm>>)
      tpu.yield
    }) : () -> ()
    %add3A_41 = arith.constant 3276800 : i32
    %add3A_42 = arith.addi %add3A_41, %add3A_33 : i32
    %run_scoped3A_43 = arith.constant 1 : i32
    "tpu.region"() ({
      %run_scoped3A_642 = tpu.sem_alloc : memref<!tpu.dma_semaphore, #tpu.memory_space<semaphore_mem>>
      %dma_start3A_643 = arith.constant 0 : i32
      %dma_start3A_644 = tpu.memref_slice %arg9[%run_scoped3A_43, %dma_start3A_643] : memref<3x5120xf32, #tpu.memory_space<vmem>> -> memref<1x5120xf32, #tpu.memory_space<vmem>>
      %dma_start3A_645 = tpu.memref_squeeze %dma_start3A_644 : memref<1x5120xf32, #tpu.memory_space<vmem>> -> memref<5120xf32, #tpu.memory_space<vmem>>
      %dma_start3A_646 = tpu.memref_slice %arg4[%add3A_42] : memref<9830400xf32, #tpu.memory_space<hbm>> -> memref<5120xf32, #tpu.memory_space<hbm>>
      %dma_start3A_647 = tpu.memref_slice %arg4[%add3A_42] : memref<9830400xf32, #tpu.memory_space<hbm>> -> memref<5120xf32, #tpu.memory_space<hbm>>
      %dma_start3A_648 = arith.constant 0 : i32
      %dma_start3A_649 = tpu.memref_slice %arg9[%run_scoped3A_43, %dma_start3A_648] : memref<3x5120xf32, #tpu.memory_space<vmem>> -> memref<1x5120xf32, #tpu.memory_space<vmem>>
      %dma_start3A_650 = tpu.memref_squeeze %dma_start3A_649 : memref<1x5120xf32, #tpu.memory_space<vmem>> -> memref<5120xf32, #tpu.memory_space<vmem>>
      tpu.enqueue_dma source(%dma_start3A_650 : memref<5120xf32, #tpu.memory_space<vmem>>) target(%dma_start3A_647 : memref<5120xf32, #tpu.memory_space<hbm>>) target_semaphore(%run_scoped3A_642 : memref<!tpu.dma_semaphore, #tpu.memory_space<semaphore_mem>>)
      %dma_wait3A_651 = arith.constant 0 : i32
      %dma_wait3A_652 = tpu.memref_slice %arg9[%run_scoped3A_43, %dma_wait3A_651] : memref<3x5120xf32, #tpu.memory_space<vmem>> -> memref<1x5120xf32, #tpu.memory_space<vmem>>
      %dma_wait3A_653 = tpu.memref_squeeze %dma_wait3A_652 : memref<1x5120xf32, #tpu.memory_space<vmem>> -> memref<5120xf32, #tpu.memory_space<vmem>>
      %dma_wait3A_654 = tpu.memref_slice %arg4[%add3A_42] : memref<9830400xf32, #tpu.memory_space<hbm>> -> memref<5120xf32, #tpu.memory_space<hbm>>
      %dma_wait3A_655 = tpu.memref_slice %arg4[%add3A_42] : memref<9830400xf32, #tpu.memory_space<hbm>> -> memref<5120xf32, #tpu.memory_space<hbm>>
      %dma_wait3A_656 = arith.constant 0 : i32
      %dma_wait3A_657 = tpu.memref_slice %arg9[%run_scoped3A_43, %dma_wait3A_656] : memref<3x5120xf32, #tpu.memory_space<vmem>> -> memref<1x5120xf32, #tpu.memory_space<vmem>>
      %dma_wait3A_658 = tpu.memref_squeeze %dma_wait3A_657 : memref<1x5120xf32, #tpu.memory_space<vmem>> -> memref<5120xf32, #tpu.memory_space<vmem>>
      tpu.wait_dma2 semaphore(%run_scoped3A_642 : memref<!tpu.dma_semaphore, #tpu.memory_space<semaphore_mem>>) src(%dma_wait3A_658 : memref<5120xf32, #tpu.memory_space<vmem>>) dst(%dma_wait3A_655 : memref<5120xf32, #tpu.memory_space<hbm>>)
      tpu.yield
    }) : () -> ()
    %add3A_44 = arith.constant 6553600 : i32
    %add3A_45 = arith.addi %add3A_44, %add3A_33 : i32
    %run_scoped3A_46 = arith.constant 2 : i32
    "tpu.region"() ({
      %run_scoped3A_642 = tpu.sem_alloc : memref<!tpu.dma_semaphore, #tpu.memory_space<semaphore_mem>>
      %dma_start3A_643 = arith.constant 0 : i32
      %dma_start3A_644 = tpu.memref_slice %arg9[%run_scoped3A_46, %dma_start3A_643] : memref<3x5120xf32, #tpu.memory_space<vmem>> -> memref<1x5120xf32, #tpu.memory_space<vmem>>
      %dma_start3A_645 = tpu.memref_squeeze %dma_start3A_644 : memref<1x5120xf32, #tpu.memory_space<vmem>> -> memref<5120xf32, #tpu.memory_space<vmem>>
      %dma_start3A_646 = tpu.memref_slice %arg4[%add3A_45] : memref<9830400xf32, #tpu.memory_space<hbm>> -> memref<5120xf32, #tpu.memory_space<hbm>>
      %dma_start3A_647 = tpu.memref_slice %arg4[%add3A_45] : memref<9830400xf32, #tpu.memory_space<hbm>> -> memref<5120xf32, #tpu.memory_space<hbm>>
      %dma_start3A_648 = arith.constant 0 : i32
      %dma_start3A_649 = tpu.memref_slice %arg9[%run_scoped3A_46, %dma_start3A_648] : memref<3x5120xf32, #tpu.memory_space<vmem>> -> memref<1x5120xf32, #tpu.memory_space<vmem>>
      %dma_start3A_650 = tpu.memref_squeeze %dma_start3A_649 : memref<1x5120xf32, #tpu.memory_space<vmem>> -> memref<5120xf32, #tpu.memory_space<vmem>>
      tpu.enqueue_dma source(%dma_start3A_650 : memref<5120xf32, #tpu.memory_space<vmem>>) target(%dma_start3A_647 : memref<5120xf32, #tpu.memory_space<hbm>>) target_semaphore(%run_scoped3A_642 : memref<!tpu.dma_semaphore, #tpu.memory_space<semaphore_mem>>)
      %dma_wait3A_651 = arith.constant 0 : i32
      %dma_wait3A_652 = tpu.memref_slice %arg9[%run_scoped3A_46, %dma_wait3A_651] : memref<3x5120xf32, #tpu.memory_space<vmem>> -> memref<1x5120xf32, #tpu.memory_space<vmem>>
      %dma_wait3A_653 = tpu.memref_squeeze %dma_wait3A_652 : memref<1x5120xf32, #tpu.memory_space<vmem>> -> memref<5120xf32, #tpu.memory_space<vmem>>
      %dma_wait3A_654 = tpu.memref_slice %arg4[%add3A_45] : memref<9830400xf32, #tpu.memory_space<hbm>> -> memref<5120xf32, #tpu.memory_space<hbm>>
      %dma_wait3A_655 = tpu.memref_slice %arg4[%add3A_45] : memref<9830400xf32, #tpu.memory_space<hbm>> -> memref<5120xf32, #tpu.memory_space<hbm>>
      %dma_wait3A_656 = arith.constant 0 : i32
      %dma_wait3A_657 = tpu.memref_slice %arg9[%run_scoped3A_46, %dma_wait3A_656] : memref<3x5120xf32, #tpu.memory_space<vmem>> -> memref<1x5120xf32, #tpu.memory_space<vmem>>
      %dma_wait3A_658 = tpu.memref_squeeze %dma_wait3A_657 : memref<1x5120xf32, #tpu.memory_space<vmem>> -> memref<5120xf32, #tpu.memory_space<vmem>>
      tpu.wait_dma2 semaphore(%run_scoped3A_642 : memref<!tpu.dma_semaphore, #tpu.memory_space<semaphore_mem>>) src(%dma_wait3A_658 : memref<5120xf32, #tpu.memory_space<vmem>>) dst(%dma_wait3A_655 : memref<5120xf32, #tpu.memory_space<hbm>>)
      tpu.yield
    }) : () -> ()
    %dma_wait3A_47 = tpu.memref_slice %arg2[%mul3A_2] : memref<3276800xi32, #tpu.memory_space<hbm>> -> memref<5120xi32, #tpu.memory_space<hbm>>
    %dma_wait3A_48 = tpu.memref_slice %arg2[%mul3A_2] : memref<3276800xi32, #tpu.memory_space<hbm>> -> memref<5120xi32, #tpu.memory_space<hbm>>
    tpu.wait_dma2 semaphore(%arg10 : memref<!tpu.dma_semaphore, #tpu.memory_space<semaphore_mem>>) src(%dma_wait3A_48 : memref<5120xi32, #tpu.memory_space<hbm>>) dst(%arg5 : memref<5120xi32, #tpu.memory_space<vmem>>)
    %dma_wait3A_49 = arith.constant 0 : i32
    %dma_wait3A_50 = arith.constant 0 : i32
    %dma_wait3A_51 = tpu.memref_slice %arg3[%dma_wait3A_49, %dma_wait3A_50] : memref<1000000x8xf32, #tpu.memory_space<hbm>> -> memref<5120x8xf32, #tpu.memory_space<hbm>>
    %dma_wait3A_52 = arith.constant 0 : i32
    %dma_wait3A_53 = arith.constant 0 : i32
    %dma_wait3A_54 = tpu.memref_slice %arg3[%dma_wait3A_52, %dma_wait3A_53] : memref<1000000x8xf32, #tpu.memory_space<hbm>> -> memref<5120x8xf32, #tpu.memory_space<hbm>>
    tpu.wait_dma2 semaphore(%arg12 : memref<!tpu.dma_semaphore, #tpu.memory_space<semaphore_mem>>) src(%dma_wait3A_54 : memref<5120x8xf32, #tpu.memory_space<hbm>>) dst(%arg8 : memref<5120x8xf32, #tpu.memory_space<vmem>>)
    %dma_start3A_55 = arith.constant 0 : i32
    %dma_start3A_56 = arith.constant 0 : i32
    %dma_start3A_57 = tpu.memref_slice %arg3[%dma_start3A_55, %dma_start3A_56] : memref<1000000x8xf32, #tpu.memory_space<hbm>> -> memref<1000000x8xf32, #tpu.memory_space<hbm>>
    tpu.enqueue_indirect_dma source(%dma_start3A_57 : memref<1000000x8xf32, #tpu.memory_space<hbm>>) target(%arg7 : memref<5120x8xf32, #tpu.memory_space<vmem>>) offsets(%arg5 : memref<5120xi32, #tpu.memory_space<vmem>>) semaphore(%arg11 : memref<!tpu.dma_semaphore, #tpu.memory_space<semaphore_mem>>)
    %add3A_58 = arith.constant 15360 : i32
    %add3A_59 = arith.addi %mul3A_2, %add3A_58 : i32
    %dma_start3A_60 = tpu.memref_slice %arg2[%add3A_59] : memref<3276800xi32, #tpu.memory_space<hbm>> -> memref<5120xi32, #tpu.memory_space<hbm>>
    %dma_start3A_61 = tpu.memref_slice %arg2[%add3A_59] : memref<3276800xi32, #tpu.memory_space<hbm>> -> memref<5120xi32, #tpu.memory_space<hbm>>
    tpu.enqueue_dma source(%dma_start3A_61 : memref<5120xi32, #tpu.memory_space<hbm>>) target(%arg6 : memref<5120xi32, #tpu.memory_space<vmem>>) target_semaphore(%arg10 : memref<!tpu.dma_semaphore, #tpu.memory_space<semaphore_mem>>)
    %add3A_62 = arith.constant 5120 : i32
    %add3A_63 = arith.addi %mul3A_2, %add3A_62 : i32
    %scan3A_64 = arith.constant 0 : i32
    %scan3A_65 = arith.constant 0 : i32
    %scan3A_66 = arith.constant 320 : i32
    %scan3A_67 = arith.addi %scan3A_65, %scan3A_66 : i32
    %scan3A_68 = arith.constant 1 : i32
    scf.for %scan3A_642 = %scan3A_65 to %scan3A_67 step %scan3A_68  : i32 {
      %mul3A_643 = arith.constant 16 : i32
      %mul3A_644 = arith.muli %mul3A_643, %scan3A_642 : i32
      %add3A_645 = vector.broadcast %mul3A_644 : i32 to vector<16xi32>
      %add3A_646 = arith.addi %add3A_645, %iota3A : vector<16xi32>
      %gather3A = tpu.vector_load_idx %arg8[%add3A_646, %broadcast_in_dim3A_3] : memref<5120x8xf32, #tpu.memory_space<vmem>>[vector<16xi32>, vector<16xi32>], vector<16xf32>,
      %mul3A_647 = arith.constant 16 : i32
      %mul3A_648 = arith.muli %mul3A_647, %scan3A_642 : i32
      %swap3A = arith.constant 0 : i32
      %swap3A_649 = arith.index_cast %swap3A : i32 to index
      %swap3A_650 = arith.index_cast %mul3A_648 : i32 to index
      %swap3A_651 = tpu.vector_load %arg9[%swap3A_649, %swap3A_650] {strides = array<i32>} : memref<3x5120xf32, #tpu.memory_space<vmem>>, vector<16xf32>,
      tpu.vector_store %arg9[%swap3A_649, %swap3A_650], %gather3A {strides = array<i32>} : memref<3x5120xf32, #tpu.memory_space<vmem>>, vector<16xf32>,
      %gather3A_652 = tpu.vector_load_idx %arg8[%add3A_646, %broadcast_in_dim3A_5] : memref<5120x8xf32, #tpu.memory_space<vmem>>[vector<16xi32>, vector<16xi32>], vector<16xf32>,
      %mul3A_653 = arith.constant 16 : i32
      %mul3A_654 = arith.muli %mul3A_653, %scan3A_642 : i32
      %swap3A_655 = arith.constant 1 : i32
      %swap3A_656 = arith.index_cast %swap3A_655 : i32 to index
      %swap3A_657 = arith.index_cast %mul3A_654 : i32 to index
      %swap3A_658 = tpu.vector_load %arg9[%swap3A_656, %swap3A_657] {strides = array<i32>} : memref<3x5120xf32, #tpu.memory_space<vmem>>, vector<16xf32>,
      tpu.vector_store %arg9[%swap3A_656, %swap3A_657], %gather3A_652 {strides = array<i32>} : memref<3x5120xf32, #tpu.memory_space<vmem>>, vector<16xf32>,
      %gather3A_659 = tpu.vector_load_idx %arg8[%add3A_646, %broadcast_in_dim3A_7] : memref<5120x8xf32, #tpu.memory_space<vmem>>[vector<16xi32>, vector<16xi32>], vector<16xf32>,
      %mul3A_660 = arith.constant 16 : i32
      %mul3A_661 = arith.muli %mul3A_660, %scan3A_642 : i32
      %swap3A_662 = arith.constant 2 : i32
      %swap3A_663 = arith.index_cast %swap3A_662 : i32 to index
      %swap3A_664 = arith.index_cast %mul3A_661 : i32 to index
      %swap3A_665 = tpu.vector_load %arg9[%swap3A_663, %swap3A_664] {strides = array<i32>} : memref<3x5120xf32, #tpu.memory_space<vmem>>, vector<16xf32>,
      tpu.vector_store %arg9[%swap3A_663, %swap3A_664], %gather3A_659 {strides = array<i32>} : memref<3x5120xf32, #tpu.memory_space<vmem>>, vector<16xf32>,
    }
    %scan3A_69 = arith.constant 320 : i32
    %add3A_70 = arith.constant 0 : i32
    %add3A_71 = arith.addi %add3A_70, %add3A_63 : i32
    %run_scoped3A_72 = arith.constant 0 : i32
    "tpu.region"() ({
      %run_scoped3A_642 = tpu.sem_alloc : memref<!tpu.dma_semaphore, #tpu.memory_space<semaphore_mem>>
      %dma_start3A_643 = arith.constant 0 : i32
      %dma_start3A_644 = tpu.memref_slice %arg9[%run_scoped3A_72, %dma_start3A_643] : memref<3x5120xf32, #tpu.memory_space<vmem>> -> memref<1x5120xf32, #tpu.memory_space<vmem>>
      %dma_start3A_645 = tpu.memref_squeeze %dma_start3A_644 : memref<1x5120xf32, #tpu.memory_space<vmem>> -> memref<5120xf32, #tpu.memory_space<vmem>>
      %dma_start3A_646 = tpu.memref_slice %arg4[%add3A_71] : memref<9830400xf32, #tpu.memory_space<hbm>> -> memref<5120xf32, #tpu.memory_space<hbm>>
      %dma_start3A_647 = tpu.memref_slice %arg4[%add3A_71] : memref<9830400xf32, #tpu.memory_space<hbm>> -> memref<5120xf32, #tpu.memory_space<hbm>>
      %dma_start3A_648 = arith.constant 0 : i32
      %dma_start3A_649 = tpu.memref_slice %arg9[%run_scoped3A_72, %dma_start3A_648] : memref<3x5120xf32, #tpu.memory_space<vmem>> -> memref<1x5120xf32, #tpu.memory_space<vmem>>
      %dma_start3A_650 = tpu.memref_squeeze %dma_start3A_649 : memref<1x5120xf32, #tpu.memory_space<vmem>> -> memref<5120xf32, #tpu.memory_space<vmem>>
      tpu.enqueue_dma source(%dma_start3A_650 : memref<5120xf32, #tpu.memory_space<vmem>>) target(%dma_start3A_647 : memref<5120xf32, #tpu.memory_space<hbm>>) target_semaphore(%run_scoped3A_642 : memref<!tpu.dma_semaphore, #tpu.memory_space<semaphore_mem>>)
      %dma_wait3A_651 = arith.constant 0 : i32
      %dma_wait3A_652 = tpu.memref_slice %arg9[%run_scoped3A_72, %dma_wait3A_651] : memref<3x5120xf32, #tpu.memory_space<vmem>> -> memref<1x5120xf32, #tpu.memory_space<vmem>>
      %dma_wait3A_653 = tpu.memref_squeeze %dma_wait3A_652 : memref<1x5120xf32, #tpu.memory_space<vmem>> -> memref<5120xf32, #tpu.memory_space<vmem>>
      %dma_wait3A_654 = tpu.memref_slice %arg4[%add3A_71] : memref<9830400xf32, #tpu.memory_space<hbm>> -> memref<5120xf32, #tpu.memory_space<hbm>>
      %dma_wait3A_655 = tpu.memref_slice %arg4[%add3A_71] : memref<9830400xf32, #tpu.memory_space<hbm>> -> memref<5120xf32, #tpu.memory_space<hbm>>
      %dma_wait3A_656 = arith.constant 0 : i32
      %dma_wait3A_657 = tpu.memref_slice %arg9[%run_scoped3A_72, %dma_wait3A_656] : memref<3x5120xf32, #tpu.memory_space<vmem>> -> memref<1x5120xf32, #tpu.memory_space<vmem>>
      %dma_wait3A_658 = tpu.memref_squeeze %dma_wait3A_657 : memref<1x5120xf32, #tpu.memory_space<vmem>> -> memref<5120xf32, #tpu.memory_space<vmem>>
      tpu.wait_dma2 semaphore(%run_scoped3A_642 : memref<!tpu.dma_semaphore, #tpu.memory_space<semaphore_mem>>) src(%dma_wait3A_658 : memref<5120xf32, #tpu.memory_space<vmem>>) dst(%dma_wait3A_655 : memref<5120xf32, #tpu.memory_space<hbm>>)
      tpu.yield
    }) : () -> ()
    %add3A_73 = arith.constant 3276800 : i32
    %add3A_74 = arith.addi %add3A_73, %add3A_63 : i32
    %run_scoped3A_75 = arith.constant 1 : i32
    "tpu.region"() ({
      %run_scoped3A_642 = tpu.sem_alloc : memref<!tpu.dma_semaphore, #tpu.memory_space<semaphore_mem>>
      %dma_start3A_643 = arith.constant 0 : i32
      %dma_start3A_644 = tpu.memref_slice %arg9[%run_scoped3A_75, %dma_start3A_643] : memref<3x5120xf32, #tpu.memory_space<vmem>> -> memref<1x5120xf32, #tpu.memory_space<vmem>>
      %dma_start3A_645 = tpu.memref_squeeze %dma_start3A_644 : memref<1x5120xf32, #tpu.memory_space<vmem>> -> memref<5120xf32, #tpu.memory_space<vmem>>
      %dma_start3A_646 = tpu.memref_slice %arg4[%add3A_74] : memref<9830400xf32, #tpu.memory_space<hbm>> -> memref<5120xf32, #tpu.memory_space<hbm>>
      %dma_start3A_647 = tpu.memref_slice %arg4[%add3A_74] : memref<9830400xf32, #tpu.memory_space<hbm>> -> memref<5120xf32, #tpu.memory_space<hbm>>
      %dma_start3A_648 = arith.constant 0 : i32
      %dma_start3A_649 = tpu.memref_slice %arg9[%run_scoped3A_75, %dma_start3A_648] : memref<3x5120xf32, #tpu.memory_space<vmem>> -> memref<1x5120xf32, #tpu.memory_space<vmem>>
      %dma_start3A_650 = tpu.memref_squeeze %dma_start3A_649 : memref<1x5120xf32, #tpu.memory_space<vmem>> -> memref<5120xf32, #tpu.memory_space<vmem>>
      tpu.enqueue_dma source(%dma_start3A_650 : memref<5120xf32, #tpu.memory_space<vmem>>) target(%dma_start3A_647 : memref<5120xf32, #tpu.memory_space<hbm>>) target_semaphore(%run_scoped3A_642 : memref<!tpu.dma_semaphore, #tpu.memory_space<semaphore_mem>>)
      %dma_wait3A_651 = arith.constant 0 : i32
      %dma_wait3A_652 = tpu.memref_slice %arg9[%run_scoped3A_75, %dma_wait3A_651] : memref<3x5120xf32, #tpu.memory_space<vmem>> -> memref<1x5120xf32, #tpu.memory_space<vmem>>
      %dma_wait3A_653 = tpu.memref_squeeze %dma_wait3A_652 : memref<1x5120xf32, #tpu.memory_space<vmem>> -> memref<5120xf32, #tpu.memory_space<vmem>>
      %dma_wait3A_654 = tpu.memref_slice %arg4[%add3A_74] : memref<9830400xf32, #tpu.memory_space<hbm>> -> memref<5120xf32, #tpu.memory_space<hbm>>
      %dma_wait3A_655 = tpu.memref_slice %arg4[%add3A_74] : memref<9830400xf32, #tpu.memory_space<hbm>> -> memref<5120xf32, #tpu.memory_space<hbm>>
      %dma_wait3A_656 = arith.constant 0 : i32
      %dma_wait3A_657 = tpu.memref_slice %arg9[%run_scoped3A_75, %dma_wait3A_656] : memref<3x5120xf32, #tpu.memory_space<vmem>> -> memref<1x5120xf32, #tpu.memory_space<vmem>>
      %dma_wait3A_658 = tpu.memref_squeeze %dma_wait3A_657 : memref<1x5120xf32, #tpu.memory_space<vmem>> -> memref<5120xf32, #tpu.memory_space<vmem>>
      tpu.wait_dma2 semaphore(%run_scoped3A_642 : memref<!tpu.dma_semaphore, #tpu.memory_space<semaphore_mem>>) src(%dma_wait3A_658 : memref<5120xf32, #tpu.memory_space<vmem>>) dst(%dma_wait3A_655 : memref<5120xf32, #tpu.memory_space<hbm>>)
      tpu.yield
    }) : () -> ()
    %add3A_76 = arith.constant 6553600 : i32
    %add3A_77 = arith.addi %add3A_76, %add3A_63 : i32
    %run_scoped3A_78 = arith.constant 2 : i32
    "tpu.region"() ({
      %run_scoped3A_642 = tpu.sem_alloc : memref<!tpu.dma_semaphore, #tpu.memory_space<semaphore_mem>>
      %dma_start3A_643 = arith.constant 0 : i32
      %dma_start3A_644 = tpu.memref_slice %arg9[%run_scoped3A_78, %dma_start3A_643] : memref<3x5120xf32, #tpu.memory_space<vmem>> -> memref<1x5120xf32, #tpu.memory_space<vmem>>
      %dma_start3A_645 = tpu.memref_squeeze %dma_start3A_644 : memref<1x5120xf32, #tpu.memory_space<vmem>> -> memref<5120xf32, #tpu.memory_space<vmem>>
      %dma_start3A_646 = tpu.memref_slice %arg4[%add3A_77] : memref<9830400xf32, #tpu.memory_space<hbm>> -> memref<5120xf32, #tpu.memory_space<hbm>>
      %dma_start3A_647 = tpu.memref_slice %arg4[%add3A_77] : memref<9830400xf32, #tpu.memory_space<hbm>> -> memref<5120xf32, #tpu.memory_space<hbm>>
      %dma_start3A_648 = arith.constant 0 : i32
      %dma_start3A_649 = tpu.memref_slice %arg9[%run_scoped3A_78, %dma_start3A_648] : memref<3x5120xf32, #tpu.memory_space<vmem>> -> memref<1x5120xf32, #tpu.memory_space<vmem>>
      %dma_start3A_650 = tpu.memref_squeeze %dma_start3A_649 : memref<1x5120xf32, #tpu.memory_space<vmem>> -> memref<5120xf32, #tpu.memory_space<vmem>>
      tpu.enqueue_dma source(%dma_start3A_650 : memref<5120xf32, #tpu.memory_space<vmem>>) target(%dma_start3A_647 : memref<5120xf32, #tpu.memory_space<hbm>>) target_semaphore(%run_scoped3A_642 : memref<!tpu.dma_semaphore, #tpu.memory_space<semaphore_mem>>)
      %dma_wait3A_651 = arith.constant 0 : i32
      %dma_wait3A_652 = tpu.memref_slice %arg9[%run_scoped3A_78, %dma_wait3A_651] : memref<3x5120xf32, #tpu.memory_space<vmem>> -> memref<1x5120xf32, #tpu.memory_space<vmem>>
      %dma_wait3A_653 = tpu.memref_squeeze %dma_wait3A_652 : memref<1x5120xf32, #tpu.memory_space<vmem>> -> memref<5120xf32, #tpu.memory_space<vmem>>
      %dma_wait3A_654 = tpu.memref_slice %arg4[%add3A_77] : memref<9830400xf32, #tpu.memory_space<hbm>> -> memref<5120xf32, #tpu.memory_space<hbm>>
      %dma_wait3A_655 = tpu.memref_slice %arg4[%add3A_77] : memref<9830400xf32, #tpu.memory_space<hbm>> -> memref<5120xf32, #tpu.memory_space<hbm>>
      %dma_wait3A_656 = arith.constant 0 : i32
      %dma_wait3A_657 = tpu.memref_slice %arg9[%run_scoped3A_78, %dma_wait3A_656] : memref<3x5120xf32, #tpu.memory_space<vmem>> -> memref<1x5120xf32, #tpu.memory_space<vmem>>
      %dma_wait3A_658 = tpu.memref_squeeze %dma_wait3A_657 : memref<1x5120xf32, #tpu.memory_space<vmem>> -> memref<5120xf32, #tpu.memory_space<vmem>>
      tpu.wait_dma2 semaphore(%run_scoped3A_642 : memref<!tpu.dma_semaphore, #tpu.memory_space<semaphore_mem>>) src(%dma_wait3A_658 : memref<5120xf32, #tpu.memory_space<vmem>>) dst(%dma_wait3A_655 : memref<5120xf32, #tpu.memory_space<hbm>>)
      tpu.yield
    }) : () -> ()
    %dma_wait3A_79 = tpu.memref_slice %arg2[%mul3A_2] : memref<3276800xi32, #tpu.memory_space<hbm>> -> memref<5120xi32, #tpu.memory_space<hbm>>
    %dma_wait3A_80 = tpu.memref_slice %arg2[%mul3A_2] : memref<3276800xi32, #tpu.memory_space<hbm>> -> memref<5120xi32, #tpu.memory_space<hbm>>
    tpu.wait_dma2 semaphore(%arg10 : memref<!tpu.dma_semaphore, #tpu.memory_space<semaphore_mem>>) src(%dma_wait3A_80 : memref<5120xi32, #tpu.memory_space<hbm>>) dst(%arg6 : memref<5120xi32, #tpu.memory_space<vmem>>)
    %dma_wait3A_81 = arith.constant 0 : i32
    %dma_wait3A_82 = arith.constant 0 : i32
    %dma_wait3A_83 = tpu.memref_slice %arg3[%dma_wait3A_81, %dma_wait3A_82] : memref<1000000x8xf32, #tpu.memory_space<hbm>> -> memref<5120x8xf32, #tpu.memory_space<hbm>>
    %dma_wait3A_84 = arith.constant 0 : i32
    %dma_wait3A_85 = arith.constant 0 : i32
    %dma_wait3A_86 = tpu.memref_slice %arg3[%dma_wait3A_84, %dma_wait3A_85] : memref<1000000x8xf32, #tpu.memory_space<hbm>> -> memref<5120x8xf32, #tpu.memory_space<hbm>>
    tpu.wait_dma2 semaphore(%arg11 : memref<!tpu.dma_semaphore, #tpu.memory_space<semaphore_mem>>) src(%dma_wait3A_86 : memref<5120x8xf32, #tpu.memory_space<hbm>>) dst(%arg7 : memref<5120x8xf32, #tpu.memory_space<vmem>>)
    %dma_start3A_87 = arith.constant 0 : i32
    %dma_start3A_88 = arith.constant 0 : i32
    %dma_start3A_89 = tpu.memref_slice %arg3[%dma_start3A_87, %dma_start3A_88] : memref<1000000x8xf32, #tpu.memory_space<hbm>> -> memref<1000000x8xf32, #tpu.memory_space<hbm>>
    tpu.enqueue_indirect_dma source(%dma_start3A_89 : memref<1000000x8xf32, #tpu.memory_space<hbm>>) target(%arg8 : memref<5120x8xf32, #tpu.memory_space<vmem>>) offsets(%arg6 : memref<5120xi32, #tpu.memory_space<vmem>>) semaphore(%arg12 : memref<!tpu.dma_semaphore, #tpu.memory_space<semaphore_mem>>)
    %add3A_90 = arith.constant 20480 : i32
    %add3A_91 = arith.addi %mul3A_2, %add3A_90 : i32
    %dma_start3A_92 = tpu.memref_slice %arg2[%add3A_91] : memref<3276800xi32, #tpu.memory_space<hbm>> -> memref<5120xi32, #tpu.memory_space<hbm>>
    %dma_start3A_93 = tpu.memref_slice %arg2[%add3A_91] : memref<3276800xi32, #tpu.memory_space<hbm>> -> memref<5120xi32, #tpu.memory_space<hbm>>
    tpu.enqueue_dma source(%dma_start3A_93 : memref<5120xi32, #tpu.memory_space<hbm>>) target(%arg5 : memref<5120xi32, #tpu.memory_space<vmem>>) target_semaphore(%arg10 : memref<!tpu.dma_semaphore, #tpu.memory_space<semaphore_mem>>)
    %add3A_94 = arith.constant 10240 : i32
    %add3A_95 = arith.addi %mul3A_2, %add3A_94 : i32
    %scan3A_96 = arith.constant 0 : i32
    %scan3A_97 = arith.constant 0 : i32
    %scan3A_98 = arith.constant 320 : i32
    %scan3A_99 = arith.addi %scan3A_97, %scan3A_98 : i32
    %scan3A_100 = arith.constant 1 : i32
    scf.for %scan3A_642 = %scan3A_97 to %scan3A_99 step %scan3A_100  : i32 {
      %mul3A_643 = arith.constant 16 : i32
      %mul3A_644 = arith.muli %mul3A_643, %scan3A_642 : i32
      %add3A_645 = vector.broadcast %mul3A_644 : i32 to vector<16xi32>
      %add3A_646 = arith.addi %add3A_645, %iota3A : vector<16xi32>
      %gather3A = tpu.vector_load_idx %arg7[%add3A_646, %broadcast_in_dim3A_3] : memref<5120x8xf32, #tpu.memory_space<vmem>>[vector<16xi32>, vector<16xi32>], vector<16xf32>,
      %mul3A_647 = arith.constant 16 : i32
      %mul3A_648 = arith.muli %mul3A_647, %scan3A_642 : i32
      %swap3A = arith.constant 0 : i32
      %swap3A_649 = arith.index_cast %swap3A : i32 to index
      %swap3A_650 = arith.index_cast %mul3A_648 : i32 to index
      %swap3A_651 = tpu.vector_load %arg9[%swap3A_649, %swap3A_650] {strides = array<i32>} : memref<3x5120xf32, #tpu.memory_space<vmem>>, vector<16xf32>,
      tpu.vector_store %arg9[%swap3A_649, %swap3A_650], %gather3A {strides = array<i32>} : memref<3x5120xf32, #tpu.memory_space<vmem>>, vector<16xf32>,
      %gather3A_652 = tpu.vector_load_idx %arg7[%add3A_646, %broadcast_in_dim3A_5] : memref<5120x8xf32, #tpu.memory_space<vmem>>[vector<16xi32>, vector<16xi32>], vector<16xf32>,
      %mul3A_653 = arith.constant 16 : i32
      %mul3A_654 = arith.muli %mul3A_653, %scan3A_642 : i32
      %swap3A_655 = arith.constant 1 : i32
      %swap3A_656 = arith.index_cast %swap3A_655 : i32 to index
      %swap3A_657 = arith.index_cast %mul3A_654 : i32 to index
      %swap3A_658 = tpu.vector_load %arg9[%swap3A_656, %swap3A_657] {strides = array<i32>} : memref<3x5120xf32, #tpu.memory_space<vmem>>, vector<16xf32>,
      tpu.vector_store %arg9[%swap3A_656, %swap3A_657], %gather3A_652 {strides = array<i32>} : memref<3x5120xf32, #tpu.memory_space<vmem>>, vector<16xf32>,
      %gather3A_659 = tpu.vector_load_idx %arg7[%add3A_646, %broadcast_in_dim3A_7] : memref<5120x8xf32, #tpu.memory_space<vmem>>[vector<16xi32>, vector<16xi32>], vector<16xf32>,
      %mul3A_660 = arith.constant 16 : i32
      %mul3A_661 = arith.muli %mul3A_660, %scan3A_642 : i32
      %swap3A_662 = arith.constant 2 : i32
      %swap3A_663 = arith.index_cast %swap3A_662 : i32 to index
      %swap3A_664 = arith.index_cast %mul3A_661 : i32 to index
      %swap3A_665 = tpu.vector_load %arg9[%swap3A_663, %swap3A_664] {strides = array<i32>} : memref<3x5120xf32, #tpu.memory_space<vmem>>, vector<16xf32>,
      tpu.vector_store %arg9[%swap3A_663, %swap3A_664], %gather3A_659 {strides = array<i32>} : memref<3x5120xf32, #tpu.memory_space<vmem>>, vector<16xf32>,
    }
    %scan3A_101 = arith.constant 320 : i32
    %add3A_102 = arith.constant 0 : i32
    %add3A_103 = arith.addi %add3A_102, %add3A_95 : i32
    %run_scoped3A_104 = arith.constant 0 : i32
    "tpu.region"() ({
      %run_scoped3A_642 = tpu.sem_alloc : memref<!tpu.dma_semaphore, #tpu.memory_space<semaphore_mem>>
      %dma_start3A_643 = arith.constant 0 : i32
      %dma_start3A_644 = tpu.memref_slice %arg9[%run_scoped3A_104, %dma_start3A_643] : memref<3x5120xf32, #tpu.memory_space<vmem>> -> memref<1x5120xf32, #tpu.memory_space<vmem>>
      %dma_start3A_645 = tpu.memref_squeeze %dma_start3A_644 : memref<1x5120xf32, #tpu.memory_space<vmem>> -> memref<5120xf32, #tpu.memory_space<vmem>>
      %dma_start3A_646 = tpu.memref_slice %arg4[%add3A_103] : memref<9830400xf32, #tpu.memory_space<hbm>> -> memref<5120xf32, #tpu.memory_space<hbm>>
      %dma_start3A_647 = tpu.memref_slice %arg4[%add3A_103] : memref<9830400xf32, #tpu.memory_space<hbm>> -> memref<5120xf32, #tpu.memory_space<hbm>>
      %dma_start3A_648 = arith.constant 0 : i32
      %dma_start3A_649 = tpu.memref_slice %arg9[%run_scoped3A_104, %dma_start3A_648] : memref<3x5120xf32, #tpu.memory_space<vmem>> -> memref<1x5120xf32, #tpu.memory_space<vmem>>
      %dma_start3A_650 = tpu.memref_squeeze %dma_start3A_649 : memref<1x5120xf32, #tpu.memory_space<vmem>> -> memref<5120xf32, #tpu.memory_space<vmem>>
      tpu.enqueue_dma source(%dma_start3A_650 : memref<5120xf32, #tpu.memory_space<vmem>>) target(%dma_start3A_647 : memref<5120xf32, #tpu.memory_space<hbm>>) target_semaphore(%run_scoped3A_642 : memref<!tpu.dma_semaphore, #tpu.memory_space<semaphore_mem>>)
      %dma_wait3A_651 = arith.constant 0 : i32
      %dma_wait3A_652 = tpu.memref_slice %arg9[%run_scoped3A_104, %dma_wait3A_651] : memref<3x5120xf32, #tpu.memory_space<vmem>> -> memref<1x5120xf32, #tpu.memory_space<vmem>>
      %dma_wait3A_653 = tpu.memref_squeeze %dma_wait3A_652 : memref<1x5120xf32, #tpu.memory_space<vmem>> -> memref<5120xf32, #tpu.memory_space<vmem>>
      %dma_wait3A_654 = tpu.memref_slice %arg4[%add3A_103] : memref<9830400xf32, #tpu.memory_space<hbm>> -> memref<5120xf32, #tpu.memory_space<hbm>>
      %dma_wait3A_655 = tpu.memref_slice %arg4[%add3A_103] : memref<9830400xf32, #tpu.memory_space<hbm>> -> memref<5120xf32, #tpu.memory_space<hbm>>
      %dma_wait3A_656 = arith.constant 0 : i32
      %dma_wait3A_657 = tpu.memref_slice %arg9[%run_scoped3A_104, %dma_wait3A_656] : memref<3x5120xf32, #tpu.memory_space<vmem>> -> memref<1x5120xf32, #tpu.memory_space<vmem>>
      %dma_wait3A_658 = tpu.memref_squeeze %dma_wait3A_657 : memref<1x5120xf32, #tpu.memory_space<vmem>> -> memref<5120xf32, #tpu.memory_space<vmem>>
      tpu.wait_dma2 semaphore(%run_scoped3A_642 : memref<!tpu.dma_semaphore, #tpu.memory_space<semaphore_mem>>) src(%dma_wait3A_658 : memref<5120xf32, #tpu.memory_space<vmem>>) dst(%dma_wait3A_655 : memref<5120xf32, #tpu.memory_space<hbm>>)
      tpu.yield
    }) : () -> ()
    %add3A_105 = arith.constant 3276800 : i32
    %add3A_106 = arith.addi %add3A_105, %add3A_95 : i32
    %run_scoped3A_107 = arith.constant 1 : i32
    "tpu.region"() ({
      %run_scoped3A_642 = tpu.sem_alloc : memref<!tpu.dma_semaphore, #tpu.memory_space<semaphore_mem>>
      %dma_start3A_643 = arith.constant 0 : i32
      %dma_start3A_644 = tpu.memref_slice %arg9[%run_scoped3A_107, %dma_start3A_643] : memref<3x5120xf32, #tpu.memory_space<vmem>> -> memref<1x5120xf32, #tpu.memory_space<vmem>>
      %dma_start3A_645 = tpu.memref_squeeze %dma_start3A_644 : memref<1x5120xf32, #tpu.memory_space<vmem>> -> memref<5120xf32, #tpu.memory_space<vmem>>
      %dma_start3A_646 = tpu.memref_slice %arg4[%add3A_106] : memref<9830400xf32, #tpu.memory_space<hbm>> -> memref<5120xf32, #tpu.memory_space<hbm>>
      %dma_start3A_647 = tpu.memref_slice %arg4[%add3A_106] : memref<9830400xf32, #tpu.memory_space<hbm>> -> memref<5120xf32, #tpu.memory_space<hbm>>
      %dma_start3A_648 = arith.constant 0 : i32
      %dma_start3A_649 = tpu.memref_slice %arg9[%run_scoped3A_107, %dma_start3A_648] : memref<3x5120xf32, #tpu.memory_space<vmem>> -> memref<1x5120xf32, #tpu.memory_space<vmem>>
      %dma_start3A_650 = tpu.memref_squeeze %dma_start3A_649 : memref<1x5120xf32, #tpu.memory_space<vmem>> -> memref<5120xf32, #tpu.memory_space<vmem>>
      tpu.enqueue_dma source(%dma_start3A_650 : memref<5120xf32, #tpu.memory_space<vmem>>) target(%dma_start3A_647 : memref<5120xf32, #tpu.memory_space<hbm>>) target_semaphore(%run_scoped3A_642 : memref<!tpu.dma_semaphore, #tpu.memory_space<semaphore_mem>>)
      %dma_wait3A_651 = arith.constant 0 : i32
      %dma_wait3A_652 = tpu.memref_slice %arg9[%run_scoped3A_107, %dma_wait3A_651] : memref<3x5120xf32, #tpu.memory_space<vmem>> -> memref<1x5120xf32, #tpu.memory_space<vmem>>
      %dma_wait3A_653 = tpu.memref_squeeze %dma_wait3A_652 : memref<1x5120xf32, #tpu.memory_space<vmem>> -> memref<5120xf32, #tpu.memory_space<vmem>>
      %dma_wait3A_654 = tpu.memref_slice %arg4[%add3A_106] : memref<9830400xf32, #tpu.memory_space<hbm>> -> memref<5120xf32, #tpu.memory_space<hbm>>
      %dma_wait3A_655 = tpu.memref_slice %arg4[%add3A_106] : memref<9830400xf32, #tpu.memory_space<hbm>> -> memref<5120xf32, #tpu.memory_space<hbm>>
      %dma_wait3A_656 = arith.constant 0 : i32
      %dma_wait3A_657 = tpu.memref_slice %arg9[%run_scoped3A_107, %dma_wait3A_656] : memref<3x5120xf32, #tpu.memory_space<vmem>> -> memref<1x5120xf32, #tpu.memory_space<vmem>>
      %dma_wait3A_658 = tpu.memref_squeeze %dma_wait3A_657 : memref<1x5120xf32, #tpu.memory_space<vmem>> -> memref<5120xf32, #tpu.memory_space<vmem>>
      tpu.wait_dma2 semaphore(%run_scoped3A_642 : memref<!tpu.dma_semaphore, #tpu.memory_space<semaphore_mem>>) src(%dma_wait3A_658 : memref<5120xf32, #tpu.memory_space<vmem>>) dst(%dma_wait3A_655 : memref<5120xf32, #tpu.memory_space<hbm>>)
      tpu.yield
    }) : () -> ()
    %add3A_108 = arith.constant 6553600 : i32
    %add3A_109 = arith.addi %add3A_108, %add3A_95 : i32
    %run_scoped3A_110 = arith.constant 2 : i32
    "tpu.region"() ({
      %run_scoped3A_642 = tpu.sem_alloc : memref<!tpu.dma_semaphore, #tpu.memory_space<semaphore_mem>>
      %dma_start3A_643 = arith.constant 0 : i32
      %dma_start3A_644 = tpu.memref_slice %arg9[%run_scoped3A_110, %dma_start3A_643] : memref<3x5120xf32, #tpu.memory_space<vmem>> -> memref<1x5120xf32, #tpu.memory_space<vmem>>
      %dma_start3A_645 = tpu.memref_squeeze %dma_start3A_644 : memref<1x5120xf32, #tpu.memory_space<vmem>> -> memref<5120xf32, #tpu.memory_space<vmem>>
      %dma_start3A_646 = tpu.memref_slice %arg4[%add3A_109] : memref<9830400xf32, #tpu.memory_space<hbm>> -> memref<5120xf32, #tpu.memory_space<hbm>>
      %dma_start3A_647 = tpu.memref_slice %arg4[%add3A_109] : memref<9830400xf32, #tpu.memory_space<hbm>> -> memref<5120xf32, #tpu.memory_space<hbm>>
      %dma_start3A_648 = arith.constant 0 : i32
      %dma_start3A_649 = tpu.memref_slice %arg9[%run_scoped3A_110, %dma_start3A_648] : memref<3x5120xf32, #tpu.memory_space<vmem>> -> memref<1x5120xf32, #tpu.memory_space<vmem>>
      %dma_start3A_650 = tpu.memref_squeeze %dma_start3A_649 : memref<1x5120xf32, #tpu.memory_space<vmem>> -> memref<5120xf32, #tpu.memory_space<vmem>>
      tpu.enqueue_dma source(%dma_start3A_650 : memref<5120xf32, #tpu.memory_space<vmem>>) target(%dma_start3A_647 : memref<5120xf32, #tpu.memory_space<hbm>>) target_semaphore(%run_scoped3A_642 : memref<!tpu.dma_semaphore, #tpu.memory_space<semaphore_mem>>)
      %dma_wait3A_651 = arith.constant 0 : i32
      %dma_wait3A_652 = tpu.memref_slice %arg9[%run_scoped3A_110, %dma_wait3A_651] : memref<3x5120xf32, #tpu.memory_space<vmem>> -> memref<1x5120xf32, #tpu.memory_space<vmem>>
      %dma_wait3A_653 = tpu.memref_squeeze %dma_wait3A_652 : memref<1x5120xf32, #tpu.memory_space<vmem>> -> memref<5120xf32, #tpu.memory_space<vmem>>
      %dma_wait3A_654 = tpu.memref_slice %arg4[%add3A_109] : memref<9830400xf32, #tpu.memory_space<hbm>> -> memref<5120xf32, #tpu.memory_space<hbm>>
      %dma_wait3A_655 = tpu.memref_slice %arg4[%add3A_109] : memref<9830400xf32, #tpu.memory_space<hbm>> -> memref<5120xf32, #tpu.memory_space<hbm>>
      %dma_wait3A_656 = arith.constant 0 : i32
      %dma_wait3A_657 = tpu.memref_slice %arg9[%run_scoped3A_110, %dma_wait3A_656] : memref<3x5120xf32, #tpu.memory_space<vmem>> -> memref<1x5120xf32, #tpu.memory_space<vmem>>
      %dma_wait3A_658 = tpu.memref_squeeze %dma_wait3A_657 : memref<1x5120xf32, #tpu.memory_space<vmem>> -> memref<5120xf32, #tpu.memory_space<vmem>>
      tpu.wait_dma2 semaphore(%run_scoped3A_642 : memref<!tpu.dma_semaphore, #tpu.memory_space<semaphore_mem>>) src(%dma_wait3A_658 : memref<5120xf32, #tpu.memory_space<vmem>>) dst(%dma_wait3A_655 : memref<5120xf32, #tpu.memory_space<hbm>>)
      tpu.yield
    }) : () -> ()
    %dma_wait3A_111 = tpu.memref_slice %arg2[%mul3A_2] : memref<3276800xi32, #tpu.memory_space<hbm>> -> memref<5120xi32, #tpu.memory_space<hbm>>
    %dma_wait3A_112 = tpu.memref_slice %arg2[%mul3A_2] : memref<3276800xi32, #tpu.memory_space<hbm>> -> memref<5120xi32, #tpu.memory_space<hbm>>
    tpu.wait_dma2 semaphore(%arg10 : memref<!tpu.dma_semaphore, #tpu.memory_space<semaphore_mem>>) src(%dma_wait3A_112 : memref<5120xi32, #tpu.memory_space<hbm>>) dst(%arg5 : memref<5120xi32, #tpu.memory_space<vmem>>)
    %dma_wait3A_113 = arith.constant 0 : i32
    %dma_wait3A_114 = arith.constant 0 : i32
    %dma_wait3A_115 = tpu.memref_slice %arg3[%dma_wait3A_113, %dma_wait3A_114] : memref<1000000x8xf32, #tpu.memory_space<hbm>> -> memref<5120x8xf32, #tpu.memory_space<hbm>>
    %dma_wait3A_116 = arith.constant 0 : i32
    %dma_wait3A_117 = arith.constant 0 : i32
    %dma_wait3A_118 = tpu.memref_slice %arg3[%dma_wait3A_116, %dma_wait3A_117] : memref<1000000x8xf32, #tpu.memory_space<hbm>> -> memref<5120x8xf32, #tpu.memory_space<hbm>>
    tpu.wait_dma2 semaphore(%arg12 : memref<!tpu.dma_semaphore, #tpu.memory_space<semaphore_mem>>) src(%dma_wait3A_118 : memref<5120x8xf32, #tpu.memory_space<hbm>>) dst(%arg8 : memref<5120x8xf32, #tpu.memory_space<vmem>>)
    %dma_start3A_119 = arith.constant 0 : i32
    %dma_start3A_120 = arith.constant 0 : i32
    %dma_start3A_121 = tpu.memref_slice %arg3[%dma_start3A_119, %dma_start3A_120] : memref<1000000x8xf32, #tpu.memory_space<hbm>> -> memref<1000000x8xf32, #tpu.memory_space<hbm>>
    tpu.enqueue_indirect_dma source(%dma_start3A_121 : memref<1000000x8xf32, #tpu.memory_space<hbm>>) target(%arg7 : memref<5120x8xf32, #tpu.memory_space<vmem>>) offsets(%arg5 : memref<5120xi32, #tpu.memory_space<vmem>>) semaphore(%arg11 : memref<!tpu.dma_semaphore, #tpu.memory_space<semaphore_mem>>)
    %add3A_122 = arith.constant 25600 : i32
    %add3A_123 = arith.addi %mul3A_2, %add3A_122 : i32
    %dma_start3A_124 = tpu.memref_slice %arg2[%add3A_123] : memref<3276800xi32, #tpu.memory_space<hbm>> -> memref<5120xi32, #tpu.memory_space<hbm>>
    %dma_start3A_125 = tpu.memref_slice %arg2[%add3A_123] : memref<3276800xi32, #tpu.memory_space<hbm>> -> memref<5120xi32, #tpu.memory_space<hbm>>
    tpu.enqueue_dma source(%dma_start3A_125 : memref<5120xi32, #tpu.memory_space<hbm>>) target(%arg6 : memref<5120xi32, #tpu.memory_space<vmem>>) target_semaphore(%arg10 : memref<!tpu.dma_semaphore, #tpu.memory_space<semaphore_mem>>)
    %add3A_126 = arith.constant 15360 : i32
    %add3A_127 = arith.addi %mul3A_2, %add3A_126 : i32
    %scan3A_128 = arith.constant 0 : i32
    %scan3A_129 = arith.constant 0 : i32
    %scan3A_130 = arith.constant 320 : i32
    %scan3A_131 = arith.addi %scan3A_129, %scan3A_130 : i32
    %scan3A_132 = arith.constant 1 : i32
    scf.for %scan3A_642 = %scan3A_129 to %scan3A_131 step %scan3A_132  : i32 {
      %mul3A_643 = arith.constant 16 : i32
      %mul3A_644 = arith.muli %mul3A_643, %scan3A_642 : i32
      %add3A_645 = vector.broadcast %mul3A_644 : i32 to vector<16xi32>
      %add3A_646 = arith.addi %add3A_645, %iota3A : vector<16xi32>
      %gather3A = tpu.vector_load_idx %arg8[%add3A_646, %broadcast_in_dim3A_3] : memref<5120x8xf32, #tpu.memory_space<vmem>>[vector<16xi32>, vector<16xi32>], vector<16xf32>,
      %mul3A_647 = arith.constant 16 : i32
      %mul3A_648 = arith.muli %mul3A_647, %scan3A_642 : i32
      %swap3A = arith.constant 0 : i32
      %swap3A_649 = arith.index_cast %swap3A : i32 to index
      %swap3A_650 = arith.index_cast %mul3A_648 : i32 to index
      %swap3A_651 = tpu.vector_load %arg9[%swap3A_649, %swap3A_650] {strides = array<i32>} : memref<3x5120xf32, #tpu.memory_space<vmem>>, vector<16xf32>,
      tpu.vector_store %arg9[%swap3A_649, %swap3A_650], %gather3A {strides = array<i32>} : memref<3x5120xf32, #tpu.memory_space<vmem>>, vector<16xf32>,
      %gather3A_652 = tpu.vector_load_idx %arg8[%add3A_646, %broadcast_in_dim3A_5] : memref<5120x8xf32, #tpu.memory_space<vmem>>[vector<16xi32>, vector<16xi32>], vector<16xf32>,
      %mul3A_653 = arith.constant 16 : i32
      %mul3A_654 = arith.muli %mul3A_653, %scan3A_642 : i32
      %swap3A_655 = arith.constant 1 : i32
      %swap3A_656 = arith.index_cast %swap3A_655 : i32 to index
      %swap3A_657 = arith.index_cast %mul3A_654 : i32 to index
      %swap3A_658 = tpu.vector_load %arg9[%swap3A_656, %swap3A_657] {strides = array<i32>} : memref<3x5120xf32, #tpu.memory_space<vmem>>, vector<16xf32>,
      tpu.vector_store %arg9[%swap3A_656, %swap3A_657], %gather3A_652 {strides = array<i32>} : memref<3x5120xf32, #tpu.memory_space<vmem>>, vector<16xf32>,
      %gather3A_659 = tpu.vector_load_idx %arg8[%add3A_646, %broadcast_in_dim3A_7] : memref<5120x8xf32, #tpu.memory_space<vmem>>[vector<16xi32>, vector<16xi32>], vector<16xf32>,
      %mul3A_660 = arith.constant 16 : i32
      %mul3A_661 = arith.muli %mul3A_660, %scan3A_642 : i32
      %swap3A_662 = arith.constant 2 : i32
      %swap3A_663 = arith.index_cast %swap3A_662 : i32 to index
      %swap3A_664 = arith.index_cast %mul3A_661 : i32 to index
      %swap3A_665 = tpu.vector_load %arg9[%swap3A_663, %swap3A_664] {strides = array<i32>} : memref<3x5120xf32, #tpu.memory_space<vmem>>, vector<16xf32>,
      tpu.vector_store %arg9[%swap3A_663, %swap3A_664], %gather3A_659 {strides = array<i32>} : memref<3x5120xf32, #tpu.memory_space<vmem>>, vector<16xf32>,
    }
    %scan3A_133 = arith.constant 320 : i32
    %add3A_134 = arith.constant 0 : i32
    %add3A_135 = arith.addi %add3A_134, %add3A_127 : i32
    %run_scoped3A_136 = arith.constant 0 : i32
    "tpu.region"() ({
      %run_scoped3A_642 = tpu.sem_alloc : memref<!tpu.dma_semaphore, #tpu.memory_space<semaphore_mem>>
      %dma_start3A_643 = arith.constant 0 : i32
      %dma_start3A_644 = tpu.memref_slice %arg9[%run_scoped3A_136, %dma_start3A_643] : memref<3x5120xf32, #tpu.memory_space<vmem>> -> memref<1x5120xf32, #tpu.memory_space<vmem>>
      %dma_start3A_645 = tpu.memref_squeeze %dma_start3A_644 : memref<1x5120xf32, #tpu.memory_space<vmem>> -> memref<5120xf32, #tpu.memory_space<vmem>>
      %dma_start3A_646 = tpu.memref_slice %arg4[%add3A_135] : memref<9830400xf32, #tpu.memory_space<hbm>> -> memref<5120xf32, #tpu.memory_space<hbm>>
      %dma_start3A_647 = tpu.memref_slice %arg4[%add3A_135] : memref<9830400xf32, #tpu.memory_space<hbm>> -> memref<5120xf32, #tpu.memory_space<hbm>>
      %dma_start3A_648 = arith.constant 0 : i32
      %dma_start3A_649 = tpu.memref_slice %arg9[%run_scoped3A_136, %dma_start3A_648] : memref<3x5120xf32, #tpu.memory_space<vmem>> -> memref<1x5120xf32, #tpu.memory_space<vmem>>
      %dma_start3A_650 = tpu.memref_squeeze %dma_start3A_649 : memref<1x5120xf32, #tpu.memory_space<vmem>> -> memref<5120xf32, #tpu.memory_space<vmem>>
      tpu.enqueue_dma source(%dma_start3A_650 : memref<5120xf32, #tpu.memory_space<vmem>>) target(%dma_start3A_647 : memref<5120xf32, #tpu.memory_space<hbm>>) target_semaphore(%run_scoped3A_642 : memref<!tpu.dma_semaphore, #tpu.memory_space<semaphore_mem>>)
      %dma_wait3A_651 = arith.constant 0 : i32
      %dma_wait3A_652 = tpu.memref_slice %arg9[%run_scoped3A_136, %dma_wait3A_651] : memref<3x5120xf32, #tpu.memory_space<vmem>> -> memref<1x5120xf32, #tpu.memory_space<vmem>>
      %dma_wait3A_653 = tpu.memref_squeeze %dma_wait3A_652 : memref<1x5120xf32, #tpu.memory_space<vmem>> -> memref<5120xf32, #tpu.memory_space<vmem>>
      %dma_wait3A_654 = tpu.memref_slice %arg4[%add3A_135] : memref<9830400xf32, #tpu.memory_space<hbm>> -> memref<5120xf32, #tpu.memory_space<hbm>>
      %dma_wait3A_655 = tpu.memref_slice %arg4[%add3A_135] : memref<9830400xf32, #tpu.memory_space<hbm>> -> memref<5120xf32, #tpu.memory_space<hbm>>
      %dma_wait3A_656 = arith.constant 0 : i32
      %dma_wait3A_657 = tpu.memref_slice %arg9[%run_scoped3A_136, %dma_wait3A_656] : memref<3x5120xf32, #tpu.memory_space<vmem>> -> memref<1x5120xf32, #tpu.memory_space<vmem>>
      %dma_wait3A_658 = tpu.memref_squeeze %dma_wait3A_657 : memref<1x5120xf32, #tpu.memory_space<vmem>> -> memref<5120xf32, #tpu.memory_space<vmem>>
      tpu.wait_dma2 semaphore(%run_scoped3A_642 : memref<!tpu.dma_semaphore, #tpu.memory_space<semaphore_mem>>) src(%dma_wait3A_658 : memref<5120xf32, #tpu.memory_space<vmem>>) dst(%dma_wait3A_655 : memref<5120xf32, #tpu.memory_space<hbm>>)
      tpu.yield
    }) : () -> ()
    %add3A_137 = arith.constant 3276800 : i32
    %add3A_138 = arith.addi %add3A_137, %add3A_127 : i32
    %run_scoped3A_139 = arith.constant 1 : i32
    "tpu.region"() ({
      %run_scoped3A_642 = tpu.sem_alloc : memref<!tpu.dma_semaphore, #tpu.memory_space<semaphore_mem>>
      %dma_start3A_643 = arith.constant 0 : i32
      %dma_start3A_644 = tpu.memref_slice %arg9[%run_scoped3A_139, %dma_start3A_643] : memref<3x5120xf32, #tpu.memory_space<vmem>> -> memref<1x5120xf32, #tpu.memory_space<vmem>>
      %dma_start3A_645 = tpu.memref_squeeze %dma_start3A_644 : memref<1x5120xf32, #tpu.memory_space<vmem>> -> memref<5120xf32, #tpu.memory_space<vmem>>
      %dma_start3A_646 = tpu.memref_slice %arg4[%add3A_138] : memref<9830400xf32, #tpu.memory_space<hbm>> -> memref<5120xf32, #tpu.memory_space<hbm>>
      %dma_start3A_647 = tpu.memref_slice %arg4[%add3A_138] : memref<9830400xf32, #tpu.memory_space<hbm>> -> memref<5120xf32, #tpu.memory_space<hbm>>
      %dma_start3A_648 = arith.constant 0 : i32
      %dma_start3A_649 = tpu.memref_slice %arg9[%run_scoped3A_139, %dma_start3A_648] : memref<3x5120xf32, #tpu.memory_space<vmem>> -> memref<1x5120xf32, #tpu.memory_space<vmem>>
      %dma_start3A_650 = tpu.memref_squeeze %dma_start3A_649 : memref<1x5120xf32, #tpu.memory_space<vmem>> -> memref<5120xf32, #tpu.memory_space<vmem>>
      tpu.enqueue_dma source(%dma_start3A_650 : memref<5120xf32, #tpu.memory_space<vmem>>) target(%dma_start3A_647 : memref<5120xf32, #tpu.memory_space<hbm>>) target_semaphore(%run_scoped3A_642 : memref<!tpu.dma_semaphore, #tpu.memory_space<semaphore_mem>>)
      %dma_wait3A_651 = arith.constant 0 : i32
      %dma_wait3A_652 = tpu.memref_slice %arg9[%run_scoped3A_139, %dma_wait3A_651] : memref<3x5120xf32, #tpu.memory_space<vmem>> -> memref<1x5120xf32, #tpu.memory_space<vmem>>
      %dma_wait3A_653 = tpu.memref_squeeze %dma_wait3A_652 : memref<1x5120xf32, #tpu.memory_space<vmem>> -> memref<5120xf32, #tpu.memory_space<vmem>>
      %dma_wait3A_654 = tpu.memref_slice %arg4[%add3A_138] : memref<9830400xf32, #tpu.memory_space<hbm>> -> memref<5120xf32, #tpu.memory_space<hbm>>
      %dma_wait3A_655 = tpu.memref_slice %arg4[%add3A_138] : memref<9830400xf32, #tpu.memory_space<hbm>> -> memref<5120xf32, #tpu.memory_space<hbm>>
      %dma_wait3A_656 = arith.constant 0 : i32
      %dma_wait3A_657 = tpu.memref_slice %arg9[%run_scoped3A_139, %dma_wait3A_656] : memref<3x5120xf32, #tpu.memory_space<vmem>> -> memref<1x5120xf32, #tpu.memory_space<vmem>>
      %dma_wait3A_658 = tpu.memref_squeeze %dma_wait3A_657 : memref<1x5120xf32, #tpu.memory_space<vmem>> -> memref<5120xf32, #tpu.memory_space<vmem>>
      tpu.wait_dma2 semaphore(%run_scoped3A_642 : memref<!tpu.dma_semaphore, #tpu.memory_space<semaphore_mem>>) src(%dma_wait3A_658 : memref<5120xf32, #tpu.memory_space<vmem>>) dst(%dma_wait3A_655 : memref<5120xf32, #tpu.memory_space<hbm>>)
      tpu.yield
    }) : () -> ()
    %add3A_140 = arith.constant 6553600 : i32
    %add3A_141 = arith.addi %add3A_140, %add3A_127 : i32
    %run_scoped3A_142 = arith.constant 2 : i32
    "tpu.region"() ({
      %run_scoped3A_642 = tpu.sem_alloc : memref<!tpu.dma_semaphore, #tpu.memory_space<semaphore_mem>>
      %dma_start3A_643 = arith.constant 0 : i32
      %dma_start3A_644 = tpu.memref_slice %arg9[%run_scoped3A_142, %dma_start3A_643] : memref<3x5120xf32, #tpu.memory_space<vmem>> -> memref<1x5120xf32, #tpu.memory_space<vmem>>
      %dma_start3A_645 = tpu.memref_squeeze %dma_start3A_644 : memref<1x5120xf32, #tpu.memory_space<vmem>> -> memref<5120xf32, #tpu.memory_space<vmem>>
      %dma_start3A_646 = tpu.memref_slice %arg4[%add3A_141] : memref<9830400xf32, #tpu.memory_space<hbm>> -> memref<5120xf32, #tpu.memory_space<hbm>>
      %dma_start3A_647 = tpu.memref_slice %arg4[%add3A_141] : memref<9830400xf32, #tpu.memory_space<hbm>> -> memref<5120xf32, #tpu.memory_space<hbm>>
      %dma_start3A_648 = arith.constant 0 : i32
      %dma_start3A_649 = tpu.memref_slice %arg9[%run_scoped3A_142, %dma_start3A_648] : memref<3x5120xf32, #tpu.memory_space<vmem>> -> memref<1x5120xf32, #tpu.memory_space<vmem>>
      %dma_start3A_650 = tpu.memref_squeeze %dma_start3A_649 : memref<1x5120xf32, #tpu.memory_space<vmem>> -> memref<5120xf32, #tpu.memory_space<vmem>>
      tpu.enqueue_dma source(%dma_start3A_650 : memref<5120xf32, #tpu.memory_space<vmem>>) target(%dma_start3A_647 : memref<5120xf32, #tpu.memory_space<hbm>>) target_semaphore(%run_scoped3A_642 : memref<!tpu.dma_semaphore, #tpu.memory_space<semaphore_mem>>)
      %dma_wait3A_651 = arith.constant 0 : i32
      %dma_wait3A_652 = tpu.memref_slice %arg9[%run_scoped3A_142, %dma_wait3A_651] : memref<3x5120xf32, #tpu.memory_space<vmem>> -> memref<1x5120xf32, #tpu.memory_space<vmem>>
      %dma_wait3A_653 = tpu.memref_squeeze %dma_wait3A_652 : memref<1x5120xf32, #tpu.memory_space<vmem>> -> memref<5120xf32, #tpu.memory_space<vmem>>
      %dma_wait3A_654 = tpu.memref_slice %arg4[%add3A_141] : memref<9830400xf32, #tpu.memory_space<hbm>> -> memref<5120xf32, #tpu.memory_space<hbm>>
      %dma_wait3A_655 = tpu.memref_slice %arg4[%add3A_141] : memref<9830400xf32, #tpu.memory_space<hbm>> -> memref<5120xf32, #tpu.memory_space<hbm>>
      %dma_wait3A_656 = arith.constant 0 : i32
      %dma_wait3A_657 = tpu.memref_slice %arg9[%run_scoped3A_142, %dma_wait3A_656] : memref<3x5120xf32, #tpu.memory_space<vmem>> -> memref<1x5120xf32, #tpu.memory_space<vmem>>
      %dma_wait3A_658 = tpu.memref_squeeze %dma_wait3A_657 : memref<1x5120xf32, #tpu.memory_space<vmem>> -> memref<5120xf32, #tpu.memory_space<vmem>>
      tpu.wait_dma2 semaphore(%run_scoped3A_642 : memref<!tpu.dma_semaphore, #tpu.memory_space<semaphore_mem>>) src(%dma_wait3A_658 : memref<5120xf32, #tpu.memory_space<vmem>>) dst(%dma_wait3A_655 : memref<5120xf32, #tpu.memory_space<hbm>>)
      tpu.yield
    }) : () -> ()
    %dma_wait3A_143 = tpu.memref_slice %arg2[%mul3A_2] : memref<3276800xi32, #tpu.memory_space<hbm>> -> memref<5120xi32, #tpu.memory_space<hbm>>
    %dma_wait3A_144 = tpu.memref_slice %arg2[%mul3A_2] : memref<3276800xi32, #tpu.memory_space<hbm>> -> memref<5120xi32, #tpu.memory_space<hbm>>
    tpu.wait_dma2 semaphore(%arg10 : memref<!tpu.dma_semaphore, #tpu.memory_space<semaphore_mem>>) src(%dma_wait3A_144 : memref<5120xi32, #tpu.memory_space<hbm>>) dst(%arg6 : memref<5120xi32, #tpu.memory_space<vmem>>)
    %dma_wait3A_145 = arith.constant 0 : i32
    %dma_wait3A_146 = arith.constant 0 : i32
    %dma_wait3A_147 = tpu.memref_slice %arg3[%dma_wait3A_145, %dma_wait3A_146] : memref<1000000x8xf32, #tpu.memory_space<hbm>> -> memref<5120x8xf32, #tpu.memory_space<hbm>>
    %dma_wait3A_148 = arith.constant 0 : i32
    %dma_wait3A_149 = arith.constant 0 : i32
    %dma_wait3A_150 = tpu.memref_slice %arg3[%dma_wait3A_148, %dma_wait3A_149] : memref<1000000x8xf32, #tpu.memory_space<hbm>> -> memref<5120x8xf32, #tpu.memory_space<hbm>>
    tpu.wait_dma2 semaphore(%arg11 : memref<!tpu.dma_semaphore, #tpu.memory_space<semaphore_mem>>) src(%dma_wait3A_150 : memref<5120x8xf32, #tpu.memory_space<hbm>>) dst(%arg7 : memref<5120x8xf32, #tpu.memory_space<vmem>>)
    %dma_start3A_151 = arith.constant 0 : i32
    %dma_start3A_152 = arith.constant 0 : i32
    %dma_start3A_153 = tpu.memref_slice %arg3[%dma_start3A_151, %dma_start3A_152] : memref<1000000x8xf32, #tpu.memory_space<hbm>> -> memref<1000000x8xf32, #tpu.memory_space<hbm>>
    tpu.enqueue_indirect_dma source(%dma_start3A_153 : memref<1000000x8xf32, #tpu.memory_space<hbm>>) target(%arg8 : memref<5120x8xf32, #tpu.memory_space<vmem>>) offsets(%arg6 : memref<5120xi32, #tpu.memory_space<vmem>>) semaphore(%arg12 : memref<!tpu.dma_semaphore, #tpu.memory_space<semaphore_mem>>)
    %add3A_154 = arith.constant 30720 : i32
    %add3A_155 = arith.addi %mul3A_2, %add3A_154 : i32
    %dma_start3A_156 = tpu.memref_slice %arg2[%add3A_155] : memref<3276800xi32, #tpu.memory_space<hbm>> -> memref<5120xi32, #tpu.memory_space<hbm>>
    %dma_start3A_157 = tpu.memref_slice %arg2[%add3A_155] : memref<3276800xi32, #tpu.memory_space<hbm>> -> memref<5120xi32, #tpu.memory_space<hbm>>
    tpu.enqueue_dma source(%dma_start3A_157 : memref<5120xi32, #tpu.memory_space<hbm>>) target(%arg5 : memref<5120xi32, #tpu.memory_space<vmem>>) target_semaphore(%arg10 : memref<!tpu.dma_semaphore, #tpu.memory_space<semaphore_mem>>)
    %add3A_158 = arith.constant 20480 : i32
    %add3A_159 = arith.addi %mul3A_2, %add3A_158 : i32
    %scan3A_160 = arith.constant 0 : i32
    %scan3A_161 = arith.constant 0 : i32
    %scan3A_162 = arith.constant 320 : i32
    %scan3A_163 = arith.addi %scan3A_161, %scan3A_162 : i32
    %scan3A_164 = arith.constant 1 : i32
    scf.for %scan3A_642 = %scan3A_161 to %scan3A_163 step %scan3A_164  : i32 {
      %mul3A_643 = arith.constant 16 : i32
      %mul3A_644 = arith.muli %mul3A_643, %scan3A_642 : i32
      %add3A_645 = vector.broadcast %mul3A_644 : i32 to vector<16xi32>
      %add3A_646 = arith.addi %add3A_645, %iota3A : vector<16xi32>
      %gather3A = tpu.vector_load_idx %arg7[%add3A_646, %broadcast_in_dim3A_3] : memref<5120x8xf32, #tpu.memory_space<vmem>>[vector<16xi32>, vector<16xi32>], vector<16xf32>,
      %mul3A_647 = arith.constant 16 : i32
      %mul3A_648 = arith.muli %mul3A_647, %scan3A_642 : i32
      %swap3A = arith.constant 0 : i32
      %swap3A_649 = arith.index_cast %swap3A : i32 to index
      %swap3A_650 = arith.index_cast %mul3A_648 : i32 to index
      %swap3A_651 = tpu.vector_load %arg9[%swap3A_649, %swap3A_650] {strides = array<i32>} : memref<3x5120xf32, #tpu.memory_space<vmem>>, vector<16xf32>,
      tpu.vector_store %arg9[%swap3A_649, %swap3A_650], %gather3A {strides = array<i32>} : memref<3x5120xf32, #tpu.memory_space<vmem>>, vector<16xf32>,
      %gather3A_652 = tpu.vector_load_idx %arg7[%add3A_646, %broadcast_in_dim3A_5] : memref<5120x8xf32, #tpu.memory_space<vmem>>[vector<16xi32>, vector<16xi32>], vector<16xf32>,
      %mul3A_653 = arith.constant 16 : i32
      %mul3A_654 = arith.muli %mul3A_653, %scan3A_642 : i32
      %swap3A_655 = arith.constant 1 : i32
      %swap3A_656 = arith.index_cast %swap3A_655 : i32 to index
      %swap3A_657 = arith.index_cast %mul3A_654 : i32 to index
      %swap3A_658 = tpu.vector_load %arg9[%swap3A_656, %swap3A_657] {strides = array<i32>} : memref<3x5120xf32, #tpu.memory_space<vmem>>, vector<16xf32>,
      tpu.vector_store %arg9[%swap3A_656, %swap3A_657], %gather3A_652 {strides = array<i32>} : memref<3x5120xf32, #tpu.memory_space<vmem>>, vector<16xf32>,
      %gather3A_659 = tpu.vector_load_idx %arg7[%add3A_646, %broadcast_in_dim3A_7] : memref<5120x8xf32, #tpu.memory_space<vmem>>[vector<16xi32>, vector<16xi32>], vector<16xf32>,
      %mul3A_660 = arith.constant 16 : i32
      %mul3A_661 = arith.muli %mul3A_660, %scan3A_642 : i32
      %swap3A_662 = arith.constant 2 : i32
      %swap3A_663 = arith.index_cast %swap3A_662 : i32 to index
      %swap3A_664 = arith.index_cast %mul3A_661 : i32 to index
      %swap3A_665 = tpu.vector_load %arg9[%swap3A_663, %swap3A_664] {strides = array<i32>} : memref<3x5120xf32, #tpu.memory_space<vmem>>, vector<16xf32>,
      tpu.vector_store %arg9[%swap3A_663, %swap3A_664], %gather3A_659 {strides = array<i32>} : memref<3x5120xf32, #tpu.memory_space<vmem>>, vector<16xf32>,
    }
    %scan3A_165 = arith.constant 320 : i32
    %add3A_166 = arith.constant 0 : i32
    %add3A_167 = arith.addi %add3A_166, %add3A_159 : i32
    %run_scoped3A_168 = arith.constant 0 : i32
    "tpu.region"() ({
      %run_scoped3A_642 = tpu.sem_alloc : memref<!tpu.dma_semaphore, #tpu.memory_space<semaphore_mem>>
      %dma_start3A_643 = arith.constant 0 : i32
      %dma_start3A_644 = tpu.memref_slice %arg9[%run_scoped3A_168, %dma_start3A_643] : memref<3x5120xf32, #tpu.memory_space<vmem>> -> memref<1x5120xf32, #tpu.memory_space<vmem>>
      %dma_start3A_645 = tpu.memref_squeeze %dma_start3A_644 : memref<1x5120xf32, #tpu.memory_space<vmem>> -> memref<5120xf32, #tpu.memory_space<vmem>>
      %dma_start3A_646 = tpu.memref_slice %arg4[%add3A_167] : memref<9830400xf32, #tpu.memory_space<hbm>> -> memref<5120xf32, #tpu.memory_space<hbm>>
      %dma_start3A_647 = tpu.memref_slice %arg4[%add3A_167] : memref<9830400xf32, #tpu.memory_space<hbm>> -> memref<5120xf32, #tpu.memory_space<hbm>>
      %dma_start3A_648 = arith.constant 0 : i32
      %dma_start3A_649 = tpu.memref_slice %arg9[%run_scoped3A_168, %dma_start3A_648] : memref<3x5120xf32, #tpu.memory_space<vmem>> -> memref<1x5120xf32, #tpu.memory_space<vmem>>
      %dma_start3A_650 = tpu.memref_squeeze %dma_start3A_649 : memref<1x5120xf32, #tpu.memory_space<vmem>> -> memref<5120xf32, #tpu.memory_space<vmem>>
      tpu.enqueue_dma source(%dma_start3A_650 : memref<5120xf32, #tpu.memory_space<vmem>>) target(%dma_start3A_647 : memref<5120xf32, #tpu.memory_space<hbm>>) target_semaphore(%run_scoped3A_642 : memref<!tpu.dma_semaphore, #tpu.memory_space<semaphore_mem>>)
      %dma_wait3A_651 = arith.constant 0 : i32
      %dma_wait3A_652 = tpu.memref_slice %arg9[%run_scoped3A_168, %dma_wait3A_651] : memref<3x5120xf32, #tpu.memory_space<vmem>> -> memref<1x5120xf32, #tpu.memory_space<vmem>>
      %dma_wait3A_653 = tpu.memref_squeeze %dma_wait3A_652 : memref<1x5120xf32, #tpu.memory_space<vmem>> -> memref<5120xf32, #tpu.memory_space<vmem>>
      %dma_wait3A_654 = tpu.memref_slice %arg4[%add3A_167] : memref<9830400xf32, #tpu.memory_space<hbm>> -> memref<5120xf32, #tpu.memory_space<hbm>>
      %dma_wait3A_655 = tpu.memref_slice %arg4[%add3A_167] : memref<9830400xf32, #tpu.memory_space<hbm>> -> memref<5120xf32, #tpu.memory_space<hbm>>
      %dma_wait3A_656 = arith.constant 0 : i32
      %dma_wait3A_657 = tpu.memref_slice %arg9[%run_scoped3A_168, %dma_wait3A_656] : memref<3x5120xf32, #tpu.memory_space<vmem>> -> memref<1x5120xf32, #tpu.memory_space<vmem>>
      %dma_wait3A_658 = tpu.memref_squeeze %dma_wait3A_657 : memref<1x5120xf32, #tpu.memory_space<vmem>> -> memref<5120xf32, #tpu.memory_space<vmem>>
      tpu.wait_dma2 semaphore(%run_scoped3A_642 : memref<!tpu.dma_semaphore, #tpu.memory_space<semaphore_mem>>) src(%dma_wait3A_658 : memref<5120xf32, #tpu.memory_space<vmem>>) dst(%dma_wait3A_655 : memref<5120xf32, #tpu.memory_space<hbm>>)
      tpu.yield
    }) : () -> ()
    %add3A_169 = arith.constant 3276800 : i32
    %add3A_170 = arith.addi %add3A_169, %add3A_159 : i32
    %run_scoped3A_171 = arith.constant 1 : i32
    "tpu.region"() ({
      %run_scoped3A_642 = tpu.sem_alloc : memref<!tpu.dma_semaphore, #tpu.memory_space<semaphore_mem>>
      %dma_start3A_643 = arith.constant 0 : i32
      %dma_start3A_644 = tpu.memref_slice %arg9[%run_scoped3A_171, %dma_start3A_643] : memref<3x5120xf32, #tpu.memory_space<vmem>> -> memref<1x5120xf32, #tpu.memory_space<vmem>>
      %dma_start3A_645 = tpu.memref_squeeze %dma_start3A_644 : memref<1x5120xf32, #tpu.memory_space<vmem>> -> memref<5120xf32, #tpu.memory_space<vmem>>
      %dma_start3A_646 = tpu.memref_slice %arg4[%add3A_170] : memref<9830400xf32, #tpu.memory_space<hbm>> -> memref<5120xf32, #tpu.memory_space<hbm>>
      %dma_start3A_647 = tpu.memref_slice %arg4[%add3A_170] : memref<9830400xf32, #tpu.memory_space<hbm>> -> memref<5120xf32, #tpu.memory_space<hbm>>
      %dma_start3A_648 = arith.constant 0 : i32
      %dma_start3A_649 = tpu.memref_slice %arg9[%run_scoped3A_171, %dma_start3A_648] : memref<3x5120xf32, #tpu.memory_space<vmem>> -> memref<1x5120xf32, #tpu.memory_space<vmem>>
      %dma_start3A_650 = tpu.memref_squeeze %dma_start3A_649 : memref<1x5120xf32, #tpu.memory_space<vmem>> -> memref<5120xf32, #tpu.memory_space<vmem>>
      tpu.enqueue_dma source(%dma_start3A_650 : memref<5120xf32, #tpu.memory_space<vmem>>) target(%dma_start3A_647 : memref<5120xf32, #tpu.memory_space<hbm>>) target_semaphore(%run_scoped3A_642 : memref<!tpu.dma_semaphore, #tpu.memory_space<semaphore_mem>>)
      %dma_wait3A_651 = arith.constant 0 : i32
      %dma_wait3A_652 = tpu.memref_slice %arg9[%run_scoped3A_171, %dma_wait3A_651] : memref<3x5120xf32, #tpu.memory_space<vmem>> -> memref<1x5120xf32, #tpu.memory_space<vmem>>
      %dma_wait3A_653 = tpu.memref_squeeze %dma_wait3A_652 : memref<1x5120xf32, #tpu.memory_space<vmem>> -> memref<5120xf32, #tpu.memory_space<vmem>>
      %dma_wait3A_654 = tpu.memref_slice %arg4[%add3A_170] : memref<9830400xf32, #tpu.memory_space<hbm>> -> memref<5120xf32, #tpu.memory_space<hbm>>
      %dma_wait3A_655 = tpu.memref_slice %arg4[%add3A_170] : memref<9830400xf32, #tpu.memory_space<hbm>> -> memref<5120xf32, #tpu.memory_space<hbm>>
      %dma_wait3A_656 = arith.constant 0 : i32
      %dma_wait3A_657 = tpu.memref_slice %arg9[%run_scoped3A_171, %dma_wait3A_656] : memref<3x5120xf32, #tpu.memory_space<vmem>> -> memref<1x5120xf32, #tpu.memory_space<vmem>>
      %dma_wait3A_658 = tpu.memref_squeeze %dma_wait3A_657 : memref<1x5120xf32, #tpu.memory_space<vmem>> -> memref<5120xf32, #tpu.memory_space<vmem>>
      tpu.wait_dma2 semaphore(%run_scoped3A_642 : memref<!tpu.dma_semaphore, #tpu.memory_space<semaphore_mem>>) src(%dma_wait3A_658 : memref<5120xf32, #tpu.memory_space<vmem>>) dst(%dma_wait3A_655 : memref<5120xf32, #tpu.memory_space<hbm>>)
      tpu.yield
    }) : () -> ()
    %add3A_172 = arith.constant 6553600 : i32
    %add3A_173 = arith.addi %add3A_172, %add3A_159 : i32
    %run_scoped3A_174 = arith.constant 2 : i32
    "tpu.region"() ({
      %run_scoped3A_642 = tpu.sem_alloc : memref<!tpu.dma_semaphore, #tpu.memory_space<semaphore_mem>>
      %dma_start3A_643 = arith.constant 0 : i32
      %dma_start3A_644 = tpu.memref_slice %arg9[%run_scoped3A_174, %dma_start3A_643] : memref<3x5120xf32, #tpu.memory_space<vmem>> -> memref<1x5120xf32, #tpu.memory_space<vmem>>
      %dma_start3A_645 = tpu.memref_squeeze %dma_start3A_644 : memref<1x5120xf32, #tpu.memory_space<vmem>> -> memref<5120xf32, #tpu.memory_space<vmem>>
      %dma_start3A_646 = tpu.memref_slice %arg4[%add3A_173] : memref<9830400xf32, #tpu.memory_space<hbm>> -> memref<5120xf32, #tpu.memory_space<hbm>>
      %dma_start3A_647 = tpu.memref_slice %arg4[%add3A_173] : memref<9830400xf32, #tpu.memory_space<hbm>> -> memref<5120xf32, #tpu.memory_space<hbm>>
      %dma_start3A_648 = arith.constant 0 : i32
      %dma_start3A_649 = tpu.memref_slice %arg9[%run_scoped3A_174, %dma_start3A_648] : memref<3x5120xf32, #tpu.memory_space<vmem>> -> memref<1x5120xf32, #tpu.memory_space<vmem>>
      %dma_start3A_650 = tpu.memref_squeeze %dma_start3A_649 : memref<1x5120xf32, #tpu.memory_space<vmem>> -> memref<5120xf32, #tpu.memory_space<vmem>>
      tpu.enqueue_dma source(%dma_start3A_650 : memref<5120xf32, #tpu.memory_space<vmem>>) target(%dma_start3A_647 : memref<5120xf32, #tpu.memory_space<hbm>>) target_semaphore(%run_scoped3A_642 : memref<!tpu.dma_semaphore, #tpu.memory_space<semaphore_mem>>)
      %dma_wait3A_651 = arith.constant 0 : i32
      %dma_wait3A_652 = tpu.memref_slice %arg9[%run_scoped3A_174, %dma_wait3A_651] : memref<3x5120xf32, #tpu.memory_space<vmem>> -> memref<1x5120xf32, #tpu.memory_space<vmem>>
      %dma_wait3A_653 = tpu.memref_squeeze %dma_wait3A_652 : memref<1x5120xf32, #tpu.memory_space<vmem>> -> memref<5120xf32, #tpu.memory_space<vmem>>
      %dma_wait3A_654 = tpu.memref_slice %arg4[%add3A_173] : memref<9830400xf32, #tpu.memory_space<hbm>> -> memref<5120xf32, #tpu.memory_space<hbm>>
      %dma_wait3A_655 = tpu.memref_slice %arg4[%add3A_173] : memref<9830400xf32, #tpu.memory_space<hbm>> -> memref<5120xf32, #tpu.memory_space<hbm>>
      %dma_wait3A_656 = arith.constant 0 : i32
      %dma_wait3A_657 = tpu.memref_slice %arg9[%run_scoped3A_174, %dma_wait3A_656] : memref<3x5120xf32, #tpu.memory_space<vmem>> -> memref<1x5120xf32, #tpu.memory_space<vmem>>
      %dma_wait3A_658 = tpu.memref_squeeze %dma_wait3A_657 : memref<1x5120xf32, #tpu.memory_space<vmem>> -> memref<5120xf32, #tpu.memory_space<vmem>>
      tpu.wait_dma2 semaphore(%run_scoped3A_642 : memref<!tpu.dma_semaphore, #tpu.memory_space<semaphore_mem>>) src(%dma_wait3A_658 : memref<5120xf32, #tpu.memory_space<vmem>>) dst(%dma_wait3A_655 : memref<5120xf32, #tpu.memory_space<hbm>>)
      tpu.yield
    }) : () -> ()
    %dma_wait3A_175 = tpu.memref_slice %arg2[%mul3A_2] : memref<3276800xi32, #tpu.memory_space<hbm>> -> memref<5120xi32, #tpu.memory_space<hbm>>
    %dma_wait3A_176 = tpu.memref_slice %arg2[%mul3A_2] : memref<3276800xi32, #tpu.memory_space<hbm>> -> memref<5120xi32, #tpu.memory_space<hbm>>
    tpu.wait_dma2 semaphore(%arg10 : memref<!tpu.dma_semaphore, #tpu.memory_space<semaphore_mem>>) src(%dma_wait3A_176 : memref<5120xi32, #tpu.memory_space<hbm>>) dst(%arg5 : memref<5120xi32, #tpu.memory_space<vmem>>)
    %dma_wait3A_177 = arith.constant 0 : i32
    %dma_wait3A_178 = arith.constant 0 : i32
    %dma_wait3A_179 = tpu.memref_slice %arg3[%dma_wait3A_177, %dma_wait3A_178] : memref<1000000x8xf32, #tpu.memory_space<hbm>> -> memref<5120x8xf32, #tpu.memory_space<hbm>>
    %dma_wait3A_180 = arith.constant 0 : i32
    %dma_wait3A_181 = arith.constant 0 : i32
    %dma_wait3A_182 = tpu.memref_slice %arg3[%dma_wait3A_180, %dma_wait3A_181] : memref<1000000x8xf32, #tpu.memory_space<hbm>> -> memref<5120x8xf32, #tpu.memory_space<hbm>>
    tpu.wait_dma2 semaphore(%arg12 : memref<!tpu.dma_semaphore, #tpu.memory_space<semaphore_mem>>) src(%dma_wait3A_182 : memref<5120x8xf32, #tpu.memory_space<hbm>>) dst(%arg8 : memref<5120x8xf32, #tpu.memory_space<vmem>>)
    %dma_start3A_183 = arith.constant 0 : i32
    %dma_start3A_184 = arith.constant 0 : i32
    %dma_start3A_185 = tpu.memref_slice %arg3[%dma_start3A_183, %dma_start3A_184] : memref<1000000x8xf32, #tpu.memory_space<hbm>> -> memref<1000000x8xf32, #tpu.memory_space<hbm>>
    tpu.enqueue_indirect_dma source(%dma_start3A_185 : memref<1000000x8xf32, #tpu.memory_space<hbm>>) target(%arg7 : memref<5120x8xf32, #tpu.memory_space<vmem>>) offsets(%arg5 : memref<5120xi32, #tpu.memory_space<vmem>>) semaphore(%arg11 : memref<!tpu.dma_semaphore, #tpu.memory_space<semaphore_mem>>)
    %add3A_186 = arith.constant 35840 : i32
    %add3A_187 = arith.addi %mul3A_2, %add3A_186 : i32
    %dma_start3A_188 = tpu.memref_slice %arg2[%add3A_187] : memref<3276800xi32, #tpu.memory_space<hbm>> -> memref<5120xi32, #tpu.memory_space<hbm>>
    %dma_start3A_189 = tpu.memref_slice %arg2[%add3A_187] : memref<3276800xi32, #tpu.memory_space<hbm>> -> memref<5120xi32, #tpu.memory_space<hbm>>
    tpu.enqueue_dma source(%dma_start3A_189 : memref<5120xi32, #tpu.memory_space<hbm>>) target(%arg6 : memref<5120xi32, #tpu.memory_space<vmem>>) target_semaphore(%arg10 : memref<!tpu.dma_semaphore, #tpu.memory_space<semaphore_mem>>)
    %add3A_190 = arith.constant 25600 : i32
    %add3A_191 = arith.addi %mul3A_2, %add3A_190 : i32
    %scan3A_192 = arith.constant 0 : i32
    %scan3A_193 = arith.constant 0 : i32
    %scan3A_194 = arith.constant 320 : i32
    %scan3A_195 = arith.addi %scan3A_193, %scan3A_194 : i32
    %scan3A_196 = arith.constant 1 : i32
    scf.for %scan3A_642 = %scan3A_193 to %scan3A_195 step %scan3A_196  : i32 {
      %mul3A_643 = arith.constant 16 : i32
      %mul3A_644 = arith.muli %mul3A_643, %scan3A_642 : i32
      %add3A_645 = vector.broadcast %mul3A_644 : i32 to vector<16xi32>
      %add3A_646 = arith.addi %add3A_645, %iota3A : vector<16xi32>
      %gather3A = tpu.vector_load_idx %arg8[%add3A_646, %broadcast_in_dim3A_3] : memref<5120x8xf32, #tpu.memory_space<vmem>>[vector<16xi32>, vector<16xi32>], vector<16xf32>,
      %mul3A_647 = arith.constant 16 : i32
      %mul3A_648 = arith.muli %mul3A_647, %scan3A_642 : i32
      %swap3A = arith.constant 0 : i32
      %swap3A_649 = arith.index_cast %swap3A : i32 to index
      %swap3A_650 = arith.index_cast %mul3A_648 : i32 to index
      %swap3A_651 = tpu.vector_load %arg9[%swap3A_649, %swap3A_650] {strides = array<i32>} : memref<3x5120xf32, #tpu.memory_space<vmem>>, vector<16xf32>,
      tpu.vector_store %arg9[%swap3A_649, %swap3A_650], %gather3A {strides = array<i32>} : memref<3x5120xf32, #tpu.memory_space<vmem>>, vector<16xf32>,
      %gather3A_652 = tpu.vector_load_idx %arg8[%add3A_646, %broadcast_in_dim3A_5] : memref<5120x8xf32, #tpu.memory_space<vmem>>[vector<16xi32>, vector<16xi32>], vector<16xf32>,
      %mul3A_653 = arith.constant 16 : i32
      %mul3A_654 = arith.muli %mul3A_653, %scan3A_642 : i32
      %swap3A_655 = arith.constant 1 : i32
      %swap3A_656 = arith.index_cast %swap3A_655 : i32 to index
      %swap3A_657 = arith.index_cast %mul3A_654 : i32 to index
      %swap3A_658 = tpu.vector_load %arg9[%swap3A_656, %swap3A_657] {strides = array<i32>} : memref<3x5120xf32, #tpu.memory_space<vmem>>, vector<16xf32>,
      tpu.vector_store %arg9[%swap3A_656, %swap3A_657], %gather3A_652 {strides = array<i32>} : memref<3x5120xf32, #tpu.memory_space<vmem>>, vector<16xf32>,
      %gather3A_659 = tpu.vector_load_idx %arg8[%add3A_646, %broadcast_in_dim3A_7] : memref<5120x8xf32, #tpu.memory_space<vmem>>[vector<16xi32>, vector<16xi32>], vector<16xf32>,
      %mul3A_660 = arith.constant 16 : i32
      %mul3A_661 = arith.muli %mul3A_660, %scan3A_642 : i32
      %swap3A_662 = arith.constant 2 : i32
      %swap3A_663 = arith.index_cast %swap3A_662 : i32 to index
      %swap3A_664 = arith.index_cast %mul3A_661 : i32 to index
      %swap3A_665 = tpu.vector_load %arg9[%swap3A_663, %swap3A_664] {strides = array<i32>} : memref<3x5120xf32, #tpu.memory_space<vmem>>, vector<16xf32>,
      tpu.vector_store %arg9[%swap3A_663, %swap3A_664], %gather3A_659 {strides = array<i32>} : memref<3x5120xf32, #tpu.memory_space<vmem>>, vector<16xf32>,
    }
    %scan3A_197 = arith.constant 320 : i32
    %add3A_198 = arith.constant 0 : i32
    %add3A_199 = arith.addi %add3A_198, %add3A_191 : i32
    %run_scoped3A_200 = arith.constant 0 : i32
    "tpu.region"() ({
      %run_scoped3A_642 = tpu.sem_alloc : memref<!tpu.dma_semaphore, #tpu.memory_space<semaphore_mem>>
      %dma_start3A_643 = arith.constant 0 : i32
      %dma_start3A_644 = tpu.memref_slice %arg9[%run_scoped3A_200, %dma_start3A_643] : memref<3x5120xf32, #tpu.memory_space<vmem>> -> memref<1x5120xf32, #tpu.memory_space<vmem>>
      %dma_start3A_645 = tpu.memref_squeeze %dma_start3A_644 : memref<1x5120xf32, #tpu.memory_space<vmem>> -> memref<5120xf32, #tpu.memory_space<vmem>>
      %dma_start3A_646 = tpu.memref_slice %arg4[%add3A_199] : memref<9830400xf32, #tpu.memory_space<hbm>> -> memref<5120xf32, #tpu.memory_space<hbm>>
      %dma_start3A_647 = tpu.memref_slice %arg4[%add3A_199] : memref<9830400xf32, #tpu.memory_space<hbm>> -> memref<5120xf32, #tpu.memory_space<hbm>>
      %dma_start3A_648 = arith.constant 0 : i32
      %dma_start3A_649 = tpu.memref_slice %arg9[%run_scoped3A_200, %dma_start3A_648] : memref<3x5120xf32, #tpu.memory_space<vmem>> -> memref<1x5120xf32, #tpu.memory_space<vmem>>
      %dma_start3A_650 = tpu.memref_squeeze %dma_start3A_649 : memref<1x5120xf32, #tpu.memory_space<vmem>> -> memref<5120xf32, #tpu.memory_space<vmem>>
      tpu.enqueue_dma source(%dma_start3A_650 : memref<5120xf32, #tpu.memory_space<vmem>>) target(%dma_start3A_647 : memref<5120xf32, #tpu.memory_space<hbm>>) target_semaphore(%run_scoped3A_642 : memref<!tpu.dma_semaphore, #tpu.memory_space<semaphore_mem>>)
      %dma_wait3A_651 = arith.constant 0 : i32
      %dma_wait3A_652 = tpu.memref_slice %arg9[%run_scoped3A_200, %dma_wait3A_651] : memref<3x5120xf32, #tpu.memory_space<vmem>> -> memref<1x5120xf32, #tpu.memory_space<vmem>>
      %dma_wait3A_653 = tpu.memref_squeeze %dma_wait3A_652 : memref<1x5120xf32, #tpu.memory_space<vmem>> -> memref<5120xf32, #tpu.memory_space<vmem>>
      %dma_wait3A_654 = tpu.memref_slice %arg4[%add3A_199] : memref<9830400xf32, #tpu.memory_space<hbm>> -> memref<5120xf32, #tpu.memory_space<hbm>>
      %dma_wait3A_655 = tpu.memref_slice %arg4[%add3A_199] : memref<9830400xf32, #tpu.memory_space<hbm>> -> memref<5120xf32, #tpu.memory_space<hbm>>
      %dma_wait3A_656 = arith.constant 0 : i32
      %dma_wait3A_657 = tpu.memref_slice %arg9[%run_scoped3A_200, %dma_wait3A_656] : memref<3x5120xf32, #tpu.memory_space<vmem>> -> memref<1x5120xf32, #tpu.memory_space<vmem>>
      %dma_wait3A_658 = tpu.memref_squeeze %dma_wait3A_657 : memref<1x5120xf32, #tpu.memory_space<vmem>> -> memref<5120xf32, #tpu.memory_space<vmem>>
      tpu.wait_dma2 semaphore(%run_scoped3A_642 : memref<!tpu.dma_semaphore, #tpu.memory_space<semaphore_mem>>) src(%dma_wait3A_658 : memref<5120xf32, #tpu.memory_space<vmem>>) dst(%dma_wait3A_655 : memref<5120xf32, #tpu.memory_space<hbm>>)
      tpu.yield
    }) : () -> ()
    %add3A_201 = arith.constant 3276800 : i32
    %add3A_202 = arith.addi %add3A_201, %add3A_191 : i32
    %run_scoped3A_203 = arith.constant 1 : i32
    "tpu.region"() ({
      %run_scoped3A_642 = tpu.sem_alloc : memref<!tpu.dma_semaphore, #tpu.memory_space<semaphore_mem>>
      %dma_start3A_643 = arith.constant 0 : i32
      %dma_start3A_644 = tpu.memref_slice %arg9[%run_scoped3A_203, %dma_start3A_643] : memref<3x5120xf32, #tpu.memory_space<vmem>> -> memref<1x5120xf32, #tpu.memory_space<vmem>>
      %dma_start3A_645 = tpu.memref_squeeze %dma_start3A_644 : memref<1x5120xf32, #tpu.memory_space<vmem>> -> memref<5120xf32, #tpu.memory_space<vmem>>
      %dma_start3A_646 = tpu.memref_slice %arg4[%add3A_202] : memref<9830400xf32, #tpu.memory_space<hbm>> -> memref<5120xf32, #tpu.memory_space<hbm>>
      %dma_start3A_647 = tpu.memref_slice %arg4[%add3A_202] : memref<9830400xf32, #tpu.memory_space<hbm>> -> memref<5120xf32, #tpu.memory_space<hbm>>
      %dma_start3A_648 = arith.constant 0 : i32
      %dma_start3A_649 = tpu.memref_slice %arg9[%run_scoped3A_203, %dma_start3A_648] : memref<3x5120xf32, #tpu.memory_space<vmem>> -> memref<1x5120xf32, #tpu.memory_space<vmem>>
      %dma_start3A_650 = tpu.memref_squeeze %dma_start3A_649 : memref<1x5120xf32, #tpu.memory_space<vmem>> -> memref<5120xf32, #tpu.memory_space<vmem>>
      tpu.enqueue_dma source(%dma_start3A_650 : memref<5120xf32, #tpu.memory_space<vmem>>) target(%dma_start3A_647 : memref<5120xf32, #tpu.memory_space<hbm>>) target_semaphore(%run_scoped3A_642 : memref<!tpu.dma_semaphore, #tpu.memory_space<semaphore_mem>>)
      %dma_wait3A_651 = arith.constant 0 : i32
      %dma_wait3A_652 = tpu.memref_slice %arg9[%run_scoped3A_203, %dma_wait3A_651] : memref<3x5120xf32, #tpu.memory_space<vmem>> -> memref<1x5120xf32, #tpu.memory_space<vmem>>
      %dma_wait3A_653 = tpu.memref_squeeze %dma_wait3A_652 : memref<1x5120xf32, #tpu.memory_space<vmem>> -> memref<5120xf32, #tpu.memory_space<vmem>>
      %dma_wait3A_654 = tpu.memref_slice %arg4[%add3A_202] : memref<9830400xf32, #tpu.memory_space<hbm>> -> memref<5120xf32, #tpu.memory_space<hbm>>
      %dma_wait3A_655 = tpu.memref_slice %arg4[%add3A_202] : memref<9830400xf32, #tpu.memory_space<hbm>> -> memref<5120xf32, #tpu.memory_space<hbm>>
      %dma_wait3A_656 = arith.constant 0 : i32
      %dma_wait3A_657 = tpu.memref_slice %arg9[%run_scoped3A_203, %dma_wait3A_656] : memref<3x5120xf32, #tpu.memory_space<vmem>> -> memref<1x5120xf32, #tpu.memory_space<vmem>>
      %dma_wait3A_658 = tpu.memref_squeeze %dma_wait3A_657 : memref<1x5120xf32, #tpu.memory_space<vmem>> -> memref<5120xf32, #tpu.memory_space<vmem>>
      tpu.wait_dma2 semaphore(%run_scoped3A_642 : memref<!tpu.dma_semaphore, #tpu.memory_space<semaphore_mem>>) src(%dma_wait3A_658 : memref<5120xf32, #tpu.memory_space<vmem>>) dst(%dma_wait3A_655 : memref<5120xf32, #tpu.memory_space<hbm>>)
      tpu.yield
    }) : () -> ()
    %add3A_204 = arith.constant 6553600 : i32
    %add3A_205 = arith.addi %add3A_204, %add3A_191 : i32
    %run_scoped3A_206 = arith.constant 2 : i32
    "tpu.region"() ({
      %run_scoped3A_642 = tpu.sem_alloc : memref<!tpu.dma_semaphore, #tpu.memory_space<semaphore_mem>>
      %dma_start3A_643 = arith.constant 0 : i32
      %dma_start3A_644 = tpu.memref_slice %arg9[%run_scoped3A_206, %dma_start3A_643] : memref<3x5120xf32, #tpu.memory_space<vmem>> -> memref<1x5120xf32, #tpu.memory_space<vmem>>
      %dma_start3A_645 = tpu.memref_squeeze %dma_start3A_644 : memref<1x5120xf32, #tpu.memory_space<vmem>> -> memref<5120xf32, #tpu.memory_space<vmem>>
      %dma_start3A_646 = tpu.memref_slice %arg4[%add3A_205] : memref<9830400xf32, #tpu.memory_space<hbm>> -> memref<5120xf32, #tpu.memory_space<hbm>>
      %dma_start3A_647 = tpu.memref_slice %arg4[%add3A_205] : memref<9830400xf32, #tpu.memory_space<hbm>> -> memref<5120xf32, #tpu.memory_space<hbm>>
      %dma_start3A_648 = arith.constant 0 : i32
      %dma_start3A_649 = tpu.memref_slice %arg9[%run_scoped3A_206, %dma_start3A_648] : memref<3x5120xf32, #tpu.memory_space<vmem>> -> memref<1x5120xf32, #tpu.memory_space<vmem>>
      %dma_start3A_650 = tpu.memref_squeeze %dma_start3A_649 : memref<1x5120xf32, #tpu.memory_space<vmem>> -> memref<5120xf32, #tpu.memory_space<vmem>>
      tpu.enqueue_dma source(%dma_start3A_650 : memref<5120xf32, #tpu.memory_space<vmem>>) target(%dma_start3A_647 : memref<5120xf32, #tpu.memory_space<hbm>>) target_semaphore(%run_scoped3A_642 : memref<!tpu.dma_semaphore, #tpu.memory_space<semaphore_mem>>)
      %dma_wait3A_651 = arith.constant 0 : i32
      %dma_wait3A_652 = tpu.memref_slice %arg9[%run_scoped3A_206, %dma_wait3A_651] : memref<3x5120xf32, #tpu.memory_space<vmem>> -> memref<1x5120xf32, #tpu.memory_space<vmem>>
      %dma_wait3A_653 = tpu.memref_squeeze %dma_wait3A_652 : memref<1x5120xf32, #tpu.memory_space<vmem>> -> memref<5120xf32, #tpu.memory_space<vmem>>
      %dma_wait3A_654 = tpu.memref_slice %arg4[%add3A_205] : memref<9830400xf32, #tpu.memory_space<hbm>> -> memref<5120xf32, #tpu.memory_space<hbm>>
      %dma_wait3A_655 = tpu.memref_slice %arg4[%add3A_205] : memref<9830400xf32, #tpu.memory_space<hbm>> -> memref<5120xf32, #tpu.memory_space<hbm>>
      %dma_wait3A_656 = arith.constant 0 : i32
      %dma_wait3A_657 = tpu.memref_slice %arg9[%run_scoped3A_206, %dma_wait3A_656] : memref<3x5120xf32, #tpu.memory_space<vmem>> -> memref<1x5120xf32, #tpu.memory_space<vmem>>
      %dma_wait3A_658 = tpu.memref_squeeze %dma_wait3A_657 : memref<1x5120xf32, #tpu.memory_space<vmem>> -> memref<5120xf32, #tpu.memory_space<vmem>>
      tpu.wait_dma2 semaphore(%run_scoped3A_642 : memref<!tpu.dma_semaphore, #tpu.memory_space<semaphore_mem>>) src(%dma_wait3A_658 : memref<5120xf32, #tpu.memory_space<vmem>>) dst(%dma_wait3A_655 : memref<5120xf32, #tpu.memory_space<hbm>>)
      tpu.yield
    }) : () -> ()
    %dma_wait3A_207 = tpu.memref_slice %arg2[%mul3A_2] : memref<3276800xi32, #tpu.memory_space<hbm>> -> memref<5120xi32, #tpu.memory_space<hbm>>
    %dma_wait3A_208 = tpu.memref_slice %arg2[%mul3A_2] : memref<3276800xi32, #tpu.memory_space<hbm>> -> memref<5120xi32, #tpu.memory_space<hbm>>
    tpu.wait_dma2 semaphore(%arg10 : memref<!tpu.dma_semaphore, #tpu.memory_space<semaphore_mem>>) src(%dma_wait3A_208 : memref<5120xi32, #tpu.memory_space<hbm>>) dst(%arg6 : memref<5120xi32, #tpu.memory_space<vmem>>)
    %dma_wait3A_209 = arith.constant 0 : i32
    %dma_wait3A_210 = arith.constant 0 : i32
    %dma_wait3A_211 = tpu.memref_slice %arg3[%dma_wait3A_209, %dma_wait3A_210] : memref<1000000x8xf32, #tpu.memory_space<hbm>> -> memref<5120x8xf32, #tpu.memory_space<hbm>>
    %dma_wait3A_212 = arith.constant 0 : i32
    %dma_wait3A_213 = arith.constant 0 : i32
    %dma_wait3A_214 = tpu.memref_slice %arg3[%dma_wait3A_212, %dma_wait3A_213] : memref<1000000x8xf32, #tpu.memory_space<hbm>> -> memref<5120x8xf32, #tpu.memory_space<hbm>>
    tpu.wait_dma2 semaphore(%arg11 : memref<!tpu.dma_semaphore, #tpu.memory_space<semaphore_mem>>) src(%dma_wait3A_214 : memref<5120x8xf32, #tpu.memory_space<hbm>>) dst(%arg7 : memref<5120x8xf32, #tpu.memory_space<vmem>>)
    %dma_start3A_215 = arith.constant 0 : i32
    %dma_start3A_216 = arith.constant 0 : i32
    %dma_start3A_217 = tpu.memref_slice %arg3[%dma_start3A_215, %dma_start3A_216] : memref<1000000x8xf32, #tpu.memory_space<hbm>> -> memref<1000000x8xf32, #tpu.memory_space<hbm>>
    tpu.enqueue_indirect_dma source(%dma_start3A_217 : memref<1000000x8xf32, #tpu.memory_space<hbm>>) target(%arg8 : memref<5120x8xf32, #tpu.memory_space<vmem>>) offsets(%arg6 : memref<5120xi32, #tpu.memory_space<vmem>>) semaphore(%arg12 : memref<!tpu.dma_semaphore, #tpu.memory_space<semaphore_mem>>)
    %add3A_218 = arith.constant 40960 : i32
    %add3A_219 = arith.addi %mul3A_2, %add3A_218 : i32
    %dma_start3A_220 = tpu.memref_slice %arg2[%add3A_219] : memref<3276800xi32, #tpu.memory_space<hbm>> -> memref<5120xi32, #tpu.memory_space<hbm>>
    %dma_start3A_221 = tpu.memref_slice %arg2[%add3A_219] : memref<3276800xi32, #tpu.memory_space<hbm>> -> memref<5120xi32, #tpu.memory_space<hbm>>
    tpu.enqueue_dma source(%dma_start3A_221 : memref<5120xi32, #tpu.memory_space<hbm>>) target(%arg5 : memref<5120xi32, #tpu.memory_space<vmem>>) target_semaphore(%arg10 : memref<!tpu.dma_semaphore, #tpu.memory_space<semaphore_mem>>)
    %add3A_222 = arith.constant 30720 : i32
    %add3A_223 = arith.addi %mul3A_2, %add3A_222 : i32
    %scan3A_224 = arith.constant 0 : i32
    %scan3A_225 = arith.constant 0 : i32
    %scan3A_226 = arith.constant 320 : i32
    %scan3A_227 = arith.addi %scan3A_225, %scan3A_226 : i32
    %scan3A_228 = arith.constant 1 : i32
    scf.for %scan3A_642 = %scan3A_225 to %scan3A_227 step %scan3A_228  : i32 {
      %mul3A_643 = arith.constant 16 : i32
      %mul3A_644 = arith.muli %mul3A_643, %scan3A_642 : i32
      %add3A_645 = vector.broadcast %mul3A_644 : i32 to vector<16xi32>
      %add3A_646 = arith.addi %add3A_645, %iota3A : vector<16xi32>
      %gather3A = tpu.vector_load_idx %arg7[%add3A_646, %broadcast_in_dim3A_3] : memref<5120x8xf32, #tpu.memory_space<vmem>>[vector<16xi32>, vector<16xi32>], vector<16xf32>,
      %mul3A_647 = arith.constant 16 : i32
      %mul3A_648 = arith.muli %mul3A_647, %scan3A_642 : i32
      %swap3A = arith.constant 0 : i32
      %swap3A_649 = arith.index_cast %swap3A : i32 to index
      %swap3A_650 = arith.index_cast %mul3A_648 : i32 to index
      %swap3A_651 = tpu.vector_load %arg9[%swap3A_649, %swap3A_650] {strides = array<i32>} : memref<3x5120xf32, #tpu.memory_space<vmem>>, vector<16xf32>,
      tpu.vector_store %arg9[%swap3A_649, %swap3A_650], %gather3A {strides = array<i32>} : memref<3x5120xf32, #tpu.memory_space<vmem>>, vector<16xf32>,
      %gather3A_652 = tpu.vector_load_idx %arg7[%add3A_646, %broadcast_in_dim3A_5] : memref<5120x8xf32, #tpu.memory_space<vmem>>[vector<16xi32>, vector<16xi32>], vector<16xf32>,
      %mul3A_653 = arith.constant 16 : i32
      %mul3A_654 = arith.muli %mul3A_653, %scan3A_642 : i32
      %swap3A_655 = arith.constant 1 : i32
      %swap3A_656 = arith.index_cast %swap3A_655 : i32 to index
      %swap3A_657 = arith.index_cast %mul3A_654 : i32 to index
      %swap3A_658 = tpu.vector_load %arg9[%swap3A_656, %swap3A_657] {strides = array<i32>} : memref<3x5120xf32, #tpu.memory_space<vmem>>, vector<16xf32>,
      tpu.vector_store %arg9[%swap3A_656, %swap3A_657], %gather3A_652 {strides = array<i32>} : memref<3x5120xf32, #tpu.memory_space<vmem>>, vector<16xf32>,
      %gather3A_659 = tpu.vector_load_idx %arg7[%add3A_646, %broadcast_in_dim3A_7] : memref<5120x8xf32, #tpu.memory_space<vmem>>[vector<16xi32>, vector<16xi32>], vector<16xf32>,
      %mul3A_660 = arith.constant 16 : i32
      %mul3A_661 = arith.muli %mul3A_660, %scan3A_642 : i32
      %swap3A_662 = arith.constant 2 : i32
      %swap3A_663 = arith.index_cast %swap3A_662 : i32 to index
      %swap3A_664 = arith.index_cast %mul3A_661 : i32 to index
      %swap3A_665 = tpu.vector_load %arg9[%swap3A_663, %swap3A_664] {strides = array<i32>} : memref<3x5120xf32, #tpu.memory_space<vmem>>, vector<16xf32>,
      tpu.vector_store %arg9[%swap3A_663, %swap3A_664], %gather3A_659 {strides = array<i32>} : memref<3x5120xf32, #tpu.memory_space<vmem>>, vector<16xf32>,
    }
    %scan3A_229 = arith.constant 320 : i32
    %add3A_230 = arith.constant 0 : i32
    %add3A_231 = arith.addi %add3A_230, %add3A_223 : i32
    %run_scoped3A_232 = arith.constant 0 : i32
    "tpu.region"() ({
      %run_scoped3A_642 = tpu.sem_alloc : memref<!tpu.dma_semaphore, #tpu.memory_space<semaphore_mem>>
      %dma_start3A_643 = arith.constant 0 : i32
      %dma_start3A_644 = tpu.memref_slice %arg9[%run_scoped3A_232, %dma_start3A_643] : memref<3x5120xf32, #tpu.memory_space<vmem>> -> memref<1x5120xf32, #tpu.memory_space<vmem>>
      %dma_start3A_645 = tpu.memref_squeeze %dma_start3A_644 : memref<1x5120xf32, #tpu.memory_space<vmem>> -> memref<5120xf32, #tpu.memory_space<vmem>>
      %dma_start3A_646 = tpu.memref_slice %arg4[%add3A_231] : memref<9830400xf32, #tpu.memory_space<hbm>> -> memref<5120xf32, #tpu.memory_space<hbm>>
      %dma_start3A_647 = tpu.memref_slice %arg4[%add3A_231] : memref<9830400xf32, #tpu.memory_space<hbm>> -> memref<5120xf32, #tpu.memory_space<hbm>>
      %dma_start3A_648 = arith.constant 0 : i32
      %dma_start3A_649 = tpu.memref_slice %arg9[%run_scoped3A_232, %dma_start3A_648] : memref<3x5120xf32, #tpu.memory_space<vmem>> -> memref<1x5120xf32, #tpu.memory_space<vmem>>
      %dma_start3A_650 = tpu.memref_squeeze %dma_start3A_649 : memref<1x5120xf32, #tpu.memory_space<vmem>> -> memref<5120xf32, #tpu.memory_space<vmem>>
      tpu.enqueue_dma source(%dma_start3A_650 : memref<5120xf32, #tpu.memory_space<vmem>>) target(%dma_start3A_647 : memref<5120xf32, #tpu.memory_space<hbm>>) target_semaphore(%run_scoped3A_642 : memref<!tpu.dma_semaphore, #tpu.memory_space<semaphore_mem>>)
      %dma_wait3A_651 = arith.constant 0 : i32
      %dma_wait3A_652 = tpu.memref_slice %arg9[%run_scoped3A_232, %dma_wait3A_651] : memref<3x5120xf32, #tpu.memory_space<vmem>> -> memref<1x5120xf32, #tpu.memory_space<vmem>>
      %dma_wait3A_653 = tpu.memref_squeeze %dma_wait3A_652 : memref<1x5120xf32, #tpu.memory_space<vmem>> -> memref<5120xf32, #tpu.memory_space<vmem>>
      %dma_wait3A_654 = tpu.memref_slice %arg4[%add3A_231] : memref<9830400xf32, #tpu.memory_space<hbm>> -> memref<5120xf32, #tpu.memory_space<hbm>>
      %dma_wait3A_655 = tpu.memref_slice %arg4[%add3A_231] : memref<9830400xf32, #tpu.memory_space<hbm>> -> memref<5120xf32, #tpu.memory_space<hbm>>
      %dma_wait3A_656 = arith.constant 0 : i32
      %dma_wait3A_657 = tpu.memref_slice %arg9[%run_scoped3A_232, %dma_wait3A_656] : memref<3x5120xf32, #tpu.memory_space<vmem>> -> memref<1x5120xf32, #tpu.memory_space<vmem>>
      %dma_wait3A_658 = tpu.memref_squeeze %dma_wait3A_657 : memref<1x5120xf32, #tpu.memory_space<vmem>> -> memref<5120xf32, #tpu.memory_space<vmem>>
      tpu.wait_dma2 semaphore(%run_scoped3A_642 : memref<!tpu.dma_semaphore, #tpu.memory_space<semaphore_mem>>) src(%dma_wait3A_658 : memref<5120xf32, #tpu.memory_space<vmem>>) dst(%dma_wait3A_655 : memref<5120xf32, #tpu.memory_space<hbm>>)
      tpu.yield
    }) : () -> ()
    %add3A_233 = arith.constant 3276800 : i32
    %add3A_234 = arith.addi %add3A_233, %add3A_223 : i32
    %run_scoped3A_235 = arith.constant 1 : i32
    "tpu.region"() ({
      %run_scoped3A_642 = tpu.sem_alloc : memref<!tpu.dma_semaphore, #tpu.memory_space<semaphore_mem>>
      %dma_start3A_643 = arith.constant 0 : i32
      %dma_start3A_644 = tpu.memref_slice %arg9[%run_scoped3A_235, %dma_start3A_643] : memref<3x5120xf32, #tpu.memory_space<vmem>> -> memref<1x5120xf32, #tpu.memory_space<vmem>>
      %dma_start3A_645 = tpu.memref_squeeze %dma_start3A_644 : memref<1x5120xf32, #tpu.memory_space<vmem>> -> memref<5120xf32, #tpu.memory_space<vmem>>
      %dma_start3A_646 = tpu.memref_slice %arg4[%add3A_234] : memref<9830400xf32, #tpu.memory_space<hbm>> -> memref<5120xf32, #tpu.memory_space<hbm>>
      %dma_start3A_647 = tpu.memref_slice %arg4[%add3A_234] : memref<9830400xf32, #tpu.memory_space<hbm>> -> memref<5120xf32, #tpu.memory_space<hbm>>
      %dma_start3A_648 = arith.constant 0 : i32
      %dma_start3A_649 = tpu.memref_slice %arg9[%run_scoped3A_235, %dma_start3A_648] : memref<3x5120xf32, #tpu.memory_space<vmem>> -> memref<1x5120xf32, #tpu.memory_space<vmem>>
      %dma_start3A_650 = tpu.memref_squeeze %dma_start3A_649 : memref<1x5120xf32, #tpu.memory_space<vmem>> -> memref<5120xf32, #tpu.memory_space<vmem>>
      tpu.enqueue_dma source(%dma_start3A_650 : memref<5120xf32, #tpu.memory_space<vmem>>) target(%dma_start3A_647 : memref<5120xf32, #tpu.memory_space<hbm>>) target_semaphore(%run_scoped3A_642 : memref<!tpu.dma_semaphore, #tpu.memory_space<semaphore_mem>>)
      %dma_wait3A_651 = arith.constant 0 : i32
      %dma_wait3A_652 = tpu.memref_slice %arg9[%run_scoped3A_235, %dma_wait3A_651] : memref<3x5120xf32, #tpu.memory_space<vmem>> -> memref<1x5120xf32, #tpu.memory_space<vmem>>
      %dma_wait3A_653 = tpu.memref_squeeze %dma_wait3A_652 : memref<1x5120xf32, #tpu.memory_space<vmem>> -> memref<5120xf32, #tpu.memory_space<vmem>>
      %dma_wait3A_654 = tpu.memref_slice %arg4[%add3A_234] : memref<9830400xf32, #tpu.memory_space<hbm>> -> memref<5120xf32, #tpu.memory_space<hbm>>
      %dma_wait3A_655 = tpu.memref_slice %arg4[%add3A_234] : memref<9830400xf32, #tpu.memory_space<hbm>> -> memref<5120xf32, #tpu.memory_space<hbm>>
      %dma_wait3A_656 = arith.constant 0 : i32
      %dma_wait3A_657 = tpu.memref_slice %arg9[%run_scoped3A_235, %dma_wait3A_656] : memref<3x5120xf32, #tpu.memory_space<vmem>> -> memref<1x5120xf32, #tpu.memory_space<vmem>>
      %dma_wait3A_658 = tpu.memref_squeeze %dma_wait3A_657 : memref<1x5120xf32, #tpu.memory_space<vmem>> -> memref<5120xf32, #tpu.memory_space<vmem>>
      tpu.wait_dma2 semaphore(%run_scoped3A_642 : memref<!tpu.dma_semaphore, #tpu.memory_space<semaphore_mem>>) src(%dma_wait3A_658 : memref<5120xf32, #tpu.memory_space<vmem>>) dst(%dma_wait3A_655 : memref<5120xf32, #tpu.memory_space<hbm>>)
      tpu.yield
    }) : () -> ()
    %add3A_236 = arith.constant 6553600 : i32
    %add3A_237 = arith.addi %add3A_236, %add3A_223 : i32
    %run_scoped3A_238 = arith.constant 2 : i32
    "tpu.region"() ({
      %run_scoped3A_642 = tpu.sem_alloc : memref<!tpu.dma_semaphore, #tpu.memory_space<semaphore_mem>>
      %dma_start3A_643 = arith.constant 0 : i32
      %dma_start3A_644 = tpu.memref_slice %arg9[%run_scoped3A_238, %dma_start3A_643] : memref<3x5120xf32, #tpu.memory_space<vmem>> -> memref<1x5120xf32, #tpu.memory_space<vmem>>
      %dma_start3A_645 = tpu.memref_squeeze %dma_start3A_644 : memref<1x5120xf32, #tpu.memory_space<vmem>> -> memref<5120xf32, #tpu.memory_space<vmem>>
      %dma_start3A_646 = tpu.memref_slice %arg4[%add3A_237] : memref<9830400xf32, #tpu.memory_space<hbm>> -> memref<5120xf32, #tpu.memory_space<hbm>>
      %dma_start3A_647 = tpu.memref_slice %arg4[%add3A_237] : memref<9830400xf32, #tpu.memory_space<hbm>> -> memref<5120xf32, #tpu.memory_space<hbm>>
      %dma_start3A_648 = arith.constant 0 : i32
      %dma_start3A_649 = tpu.memref_slice %arg9[%run_scoped3A_238, %dma_start3A_648] : memref<3x5120xf32, #tpu.memory_space<vmem>> -> memref<1x5120xf32, #tpu.memory_space<vmem>>
      %dma_start3A_650 = tpu.memref_squeeze %dma_start3A_649 : memref<1x5120xf32, #tpu.memory_space<vmem>> -> memref<5120xf32, #tpu.memory_space<vmem>>
      tpu.enqueue_dma source(%dma_start3A_650 : memref<5120xf32, #tpu.memory_space<vmem>>) target(%dma_start3A_647 : memref<5120xf32, #tpu.memory_space<hbm>>) target_semaphore(%run_scoped3A_642 : memref<!tpu.dma_semaphore, #tpu.memory_space<semaphore_mem>>)
      %dma_wait3A_651 = arith.constant 0 : i32
      %dma_wait3A_652 = tpu.memref_slice %arg9[%run_scoped3A_238, %dma_wait3A_651] : memref<3x5120xf32, #tpu.memory_space<vmem>> -> memref<1x5120xf32, #tpu.memory_space<vmem>>
      %dma_wait3A_653 = tpu.memref_squeeze %dma_wait3A_652 : memref<1x5120xf32, #tpu.memory_space<vmem>> -> memref<5120xf32, #tpu.memory_space<vmem>>
      %dma_wait3A_654 = tpu.memref_slice %arg4[%add3A_237] : memref<9830400xf32, #tpu.memory_space<hbm>> -> memref<5120xf32, #tpu.memory_space<hbm>>
      %dma_wait3A_655 = tpu.memref_slice %arg4[%add3A_237] : memref<9830400xf32, #tpu.memory_space<hbm>> -> memref<5120xf32, #tpu.memory_space<hbm>>
      %dma_wait3A_656 = arith.constant 0 : i32
      %dma_wait3A_657 = tpu.memref_slice %arg9[%run_scoped3A_238, %dma_wait3A_656] : memref<3x5120xf32, #tpu.memory_space<vmem>> -> memref<1x5120xf32, #tpu.memory_space<vmem>>
      %dma_wait3A_658 = tpu.memref_squeeze %dma_wait3A_657 : memref<1x5120xf32, #tpu.memory_space<vmem>> -> memref<5120xf32, #tpu.memory_space<vmem>>
      tpu.wait_dma2 semaphore(%run_scoped3A_642 : memref<!tpu.dma_semaphore, #tpu.memory_space<semaphore_mem>>) src(%dma_wait3A_658 : memref<5120xf32, #tpu.memory_space<vmem>>) dst(%dma_wait3A_655 : memref<5120xf32, #tpu.memory_space<hbm>>)
      tpu.yield
    }) : () -> ()
    %dma_wait3A_239 = tpu.memref_slice %arg2[%mul3A_2] : memref<3276800xi32, #tpu.memory_space<hbm>> -> memref<5120xi32, #tpu.memory_space<hbm>>
    %dma_wait3A_240 = tpu.memref_slice %arg2[%mul3A_2] : memref<3276800xi32, #tpu.memory_space<hbm>> -> memref<5120xi32, #tpu.memory_space<hbm>>
    tpu.wait_dma2 semaphore(%arg10 : memref<!tpu.dma_semaphore, #tpu.memory_space<semaphore_mem>>) src(%dma_wait3A_240 : memref<5120xi32, #tpu.memory_space<hbm>>) dst(%arg5 : memref<5120xi32, #tpu.memory_space<vmem>>)
    %dma_wait3A_241 = arith.constant 0 : i32
    %dma_wait3A_242 = arith.constant 0 : i32
    %dma_wait3A_243 = tpu.memref_slice %arg3[%dma_wait3A_241, %dma_wait3A_242] : memref<1000000x8xf32, #tpu.memory_space<hbm>> -> memref<5120x8xf32, #tpu.memory_space<hbm>>
    %dma_wait3A_244 = arith.constant 0 : i32
    %dma_wait3A_245 = arith.constant 0 : i32
    %dma_wait3A_246 = tpu.memref_slice %arg3[%dma_wait3A_244, %dma_wait3A_245] : memref<1000000x8xf32, #tpu.memory_space<hbm>> -> memref<5120x8xf32, #tpu.memory_space<hbm>>
    tpu.wait_dma2 semaphore(%arg12 : memref<!tpu.dma_semaphore, #tpu.memory_space<semaphore_mem>>) src(%dma_wait3A_246 : memref<5120x8xf32, #tpu.memory_space<hbm>>) dst(%arg8 : memref<5120x8xf32, #tpu.memory_space<vmem>>)
    %dma_start3A_247 = arith.constant 0 : i32
    %dma_start3A_248 = arith.constant 0 : i32
    %dma_start3A_249 = tpu.memref_slice %arg3[%dma_start3A_247, %dma_start3A_248] : memref<1000000x8xf32, #tpu.memory_space<hbm>> -> memref<1000000x8xf32, #tpu.memory_space<hbm>>
    tpu.enqueue_indirect_dma source(%dma_start3A_249 : memref<1000000x8xf32, #tpu.memory_space<hbm>>) target(%arg7 : memref<5120x8xf32, #tpu.memory_space<vmem>>) offsets(%arg5 : memref<5120xi32, #tpu.memory_space<vmem>>) semaphore(%arg11 : memref<!tpu.dma_semaphore, #tpu.memory_space<semaphore_mem>>)
    %add3A_250 = arith.constant 46080 : i32
    %add3A_251 = arith.addi %mul3A_2, %add3A_250 : i32
    %dma_start3A_252 = tpu.memref_slice %arg2[%add3A_251] : memref<3276800xi32, #tpu.memory_space<hbm>> -> memref<5120xi32, #tpu.memory_space<hbm>>
    %dma_start3A_253 = tpu.memref_slice %arg2[%add3A_251] : memref<3276800xi32, #tpu.memory_space<hbm>> -> memref<5120xi32, #tpu.memory_space<hbm>>
    tpu.enqueue_dma source(%dma_start3A_253 : memref<5120xi32, #tpu.memory_space<hbm>>) target(%arg6 : memref<5120xi32, #tpu.memory_space<vmem>>) target_semaphore(%arg10 : memref<!tpu.dma_semaphore, #tpu.memory_space<semaphore_mem>>)
    %add3A_254 = arith.constant 35840 : i32
    %add3A_255 = arith.addi %mul3A_2, %add3A_254 : i32
    %scan3A_256 = arith.constant 0 : i32
    %scan3A_257 = arith.constant 0 : i32
    %scan3A_258 = arith.constant 320 : i32
    %scan3A_259 = arith.addi %scan3A_257, %scan3A_258 : i32
    %scan3A_260 = arith.constant 1 : i32
    scf.for %scan3A_642 = %scan3A_257 to %scan3A_259 step %scan3A_260  : i32 {
      %mul3A_643 = arith.constant 16 : i32
      %mul3A_644 = arith.muli %mul3A_643, %scan3A_642 : i32
      %add3A_645 = vector.broadcast %mul3A_644 : i32 to vector<16xi32>
      %add3A_646 = arith.addi %add3A_645, %iota3A : vector<16xi32>
      %gather3A = tpu.vector_load_idx %arg8[%add3A_646, %broadcast_in_dim3A_3] : memref<5120x8xf32, #tpu.memory_space<vmem>>[vector<16xi32>, vector<16xi32>], vector<16xf32>,
      %mul3A_647 = arith.constant 16 : i32
      %mul3A_648 = arith.muli %mul3A_647, %scan3A_642 : i32
      %swap3A = arith.constant 0 : i32
      %swap3A_649 = arith.index_cast %swap3A : i32 to index
      %swap3A_650 = arith.index_cast %mul3A_648 : i32 to index
      %swap3A_651 = tpu.vector_load %arg9[%swap3A_649, %swap3A_650] {strides = array<i32>} : memref<3x5120xf32, #tpu.memory_space<vmem>>, vector<16xf32>,
      tpu.vector_store %arg9[%swap3A_649, %swap3A_650], %gather3A {strides = array<i32>} : memref<3x5120xf32, #tpu.memory_space<vmem>>, vector<16xf32>,
      %gather3A_652 = tpu.vector_load_idx %arg8[%add3A_646, %broadcast_in_dim3A_5] : memref<5120x8xf32, #tpu.memory_space<vmem>>[vector<16xi32>, vector<16xi32>], vector<16xf32>,
      %mul3A_653 = arith.constant 16 : i32
      %mul3A_654 = arith.muli %mul3A_653, %scan3A_642 : i32
      %swap3A_655 = arith.constant 1 : i32
      %swap3A_656 = arith.index_cast %swap3A_655 : i32 to index
      %swap3A_657 = arith.index_cast %mul3A_654 : i32 to index
      %swap3A_658 = tpu.vector_load %arg9[%swap3A_656, %swap3A_657] {strides = array<i32>} : memref<3x5120xf32, #tpu.memory_space<vmem>>, vector<16xf32>,
      tpu.vector_store %arg9[%swap3A_656, %swap3A_657], %gather3A_652 {strides = array<i32>} : memref<3x5120xf32, #tpu.memory_space<vmem>>, vector<16xf32>,
      %gather3A_659 = tpu.vector_load_idx %arg8[%add3A_646, %broadcast_in_dim3A_7] : memref<5120x8xf32, #tpu.memory_space<vmem>>[vector<16xi32>, vector<16xi32>], vector<16xf32>,
      %mul3A_660 = arith.constant 16 : i32
      %mul3A_661 = arith.muli %mul3A_660, %scan3A_642 : i32
      %swap3A_662 = arith.constant 2 : i32
      %swap3A_663 = arith.index_cast %swap3A_662 : i32 to index
      %swap3A_664 = arith.index_cast %mul3A_661 : i32 to index
      %swap3A_665 = tpu.vector_load %arg9[%swap3A_663, %swap3A_664] {strides = array<i32>} : memref<3x5120xf32, #tpu.memory_space<vmem>>, vector<16xf32>,
      tpu.vector_store %arg9[%swap3A_663, %swap3A_664], %gather3A_659 {strides = array<i32>} : memref<3x5120xf32, #tpu.memory_space<vmem>>, vector<16xf32>,
    }
    %scan3A_261 = arith.constant 320 : i32
    %add3A_262 = arith.constant 0 : i32
    %add3A_263 = arith.addi %add3A_262, %add3A_255 : i32
    %run_scoped3A_264 = arith.constant 0 : i32
    "tpu.region"() ({
      %run_scoped3A_642 = tpu.sem_alloc : memref<!tpu.dma_semaphore, #tpu.memory_space<semaphore_mem>>
      %dma_start3A_643 = arith.constant 0 : i32
      %dma_start3A_644 = tpu.memref_slice %arg9[%run_scoped3A_264, %dma_start3A_643] : memref<3x5120xf32, #tpu.memory_space<vmem>> -> memref<1x5120xf32, #tpu.memory_space<vmem>>
      %dma_start3A_645 = tpu.memref_squeeze %dma_start3A_644 : memref<1x5120xf32, #tpu.memory_space<vmem>> -> memref<5120xf32, #tpu.memory_space<vmem>>
      %dma_start3A_646 = tpu.memref_slice %arg4[%add3A_263] : memref<9830400xf32, #tpu.memory_space<hbm>> -> memref<5120xf32, #tpu.memory_space<hbm>>
      %dma_start3A_647 = tpu.memref_slice %arg4[%add3A_263] : memref<9830400xf32, #tpu.memory_space<hbm>> -> memref<5120xf32, #tpu.memory_space<hbm>>
      %dma_start3A_648 = arith.constant 0 : i32
      %dma_start3A_649 = tpu.memref_slice %arg9[%run_scoped3A_264, %dma_start3A_648] : memref<3x5120xf32, #tpu.memory_space<vmem>> -> memref<1x5120xf32, #tpu.memory_space<vmem>>
      %dma_start3A_650 = tpu.memref_squeeze %dma_start3A_649 : memref<1x5120xf32, #tpu.memory_space<vmem>> -> memref<5120xf32, #tpu.memory_space<vmem>>
      tpu.enqueue_dma source(%dma_start3A_650 : memref<5120xf32, #tpu.memory_space<vmem>>) target(%dma_start3A_647 : memref<5120xf32, #tpu.memory_space<hbm>>) target_semaphore(%run_scoped3A_642 : memref<!tpu.dma_semaphore, #tpu.memory_space<semaphore_mem>>)
      %dma_wait3A_651 = arith.constant 0 : i32
      %dma_wait3A_652 = tpu.memref_slice %arg9[%run_scoped3A_264, %dma_wait3A_651] : memref<3x5120xf32, #tpu.memory_space<vmem>> -> memref<1x5120xf32, #tpu.memory_space<vmem>>
      %dma_wait3A_653 = tpu.memref_squeeze %dma_wait3A_652 : memref<1x5120xf32, #tpu.memory_space<vmem>> -> memref<5120xf32, #tpu.memory_space<vmem>>
      %dma_wait3A_654 = tpu.memref_slice %arg4[%add3A_263] : memref<9830400xf32, #tpu.memory_space<hbm>> -> memref<5120xf32, #tpu.memory_space<hbm>>
      %dma_wait3A_655 = tpu.memref_slice %arg4[%add3A_263] : memref<9830400xf32, #tpu.memory_space<hbm>> -> memref<5120xf32, #tpu.memory_space<hbm>>
      %dma_wait3A_656 = arith.constant 0 : i32
      %dma_wait3A_657 = tpu.memref_slice %arg9[%run_scoped3A_264, %dma_wait3A_656] : memref<3x5120xf32, #tpu.memory_space<vmem>> -> memref<1x5120xf32, #tpu.memory_space<vmem>>
      %dma_wait3A_658 = tpu.memref_squeeze %dma_wait3A_657 : memref<1x5120xf32, #tpu.memory_space<vmem>> -> memref<5120xf32, #tpu.memory_space<vmem>>
      tpu.wait_dma2 semaphore(%run_scoped3A_642 : memref<!tpu.dma_semaphore, #tpu.memory_space<semaphore_mem>>) src(%dma_wait3A_658 : memref<5120xf32, #tpu.memory_space<vmem>>) dst(%dma_wait3A_655 : memref<5120xf32, #tpu.memory_space<hbm>>)
      tpu.yield
    }) : () -> ()
    %add3A_265 = arith.constant 3276800 : i32
    %add3A_266 = arith.addi %add3A_265, %add3A_255 : i32
    %run_scoped3A_267 = arith.constant 1 : i32
    "tpu.region"() ({
      %run_scoped3A_642 = tpu.sem_alloc : memref<!tpu.dma_semaphore, #tpu.memory_space<semaphore_mem>>
      %dma_start3A_643 = arith.constant 0 : i32
      %dma_start3A_644 = tpu.memref_slice %arg9[%run_scoped3A_267, %dma_start3A_643] : memref<3x5120xf32, #tpu.memory_space<vmem>> -> memref<1x5120xf32, #tpu.memory_space<vmem>>
      %dma_start3A_645 = tpu.memref_squeeze %dma_start3A_644 : memref<1x5120xf32, #tpu.memory_space<vmem>> -> memref<5120xf32, #tpu.memory_space<vmem>>
      %dma_start3A_646 = tpu.memref_slice %arg4[%add3A_266] : memref<9830400xf32, #tpu.memory_space<hbm>> -> memref<5120xf32, #tpu.memory_space<hbm>>
      %dma_start3A_647 = tpu.memref_slice %arg4[%add3A_266] : memref<9830400xf32, #tpu.memory_space<hbm>> -> memref<5120xf32, #tpu.memory_space<hbm>>
      %dma_start3A_648 = arith.constant 0 : i32
      %dma_start3A_649 = tpu.memref_slice %arg9[%run_scoped3A_267, %dma_start3A_648] : memref<3x5120xf32, #tpu.memory_space<vmem>> -> memref<1x5120xf32, #tpu.memory_space<vmem>>
      %dma_start3A_650 = tpu.memref_squeeze %dma_start3A_649 : memref<1x5120xf32, #tpu.memory_space<vmem>> -> memref<5120xf32, #tpu.memory_space<vmem>>
      tpu.enqueue_dma source(%dma_start3A_650 : memref<5120xf32, #tpu.memory_space<vmem>>) target(%dma_start3A_647 : memref<5120xf32, #tpu.memory_space<hbm>>) target_semaphore(%run_scoped3A_642 : memref<!tpu.dma_semaphore, #tpu.memory_space<semaphore_mem>>)
      %dma_wait3A_651 = arith.constant 0 : i32
      %dma_wait3A_652 = tpu.memref_slice %arg9[%run_scoped3A_267, %dma_wait3A_651] : memref<3x5120xf32, #tpu.memory_space<vmem>> -> memref<1x5120xf32, #tpu.memory_space<vmem>>
      %dma_wait3A_653 = tpu.memref_squeeze %dma_wait3A_652 : memref<1x5120xf32, #tpu.memory_space<vmem>> -> memref<5120xf32, #tpu.memory_space<vmem>>
      %dma_wait3A_654 = tpu.memref_slice %arg4[%add3A_266] : memref<9830400xf32, #tpu.memory_space<hbm>> -> memref<5120xf32, #tpu.memory_space<hbm>>
      %dma_wait3A_655 = tpu.memref_slice %arg4[%add3A_266] : memref<9830400xf32, #tpu.memory_space<hbm>> -> memref<5120xf32, #tpu.memory_space<hbm>>
      %dma_wait3A_656 = arith.constant 0 : i32
      %dma_wait3A_657 = tpu.memref_slice %arg9[%run_scoped3A_267, %dma_wait3A_656] : memref<3x5120xf32, #tpu.memory_space<vmem>> -> memref<1x5120xf32, #tpu.memory_space<vmem>>
      %dma_wait3A_658 = tpu.memref_squeeze %dma_wait3A_657 : memref<1x5120xf32, #tpu.memory_space<vmem>> -> memref<5120xf32, #tpu.memory_space<vmem>>
      tpu.wait_dma2 semaphore(%run_scoped3A_642 : memref<!tpu.dma_semaphore, #tpu.memory_space<semaphore_mem>>) src(%dma_wait3A_658 : memref<5120xf32, #tpu.memory_space<vmem>>) dst(%dma_wait3A_655 : memref<5120xf32, #tpu.memory_space<hbm>>)
      tpu.yield
    }) : () -> ()
    %add3A_268 = arith.constant 6553600 : i32
    %add3A_269 = arith.addi %add3A_268, %add3A_255 : i32
    %run_scoped3A_270 = arith.constant 2 : i32
    "tpu.region"() ({
      %run_scoped3A_642 = tpu.sem_alloc : memref<!tpu.dma_semaphore, #tpu.memory_space<semaphore_mem>>
      %dma_start3A_643 = arith.constant 0 : i32
      %dma_start3A_644 = tpu.memref_slice %arg9[%run_scoped3A_270, %dma_start3A_643] : memref<3x5120xf32, #tpu.memory_space<vmem>> -> memref<1x5120xf32, #tpu.memory_space<vmem>>
      %dma_start3A_645 = tpu.memref_squeeze %dma_start3A_644 : memref<1x5120xf32, #tpu.memory_space<vmem>> -> memref<5120xf32, #tpu.memory_space<vmem>>
      %dma_start3A_646 = tpu.memref_slice %arg4[%add3A_269] : memref<9830400xf32, #tpu.memory_space<hbm>> -> memref<5120xf32, #tpu.memory_space<hbm>>
      %dma_start3A_647 = tpu.memref_slice %arg4[%add3A_269] : memref<9830400xf32, #tpu.memory_space<hbm>> -> memref<5120xf32, #tpu.memory_space<hbm>>
      %dma_start3A_648 = arith.constant 0 : i32
      %dma_start3A_649 = tpu.memref_slice %arg9[%run_scoped3A_270, %dma_start3A_648] : memref<3x5120xf32, #tpu.memory_space<vmem>> -> memref<1x5120xf32, #tpu.memory_space<vmem>>
      %dma_start3A_650 = tpu.memref_squeeze %dma_start3A_649 : memref<1x5120xf32, #tpu.memory_space<vmem>> -> memref<5120xf32, #tpu.memory_space<vmem>>
      tpu.enqueue_dma source(%dma_start3A_650 : memref<5120xf32, #tpu.memory_space<vmem>>) target(%dma_start3A_647 : memref<5120xf32, #tpu.memory_space<hbm>>) target_semaphore(%run_scoped3A_642 : memref<!tpu.dma_semaphore, #tpu.memory_space<semaphore_mem>>)
      %dma_wait3A_651 = arith.constant 0 : i32
      %dma_wait3A_652 = tpu.memref_slice %arg9[%run_scoped3A_270, %dma_wait3A_651] : memref<3x5120xf32, #tpu.memory_space<vmem>> -> memref<1x5120xf32, #tpu.memory_space<vmem>>
      %dma_wait3A_653 = tpu.memref_squeeze %dma_wait3A_652 : memref<1x5120xf32, #tpu.memory_space<vmem>> -> memref<5120xf32, #tpu.memory_space<vmem>>
      %dma_wait3A_654 = tpu.memref_slice %arg4[%add3A_269] : memref<9830400xf32, #tpu.memory_space<hbm>> -> memref<5120xf32, #tpu.memory_space<hbm>>
      %dma_wait3A_655 = tpu.memref_slice %arg4[%add3A_269] : memref<9830400xf32, #tpu.memory_space<hbm>> -> memref<5120xf32, #tpu.memory_space<hbm>>
      %dma_wait3A_656 = arith.constant 0 : i32
      %dma_wait3A_657 = tpu.memref_slice %arg9[%run_scoped3A_270, %dma_wait3A_656] : memref<3x5120xf32, #tpu.memory_space<vmem>> -> memref<1x5120xf32, #tpu.memory_space<vmem>>
      %dma_wait3A_658 = tpu.memref_squeeze %dma_wait3A_657 : memref<1x5120xf32, #tpu.memory_space<vmem>> -> memref<5120xf32, #tpu.memory_space<vmem>>
      tpu.wait_dma2 semaphore(%run_scoped3A_642 : memref<!tpu.dma_semaphore, #tpu.memory_space<semaphore_mem>>) src(%dma_wait3A_658 : memref<5120xf32, #tpu.memory_space<vmem>>) dst(%dma_wait3A_655 : memref<5120xf32, #tpu.memory_space<hbm>>)
      tpu.yield
    }) : () -> ()
    %dma_wait3A_271 = tpu.memref_slice %arg2[%mul3A_2] : memref<3276800xi32, #tpu.memory_space<hbm>> -> memref<5120xi32, #tpu.memory_space<hbm>>
    %dma_wait3A_272 = tpu.memref_slice %arg2[%mul3A_2] : memref<3276800xi32, #tpu.memory_space<hbm>> -> memref<5120xi32, #tpu.memory_space<hbm>>
    tpu.wait_dma2 semaphore(%arg10 : memref<!tpu.dma_semaphore, #tpu.memory_space<semaphore_mem>>) src(%dma_wait3A_272 : memref<5120xi32, #tpu.memory_space<hbm>>) dst(%arg6 : memref<5120xi32, #tpu.memory_space<vmem>>)
    %dma_wait3A_273 = arith.constant 0 : i32
    %dma_wait3A_274 = arith.constant 0 : i32
    %dma_wait3A_275 = tpu.memref_slice %arg3[%dma_wait3A_273, %dma_wait3A_274] : memref<1000000x8xf32, #tpu.memory_space<hbm>> -> memref<5120x8xf32, #tpu.memory_space<hbm>>
    %dma_wait3A_276 = arith.constant 0 : i32
    %dma_wait3A_277 = arith.constant 0 : i32
    %dma_wait3A_278 = tpu.memref_slice %arg3[%dma_wait3A_276, %dma_wait3A_277] : memref<1000000x8xf32, #tpu.memory_space<hbm>> -> memref<5120x8xf32, #tpu.memory_space<hbm>>
    tpu.wait_dma2 semaphore(%arg11 : memref<!tpu.dma_semaphore, #tpu.memory_space<semaphore_mem>>) src(%dma_wait3A_278 : memref<5120x8xf32, #tpu.memory_space<hbm>>) dst(%arg7 : memref<5120x8xf32, #tpu.memory_space<vmem>>)
    %dma_start3A_279 = arith.constant 0 : i32
    %dma_start3A_280 = arith.constant 0 : i32
    %dma_start3A_281 = tpu.memref_slice %arg3[%dma_start3A_279, %dma_start3A_280] : memref<1000000x8xf32, #tpu.memory_space<hbm>> -> memref<1000000x8xf32, #tpu.memory_space<hbm>>
    tpu.enqueue_indirect_dma source(%dma_start3A_281 : memref<1000000x8xf32, #tpu.memory_space<hbm>>) target(%arg8 : memref<5120x8xf32, #tpu.memory_space<vmem>>) offsets(%arg6 : memref<5120xi32, #tpu.memory_space<vmem>>) semaphore(%arg12 : memref<!tpu.dma_semaphore, #tpu.memory_space<semaphore_mem>>)
    %add3A_282 = arith.constant 51200 : i32
    %add3A_283 = arith.addi %mul3A_2, %add3A_282 : i32
    %dma_start3A_284 = tpu.memref_slice %arg2[%add3A_283] : memref<3276800xi32, #tpu.memory_space<hbm>> -> memref<5120xi32, #tpu.memory_space<hbm>>
    %dma_start3A_285 = tpu.memref_slice %arg2[%add3A_283] : memref<3276800xi32, #tpu.memory_space<hbm>> -> memref<5120xi32, #tpu.memory_space<hbm>>
    tpu.enqueue_dma source(%dma_start3A_285 : memref<5120xi32, #tpu.memory_space<hbm>>) target(%arg5 : memref<5120xi32, #tpu.memory_space<vmem>>) target_semaphore(%arg10 : memref<!tpu.dma_semaphore, #tpu.memory_space<semaphore_mem>>)
    %add3A_286 = arith.constant 40960 : i32
    %add3A_287 = arith.addi %mul3A_2, %add3A_286 : i32
    %scan3A_288 = arith.constant 0 : i32
    %scan3A_289 = arith.constant 0 : i32
    %scan3A_290 = arith.constant 320 : i32
    %scan3A_291 = arith.addi %scan3A_289, %scan3A_290 : i32
    %scan3A_292 = arith.constant 1 : i32
    scf.for %scan3A_642 = %scan3A_289 to %scan3A_291 step %scan3A_292  : i32 {
      %mul3A_643 = arith.constant 16 : i32
      %mul3A_644 = arith.muli %mul3A_643, %scan3A_642 : i32
      %add3A_645 = vector.broadcast %mul3A_644 : i32 to vector<16xi32>
      %add3A_646 = arith.addi %add3A_645, %iota3A : vector<16xi32>
      %gather3A = tpu.vector_load_idx %arg7[%add3A_646, %broadcast_in_dim3A_3] : memref<5120x8xf32, #tpu.memory_space<vmem>>[vector<16xi32>, vector<16xi32>], vector<16xf32>,
      %mul3A_647 = arith.constant 16 : i32
      %mul3A_648 = arith.muli %mul3A_647, %scan3A_642 : i32
      %swap3A = arith.constant 0 : i32
      %swap3A_649 = arith.index_cast %swap3A : i32 to index
      %swap3A_650 = arith.index_cast %mul3A_648 : i32 to index
      %swap3A_651 = tpu.vector_load %arg9[%swap3A_649, %swap3A_650] {strides = array<i32>} : memref<3x5120xf32, #tpu.memory_space<vmem>>, vector<16xf32>,
      tpu.vector_store %arg9[%swap3A_649, %swap3A_650], %gather3A {strides = array<i32>} : memref<3x5120xf32, #tpu.memory_space<vmem>>, vector<16xf32>,
      %gather3A_652 = tpu.vector_load_idx %arg7[%add3A_646, %broadcast_in_dim3A_5] : memref<5120x8xf32, #tpu.memory_space<vmem>>[vector<16xi32>, vector<16xi32>], vector<16xf32>,
      %mul3A_653 = arith.constant 16 : i32
      %mul3A_654 = arith.muli %mul3A_653, %scan3A_642 : i32
      %swap3A_655 = arith.constant 1 : i32
      %swap3A_656 = arith.index_cast %swap3A_655 : i32 to index
      %swap3A_657 = arith.index_cast %mul3A_654 : i32 to index
      %swap3A_658 = tpu.vector_load %arg9[%swap3A_656, %swap3A_657] {strides = array<i32>} : memref<3x5120xf32, #tpu.memory_space<vmem>>, vector<16xf32>,
      tpu.vector_store %arg9[%swap3A_656, %swap3A_657], %gather3A_652 {strides = array<i32>} : memref<3x5120xf32, #tpu.memory_space<vmem>>, vector<16xf32>,
      %gather3A_659 = tpu.vector_load_idx %arg7[%add3A_646, %broadcast_in_dim3A_7] : memref<5120x8xf32, #tpu.memory_space<vmem>>[vector<16xi32>, vector<16xi32>], vector<16xf32>,
      %mul3A_660 = arith.constant 16 : i32
      %mul3A_661 = arith.muli %mul3A_660, %scan3A_642 : i32
      %swap3A_662 = arith.constant 2 : i32
      %swap3A_663 = arith.index_cast %swap3A_662 : i32 to index
      %swap3A_664 = arith.index_cast %mul3A_661 : i32 to index
      %swap3A_665 = tpu.vector_load %arg9[%swap3A_663, %swap3A_664] {strides = array<i32>} : memref<3x5120xf32, #tpu.memory_space<vmem>>, vector<16xf32>,
      tpu.vector_store %arg9[%swap3A_663, %swap3A_664], %gather3A_659 {strides = array<i32>} : memref<3x5120xf32, #tpu.memory_space<vmem>>, vector<16xf32>,
    }
    %scan3A_293 = arith.constant 320 : i32
    %add3A_294 = arith.constant 0 : i32
    %add3A_295 = arith.addi %add3A_294, %add3A_287 : i32
    %run_scoped3A_296 = arith.constant 0 : i32
    "tpu.region"() ({
      %run_scoped3A_642 = tpu.sem_alloc : memref<!tpu.dma_semaphore, #tpu.memory_space<semaphore_mem>>
      %dma_start3A_643 = arith.constant 0 : i32
      %dma_start3A_644 = tpu.memref_slice %arg9[%run_scoped3A_296, %dma_start3A_643] : memref<3x5120xf32, #tpu.memory_space<vmem>> -> memref<1x5120xf32, #tpu.memory_space<vmem>>
      %dma_start3A_645 = tpu.memref_squeeze %dma_start3A_644 : memref<1x5120xf32, #tpu.memory_space<vmem>> -> memref<5120xf32, #tpu.memory_space<vmem>>
      %dma_start3A_646 = tpu.memref_slice %arg4[%add3A_295] : memref<9830400xf32, #tpu.memory_space<hbm>> -> memref<5120xf32, #tpu.memory_space<hbm>>
      %dma_start3A_647 = tpu.memref_slice %arg4[%add3A_295] : memref<9830400xf32, #tpu.memory_space<hbm>> -> memref<5120xf32, #tpu.memory_space<hbm>>
      %dma_start3A_648 = arith.constant 0 : i32
      %dma_start3A_649 = tpu.memref_slice %arg9[%run_scoped3A_296, %dma_start3A_648] : memref<3x5120xf32, #tpu.memory_space<vmem>> -> memref<1x5120xf32, #tpu.memory_space<vmem>>
      %dma_start3A_650 = tpu.memref_squeeze %dma_start3A_649 : memref<1x5120xf32, #tpu.memory_space<vmem>> -> memref<5120xf32, #tpu.memory_space<vmem>>
      tpu.enqueue_dma source(%dma_start3A_650 : memref<5120xf32, #tpu.memory_space<vmem>>) target(%dma_start3A_647 : memref<5120xf32, #tpu.memory_space<hbm>>) target_semaphore(%run_scoped3A_642 : memref<!tpu.dma_semaphore, #tpu.memory_space<semaphore_mem>>)
      %dma_wait3A_651 = arith.constant 0 : i32
      %dma_wait3A_652 = tpu.memref_slice %arg9[%run_scoped3A_296, %dma_wait3A_651] : memref<3x5120xf32, #tpu.memory_space<vmem>> -> memref<1x5120xf32, #tpu.memory_space<vmem>>
      %dma_wait3A_653 = tpu.memref_squeeze %dma_wait3A_652 : memref<1x5120xf32, #tpu.memory_space<vmem>> -> memref<5120xf32, #tpu.memory_space<vmem>>
      %dma_wait3A_654 = tpu.memref_slice %arg4[%add3A_295] : memref<9830400xf32, #tpu.memory_space<hbm>> -> memref<5120xf32, #tpu.memory_space<hbm>>
      %dma_wait3A_655 = tpu.memref_slice %arg4[%add3A_295] : memref<9830400xf32, #tpu.memory_space<hbm>> -> memref<5120xf32, #tpu.memory_space<hbm>>
      %dma_wait3A_656 = arith.constant 0 : i32
      %dma_wait3A_657 = tpu.memref_slice %arg9[%run_scoped3A_296, %dma_wait3A_656] : memref<3x5120xf32, #tpu.memory_space<vmem>> -> memref<1x5120xf32, #tpu.memory_space<vmem>>
      %dma_wait3A_658 = tpu.memref_squeeze %dma_wait3A_657 : memref<1x5120xf32, #tpu.memory_space<vmem>> -> memref<5120xf32, #tpu.memory_space<vmem>>
      tpu.wait_dma2 semaphore(%run_scoped3A_642 : memref<!tpu.dma_semaphore, #tpu.memory_space<semaphore_mem>>) src(%dma_wait3A_658 : memref<5120xf32, #tpu.memory_space<vmem>>) dst(%dma_wait3A_655 : memref<5120xf32, #tpu.memory_space<hbm>>)
      tpu.yield
    }) : () -> ()
    %add3A_297 = arith.constant 3276800 : i32
    %add3A_298 = arith.addi %add3A_297, %add3A_287 : i32
    %run_scoped3A_299 = arith.constant 1 : i32
    "tpu.region"() ({
      %run_scoped3A_642 = tpu.sem_alloc : memref<!tpu.dma_semaphore, #tpu.memory_space<semaphore_mem>>
      %dma_start3A_643 = arith.constant 0 : i32
      %dma_start3A_644 = tpu.memref_slice %arg9[%run_scoped3A_299, %dma_start3A_643] : memref<3x5120xf32, #tpu.memory_space<vmem>> -> memref<1x5120xf32, #tpu.memory_space<vmem>>
      %dma_start3A_645 = tpu.memref_squeeze %dma_start3A_644 : memref<1x5120xf32, #tpu.memory_space<vmem>> -> memref<5120xf32, #tpu.memory_space<vmem>>
      %dma_start3A_646 = tpu.memref_slice %arg4[%add3A_298] : memref<9830400xf32, #tpu.memory_space<hbm>> -> memref<5120xf32, #tpu.memory_space<hbm>>
      %dma_start3A_647 = tpu.memref_slice %arg4[%add3A_298] : memref<9830400xf32, #tpu.memory_space<hbm>> -> memref<5120xf32, #tpu.memory_space<hbm>>
      %dma_start3A_648 = arith.constant 0 : i32
      %dma_start3A_649 = tpu.memref_slice %arg9[%run_scoped3A_299, %dma_start3A_648] : memref<3x5120xf32, #tpu.memory_space<vmem>> -> memref<1x5120xf32, #tpu.memory_space<vmem>>
      %dma_start3A_650 = tpu.memref_squeeze %dma_start3A_649 : memref<1x5120xf32, #tpu.memory_space<vmem>> -> memref<5120xf32, #tpu.memory_space<vmem>>
      tpu.enqueue_dma source(%dma_start3A_650 : memref<5120xf32, #tpu.memory_space<vmem>>) target(%dma_start3A_647 : memref<5120xf32, #tpu.memory_space<hbm>>) target_semaphore(%run_scoped3A_642 : memref<!tpu.dma_semaphore, #tpu.memory_space<semaphore_mem>>)
      %dma_wait3A_651 = arith.constant 0 : i32
      %dma_wait3A_652 = tpu.memref_slice %arg9[%run_scoped3A_299, %dma_wait3A_651] : memref<3x5120xf32, #tpu.memory_space<vmem>> -> memref<1x5120xf32, #tpu.memory_space<vmem>>
      %dma_wait3A_653 = tpu.memref_squeeze %dma_wait3A_652 : memref<1x5120xf32, #tpu.memory_space<vmem>> -> memref<5120xf32, #tpu.memory_space<vmem>>
      %dma_wait3A_654 = tpu.memref_slice %arg4[%add3A_298] : memref<9830400xf32, #tpu.memory_space<hbm>> -> memref<5120xf32, #tpu.memory_space<hbm>>
      %dma_wait3A_655 = tpu.memref_slice %arg4[%add3A_298] : memref<9830400xf32, #tpu.memory_space<hbm>> -> memref<5120xf32, #tpu.memory_space<hbm>>
      %dma_wait3A_656 = arith.constant 0 : i32
      %dma_wait3A_657 = tpu.memref_slice %arg9[%run_scoped3A_299, %dma_wait3A_656] : memref<3x5120xf32, #tpu.memory_space<vmem>> -> memref<1x5120xf32, #tpu.memory_space<vmem>>
      %dma_wait3A_658 = tpu.memref_squeeze %dma_wait3A_657 : memref<1x5120xf32, #tpu.memory_space<vmem>> -> memref<5120xf32, #tpu.memory_space<vmem>>
      tpu.wait_dma2 semaphore(%run_scoped3A_642 : memref<!tpu.dma_semaphore, #tpu.memory_space<semaphore_mem>>) src(%dma_wait3A_658 : memref<5120xf32, #tpu.memory_space<vmem>>) dst(%dma_wait3A_655 : memref<5120xf32, #tpu.memory_space<hbm>>)
      tpu.yield
    }) : () -> ()
    %add3A_300 = arith.constant 6553600 : i32
    %add3A_301 = arith.addi %add3A_300, %add3A_287 : i32
    %run_scoped3A_302 = arith.constant 2 : i32
    "tpu.region"() ({
      %run_scoped3A_642 = tpu.sem_alloc : memref<!tpu.dma_semaphore, #tpu.memory_space<semaphore_mem>>
      %dma_start3A_643 = arith.constant 0 : i32
      %dma_start3A_644 = tpu.memref_slice %arg9[%run_scoped3A_302, %dma_start3A_643] : memref<3x5120xf32, #tpu.memory_space<vmem>> -> memref<1x5120xf32, #tpu.memory_space<vmem>>
      %dma_start3A_645 = tpu.memref_squeeze %dma_start3A_644 : memref<1x5120xf32, #tpu.memory_space<vmem>> -> memref<5120xf32, #tpu.memory_space<vmem>>
      %dma_start3A_646 = tpu.memref_slice %arg4[%add3A_301] : memref<9830400xf32, #tpu.memory_space<hbm>> -> memref<5120xf32, #tpu.memory_space<hbm>>
      %dma_start3A_647 = tpu.memref_slice %arg4[%add3A_301] : memref<9830400xf32, #tpu.memory_space<hbm>> -> memref<5120xf32, #tpu.memory_space<hbm>>
      %dma_start3A_648 = arith.constant 0 : i32
      %dma_start3A_649 = tpu.memref_slice %arg9[%run_scoped3A_302, %dma_start3A_648] : memref<3x5120xf32, #tpu.memory_space<vmem>> -> memref<1x5120xf32, #tpu.memory_space<vmem>>
      %dma_start3A_650 = tpu.memref_squeeze %dma_start3A_649 : memref<1x5120xf32, #tpu.memory_space<vmem>> -> memref<5120xf32, #tpu.memory_space<vmem>>
      tpu.enqueue_dma source(%dma_start3A_650 : memref<5120xf32, #tpu.memory_space<vmem>>) target(%dma_start3A_647 : memref<5120xf32, #tpu.memory_space<hbm>>) target_semaphore(%run_scoped3A_642 : memref<!tpu.dma_semaphore, #tpu.memory_space<semaphore_mem>>)
      %dma_wait3A_651 = arith.constant 0 : i32
      %dma_wait3A_652 = tpu.memref_slice %arg9[%run_scoped3A_302, %dma_wait3A_651] : memref<3x5120xf32, #tpu.memory_space<vmem>> -> memref<1x5120xf32, #tpu.memory_space<vmem>>
      %dma_wait3A_653 = tpu.memref_squeeze %dma_wait3A_652 : memref<1x5120xf32, #tpu.memory_space<vmem>> -> memref<5120xf32, #tpu.memory_space<vmem>>
      %dma_wait3A_654 = tpu.memref_slice %arg4[%add3A_301] : memref<9830400xf32, #tpu.memory_space<hbm>> -> memref<5120xf32, #tpu.memory_space<hbm>>
      %dma_wait3A_655 = tpu.memref_slice %arg4[%add3A_301] : memref<9830400xf32, #tpu.memory_space<hbm>> -> memref<5120xf32, #tpu.memory_space<hbm>>
      %dma_wait3A_656 = arith.constant 0 : i32
      %dma_wait3A_657 = tpu.memref_slice %arg9[%run_scoped3A_302, %dma_wait3A_656] : memref<3x5120xf32, #tpu.memory_space<vmem>> -> memref<1x5120xf32, #tpu.memory_space<vmem>>
      %dma_wait3A_658 = tpu.memref_squeeze %dma_wait3A_657 : memref<1x5120xf32, #tpu.memory_space<vmem>> -> memref<5120xf32, #tpu.memory_space<vmem>>
      tpu.wait_dma2 semaphore(%run_scoped3A_642 : memref<!tpu.dma_semaphore, #tpu.memory_space<semaphore_mem>>) src(%dma_wait3A_658 : memref<5120xf32, #tpu.memory_space<vmem>>) dst(%dma_wait3A_655 : memref<5120xf32, #tpu.memory_space<hbm>>)
      tpu.yield
    }) : () -> ()
    %dma_wait3A_303 = tpu.memref_slice %arg2[%mul3A_2] : memref<3276800xi32, #tpu.memory_space<hbm>> -> memref<5120xi32, #tpu.memory_space<hbm>>
    %dma_wait3A_304 = tpu.memref_slice %arg2[%mul3A_2] : memref<3276800xi32, #tpu.memory_space<hbm>> -> memref<5120xi32, #tpu.memory_space<hbm>>
    tpu.wait_dma2 semaphore(%arg10 : memref<!tpu.dma_semaphore, #tpu.memory_space<semaphore_mem>>) src(%dma_wait3A_304 : memref<5120xi32, #tpu.memory_space<hbm>>) dst(%arg5 : memref<5120xi32, #tpu.memory_space<vmem>>)
    %dma_wait3A_305 = arith.constant 0 : i32
    %dma_wait3A_306 = arith.constant 0 : i32
    %dma_wait3A_307 = tpu.memref_slice %arg3[%dma_wait3A_305, %dma_wait3A_306] : memref<1000000x8xf32, #tpu.memory_space<hbm>> -> memref<5120x8xf32, #tpu.memory_space<hbm>>
    %dma_wait3A_308 = arith.constant 0 : i32
    %dma_wait3A_309 = arith.constant 0 : i32
    %dma_wait3A_310 = tpu.memref_slice %arg3[%dma_wait3A_308, %dma_wait3A_309] : memref<1000000x8xf32, #tpu.memory_space<hbm>> -> memref<5120x8xf32, #tpu.memory_space<hbm>>
    tpu.wait_dma2 semaphore(%arg12 : memref<!tpu.dma_semaphore, #tpu.memory_space<semaphore_mem>>) src(%dma_wait3A_310 : memref<5120x8xf32, #tpu.memory_space<hbm>>) dst(%arg8 : memref<5120x8xf32, #tpu.memory_space<vmem>>)
    %dma_start3A_311 = arith.constant 0 : i32
    %dma_start3A_312 = arith.constant 0 : i32
    %dma_start3A_313 = tpu.memref_slice %arg3[%dma_start3A_311, %dma_start3A_312] : memref<1000000x8xf32, #tpu.memory_space<hbm>> -> memref<1000000x8xf32, #tpu.memory_space<hbm>>
    tpu.enqueue_indirect_dma source(%dma_start3A_313 : memref<1000000x8xf32, #tpu.memory_space<hbm>>) target(%arg7 : memref<5120x8xf32, #tpu.memory_space<vmem>>) offsets(%arg5 : memref<5120xi32, #tpu.memory_space<vmem>>) semaphore(%arg11 : memref<!tpu.dma_semaphore, #tpu.memory_space<semaphore_mem>>)
    %add3A_314 = arith.constant 56320 : i32
    %add3A_315 = arith.addi %mul3A_2, %add3A_314 : i32
    %dma_start3A_316 = tpu.memref_slice %arg2[%add3A_315] : memref<3276800xi32, #tpu.memory_space<hbm>> -> memref<5120xi32, #tpu.memory_space<hbm>>
    %dma_start3A_317 = tpu.memref_slice %arg2[%add3A_315] : memref<3276800xi32, #tpu.memory_space<hbm>> -> memref<5120xi32, #tpu.memory_space<hbm>>
    tpu.enqueue_dma source(%dma_start3A_317 : memref<5120xi32, #tpu.memory_space<hbm>>) target(%arg6 : memref<5120xi32, #tpu.memory_space<vmem>>) target_semaphore(%arg10 : memref<!tpu.dma_semaphore, #tpu.memory_space<semaphore_mem>>)
    %add3A_318 = arith.constant 46080 : i32
    %add3A_319 = arith.addi %mul3A_2, %add3A_318 : i32
    %scan3A_320 = arith.constant 0 : i32
    %scan3A_321 = arith.constant 0 : i32
    %scan3A_322 = arith.constant 320 : i32
    %scan3A_323 = arith.addi %scan3A_321, %scan3A_322 : i32
    %scan3A_324 = arith.constant 1 : i32
    scf.for %scan3A_642 = %scan3A_321 to %scan3A_323 step %scan3A_324  : i32 {
      %mul3A_643 = arith.constant 16 : i32
      %mul3A_644 = arith.muli %mul3A_643, %scan3A_642 : i32
      %add3A_645 = vector.broadcast %mul3A_644 : i32 to vector<16xi32>
      %add3A_646 = arith.addi %add3A_645, %iota3A : vector<16xi32>
      %gather3A = tpu.vector_load_idx %arg8[%add3A_646, %broadcast_in_dim3A_3] : memref<5120x8xf32, #tpu.memory_space<vmem>>[vector<16xi32>, vector<16xi32>], vector<16xf32>,
      %mul3A_647 = arith.constant 16 : i32
      %mul3A_648 = arith.muli %mul3A_647, %scan3A_642 : i32
      %swap3A = arith.constant 0 : i32
      %swap3A_649 = arith.index_cast %swap3A : i32 to index
      %swap3A_650 = arith.index_cast %mul3A_648 : i32 to index
      %swap3A_651 = tpu.vector_load %arg9[%swap3A_649, %swap3A_650] {strides = array<i32>} : memref<3x5120xf32, #tpu.memory_space<vmem>>, vector<16xf32>,
      tpu.vector_store %arg9[%swap3A_649, %swap3A_650], %gather3A {strides = array<i32>} : memref<3x5120xf32, #tpu.memory_space<vmem>>, vector<16xf32>,
      %gather3A_652 = tpu.vector_load_idx %arg8[%add3A_646, %broadcast_in_dim3A_5] : memref<5120x8xf32, #tpu.memory_space<vmem>>[vector<16xi32>, vector<16xi32>], vector<16xf32>,
      %mul3A_653 = arith.constant 16 : i32
      %mul3A_654 = arith.muli %mul3A_653, %scan3A_642 : i32
      %swap3A_655 = arith.constant 1 : i32
      %swap3A_656 = arith.index_cast %swap3A_655 : i32 to index
      %swap3A_657 = arith.index_cast %mul3A_654 : i32 to index
      %swap3A_658 = tpu.vector_load %arg9[%swap3A_656, %swap3A_657] {strides = array<i32>} : memref<3x5120xf32, #tpu.memory_space<vmem>>, vector<16xf32>,
      tpu.vector_store %arg9[%swap3A_656, %swap3A_657], %gather3A_652 {strides = array<i32>} : memref<3x5120xf32, #tpu.memory_space<vmem>>, vector<16xf32>,
      %gather3A_659 = tpu.vector_load_idx %arg8[%add3A_646, %broadcast_in_dim3A_7] : memref<5120x8xf32, #tpu.memory_space<vmem>>[vector<16xi32>, vector<16xi32>], vector<16xf32>,
      %mul3A_660 = arith.constant 16 : i32
      %mul3A_661 = arith.muli %mul3A_660, %scan3A_642 : i32
      %swap3A_662 = arith.constant 2 : i32
      %swap3A_663 = arith.index_cast %swap3A_662 : i32 to index
      %swap3A_664 = arith.index_cast %mul3A_661 : i32 to index
      %swap3A_665 = tpu.vector_load %arg9[%swap3A_663, %swap3A_664] {strides = array<i32>} : memref<3x5120xf32, #tpu.memory_space<vmem>>, vector<16xf32>,
      tpu.vector_store %arg9[%swap3A_663, %swap3A_664], %gather3A_659 {strides = array<i32>} : memref<3x5120xf32, #tpu.memory_space<vmem>>, vector<16xf32>,
    }
    %scan3A_325 = arith.constant 320 : i32
    %add3A_326 = arith.constant 0 : i32
    %add3A_327 = arith.addi %add3A_326, %add3A_319 : i32
    %run_scoped3A_328 = arith.constant 0 : i32
    "tpu.region"() ({
      %run_scoped3A_642 = tpu.sem_alloc : memref<!tpu.dma_semaphore, #tpu.memory_space<semaphore_mem>>
      %dma_start3A_643 = arith.constant 0 : i32
      %dma_start3A_644 = tpu.memref_slice %arg9[%run_scoped3A_328, %dma_start3A_643] : memref<3x5120xf32, #tpu.memory_space<vmem>> -> memref<1x5120xf32, #tpu.memory_space<vmem>>
      %dma_start3A_645 = tpu.memref_squeeze %dma_start3A_644 : memref<1x5120xf32, #tpu.memory_space<vmem>> -> memref<5120xf32, #tpu.memory_space<vmem>>
      %dma_start3A_646 = tpu.memref_slice %arg4[%add3A_327] : memref<9830400xf32, #tpu.memory_space<hbm>> -> memref<5120xf32, #tpu.memory_space<hbm>>
      %dma_start3A_647 = tpu.memref_slice %arg4[%add3A_327] : memref<9830400xf32, #tpu.memory_space<hbm>> -> memref<5120xf32, #tpu.memory_space<hbm>>
      %dma_start3A_648 = arith.constant 0 : i32
      %dma_start3A_649 = tpu.memref_slice %arg9[%run_scoped3A_328, %dma_start3A_648] : memref<3x5120xf32, #tpu.memory_space<vmem>> -> memref<1x5120xf32, #tpu.memory_space<vmem>>
      %dma_start3A_650 = tpu.memref_squeeze %dma_start3A_649 : memref<1x5120xf32, #tpu.memory_space<vmem>> -> memref<5120xf32, #tpu.memory_space<vmem>>
      tpu.enqueue_dma source(%dma_start3A_650 : memref<5120xf32, #tpu.memory_space<vmem>>) target(%dma_start3A_647 : memref<5120xf32, #tpu.memory_space<hbm>>) target_semaphore(%run_scoped3A_642 : memref<!tpu.dma_semaphore, #tpu.memory_space<semaphore_mem>>)
      %dma_wait3A_651 = arith.constant 0 : i32
      %dma_wait3A_652 = tpu.memref_slice %arg9[%run_scoped3A_328, %dma_wait3A_651] : memref<3x5120xf32, #tpu.memory_space<vmem>> -> memref<1x5120xf32, #tpu.memory_space<vmem>>
      %dma_wait3A_653 = tpu.memref_squeeze %dma_wait3A_652 : memref<1x5120xf32, #tpu.memory_space<vmem>> -> memref<5120xf32, #tpu.memory_space<vmem>>
      %dma_wait3A_654 = tpu.memref_slice %arg4[%add3A_327] : memref<9830400xf32, #tpu.memory_space<hbm>> -> memref<5120xf32, #tpu.memory_space<hbm>>
      %dma_wait3A_655 = tpu.memref_slice %arg4[%add3A_327] : memref<9830400xf32, #tpu.memory_space<hbm>> -> memref<5120xf32, #tpu.memory_space<hbm>>
      %dma_wait3A_656 = arith.constant 0 : i32
      %dma_wait3A_657 = tpu.memref_slice %arg9[%run_scoped3A_328, %dma_wait3A_656] : memref<3x5120xf32, #tpu.memory_space<vmem>> -> memref<1x5120xf32, #tpu.memory_space<vmem>>
      %dma_wait3A_658 = tpu.memref_squeeze %dma_wait3A_657 : memref<1x5120xf32, #tpu.memory_space<vmem>> -> memref<5120xf32, #tpu.memory_space<vmem>>
      tpu.wait_dma2 semaphore(%run_scoped3A_642 : memref<!tpu.dma_semaphore, #tpu.memory_space<semaphore_mem>>) src(%dma_wait3A_658 : memref<5120xf32, #tpu.memory_space<vmem>>) dst(%dma_wait3A_655 : memref<5120xf32, #tpu.memory_space<hbm>>)
      tpu.yield
    }) : () -> ()
    %add3A_329 = arith.constant 3276800 : i32
    %add3A_330 = arith.addi %add3A_329, %add3A_319 : i32
    %run_scoped3A_331 = arith.constant 1 : i32
    "tpu.region"() ({
      %run_scoped3A_642 = tpu.sem_alloc : memref<!tpu.dma_semaphore, #tpu.memory_space<semaphore_mem>>
      %dma_start3A_643 = arith.constant 0 : i32
      %dma_start3A_644 = tpu.memref_slice %arg9[%run_scoped3A_331, %dma_start3A_643] : memref<3x5120xf32, #tpu.memory_space<vmem>> -> memref<1x5120xf32, #tpu.memory_space<vmem>>
      %dma_start3A_645 = tpu.memref_squeeze %dma_start3A_644 : memref<1x5120xf32, #tpu.memory_space<vmem>> -> memref<5120xf32, #tpu.memory_space<vmem>>
      %dma_start3A_646 = tpu.memref_slice %arg4[%add3A_330] : memref<9830400xf32, #tpu.memory_space<hbm>> -> memref<5120xf32, #tpu.memory_space<hbm>>
      %dma_start3A_647 = tpu.memref_slice %arg4[%add3A_330] : memref<9830400xf32, #tpu.memory_space<hbm>> -> memref<5120xf32, #tpu.memory_space<hbm>>
      %dma_start3A_648 = arith.constant 0 : i32
      %dma_start3A_649 = tpu.memref_slice %arg9[%run_scoped3A_331, %dma_start3A_648] : memref<3x5120xf32, #tpu.memory_space<vmem>> -> memref<1x5120xf32, #tpu.memory_space<vmem>>
      %dma_start3A_650 = tpu.memref_squeeze %dma_start3A_649 : memref<1x5120xf32, #tpu.memory_space<vmem>> -> memref<5120xf32, #tpu.memory_space<vmem>>
      tpu.enqueue_dma source(%dma_start3A_650 : memref<5120xf32, #tpu.memory_space<vmem>>) target(%dma_start3A_647 : memref<5120xf32, #tpu.memory_space<hbm>>) target_semaphore(%run_scoped3A_642 : memref<!tpu.dma_semaphore, #tpu.memory_space<semaphore_mem>>)
      %dma_wait3A_651 = arith.constant 0 : i32
      %dma_wait3A_652 = tpu.memref_slice %arg9[%run_scoped3A_331, %dma_wait3A_651] : memref<3x5120xf32, #tpu.memory_space<vmem>> -> memref<1x5120xf32, #tpu.memory_space<vmem>>
      %dma_wait3A_653 = tpu.memref_squeeze %dma_wait3A_652 : memref<1x5120xf32, #tpu.memory_space<vmem>> -> memref<5120xf32, #tpu.memory_space<vmem>>
      %dma_wait3A_654 = tpu.memref_slice %arg4[%add3A_330] : memref<9830400xf32, #tpu.memory_space<hbm>> -> memref<5120xf32, #tpu.memory_space<hbm>>
      %dma_wait3A_655 = tpu.memref_slice %arg4[%add3A_330] : memref<9830400xf32, #tpu.memory_space<hbm>> -> memref<5120xf32, #tpu.memory_space<hbm>>
      %dma_wait3A_656 = arith.constant 0 : i32
      %dma_wait3A_657 = tpu.memref_slice %arg9[%run_scoped3A_331, %dma_wait3A_656] : memref<3x5120xf32, #tpu.memory_space<vmem>> -> memref<1x5120xf32, #tpu.memory_space<vmem>>
      %dma_wait3A_658 = tpu.memref_squeeze %dma_wait3A_657 : memref<1x5120xf32, #tpu.memory_space<vmem>> -> memref<5120xf32, #tpu.memory_space<vmem>>
      tpu.wait_dma2 semaphore(%run_scoped3A_642 : memref<!tpu.dma_semaphore, #tpu.memory_space<semaphore_mem>>) src(%dma_wait3A_658 : memref<5120xf32, #tpu.memory_space<vmem>>) dst(%dma_wait3A_655 : memref<5120xf32, #tpu.memory_space<hbm>>)
      tpu.yield
    }) : () -> ()
    %add3A_332 = arith.constant 6553600 : i32
    %add3A_333 = arith.addi %add3A_332, %add3A_319 : i32
    %run_scoped3A_334 = arith.constant 2 : i32
    "tpu.region"() ({
      %run_scoped3A_642 = tpu.sem_alloc : memref<!tpu.dma_semaphore, #tpu.memory_space<semaphore_mem>>
      %dma_start3A_643 = arith.constant 0 : i32
      %dma_start3A_644 = tpu.memref_slice %arg9[%run_scoped3A_334, %dma_start3A_643] : memref<3x5120xf32, #tpu.memory_space<vmem>> -> memref<1x5120xf32, #tpu.memory_space<vmem>>
      %dma_start3A_645 = tpu.memref_squeeze %dma_start3A_644 : memref<1x5120xf32, #tpu.memory_space<vmem>> -> memref<5120xf32, #tpu.memory_space<vmem>>
      %dma_start3A_646 = tpu.memref_slice %arg4[%add3A_333] : memref<9830400xf32, #tpu.memory_space<hbm>> -> memref<5120xf32, #tpu.memory_space<hbm>>
      %dma_start3A_647 = tpu.memref_slice %arg4[%add3A_333] : memref<9830400xf32, #tpu.memory_space<hbm>> -> memref<5120xf32, #tpu.memory_space<hbm>>
      %dma_start3A_648 = arith.constant 0 : i32
      %dma_start3A_649 = tpu.memref_slice %arg9[%run_scoped3A_334, %dma_start3A_648] : memref<3x5120xf32, #tpu.memory_space<vmem>> -> memref<1x5120xf32, #tpu.memory_space<vmem>>
      %dma_start3A_650 = tpu.memref_squeeze %dma_start3A_649 : memref<1x5120xf32, #tpu.memory_space<vmem>> -> memref<5120xf32, #tpu.memory_space<vmem>>
      tpu.enqueue_dma source(%dma_start3A_650 : memref<5120xf32, #tpu.memory_space<vmem>>) target(%dma_start3A_647 : memref<5120xf32, #tpu.memory_space<hbm>>) target_semaphore(%run_scoped3A_642 : memref<!tpu.dma_semaphore, #tpu.memory_space<semaphore_mem>>)
      %dma_wait3A_651 = arith.constant 0 : i32
      %dma_wait3A_652 = tpu.memref_slice %arg9[%run_scoped3A_334, %dma_wait3A_651] : memref<3x5120xf32, #tpu.memory_space<vmem>> -> memref<1x5120xf32, #tpu.memory_space<vmem>>
      %dma_wait3A_653 = tpu.memref_squeeze %dma_wait3A_652 : memref<1x5120xf32, #tpu.memory_space<vmem>> -> memref<5120xf32, #tpu.memory_space<vmem>>
      %dma_wait3A_654 = tpu.memref_slice %arg4[%add3A_333] : memref<9830400xf32, #tpu.memory_space<hbm>> -> memref<5120xf32, #tpu.memory_space<hbm>>
      %dma_wait3A_655 = tpu.memref_slice %arg4[%add3A_333] : memref<9830400xf32, #tpu.memory_space<hbm>> -> memref<5120xf32, #tpu.memory_space<hbm>>
      %dma_wait3A_656 = arith.constant 0 : i32
      %dma_wait3A_657 = tpu.memref_slice %arg9[%run_scoped3A_334, %dma_wait3A_656] : memref<3x5120xf32, #tpu.memory_space<vmem>> -> memref<1x5120xf32, #tpu.memory_space<vmem>>
      %dma_wait3A_658 = tpu.memref_squeeze %dma_wait3A_657 : memref<1x5120xf32, #tpu.memory_space<vmem>> -> memref<5120xf32, #tpu.memory_space<vmem>>
      tpu.wait_dma2 semaphore(%run_scoped3A_642 : memref<!tpu.dma_semaphore, #tpu.memory_space<semaphore_mem>>) src(%dma_wait3A_658 : memref<5120xf32, #tpu.memory_space<vmem>>) dst(%dma_wait3A_655 : memref<5120xf32, #tpu.memory_space<hbm>>)
      tpu.yield
    }) : () -> ()
    %dma_wait3A_335 = tpu.memref_slice %arg2[%mul3A_2] : memref<3276800xi32, #tpu.memory_space<hbm>> -> memref<5120xi32, #tpu.memory_space<hbm>>
    %dma_wait3A_336 = tpu.memref_slice %arg2[%mul3A_2] : memref<3276800xi32, #tpu.memory_space<hbm>> -> memref<5120xi32, #tpu.memory_space<hbm>>
    tpu.wait_dma2 semaphore(%arg10 : memref<!tpu.dma_semaphore, #tpu.memory_space<semaphore_mem>>) src(%dma_wait3A_336 : memref<5120xi32, #tpu.memory_space<hbm>>) dst(%arg6 : memref<5120xi32, #tpu.memory_space<vmem>>)
    %dma_wait3A_337 = arith.constant 0 : i32
    %dma_wait3A_338 = arith.constant 0 : i32
    %dma_wait3A_339 = tpu.memref_slice %arg3[%dma_wait3A_337, %dma_wait3A_338] : memref<1000000x8xf32, #tpu.memory_space<hbm>> -> memref<5120x8xf32, #tpu.memory_space<hbm>>
    %dma_wait3A_340 = arith.constant 0 : i32
    %dma_wait3A_341 = arith.constant 0 : i32
    %dma_wait3A_342 = tpu.memref_slice %arg3[%dma_wait3A_340, %dma_wait3A_341] : memref<1000000x8xf32, #tpu.memory_space<hbm>> -> memref<5120x8xf32, #tpu.memory_space<hbm>>
    tpu.wait_dma2 semaphore(%arg11 : memref<!tpu.dma_semaphore, #tpu.memory_space<semaphore_mem>>) src(%dma_wait3A_342 : memref<5120x8xf32, #tpu.memory_space<hbm>>) dst(%arg7 : memref<5120x8xf32, #tpu.memory_space<vmem>>)
    %dma_start3A_343 = arith.constant 0 : i32
    %dma_start3A_344 = arith.constant 0 : i32
    %dma_start3A_345 = tpu.memref_slice %arg3[%dma_start3A_343, %dma_start3A_344] : memref<1000000x8xf32, #tpu.memory_space<hbm>> -> memref<1000000x8xf32, #tpu.memory_space<hbm>>
    tpu.enqueue_indirect_dma source(%dma_start3A_345 : memref<1000000x8xf32, #tpu.memory_space<hbm>>) target(%arg8 : memref<5120x8xf32, #tpu.memory_space<vmem>>) offsets(%arg6 : memref<5120xi32, #tpu.memory_space<vmem>>) semaphore(%arg12 : memref<!tpu.dma_semaphore, #tpu.memory_space<semaphore_mem>>)
    %add3A_346 = arith.constant 61440 : i32
    %add3A_347 = arith.addi %mul3A_2, %add3A_346 : i32
    %dma_start3A_348 = tpu.memref_slice %arg2[%add3A_347] : memref<3276800xi32, #tpu.memory_space<hbm>> -> memref<5120xi32, #tpu.memory_space<hbm>>
    %dma_start3A_349 = tpu.memref_slice %arg2[%add3A_347] : memref<3276800xi32, #tpu.memory_space<hbm>> -> memref<5120xi32, #tpu.memory_space<hbm>>
    tpu.enqueue_dma source(%dma_start3A_349 : memref<5120xi32, #tpu.memory_space<hbm>>) target(%arg5 : memref<5120xi32, #tpu.memory_space<vmem>>) target_semaphore(%arg10 : memref<!tpu.dma_semaphore, #tpu.memory_space<semaphore_mem>>)
    %add3A_350 = arith.constant 51200 : i32
    %add3A_351 = arith.addi %mul3A_2, %add3A_350 : i32
    %scan3A_352 = arith.constant 0 : i32
    %scan3A_353 = arith.constant 0 : i32
    %scan3A_354 = arith.constant 320 : i32
    %scan3A_355 = arith.addi %scan3A_353, %scan3A_354 : i32
    %scan3A_356 = arith.constant 1 : i32
    scf.for %scan3A_642 = %scan3A_353 to %scan3A_355 step %scan3A_356  : i32 {
      %mul3A_643 = arith.constant 16 : i32
      %mul3A_644 = arith.muli %mul3A_643, %scan3A_642 : i32
      %add3A_645 = vector.broadcast %mul3A_644 : i32 to vector<16xi32>
      %add3A_646 = arith.addi %add3A_645, %iota3A : vector<16xi32>
      %gather3A = tpu.vector_load_idx %arg7[%add3A_646, %broadcast_in_dim3A_3] : memref<5120x8xf32, #tpu.memory_space<vmem>>[vector<16xi32>, vector<16xi32>], vector<16xf32>,
      %mul3A_647 = arith.constant 16 : i32
      %mul3A_648 = arith.muli %mul3A_647, %scan3A_642 : i32
      %swap3A = arith.constant 0 : i32
      %swap3A_649 = arith.index_cast %swap3A : i32 to index
      %swap3A_650 = arith.index_cast %mul3A_648 : i32 to index
      %swap3A_651 = tpu.vector_load %arg9[%swap3A_649, %swap3A_650] {strides = array<i32>} : memref<3x5120xf32, #tpu.memory_space<vmem>>, vector<16xf32>,
      tpu.vector_store %arg9[%swap3A_649, %swap3A_650], %gather3A {strides = array<i32>} : memref<3x5120xf32, #tpu.memory_space<vmem>>, vector<16xf32>,
      %gather3A_652 = tpu.vector_load_idx %arg7[%add3A_646, %broadcast_in_dim3A_5] : memref<5120x8xf32, #tpu.memory_space<vmem>>[vector<16xi32>, vector<16xi32>], vector<16xf32>,
      %mul3A_653 = arith.constant 16 : i32
      %mul3A_654 = arith.muli %mul3A_653, %scan3A_642 : i32
      %swap3A_655 = arith.constant 1 : i32
      %swap3A_656 = arith.index_cast %swap3A_655 : i32 to index
      %swap3A_657 = arith.index_cast %mul3A_654 : i32 to index
      %swap3A_658 = tpu.vector_load %arg9[%swap3A_656, %swap3A_657] {strides = array<i32>} : memref<3x5120xf32, #tpu.memory_space<vmem>>, vector<16xf32>,
      tpu.vector_store %arg9[%swap3A_656, %swap3A_657], %gather3A_652 {strides = array<i32>} : memref<3x5120xf32, #tpu.memory_space<vmem>>, vector<16xf32>,
      %gather3A_659 = tpu.vector_load_idx %arg7[%add3A_646, %broadcast_in_dim3A_7] : memref<5120x8xf32, #tpu.memory_space<vmem>>[vector<16xi32>, vector<16xi32>], vector<16xf32>,
      %mul3A_660 = arith.constant 16 : i32
      %mul3A_661 = arith.muli %mul3A_660, %scan3A_642 : i32
      %swap3A_662 = arith.constant 2 : i32
      %swap3A_663 = arith.index_cast %swap3A_662 : i32 to index
      %swap3A_664 = arith.index_cast %mul3A_661 : i32 to index
      %swap3A_665 = tpu.vector_load %arg9[%swap3A_663, %swap3A_664] {strides = array<i32>} : memref<3x5120xf32, #tpu.memory_space<vmem>>, vector<16xf32>,
      tpu.vector_store %arg9[%swap3A_663, %swap3A_664], %gather3A_659 {strides = array<i32>} : memref<3x5120xf32, #tpu.memory_space<vmem>>, vector<16xf32>,
    }
    %scan3A_357 = arith.constant 320 : i32
    %add3A_358 = arith.constant 0 : i32
    %add3A_359 = arith.addi %add3A_358, %add3A_351 : i32
    %run_scoped3A_360 = arith.constant 0 : i32
    "tpu.region"() ({
      %run_scoped3A_642 = tpu.sem_alloc : memref<!tpu.dma_semaphore, #tpu.memory_space<semaphore_mem>>
      %dma_start3A_643 = arith.constant 0 : i32
      %dma_start3A_644 = tpu.memref_slice %arg9[%run_scoped3A_360, %dma_start3A_643] : memref<3x5120xf32, #tpu.memory_space<vmem>> -> memref<1x5120xf32, #tpu.memory_space<vmem>>
      %dma_start3A_645 = tpu.memref_squeeze %dma_start3A_644 : memref<1x5120xf32, #tpu.memory_space<vmem>> -> memref<5120xf32, #tpu.memory_space<vmem>>
      %dma_start3A_646 = tpu.memref_slice %arg4[%add3A_359] : memref<9830400xf32, #tpu.memory_space<hbm>> -> memref<5120xf32, #tpu.memory_space<hbm>>
      %dma_start3A_647 = tpu.memref_slice %arg4[%add3A_359] : memref<9830400xf32, #tpu.memory_space<hbm>> -> memref<5120xf32, #tpu.memory_space<hbm>>
      %dma_start3A_648 = arith.constant 0 : i32
      %dma_start3A_649 = tpu.memref_slice %arg9[%run_scoped3A_360, %dma_start3A_648] : memref<3x5120xf32, #tpu.memory_space<vmem>> -> memref<1x5120xf32, #tpu.memory_space<vmem>>
      %dma_start3A_650 = tpu.memref_squeeze %dma_start3A_649 : memref<1x5120xf32, #tpu.memory_space<vmem>> -> memref<5120xf32, #tpu.memory_space<vmem>>
      tpu.enqueue_dma source(%dma_start3A_650 : memref<5120xf32, #tpu.memory_space<vmem>>) target(%dma_start3A_647 : memref<5120xf32, #tpu.memory_space<hbm>>) target_semaphore(%run_scoped3A_642 : memref<!tpu.dma_semaphore, #tpu.memory_space<semaphore_mem>>)
      %dma_wait3A_651 = arith.constant 0 : i32
      %dma_wait3A_652 = tpu.memref_slice %arg9[%run_scoped3A_360, %dma_wait3A_651] : memref<3x5120xf32, #tpu.memory_space<vmem>> -> memref<1x5120xf32, #tpu.memory_space<vmem>>
      %dma_wait3A_653 = tpu.memref_squeeze %dma_wait3A_652 : memref<1x5120xf32, #tpu.memory_space<vmem>> -> memref<5120xf32, #tpu.memory_space<vmem>>
      %dma_wait3A_654 = tpu.memref_slice %arg4[%add3A_359] : memref<9830400xf32, #tpu.memory_space<hbm>> -> memref<5120xf32, #tpu.memory_space<hbm>>
      %dma_wait3A_655 = tpu.memref_slice %arg4[%add3A_359] : memref<9830400xf32, #tpu.memory_space<hbm>> -> memref<5120xf32, #tpu.memory_space<hbm>>
      %dma_wait3A_656 = arith.constant 0 : i32
      %dma_wait3A_657 = tpu.memref_slice %arg9[%run_scoped3A_360, %dma_wait3A_656] : memref<3x5120xf32, #tpu.memory_space<vmem>> -> memref<1x5120xf32, #tpu.memory_space<vmem>>
      %dma_wait3A_658 = tpu.memref_squeeze %dma_wait3A_657 : memref<1x5120xf32, #tpu.memory_space<vmem>> -> memref<5120xf32, #tpu.memory_space<vmem>>
      tpu.wait_dma2 semaphore(%run_scoped3A_642 : memref<!tpu.dma_semaphore, #tpu.memory_space<semaphore_mem>>) src(%dma_wait3A_658 : memref<5120xf32, #tpu.memory_space<vmem>>) dst(%dma_wait3A_655 : memref<5120xf32, #tpu.memory_space<hbm>>)
      tpu.yield
    }) : () -> ()
    %add3A_361 = arith.constant 3276800 : i32
    %add3A_362 = arith.addi %add3A_361, %add3A_351 : i32
    %run_scoped3A_363 = arith.constant 1 : i32
    "tpu.region"() ({
      %run_scoped3A_642 = tpu.sem_alloc : memref<!tpu.dma_semaphore, #tpu.memory_space<semaphore_mem>>
      %dma_start3A_643 = arith.constant 0 : i32
      %dma_start3A_644 = tpu.memref_slice %arg9[%run_scoped3A_363, %dma_start3A_643] : memref<3x5120xf32, #tpu.memory_space<vmem>> -> memref<1x5120xf32, #tpu.memory_space<vmem>>
      %dma_start3A_645 = tpu.memref_squeeze %dma_start3A_644 : memref<1x5120xf32, #tpu.memory_space<vmem>> -> memref<5120xf32, #tpu.memory_space<vmem>>
      %dma_start3A_646 = tpu.memref_slice %arg4[%add3A_362] : memref<9830400xf32, #tpu.memory_space<hbm>> -> memref<5120xf32, #tpu.memory_space<hbm>>
      %dma_start3A_647 = tpu.memref_slice %arg4[%add3A_362] : memref<9830400xf32, #tpu.memory_space<hbm>> -> memref<5120xf32, #tpu.memory_space<hbm>>
      %dma_start3A_648 = arith.constant 0 : i32
      %dma_start3A_649 = tpu.memref_slice %arg9[%run_scoped3A_363, %dma_start3A_648] : memref<3x5120xf32, #tpu.memory_space<vmem>> -> memref<1x5120xf32, #tpu.memory_space<vmem>>
      %dma_start3A_650 = tpu.memref_squeeze %dma_start3A_649 : memref<1x5120xf32, #tpu.memory_space<vmem>> -> memref<5120xf32, #tpu.memory_space<vmem>>
      tpu.enqueue_dma source(%dma_start3A_650 : memref<5120xf32, #tpu.memory_space<vmem>>) target(%dma_start3A_647 : memref<5120xf32, #tpu.memory_space<hbm>>) target_semaphore(%run_scoped3A_642 : memref<!tpu.dma_semaphore, #tpu.memory_space<semaphore_mem>>)
      %dma_wait3A_651 = arith.constant 0 : i32
      %dma_wait3A_652 = tpu.memref_slice %arg9[%run_scoped3A_363, %dma_wait3A_651] : memref<3x5120xf32, #tpu.memory_space<vmem>> -> memref<1x5120xf32, #tpu.memory_space<vmem>>
      %dma_wait3A_653 = tpu.memref_squeeze %dma_wait3A_652 : memref<1x5120xf32, #tpu.memory_space<vmem>> -> memref<5120xf32, #tpu.memory_space<vmem>>
      %dma_wait3A_654 = tpu.memref_slice %arg4[%add3A_362] : memref<9830400xf32, #tpu.memory_space<hbm>> -> memref<5120xf32, #tpu.memory_space<hbm>>
      %dma_wait3A_655 = tpu.memref_slice %arg4[%add3A_362] : memref<9830400xf32, #tpu.memory_space<hbm>> -> memref<5120xf32, #tpu.memory_space<hbm>>
      %dma_wait3A_656 = arith.constant 0 : i32
      %dma_wait3A_657 = tpu.memref_slice %arg9[%run_scoped3A_363, %dma_wait3A_656] : memref<3x5120xf32, #tpu.memory_space<vmem>> -> memref<1x5120xf32, #tpu.memory_space<vmem>>
      %dma_wait3A_658 = tpu.memref_squeeze %dma_wait3A_657 : memref<1x5120xf32, #tpu.memory_space<vmem>> -> memref<5120xf32, #tpu.memory_space<vmem>>
      tpu.wait_dma2 semaphore(%run_scoped3A_642 : memref<!tpu.dma_semaphore, #tpu.memory_space<semaphore_mem>>) src(%dma_wait3A_658 : memref<5120xf32, #tpu.memory_space<vmem>>) dst(%dma_wait3A_655 : memref<5120xf32, #tpu.memory_space<hbm>>)
      tpu.yield
    }) : () -> ()
    %add3A_364 = arith.constant 6553600 : i32
    %add3A_365 = arith.addi %add3A_364, %add3A_351 : i32
    %run_scoped3A_366 = arith.constant 2 : i32
    "tpu.region"() ({
      %run_scoped3A_642 = tpu.sem_alloc : memref<!tpu.dma_semaphore, #tpu.memory_space<semaphore_mem>>
      %dma_start3A_643 = arith.constant 0 : i32
      %dma_start3A_644 = tpu.memref_slice %arg9[%run_scoped3A_366, %dma_start3A_643] : memref<3x5120xf32, #tpu.memory_space<vmem>> -> memref<1x5120xf32, #tpu.memory_space<vmem>>
      %dma_start3A_645 = tpu.memref_squeeze %dma_start3A_644 : memref<1x5120xf32, #tpu.memory_space<vmem>> -> memref<5120xf32, #tpu.memory_space<vmem>>
      %dma_start3A_646 = tpu.memref_slice %arg4[%add3A_365] : memref<9830400xf32, #tpu.memory_space<hbm>> -> memref<5120xf32, #tpu.memory_space<hbm>>
      %dma_start3A_647 = tpu.memref_slice %arg4[%add3A_365] : memref<9830400xf32, #tpu.memory_space<hbm>> -> memref<5120xf32, #tpu.memory_space<hbm>>
      %dma_start3A_648 = arith.constant 0 : i32
      %dma_start3A_649 = tpu.memref_slice %arg9[%run_scoped3A_366, %dma_start3A_648] : memref<3x5120xf32, #tpu.memory_space<vmem>> -> memref<1x5120xf32, #tpu.memory_space<vmem>>
      %dma_start3A_650 = tpu.memref_squeeze %dma_start3A_649 : memref<1x5120xf32, #tpu.memory_space<vmem>> -> memref<5120xf32, #tpu.memory_space<vmem>>
      tpu.enqueue_dma source(%dma_start3A_650 : memref<5120xf32, #tpu.memory_space<vmem>>) target(%dma_start3A_647 : memref<5120xf32, #tpu.memory_space<hbm>>) target_semaphore(%run_scoped3A_642 : memref<!tpu.dma_semaphore, #tpu.memory_space<semaphore_mem>>)
      %dma_wait3A_651 = arith.constant 0 : i32
      %dma_wait3A_652 = tpu.memref_slice %arg9[%run_scoped3A_366, %dma_wait3A_651] : memref<3x5120xf32, #tpu.memory_space<vmem>> -> memref<1x5120xf32, #tpu.memory_space<vmem>>
      %dma_wait3A_653 = tpu.memref_squeeze %dma_wait3A_652 : memref<1x5120xf32, #tpu.memory_space<vmem>> -> memref<5120xf32, #tpu.memory_space<vmem>>
      %dma_wait3A_654 = tpu.memref_slice %arg4[%add3A_365] : memref<9830400xf32, #tpu.memory_space<hbm>> -> memref<5120xf32, #tpu.memory_space<hbm>>
      %dma_wait3A_655 = tpu.memref_slice %arg4[%add3A_365] : memref<9830400xf32, #tpu.memory_space<hbm>> -> memref<5120xf32, #tpu.memory_space<hbm>>
      %dma_wait3A_656 = arith.constant 0 : i32
      %dma_wait3A_657 = tpu.memref_slice %arg9[%run_scoped3A_366, %dma_wait3A_656] : memref<3x5120xf32, #tpu.memory_space<vmem>> -> memref<1x5120xf32, #tpu.memory_space<vmem>>
      %dma_wait3A_658 = tpu.memref_squeeze %dma_wait3A_657 : memref<1x5120xf32, #tpu.memory_space<vmem>> -> memref<5120xf32, #tpu.memory_space<vmem>>
      tpu.wait_dma2 semaphore(%run_scoped3A_642 : memref<!tpu.dma_semaphore, #tpu.memory_space<semaphore_mem>>) src(%dma_wait3A_658 : memref<5120xf32, #tpu.memory_space<vmem>>) dst(%dma_wait3A_655 : memref<5120xf32, #tpu.memory_space<hbm>>)
      tpu.yield
    }) : () -> ()
    %dma_wait3A_367 = tpu.memref_slice %arg2[%mul3A_2] : memref<3276800xi32, #tpu.memory_space<hbm>> -> memref<5120xi32, #tpu.memory_space<hbm>>
    %dma_wait3A_368 = tpu.memref_slice %arg2[%mul3A_2] : memref<3276800xi32, #tpu.memory_space<hbm>> -> memref<5120xi32, #tpu.memory_space<hbm>>
    tpu.wait_dma2 semaphore(%arg10 : memref<!tpu.dma_semaphore, #tpu.memory_space<semaphore_mem>>) src(%dma_wait3A_368 : memref<5120xi32, #tpu.memory_space<hbm>>) dst(%arg5 : memref<5120xi32, #tpu.memory_space<vmem>>)
    %dma_wait3A_369 = arith.constant 0 : i32
    %dma_wait3A_370 = arith.constant 0 : i32
    %dma_wait3A_371 = tpu.memref_slice %arg3[%dma_wait3A_369, %dma_wait3A_370] : memref<1000000x8xf32, #tpu.memory_space<hbm>> -> memref<5120x8xf32, #tpu.memory_space<hbm>>
    %dma_wait3A_372 = arith.constant 0 : i32
    %dma_wait3A_373 = arith.constant 0 : i32
    %dma_wait3A_374 = tpu.memref_slice %arg3[%dma_wait3A_372, %dma_wait3A_373] : memref<1000000x8xf32, #tpu.memory_space<hbm>> -> memref<5120x8xf32, #tpu.memory_space<hbm>>
    tpu.wait_dma2 semaphore(%arg12 : memref<!tpu.dma_semaphore, #tpu.memory_space<semaphore_mem>>) src(%dma_wait3A_374 : memref<5120x8xf32, #tpu.memory_space<hbm>>) dst(%arg8 : memref<5120x8xf32, #tpu.memory_space<vmem>>)
    %dma_start3A_375 = arith.constant 0 : i32
    %dma_start3A_376 = arith.constant 0 : i32
    %dma_start3A_377 = tpu.memref_slice %arg3[%dma_start3A_375, %dma_start3A_376] : memref<1000000x8xf32, #tpu.memory_space<hbm>> -> memref<1000000x8xf32, #tpu.memory_space<hbm>>
    tpu.enqueue_indirect_dma source(%dma_start3A_377 : memref<1000000x8xf32, #tpu.memory_space<hbm>>) target(%arg7 : memref<5120x8xf32, #tpu.memory_space<vmem>>) offsets(%arg5 : memref<5120xi32, #tpu.memory_space<vmem>>) semaphore(%arg11 : memref<!tpu.dma_semaphore, #tpu.memory_space<semaphore_mem>>)
    %add3A_378 = arith.constant 66560 : i32
    %add3A_379 = arith.addi %mul3A_2, %add3A_378 : i32
    %dma_start3A_380 = tpu.memref_slice %arg2[%add3A_379] : memref<3276800xi32, #tpu.memory_space<hbm>> -> memref<5120xi32, #tpu.memory_space<hbm>>
    %dma_start3A_381 = tpu.memref_slice %arg2[%add3A_379] : memref<3276800xi32, #tpu.memory_space<hbm>> -> memref<5120xi32, #tpu.memory_space<hbm>>
    tpu.enqueue_dma source(%dma_start3A_381 : memref<5120xi32, #tpu.memory_space<hbm>>) target(%arg6 : memref<5120xi32, #tpu.memory_space<vmem>>) target_semaphore(%arg10 : memref<!tpu.dma_semaphore, #tpu.memory_space<semaphore_mem>>)
    %add3A_382 = arith.constant 56320 : i32
    %add3A_383 = arith.addi %mul3A_2, %add3A_382 : i32
    %scan3A_384 = arith.constant 0 : i32
    %scan3A_385 = arith.constant 0 : i32
    %scan3A_386 = arith.constant 320 : i32
    %scan3A_387 = arith.addi %scan3A_385, %scan3A_386 : i32
    %scan3A_388 = arith.constant 1 : i32
    scf.for %scan3A_642 = %scan3A_385 to %scan3A_387 step %scan3A_388  : i32 {
      %mul3A_643 = arith.constant 16 : i32
      %mul3A_644 = arith.muli %mul3A_643, %scan3A_642 : i32
      %add3A_645 = vector.broadcast %mul3A_644 : i32 to vector<16xi32>
      %add3A_646 = arith.addi %add3A_645, %iota3A : vector<16xi32>
      %gather3A = tpu.vector_load_idx %arg8[%add3A_646, %broadcast_in_dim3A_3] : memref<5120x8xf32, #tpu.memory_space<vmem>>[vector<16xi32>, vector<16xi32>], vector<16xf32>,
      %mul3A_647 = arith.constant 16 : i32
      %mul3A_648 = arith.muli %mul3A_647, %scan3A_642 : i32
      %swap3A = arith.constant 0 : i32
      %swap3A_649 = arith.index_cast %swap3A : i32 to index
      %swap3A_650 = arith.index_cast %mul3A_648 : i32 to index
      %swap3A_651 = tpu.vector_load %arg9[%swap3A_649, %swap3A_650] {strides = array<i32>} : memref<3x5120xf32, #tpu.memory_space<vmem>>, vector<16xf32>,
      tpu.vector_store %arg9[%swap3A_649, %swap3A_650], %gather3A {strides = array<i32>} : memref<3x5120xf32, #tpu.memory_space<vmem>>, vector<16xf32>,
      %gather3A_652 = tpu.vector_load_idx %arg8[%add3A_646, %broadcast_in_dim3A_5] : memref<5120x8xf32, #tpu.memory_space<vmem>>[vector<16xi32>, vector<16xi32>], vector<16xf32>,
      %mul3A_653 = arith.constant 16 : i32
      %mul3A_654 = arith.muli %mul3A_653, %scan3A_642 : i32
      %swap3A_655 = arith.constant 1 : i32
      %swap3A_656 = arith.index_cast %swap3A_655 : i32 to index
      %swap3A_657 = arith.index_cast %mul3A_654 : i32 to index
      %swap3A_658 = tpu.vector_load %arg9[%swap3A_656, %swap3A_657] {strides = array<i32>} : memref<3x5120xf32, #tpu.memory_space<vmem>>, vector<16xf32>,
      tpu.vector_store %arg9[%swap3A_656, %swap3A_657], %gather3A_652 {strides = array<i32>} : memref<3x5120xf32, #tpu.memory_space<vmem>>, vector<16xf32>,
      %gather3A_659 = tpu.vector_load_idx %arg8[%add3A_646, %broadcast_in_dim3A_7] : memref<5120x8xf32, #tpu.memory_space<vmem>>[vector<16xi32>, vector<16xi32>], vector<16xf32>,
      %mul3A_660 = arith.constant 16 : i32
      %mul3A_661 = arith.muli %mul3A_660, %scan3A_642 : i32
      %swap3A_662 = arith.constant 2 : i32
      %swap3A_663 = arith.index_cast %swap3A_662 : i32 to index
      %swap3A_664 = arith.index_cast %mul3A_661 : i32 to index
      %swap3A_665 = tpu.vector_load %arg9[%swap3A_663, %swap3A_664] {strides = array<i32>} : memref<3x5120xf32, #tpu.memory_space<vmem>>, vector<16xf32>,
      tpu.vector_store %arg9[%swap3A_663, %swap3A_664], %gather3A_659 {strides = array<i32>} : memref<3x5120xf32, #tpu.memory_space<vmem>>, vector<16xf32>,
    }
    %scan3A_389 = arith.constant 320 : i32
    %add3A_390 = arith.constant 0 : i32
    %add3A_391 = arith.addi %add3A_390, %add3A_383 : i32
    %run_scoped3A_392 = arith.constant 0 : i32
    "tpu.region"() ({
      %run_scoped3A_642 = tpu.sem_alloc : memref<!tpu.dma_semaphore, #tpu.memory_space<semaphore_mem>>
      %dma_start3A_643 = arith.constant 0 : i32
      %dma_start3A_644 = tpu.memref_slice %arg9[%run_scoped3A_392, %dma_start3A_643] : memref<3x5120xf32, #tpu.memory_space<vmem>> -> memref<1x5120xf32, #tpu.memory_space<vmem>>
      %dma_start3A_645 = tpu.memref_squeeze %dma_start3A_644 : memref<1x5120xf32, #tpu.memory_space<vmem>> -> memref<5120xf32, #tpu.memory_space<vmem>>
      %dma_start3A_646 = tpu.memref_slice %arg4[%add3A_391] : memref<9830400xf32, #tpu.memory_space<hbm>> -> memref<5120xf32, #tpu.memory_space<hbm>>
      %dma_start3A_647 = tpu.memref_slice %arg4[%add3A_391] : memref<9830400xf32, #tpu.memory_space<hbm>> -> memref<5120xf32, #tpu.memory_space<hbm>>
      %dma_start3A_648 = arith.constant 0 : i32
      %dma_start3A_649 = tpu.memref_slice %arg9[%run_scoped3A_392, %dma_start3A_648] : memref<3x5120xf32, #tpu.memory_space<vmem>> -> memref<1x5120xf32, #tpu.memory_space<vmem>>
      %dma_start3A_650 = tpu.memref_squeeze %dma_start3A_649 : memref<1x5120xf32, #tpu.memory_space<vmem>> -> memref<5120xf32, #tpu.memory_space<vmem>>
      tpu.enqueue_dma source(%dma_start3A_650 : memref<5120xf32, #tpu.memory_space<vmem>>) target(%dma_start3A_647 : memref<5120xf32, #tpu.memory_space<hbm>>) target_semaphore(%run_scoped3A_642 : memref<!tpu.dma_semaphore, #tpu.memory_space<semaphore_mem>>)
      %dma_wait3A_651 = arith.constant 0 : i32
      %dma_wait3A_652 = tpu.memref_slice %arg9[%run_scoped3A_392, %dma_wait3A_651] : memref<3x5120xf32, #tpu.memory_space<vmem>> -> memref<1x5120xf32, #tpu.memory_space<vmem>>
      %dma_wait3A_653 = tpu.memref_squeeze %dma_wait3A_652 : memref<1x5120xf32, #tpu.memory_space<vmem>> -> memref<5120xf32, #tpu.memory_space<vmem>>
      %dma_wait3A_654 = tpu.memref_slice %arg4[%add3A_391] : memref<9830400xf32, #tpu.memory_space<hbm>> -> memref<5120xf32, #tpu.memory_space<hbm>>
      %dma_wait3A_655 = tpu.memref_slice %arg4[%add3A_391] : memref<9830400xf32, #tpu.memory_space<hbm>> -> memref<5120xf32, #tpu.memory_space<hbm>>
      %dma_wait3A_656 = arith.constant 0 : i32
      %dma_wait3A_657 = tpu.memref_slice %arg9[%run_scoped3A_392, %dma_wait3A_656] : memref<3x5120xf32, #tpu.memory_space<vmem>> -> memref<1x5120xf32, #tpu.memory_space<vmem>>
      %dma_wait3A_658 = tpu.memref_squeeze %dma_wait3A_657 : memref<1x5120xf32, #tpu.memory_space<vmem>> -> memref<5120xf32, #tpu.memory_space<vmem>>
      tpu.wait_dma2 semaphore(%run_scoped3A_642 : memref<!tpu.dma_semaphore, #tpu.memory_space<semaphore_mem>>) src(%dma_wait3A_658 : memref<5120xf32, #tpu.memory_space<vmem>>) dst(%dma_wait3A_655 : memref<5120xf32, #tpu.memory_space<hbm>>)
      tpu.yield
    }) : () -> ()
    %add3A_393 = arith.constant 3276800 : i32
    %add3A_394 = arith.addi %add3A_393, %add3A_383 : i32
    %run_scoped3A_395 = arith.constant 1 : i32
    "tpu.region"() ({
      %run_scoped3A_642 = tpu.sem_alloc : memref<!tpu.dma_semaphore, #tpu.memory_space<semaphore_mem>>
      %dma_start3A_643 = arith.constant 0 : i32
      %dma_start3A_644 = tpu.memref_slice %arg9[%run_scoped3A_395, %dma_start3A_643] : memref<3x5120xf32, #tpu.memory_space<vmem>> -> memref<1x5120xf32, #tpu.memory_space<vmem>>
      %dma_start3A_645 = tpu.memref_squeeze %dma_start3A_644 : memref<1x5120xf32, #tpu.memory_space<vmem>> -> memref<5120xf32, #tpu.memory_space<vmem>>
      %dma_start3A_646 = tpu.memref_slice %arg4[%add3A_394] : memref<9830400xf32, #tpu.memory_space<hbm>> -> memref<5120xf32, #tpu.memory_space<hbm>>
      %dma_start3A_647 = tpu.memref_slice %arg4[%add3A_394] : memref<9830400xf32, #tpu.memory_space<hbm>> -> memref<5120xf32, #tpu.memory_space<hbm>>
      %dma_start3A_648 = arith.constant 0 : i32
      %dma_start3A_649 = tpu.memref_slice %arg9[%run_scoped3A_395, %dma_start3A_648] : memref<3x5120xf32, #tpu.memory_space<vmem>> -> memref<1x5120xf32, #tpu.memory_space<vmem>>
      %dma_start3A_650 = tpu.memref_squeeze %dma_start3A_649 : memref<1x5120xf32, #tpu.memory_space<vmem>> -> memref<5120xf32, #tpu.memory_space<vmem>>
      tpu.enqueue_dma source(%dma_start3A_650 : memref<5120xf32, #tpu.memory_space<vmem>>) target(%dma_start3A_647 : memref<5120xf32, #tpu.memory_space<hbm>>) target_semaphore(%run_scoped3A_642 : memref<!tpu.dma_semaphore, #tpu.memory_space<semaphore_mem>>)
      %dma_wait3A_651 = arith.constant 0 : i32
      %dma_wait3A_652 = tpu.memref_slice %arg9[%run_scoped3A_395, %dma_wait3A_651] : memref<3x5120xf32, #tpu.memory_space<vmem>> -> memref<1x5120xf32, #tpu.memory_space<vmem>>
      %dma_wait3A_653 = tpu.memref_squeeze %dma_wait3A_652 : memref<1x5120xf32, #tpu.memory_space<vmem>> -> memref<5120xf32, #tpu.memory_space<vmem>>
      %dma_wait3A_654 = tpu.memref_slice %arg4[%add3A_394] : memref<9830400xf32, #tpu.memory_space<hbm>> -> memref<5120xf32, #tpu.memory_space<hbm>>
      %dma_wait3A_655 = tpu.memref_slice %arg4[%add3A_394] : memref<9830400xf32, #tpu.memory_space<hbm>> -> memref<5120xf32, #tpu.memory_space<hbm>>
      %dma_wait3A_656 = arith.constant 0 : i32
      %dma_wait3A_657 = tpu.memref_slice %arg9[%run_scoped3A_395, %dma_wait3A_656] : memref<3x5120xf32, #tpu.memory_space<vmem>> -> memref<1x5120xf32, #tpu.memory_space<vmem>>
      %dma_wait3A_658 = tpu.memref_squeeze %dma_wait3A_657 : memref<1x5120xf32, #tpu.memory_space<vmem>> -> memref<5120xf32, #tpu.memory_space<vmem>>
      tpu.wait_dma2 semaphore(%run_scoped3A_642 : memref<!tpu.dma_semaphore, #tpu.memory_space<semaphore_mem>>) src(%dma_wait3A_658 : memref<5120xf32, #tpu.memory_space<vmem>>) dst(%dma_wait3A_655 : memref<5120xf32, #tpu.memory_space<hbm>>)
      tpu.yield
    }) : () -> ()
    %add3A_396 = arith.constant 6553600 : i32
    %add3A_397 = arith.addi %add3A_396, %add3A_383 : i32
    %run_scoped3A_398 = arith.constant 2 : i32
    "tpu.region"() ({
      %run_scoped3A_642 = tpu.sem_alloc : memref<!tpu.dma_semaphore, #tpu.memory_space<semaphore_mem>>
      %dma_start3A_643 = arith.constant 0 : i32
      %dma_start3A_644 = tpu.memref_slice %arg9[%run_scoped3A_398, %dma_start3A_643] : memref<3x5120xf32, #tpu.memory_space<vmem>> -> memref<1x5120xf32, #tpu.memory_space<vmem>>
      %dma_start3A_645 = tpu.memref_squeeze %dma_start3A_644 : memref<1x5120xf32, #tpu.memory_space<vmem>> -> memref<5120xf32, #tpu.memory_space<vmem>>
      %dma_start3A_646 = tpu.memref_slice %arg4[%add3A_397] : memref<9830400xf32, #tpu.memory_space<hbm>> -> memref<5120xf32, #tpu.memory_space<hbm>>
      %dma_start3A_647 = tpu.memref_slice %arg4[%add3A_397] : memref<9830400xf32, #tpu.memory_space<hbm>> -> memref<5120xf32, #tpu.memory_space<hbm>>
      %dma_start3A_648 = arith.constant 0 : i32
      %dma_start3A_649 = tpu.memref_slice %arg9[%run_scoped3A_398, %dma_start3A_648] : memref<3x5120xf32, #tpu.memory_space<vmem>> -> memref<1x5120xf32, #tpu.memory_space<vmem>>
      %dma_start3A_650 = tpu.memref_squeeze %dma_start3A_649 : memref<1x5120xf32, #tpu.memory_space<vmem>> -> memref<5120xf32, #tpu.memory_space<vmem>>
      tpu.enqueue_dma source(%dma_start3A_650 : memref<5120xf32, #tpu.memory_space<vmem>>) target(%dma_start3A_647 : memref<5120xf32, #tpu.memory_space<hbm>>) target_semaphore(%run_scoped3A_642 : memref<!tpu.dma_semaphore, #tpu.memory_space<semaphore_mem>>)
      %dma_wait3A_651 = arith.constant 0 : i32
      %dma_wait3A_652 = tpu.memref_slice %arg9[%run_scoped3A_398, %dma_wait3A_651] : memref<3x5120xf32, #tpu.memory_space<vmem>> -> memref<1x5120xf32, #tpu.memory_space<vmem>>
      %dma_wait3A_653 = tpu.memref_squeeze %dma_wait3A_652 : memref<1x5120xf32, #tpu.memory_space<vmem>> -> memref<5120xf32, #tpu.memory_space<vmem>>
      %dma_wait3A_654 = tpu.memref_slice %arg4[%add3A_397] : memref<9830400xf32, #tpu.memory_space<hbm>> -> memref<5120xf32, #tpu.memory_space<hbm>>
      %dma_wait3A_655 = tpu.memref_slice %arg4[%add3A_397] : memref<9830400xf32, #tpu.memory_space<hbm>> -> memref<5120xf32, #tpu.memory_space<hbm>>
      %dma_wait3A_656 = arith.constant 0 : i32
      %dma_wait3A_657 = tpu.memref_slice %arg9[%run_scoped3A_398, %dma_wait3A_656] : memref<3x5120xf32, #tpu.memory_space<vmem>> -> memref<1x5120xf32, #tpu.memory_space<vmem>>
      %dma_wait3A_658 = tpu.memref_squeeze %dma_wait3A_657 : memref<1x5120xf32, #tpu.memory_space<vmem>> -> memref<5120xf32, #tpu.memory_space<vmem>>
      tpu.wait_dma2 semaphore(%run_scoped3A_642 : memref<!tpu.dma_semaphore, #tpu.memory_space<semaphore_mem>>) src(%dma_wait3A_658 : memref<5120xf32, #tpu.memory_space<vmem>>) dst(%dma_wait3A_655 : memref<5120xf32, #tpu.memory_space<hbm>>)
      tpu.yield
    }) : () -> ()
    %dma_wait3A_399 = tpu.memref_slice %arg2[%mul3A_2] : memref<3276800xi32, #tpu.memory_space<hbm>> -> memref<5120xi32, #tpu.memory_space<hbm>>
    %dma_wait3A_400 = tpu.memref_slice %arg2[%mul3A_2] : memref<3276800xi32, #tpu.memory_space<hbm>> -> memref<5120xi32, #tpu.memory_space<hbm>>
    tpu.wait_dma2 semaphore(%arg10 : memref<!tpu.dma_semaphore, #tpu.memory_space<semaphore_mem>>) src(%dma_wait3A_400 : memref<5120xi32, #tpu.memory_space<hbm>>) dst(%arg6 : memref<5120xi32, #tpu.memory_space<vmem>>)
    %dma_wait3A_401 = arith.constant 0 : i32
    %dma_wait3A_402 = arith.constant 0 : i32
    %dma_wait3A_403 = tpu.memref_slice %arg3[%dma_wait3A_401, %dma_wait3A_402] : memref<1000000x8xf32, #tpu.memory_space<hbm>> -> memref<5120x8xf32, #tpu.memory_space<hbm>>
    %dma_wait3A_404 = arith.constant 0 : i32
    %dma_wait3A_405 = arith.constant 0 : i32
    %dma_wait3A_406 = tpu.memref_slice %arg3[%dma_wait3A_404, %dma_wait3A_405] : memref<1000000x8xf32, #tpu.memory_space<hbm>> -> memref<5120x8xf32, #tpu.memory_space<hbm>>
    tpu.wait_dma2 semaphore(%arg11 : memref<!tpu.dma_semaphore, #tpu.memory_space<semaphore_mem>>) src(%dma_wait3A_406 : memref<5120x8xf32, #tpu.memory_space<hbm>>) dst(%arg7 : memref<5120x8xf32, #tpu.memory_space<vmem>>)
    %dma_start3A_407 = arith.constant 0 : i32
    %dma_start3A_408 = arith.constant 0 : i32
    %dma_start3A_409 = tpu.memref_slice %arg3[%dma_start3A_407, %dma_start3A_408] : memref<1000000x8xf32, #tpu.memory_space<hbm>> -> memref<1000000x8xf32, #tpu.memory_space<hbm>>
    tpu.enqueue_indirect_dma source(%dma_start3A_409 : memref<1000000x8xf32, #tpu.memory_space<hbm>>) target(%arg8 : memref<5120x8xf32, #tpu.memory_space<vmem>>) offsets(%arg6 : memref<5120xi32, #tpu.memory_space<vmem>>) semaphore(%arg12 : memref<!tpu.dma_semaphore, #tpu.memory_space<semaphore_mem>>)
    %add3A_410 = arith.constant 71680 : i32
    %add3A_411 = arith.addi %mul3A_2, %add3A_410 : i32
    %dma_start3A_412 = tpu.memref_slice %arg2[%add3A_411] : memref<3276800xi32, #tpu.memory_space<hbm>> -> memref<5120xi32, #tpu.memory_space<hbm>>
    %dma_start3A_413 = tpu.memref_slice %arg2[%add3A_411] : memref<3276800xi32, #tpu.memory_space<hbm>> -> memref<5120xi32, #tpu.memory_space<hbm>>
    tpu.enqueue_dma source(%dma_start3A_413 : memref<5120xi32, #tpu.memory_space<hbm>>) target(%arg5 : memref<5120xi32, #tpu.memory_space<vmem>>) target_semaphore(%arg10 : memref<!tpu.dma_semaphore, #tpu.memory_space<semaphore_mem>>)
    %add3A_414 = arith.constant 61440 : i32
    %add3A_415 = arith.addi %mul3A_2, %add3A_414 : i32
    %scan3A_416 = arith.constant 0 : i32
    %scan3A_417 = arith.constant 0 : i32
    %scan3A_418 = arith.constant 320 : i32
    %scan3A_419 = arith.addi %scan3A_417, %scan3A_418 : i32
    %scan3A_420 = arith.constant 1 : i32
    scf.for %scan3A_642 = %scan3A_417 to %scan3A_419 step %scan3A_420  : i32 {
      %mul3A_643 = arith.constant 16 : i32
      %mul3A_644 = arith.muli %mul3A_643, %scan3A_642 : i32
      %add3A_645 = vector.broadcast %mul3A_644 : i32 to vector<16xi32>
      %add3A_646 = arith.addi %add3A_645, %iota3A : vector<16xi32>
      %gather3A = tpu.vector_load_idx %arg7[%add3A_646, %broadcast_in_dim3A_3] : memref<5120x8xf32, #tpu.memory_space<vmem>>[vector<16xi32>, vector<16xi32>], vector<16xf32>,
      %mul3A_647 = arith.constant 16 : i32
      %mul3A_648 = arith.muli %mul3A_647, %scan3A_642 : i32
      %swap3A = arith.constant 0 : i32
      %swap3A_649 = arith.index_cast %swap3A : i32 to index
      %swap3A_650 = arith.index_cast %mul3A_648 : i32 to index
      %swap3A_651 = tpu.vector_load %arg9[%swap3A_649, %swap3A_650] {strides = array<i32>} : memref<3x5120xf32, #tpu.memory_space<vmem>>, vector<16xf32>,
      tpu.vector_store %arg9[%swap3A_649, %swap3A_650], %gather3A {strides = array<i32>} : memref<3x5120xf32, #tpu.memory_space<vmem>>, vector<16xf32>,
      %gather3A_652 = tpu.vector_load_idx %arg7[%add3A_646, %broadcast_in_dim3A_5] : memref<5120x8xf32, #tpu.memory_space<vmem>>[vector<16xi32>, vector<16xi32>], vector<16xf32>,
      %mul3A_653 = arith.constant 16 : i32
      %mul3A_654 = arith.muli %mul3A_653, %scan3A_642 : i32
      %swap3A_655 = arith.constant 1 : i32
      %swap3A_656 = arith.index_cast %swap3A_655 : i32 to index
      %swap3A_657 = arith.index_cast %mul3A_654 : i32 to index
      %swap3A_658 = tpu.vector_load %arg9[%swap3A_656, %swap3A_657] {strides = array<i32>} : memref<3x5120xf32, #tpu.memory_space<vmem>>, vector<16xf32>,
      tpu.vector_store %arg9[%swap3A_656, %swap3A_657], %gather3A_652 {strides = array<i32>} : memref<3x5120xf32, #tpu.memory_space<vmem>>, vector<16xf32>,
      %gather3A_659 = tpu.vector_load_idx %arg7[%add3A_646, %broadcast_in_dim3A_7] : memref<5120x8xf32, #tpu.memory_space<vmem>>[vector<16xi32>, vector<16xi32>], vector<16xf32>,
      %mul3A_660 = arith.constant 16 : i32
      %mul3A_661 = arith.muli %mul3A_660, %scan3A_642 : i32
      %swap3A_662 = arith.constant 2 : i32
      %swap3A_663 = arith.index_cast %swap3A_662 : i32 to index
      %swap3A_664 = arith.index_cast %mul3A_661 : i32 to index
      %swap3A_665 = tpu.vector_load %arg9[%swap3A_663, %swap3A_664] {strides = array<i32>} : memref<3x5120xf32, #tpu.memory_space<vmem>>, vector<16xf32>,
      tpu.vector_store %arg9[%swap3A_663, %swap3A_664], %gather3A_659 {strides = array<i32>} : memref<3x5120xf32, #tpu.memory_space<vmem>>, vector<16xf32>,
    }
    %scan3A_421 = arith.constant 320 : i32
    %add3A_422 = arith.constant 0 : i32
    %add3A_423 = arith.addi %add3A_422, %add3A_415 : i32
    %run_scoped3A_424 = arith.constant 0 : i32
    "tpu.region"() ({
      %run_scoped3A_642 = tpu.sem_alloc : memref<!tpu.dma_semaphore, #tpu.memory_space<semaphore_mem>>
      %dma_start3A_643 = arith.constant 0 : i32
      %dma_start3A_644 = tpu.memref_slice %arg9[%run_scoped3A_424, %dma_start3A_643] : memref<3x5120xf32, #tpu.memory_space<vmem>> -> memref<1x5120xf32, #tpu.memory_space<vmem>>
      %dma_start3A_645 = tpu.memref_squeeze %dma_start3A_644 : memref<1x5120xf32, #tpu.memory_space<vmem>> -> memref<5120xf32, #tpu.memory_space<vmem>>
      %dma_start3A_646 = tpu.memref_slice %arg4[%add3A_423] : memref<9830400xf32, #tpu.memory_space<hbm>> -> memref<5120xf32, #tpu.memory_space<hbm>>
      %dma_start3A_647 = tpu.memref_slice %arg4[%add3A_423] : memref<9830400xf32, #tpu.memory_space<hbm>> -> memref<5120xf32, #tpu.memory_space<hbm>>
      %dma_start3A_648 = arith.constant 0 : i32
      %dma_start3A_649 = tpu.memref_slice %arg9[%run_scoped3A_424, %dma_start3A_648] : memref<3x5120xf32, #tpu.memory_space<vmem>> -> memref<1x5120xf32, #tpu.memory_space<vmem>>
      %dma_start3A_650 = tpu.memref_squeeze %dma_start3A_649 : memref<1x5120xf32, #tpu.memory_space<vmem>> -> memref<5120xf32, #tpu.memory_space<vmem>>
      tpu.enqueue_dma source(%dma_start3A_650 : memref<5120xf32, #tpu.memory_space<vmem>>) target(%dma_start3A_647 : memref<5120xf32, #tpu.memory_space<hbm>>) target_semaphore(%run_scoped3A_642 : memref<!tpu.dma_semaphore, #tpu.memory_space<semaphore_mem>>)
      %dma_wait3A_651 = arith.constant 0 : i32
      %dma_wait3A_652 = tpu.memref_slice %arg9[%run_scoped3A_424, %dma_wait3A_651] : memref<3x5120xf32, #tpu.memory_space<vmem>> -> memref<1x5120xf32, #tpu.memory_space<vmem>>
      %dma_wait3A_653 = tpu.memref_squeeze %dma_wait3A_652 : memref<1x5120xf32, #tpu.memory_space<vmem>> -> memref<5120xf32, #tpu.memory_space<vmem>>
      %dma_wait3A_654 = tpu.memref_slice %arg4[%add3A_423] : memref<9830400xf32, #tpu.memory_space<hbm>> -> memref<5120xf32, #tpu.memory_space<hbm>>
      %dma_wait3A_655 = tpu.memref_slice %arg4[%add3A_423] : memref<9830400xf32, #tpu.memory_space<hbm>> -> memref<5120xf32, #tpu.memory_space<hbm>>
      %dma_wait3A_656 = arith.constant 0 : i32
      %dma_wait3A_657 = tpu.memref_slice %arg9[%run_scoped3A_424, %dma_wait3A_656] : memref<3x5120xf32, #tpu.memory_space<vmem>> -> memref<1x5120xf32, #tpu.memory_space<vmem>>
      %dma_wait3A_658 = tpu.memref_squeeze %dma_wait3A_657 : memref<1x5120xf32, #tpu.memory_space<vmem>> -> memref<5120xf32, #tpu.memory_space<vmem>>
      tpu.wait_dma2 semaphore(%run_scoped3A_642 : memref<!tpu.dma_semaphore, #tpu.memory_space<semaphore_mem>>) src(%dma_wait3A_658 : memref<5120xf32, #tpu.memory_space<vmem>>) dst(%dma_wait3A_655 : memref<5120xf32, #tpu.memory_space<hbm>>)
      tpu.yield
    }) : () -> ()
    %add3A_425 = arith.constant 3276800 : i32
    %add3A_426 = arith.addi %add3A_425, %add3A_415 : i32
    %run_scoped3A_427 = arith.constant 1 : i32
    "tpu.region"() ({
      %run_scoped3A_642 = tpu.sem_alloc : memref<!tpu.dma_semaphore, #tpu.memory_space<semaphore_mem>>
      %dma_start3A_643 = arith.constant 0 : i32
      %dma_start3A_644 = tpu.memref_slice %arg9[%run_scoped3A_427, %dma_start3A_643] : memref<3x5120xf32, #tpu.memory_space<vmem>> -> memref<1x5120xf32, #tpu.memory_space<vmem>>
      %dma_start3A_645 = tpu.memref_squeeze %dma_start3A_644 : memref<1x5120xf32, #tpu.memory_space<vmem>> -> memref<5120xf32, #tpu.memory_space<vmem>>
      %dma_start3A_646 = tpu.memref_slice %arg4[%add3A_426] : memref<9830400xf32, #tpu.memory_space<hbm>> -> memref<5120xf32, #tpu.memory_space<hbm>>
      %dma_start3A_647 = tpu.memref_slice %arg4[%add3A_426] : memref<9830400xf32, #tpu.memory_space<hbm>> -> memref<5120xf32, #tpu.memory_space<hbm>>
      %dma_start3A_648 = arith.constant 0 : i32
      %dma_start3A_649 = tpu.memref_slice %arg9[%run_scoped3A_427, %dma_start3A_648] : memref<3x5120xf32, #tpu.memory_space<vmem>> -> memref<1x5120xf32, #tpu.memory_space<vmem>>
      %dma_start3A_650 = tpu.memref_squeeze %dma_start3A_649 : memref<1x5120xf32, #tpu.memory_space<vmem>> -> memref<5120xf32, #tpu.memory_space<vmem>>
      tpu.enqueue_dma source(%dma_start3A_650 : memref<5120xf32, #tpu.memory_space<vmem>>) target(%dma_start3A_647 : memref<5120xf32, #tpu.memory_space<hbm>>) target_semaphore(%run_scoped3A_642 : memref<!tpu.dma_semaphore, #tpu.memory_space<semaphore_mem>>)
      %dma_wait3A_651 = arith.constant 0 : i32
      %dma_wait3A_652 = tpu.memref_slice %arg9[%run_scoped3A_427, %dma_wait3A_651] : memref<3x5120xf32, #tpu.memory_space<vmem>> -> memref<1x5120xf32, #tpu.memory_space<vmem>>
      %dma_wait3A_653 = tpu.memref_squeeze %dma_wait3A_652 : memref<1x5120xf32, #tpu.memory_space<vmem>> -> memref<5120xf32, #tpu.memory_space<vmem>>
      %dma_wait3A_654 = tpu.memref_slice %arg4[%add3A_426] : memref<9830400xf32, #tpu.memory_space<hbm>> -> memref<5120xf32, #tpu.memory_space<hbm>>
      %dma_wait3A_655 = tpu.memref_slice %arg4[%add3A_426] : memref<9830400xf32, #tpu.memory_space<hbm>> -> memref<5120xf32, #tpu.memory_space<hbm>>
      %dma_wait3A_656 = arith.constant 0 : i32
      %dma_wait3A_657 = tpu.memref_slice %arg9[%run_scoped3A_427, %dma_wait3A_656] : memref<3x5120xf32, #tpu.memory_space<vmem>> -> memref<1x5120xf32, #tpu.memory_space<vmem>>
      %dma_wait3A_658 = tpu.memref_squeeze %dma_wait3A_657 : memref<1x5120xf32, #tpu.memory_space<vmem>> -> memref<5120xf32, #tpu.memory_space<vmem>>
      tpu.wait_dma2 semaphore(%run_scoped3A_642 : memref<!tpu.dma_semaphore, #tpu.memory_space<semaphore_mem>>) src(%dma_wait3A_658 : memref<5120xf32, #tpu.memory_space<vmem>>) dst(%dma_wait3A_655 : memref<5120xf32, #tpu.memory_space<hbm>>)
      tpu.yield
    }) : () -> ()
    %add3A_428 = arith.constant 6553600 : i32
    %add3A_429 = arith.addi %add3A_428, %add3A_415 : i32
    %run_scoped3A_430 = arith.constant 2 : i32
    "tpu.region"() ({
      %run_scoped3A_642 = tpu.sem_alloc : memref<!tpu.dma_semaphore, #tpu.memory_space<semaphore_mem>>
      %dma_start3A_643 = arith.constant 0 : i32
      %dma_start3A_644 = tpu.memref_slice %arg9[%run_scoped3A_430, %dma_start3A_643] : memref<3x5120xf32, #tpu.memory_space<vmem>> -> memref<1x5120xf32, #tpu.memory_space<vmem>>
      %dma_start3A_645 = tpu.memref_squeeze %dma_start3A_644 : memref<1x5120xf32, #tpu.memory_space<vmem>> -> memref<5120xf32, #tpu.memory_space<vmem>>
      %dma_start3A_646 = tpu.memref_slice %arg4[%add3A_429] : memref<9830400xf32, #tpu.memory_space<hbm>> -> memref<5120xf32, #tpu.memory_space<hbm>>
      %dma_start3A_647 = tpu.memref_slice %arg4[%add3A_429] : memref<9830400xf32, #tpu.memory_space<hbm>> -> memref<5120xf32, #tpu.memory_space<hbm>>
      %dma_start3A_648 = arith.constant 0 : i32
      %dma_start3A_649 = tpu.memref_slice %arg9[%run_scoped3A_430, %dma_start3A_648] : memref<3x5120xf32, #tpu.memory_space<vmem>> -> memref<1x5120xf32, #tpu.memory_space<vmem>>
      %dma_start3A_650 = tpu.memref_squeeze %dma_start3A_649 : memref<1x5120xf32, #tpu.memory_space<vmem>> -> memref<5120xf32, #tpu.memory_space<vmem>>
      tpu.enqueue_dma source(%dma_start3A_650 : memref<5120xf32, #tpu.memory_space<vmem>>) target(%dma_start3A_647 : memref<5120xf32, #tpu.memory_space<hbm>>) target_semaphore(%run_scoped3A_642 : memref<!tpu.dma_semaphore, #tpu.memory_space<semaphore_mem>>)
      %dma_wait3A_651 = arith.constant 0 : i32
      %dma_wait3A_652 = tpu.memref_slice %arg9[%run_scoped3A_430, %dma_wait3A_651] : memref<3x5120xf32, #tpu.memory_space<vmem>> -> memref<1x5120xf32, #tpu.memory_space<vmem>>
      %dma_wait3A_653 = tpu.memref_squeeze %dma_wait3A_652 : memref<1x5120xf32, #tpu.memory_space<vmem>> -> memref<5120xf32, #tpu.memory_space<vmem>>
      %dma_wait3A_654 = tpu.memref_slice %arg4[%add3A_429] : memref<9830400xf32, #tpu.memory_space<hbm>> -> memref<5120xf32, #tpu.memory_space<hbm>>
      %dma_wait3A_655 = tpu.memref_slice %arg4[%add3A_429] : memref<9830400xf32, #tpu.memory_space<hbm>> -> memref<5120xf32, #tpu.memory_space<hbm>>
      %dma_wait3A_656 = arith.constant 0 : i32
      %dma_wait3A_657 = tpu.memref_slice %arg9[%run_scoped3A_430, %dma_wait3A_656] : memref<3x5120xf32, #tpu.memory_space<vmem>> -> memref<1x5120xf32, #tpu.memory_space<vmem>>
      %dma_wait3A_658 = tpu.memref_squeeze %dma_wait3A_657 : memref<1x5120xf32, #tpu.memory_space<vmem>> -> memref<5120xf32, #tpu.memory_space<vmem>>
      tpu.wait_dma2 semaphore(%run_scoped3A_642 : memref<!tpu.dma_semaphore, #tpu.memory_space<semaphore_mem>>) src(%dma_wait3A_658 : memref<5120xf32, #tpu.memory_space<vmem>>) dst(%dma_wait3A_655 : memref<5120xf32, #tpu.memory_space<hbm>>)
      tpu.yield
    }) : () -> ()
    %dma_wait3A_431 = tpu.memref_slice %arg2[%mul3A_2] : memref<3276800xi32, #tpu.memory_space<hbm>> -> memref<5120xi32, #tpu.memory_space<hbm>>
    %dma_wait3A_432 = tpu.memref_slice %arg2[%mul3A_2] : memref<3276800xi32, #tpu.memory_space<hbm>> -> memref<5120xi32, #tpu.memory_space<hbm>>
    tpu.wait_dma2 semaphore(%arg10 : memref<!tpu.dma_semaphore, #tpu.memory_space<semaphore_mem>>) src(%dma_wait3A_432 : memref<5120xi32, #tpu.memory_space<hbm>>) dst(%arg5 : memref<5120xi32, #tpu.memory_space<vmem>>)
    %dma_wait3A_433 = arith.constant 0 : i32
    %dma_wait3A_434 = arith.constant 0 : i32
    %dma_wait3A_435 = tpu.memref_slice %arg3[%dma_wait3A_433, %dma_wait3A_434] : memref<1000000x8xf32, #tpu.memory_space<hbm>> -> memref<5120x8xf32, #tpu.memory_space<hbm>>
    %dma_wait3A_436 = arith.constant 0 : i32
    %dma_wait3A_437 = arith.constant 0 : i32
    %dma_wait3A_438 = tpu.memref_slice %arg3[%dma_wait3A_436, %dma_wait3A_437] : memref<1000000x8xf32, #tpu.memory_space<hbm>> -> memref<5120x8xf32, #tpu.memory_space<hbm>>
    tpu.wait_dma2 semaphore(%arg12 : memref<!tpu.dma_semaphore, #tpu.memory_space<semaphore_mem>>) src(%dma_wait3A_438 : memref<5120x8xf32, #tpu.memory_space<hbm>>) dst(%arg8 : memref<5120x8xf32, #tpu.memory_space<vmem>>)
    %dma_start3A_439 = arith.constant 0 : i32
    %dma_start3A_440 = arith.constant 0 : i32
    %dma_start3A_441 = tpu.memref_slice %arg3[%dma_start3A_439, %dma_start3A_440] : memref<1000000x8xf32, #tpu.memory_space<hbm>> -> memref<1000000x8xf32, #tpu.memory_space<hbm>>
    tpu.enqueue_indirect_dma source(%dma_start3A_441 : memref<1000000x8xf32, #tpu.memory_space<hbm>>) target(%arg7 : memref<5120x8xf32, #tpu.memory_space<vmem>>) offsets(%arg5 : memref<5120xi32, #tpu.memory_space<vmem>>) semaphore(%arg11 : memref<!tpu.dma_semaphore, #tpu.memory_space<semaphore_mem>>)
    %add3A_442 = arith.constant 76800 : i32
    %add3A_443 = arith.addi %mul3A_2, %add3A_442 : i32
    %dma_start3A_444 = tpu.memref_slice %arg2[%add3A_443] : memref<3276800xi32, #tpu.memory_space<hbm>> -> memref<5120xi32, #tpu.memory_space<hbm>>
    %dma_start3A_445 = tpu.memref_slice %arg2[%add3A_443] : memref<3276800xi32, #tpu.memory_space<hbm>> -> memref<5120xi32, #tpu.memory_space<hbm>>
    tpu.enqueue_dma source(%dma_start3A_445 : memref<5120xi32, #tpu.memory_space<hbm>>) target(%arg6 : memref<5120xi32, #tpu.memory_space<vmem>>) target_semaphore(%arg10 : memref<!tpu.dma_semaphore, #tpu.memory_space<semaphore_mem>>)
    %add3A_446 = arith.constant 66560 : i32
    %add3A_447 = arith.addi %mul3A_2, %add3A_446 : i32
    %scan3A_448 = arith.constant 0 : i32
    %scan3A_449 = arith.constant 0 : i32
    %scan3A_450 = arith.constant 320 : i32
    %scan3A_451 = arith.addi %scan3A_449, %scan3A_450 : i32
    %scan3A_452 = arith.constant 1 : i32
    scf.for %scan3A_642 = %scan3A_449 to %scan3A_451 step %scan3A_452  : i32 {
      %mul3A_643 = arith.constant 16 : i32
      %mul3A_644 = arith.muli %mul3A_643, %scan3A_642 : i32
      %add3A_645 = vector.broadcast %mul3A_644 : i32 to vector<16xi32>
      %add3A_646 = arith.addi %add3A_645, %iota3A : vector<16xi32>
      %gather3A = tpu.vector_load_idx %arg8[%add3A_646, %broadcast_in_dim3A_3] : memref<5120x8xf32, #tpu.memory_space<vmem>>[vector<16xi32>, vector<16xi32>], vector<16xf32>,
      %mul3A_647 = arith.constant 16 : i32
      %mul3A_648 = arith.muli %mul3A_647, %scan3A_642 : i32
      %swap3A = arith.constant 0 : i32
      %swap3A_649 = arith.index_cast %swap3A : i32 to index
      %swap3A_650 = arith.index_cast %mul3A_648 : i32 to index
      %swap3A_651 = tpu.vector_load %arg9[%swap3A_649, %swap3A_650] {strides = array<i32>} : memref<3x5120xf32, #tpu.memory_space<vmem>>, vector<16xf32>,
      tpu.vector_store %arg9[%swap3A_649, %swap3A_650], %gather3A {strides = array<i32>} : memref<3x5120xf32, #tpu.memory_space<vmem>>, vector<16xf32>,
      %gather3A_652 = tpu.vector_load_idx %arg8[%add3A_646, %broadcast_in_dim3A_5] : memref<5120x8xf32, #tpu.memory_space<vmem>>[vector<16xi32>, vector<16xi32>], vector<16xf32>,
      %mul3A_653 = arith.constant 16 : i32
      %mul3A_654 = arith.muli %mul3A_653, %scan3A_642 : i32
      %swap3A_655 = arith.constant 1 : i32
      %swap3A_656 = arith.index_cast %swap3A_655 : i32 to index
      %swap3A_657 = arith.index_cast %mul3A_654 : i32 to index
      %swap3A_658 = tpu.vector_load %arg9[%swap3A_656, %swap3A_657] {strides = array<i32>} : memref<3x5120xf32, #tpu.memory_space<vmem>>, vector<16xf32>,
      tpu.vector_store %arg9[%swap3A_656, %swap3A_657], %gather3A_652 {strides = array<i32>} : memref<3x5120xf32, #tpu.memory_space<vmem>>, vector<16xf32>,
      %gather3A_659 = tpu.vector_load_idx %arg8[%add3A_646, %broadcast_in_dim3A_7] : memref<5120x8xf32, #tpu.memory_space<vmem>>[vector<16xi32>, vector<16xi32>], vector<16xf32>,
      %mul3A_660 = arith.constant 16 : i32
      %mul3A_661 = arith.muli %mul3A_660, %scan3A_642 : i32
      %swap3A_662 = arith.constant 2 : i32
      %swap3A_663 = arith.index_cast %swap3A_662 : i32 to index
      %swap3A_664 = arith.index_cast %mul3A_661 : i32 to index
      %swap3A_665 = tpu.vector_load %arg9[%swap3A_663, %swap3A_664] {strides = array<i32>} : memref<3x5120xf32, #tpu.memory_space<vmem>>, vector<16xf32>,
      tpu.vector_store %arg9[%swap3A_663, %swap3A_664], %gather3A_659 {strides = array<i32>} : memref<3x5120xf32, #tpu.memory_space<vmem>>, vector<16xf32>,
    }
    %scan3A_453 = arith.constant 320 : i32
    %add3A_454 = arith.constant 0 : i32
    %add3A_455 = arith.addi %add3A_454, %add3A_447 : i32
    %run_scoped3A_456 = arith.constant 0 : i32
    "tpu.region"() ({
      %run_scoped3A_642 = tpu.sem_alloc : memref<!tpu.dma_semaphore, #tpu.memory_space<semaphore_mem>>
      %dma_start3A_643 = arith.constant 0 : i32
      %dma_start3A_644 = tpu.memref_slice %arg9[%run_scoped3A_456, %dma_start3A_643] : memref<3x5120xf32, #tpu.memory_space<vmem>> -> memref<1x5120xf32, #tpu.memory_space<vmem>>
      %dma_start3A_645 = tpu.memref_squeeze %dma_start3A_644 : memref<1x5120xf32, #tpu.memory_space<vmem>> -> memref<5120xf32, #tpu.memory_space<vmem>>
      %dma_start3A_646 = tpu.memref_slice %arg4[%add3A_455] : memref<9830400xf32, #tpu.memory_space<hbm>> -> memref<5120xf32, #tpu.memory_space<hbm>>
      %dma_start3A_647 = tpu.memref_slice %arg4[%add3A_455] : memref<9830400xf32, #tpu.memory_space<hbm>> -> memref<5120xf32, #tpu.memory_space<hbm>>
      %dma_start3A_648 = arith.constant 0 : i32
      %dma_start3A_649 = tpu.memref_slice %arg9[%run_scoped3A_456, %dma_start3A_648] : memref<3x5120xf32, #tpu.memory_space<vmem>> -> memref<1x5120xf32, #tpu.memory_space<vmem>>
      %dma_start3A_650 = tpu.memref_squeeze %dma_start3A_649 : memref<1x5120xf32, #tpu.memory_space<vmem>> -> memref<5120xf32, #tpu.memory_space<vmem>>
      tpu.enqueue_dma source(%dma_start3A_650 : memref<5120xf32, #tpu.memory_space<vmem>>) target(%dma_start3A_647 : memref<5120xf32, #tpu.memory_space<hbm>>) target_semaphore(%run_scoped3A_642 : memref<!tpu.dma_semaphore, #tpu.memory_space<semaphore_mem>>)
      %dma_wait3A_651 = arith.constant 0 : i32
      %dma_wait3A_652 = tpu.memref_slice %arg9[%run_scoped3A_456, %dma_wait3A_651] : memref<3x5120xf32, #tpu.memory_space<vmem>> -> memref<1x5120xf32, #tpu.memory_space<vmem>>
      %dma_wait3A_653 = tpu.memref_squeeze %dma_wait3A_652 : memref<1x5120xf32, #tpu.memory_space<vmem>> -> memref<5120xf32, #tpu.memory_space<vmem>>
      %dma_wait3A_654 = tpu.memref_slice %arg4[%add3A_455] : memref<9830400xf32, #tpu.memory_space<hbm>> -> memref<5120xf32, #tpu.memory_space<hbm>>
      %dma_wait3A_655 = tpu.memref_slice %arg4[%add3A_455] : memref<9830400xf32, #tpu.memory_space<hbm>> -> memref<5120xf32, #tpu.memory_space<hbm>>
      %dma_wait3A_656 = arith.constant 0 : i32
      %dma_wait3A_657 = tpu.memref_slice %arg9[%run_scoped3A_456, %dma_wait3A_656] : memref<3x5120xf32, #tpu.memory_space<vmem>> -> memref<1x5120xf32, #tpu.memory_space<vmem>>
      %dma_wait3A_658 = tpu.memref_squeeze %dma_wait3A_657 : memref<1x5120xf32, #tpu.memory_space<vmem>> -> memref<5120xf32, #tpu.memory_space<vmem>>
      tpu.wait_dma2 semaphore(%run_scoped3A_642 : memref<!tpu.dma_semaphore, #tpu.memory_space<semaphore_mem>>) src(%dma_wait3A_658 : memref<5120xf32, #tpu.memory_space<vmem>>) dst(%dma_wait3A_655 : memref<5120xf32, #tpu.memory_space<hbm>>)
      tpu.yield
    }) : () -> ()
    %add3A_457 = arith.constant 3276800 : i32
    %add3A_458 = arith.addi %add3A_457, %add3A_447 : i32
    %run_scoped3A_459 = arith.constant 1 : i32
    "tpu.region"() ({
      %run_scoped3A_642 = tpu.sem_alloc : memref<!tpu.dma_semaphore, #tpu.memory_space<semaphore_mem>>
      %dma_start3A_643 = arith.constant 0 : i32
      %dma_start3A_644 = tpu.memref_slice %arg9[%run_scoped3A_459, %dma_start3A_643] : memref<3x5120xf32, #tpu.memory_space<vmem>> -> memref<1x5120xf32, #tpu.memory_space<vmem>>
      %dma_start3A_645 = tpu.memref_squeeze %dma_start3A_644 : memref<1x5120xf32, #tpu.memory_space<vmem>> -> memref<5120xf32, #tpu.memory_space<vmem>>
      %dma_start3A_646 = tpu.memref_slice %arg4[%add3A_458] : memref<9830400xf32, #tpu.memory_space<hbm>> -> memref<5120xf32, #tpu.memory_space<hbm>>
      %dma_start3A_647 = tpu.memref_slice %arg4[%add3A_458] : memref<9830400xf32, #tpu.memory_space<hbm>> -> memref<5120xf32, #tpu.memory_space<hbm>>
      %dma_start3A_648 = arith.constant 0 : i32
      %dma_start3A_649 = tpu.memref_slice %arg9[%run_scoped3A_459, %dma_start3A_648] : memref<3x5120xf32, #tpu.memory_space<vmem>> -> memref<1x5120xf32, #tpu.memory_space<vmem>>
      %dma_start3A_650 = tpu.memref_squeeze %dma_start3A_649 : memref<1x5120xf32, #tpu.memory_space<vmem>> -> memref<5120xf32, #tpu.memory_space<vmem>>
      tpu.enqueue_dma source(%dma_start3A_650 : memref<5120xf32, #tpu.memory_space<vmem>>) target(%dma_start3A_647 : memref<5120xf32, #tpu.memory_space<hbm>>) target_semaphore(%run_scoped3A_642 : memref<!tpu.dma_semaphore, #tpu.memory_space<semaphore_mem>>)
      %dma_wait3A_651 = arith.constant 0 : i32
      %dma_wait3A_652 = tpu.memref_slice %arg9[%run_scoped3A_459, %dma_wait3A_651] : memref<3x5120xf32, #tpu.memory_space<vmem>> -> memref<1x5120xf32, #tpu.memory_space<vmem>>
      %dma_wait3A_653 = tpu.memref_squeeze %dma_wait3A_652 : memref<1x5120xf32, #tpu.memory_space<vmem>> -> memref<5120xf32, #tpu.memory_space<vmem>>
      %dma_wait3A_654 = tpu.memref_slice %arg4[%add3A_458] : memref<9830400xf32, #tpu.memory_space<hbm>> -> memref<5120xf32, #tpu.memory_space<hbm>>
      %dma_wait3A_655 = tpu.memref_slice %arg4[%add3A_458] : memref<9830400xf32, #tpu.memory_space<hbm>> -> memref<5120xf32, #tpu.memory_space<hbm>>
      %dma_wait3A_656 = arith.constant 0 : i32
      %dma_wait3A_657 = tpu.memref_slice %arg9[%run_scoped3A_459, %dma_wait3A_656] : memref<3x5120xf32, #tpu.memory_space<vmem>> -> memref<1x5120xf32, #tpu.memory_space<vmem>>
      %dma_wait3A_658 = tpu.memref_squeeze %dma_wait3A_657 : memref<1x5120xf32, #tpu.memory_space<vmem>> -> memref<5120xf32, #tpu.memory_space<vmem>>
      tpu.wait_dma2 semaphore(%run_scoped3A_642 : memref<!tpu.dma_semaphore, #tpu.memory_space<semaphore_mem>>) src(%dma_wait3A_658 : memref<5120xf32, #tpu.memory_space<vmem>>) dst(%dma_wait3A_655 : memref<5120xf32, #tpu.memory_space<hbm>>)
      tpu.yield
    }) : () -> ()
    %add3A_460 = arith.constant 6553600 : i32
    %add3A_461 = arith.addi %add3A_460, %add3A_447 : i32
    %run_scoped3A_462 = arith.constant 2 : i32
    "tpu.region"() ({
      %run_scoped3A_642 = tpu.sem_alloc : memref<!tpu.dma_semaphore, #tpu.memory_space<semaphore_mem>>
      %dma_start3A_643 = arith.constant 0 : i32
      %dma_start3A_644 = tpu.memref_slice %arg9[%run_scoped3A_462, %dma_start3A_643] : memref<3x5120xf32, #tpu.memory_space<vmem>> -> memref<1x5120xf32, #tpu.memory_space<vmem>>
      %dma_start3A_645 = tpu.memref_squeeze %dma_start3A_644 : memref<1x5120xf32, #tpu.memory_space<vmem>> -> memref<5120xf32, #tpu.memory_space<vmem>>
      %dma_start3A_646 = tpu.memref_slice %arg4[%add3A_461] : memref<9830400xf32, #tpu.memory_space<hbm>> -> memref<5120xf32, #tpu.memory_space<hbm>>
      %dma_start3A_647 = tpu.memref_slice %arg4[%add3A_461] : memref<9830400xf32, #tpu.memory_space<hbm>> -> memref<5120xf32, #tpu.memory_space<hbm>>
      %dma_start3A_648 = arith.constant 0 : i32
      %dma_start3A_649 = tpu.memref_slice %arg9[%run_scoped3A_462, %dma_start3A_648] : memref<3x5120xf32, #tpu.memory_space<vmem>> -> memref<1x5120xf32, #tpu.memory_space<vmem>>
      %dma_start3A_650 = tpu.memref_squeeze %dma_start3A_649 : memref<1x5120xf32, #tpu.memory_space<vmem>> -> memref<5120xf32, #tpu.memory_space<vmem>>
      tpu.enqueue_dma source(%dma_start3A_650 : memref<5120xf32, #tpu.memory_space<vmem>>) target(%dma_start3A_647 : memref<5120xf32, #tpu.memory_space<hbm>>) target_semaphore(%run_scoped3A_642 : memref<!tpu.dma_semaphore, #tpu.memory_space<semaphore_mem>>)
      %dma_wait3A_651 = arith.constant 0 : i32
      %dma_wait3A_652 = tpu.memref_slice %arg9[%run_scoped3A_462, %dma_wait3A_651] : memref<3x5120xf32, #tpu.memory_space<vmem>> -> memref<1x5120xf32, #tpu.memory_space<vmem>>
      %dma_wait3A_653 = tpu.memref_squeeze %dma_wait3A_652 : memref<1x5120xf32, #tpu.memory_space<vmem>> -> memref<5120xf32, #tpu.memory_space<vmem>>
      %dma_wait3A_654 = tpu.memref_slice %arg4[%add3A_461] : memref<9830400xf32, #tpu.memory_space<hbm>> -> memref<5120xf32, #tpu.memory_space<hbm>>
      %dma_wait3A_655 = tpu.memref_slice %arg4[%add3A_461] : memref<9830400xf32, #tpu.memory_space<hbm>> -> memref<5120xf32, #tpu.memory_space<hbm>>
      %dma_wait3A_656 = arith.constant 0 : i32
      %dma_wait3A_657 = tpu.memref_slice %arg9[%run_scoped3A_462, %dma_wait3A_656] : memref<3x5120xf32, #tpu.memory_space<vmem>> -> memref<1x5120xf32, #tpu.memory_space<vmem>>
      %dma_wait3A_658 = tpu.memref_squeeze %dma_wait3A_657 : memref<1x5120xf32, #tpu.memory_space<vmem>> -> memref<5120xf32, #tpu.memory_space<vmem>>
      tpu.wait_dma2 semaphore(%run_scoped3A_642 : memref<!tpu.dma_semaphore, #tpu.memory_space<semaphore_mem>>) src(%dma_wait3A_658 : memref<5120xf32, #tpu.memory_space<vmem>>) dst(%dma_wait3A_655 : memref<5120xf32, #tpu.memory_space<hbm>>)
      tpu.yield
    }) : () -> ()
    %dma_wait3A_463 = tpu.memref_slice %arg2[%mul3A_2] : memref<3276800xi32, #tpu.memory_space<hbm>> -> memref<5120xi32, #tpu.memory_space<hbm>>
    %dma_wait3A_464 = tpu.memref_slice %arg2[%mul3A_2] : memref<3276800xi32, #tpu.memory_space<hbm>> -> memref<5120xi32, #tpu.memory_space<hbm>>
    tpu.wait_dma2 semaphore(%arg10 : memref<!tpu.dma_semaphore, #tpu.memory_space<semaphore_mem>>) src(%dma_wait3A_464 : memref<5120xi32, #tpu.memory_space<hbm>>) dst(%arg6 : memref<5120xi32, #tpu.memory_space<vmem>>)
    %dma_wait3A_465 = arith.constant 0 : i32
    %dma_wait3A_466 = arith.constant 0 : i32
    %dma_wait3A_467 = tpu.memref_slice %arg3[%dma_wait3A_465, %dma_wait3A_466] : memref<1000000x8xf32, #tpu.memory_space<hbm>> -> memref<5120x8xf32, #tpu.memory_space<hbm>>
    %dma_wait3A_468 = arith.constant 0 : i32
    %dma_wait3A_469 = arith.constant 0 : i32
    %dma_wait3A_470 = tpu.memref_slice %arg3[%dma_wait3A_468, %dma_wait3A_469] : memref<1000000x8xf32, #tpu.memory_space<hbm>> -> memref<5120x8xf32, #tpu.memory_space<hbm>>
    tpu.wait_dma2 semaphore(%arg11 : memref<!tpu.dma_semaphore, #tpu.memory_space<semaphore_mem>>) src(%dma_wait3A_470 : memref<5120x8xf32, #tpu.memory_space<hbm>>) dst(%arg7 : memref<5120x8xf32, #tpu.memory_space<vmem>>)
    %dma_start3A_471 = arith.constant 0 : i32
    %dma_start3A_472 = arith.constant 0 : i32
    %dma_start3A_473 = tpu.memref_slice %arg3[%dma_start3A_471, %dma_start3A_472] : memref<1000000x8xf32, #tpu.memory_space<hbm>> -> memref<1000000x8xf32, #tpu.memory_space<hbm>>
    tpu.enqueue_indirect_dma source(%dma_start3A_473 : memref<1000000x8xf32, #tpu.memory_space<hbm>>) target(%arg8 : memref<5120x8xf32, #tpu.memory_space<vmem>>) offsets(%arg6 : memref<5120xi32, #tpu.memory_space<vmem>>) semaphore(%arg12 : memref<!tpu.dma_semaphore, #tpu.memory_space<semaphore_mem>>)
    %add3A_474 = arith.constant 81920 : i32
    %add3A_475 = arith.addi %mul3A_2, %add3A_474 : i32
    %dma_start3A_476 = tpu.memref_slice %arg2[%add3A_475] : memref<3276800xi32, #tpu.memory_space<hbm>> -> memref<5120xi32, #tpu.memory_space<hbm>>
    %dma_start3A_477 = tpu.memref_slice %arg2[%add3A_475] : memref<3276800xi32, #tpu.memory_space<hbm>> -> memref<5120xi32, #tpu.memory_space<hbm>>
    tpu.enqueue_dma source(%dma_start3A_477 : memref<5120xi32, #tpu.memory_space<hbm>>) target(%arg5 : memref<5120xi32, #tpu.memory_space<vmem>>) target_semaphore(%arg10 : memref<!tpu.dma_semaphore, #tpu.memory_space<semaphore_mem>>)
    %add3A_478 = arith.constant 71680 : i32
    %add3A_479 = arith.addi %mul3A_2, %add3A_478 : i32
    %scan3A_480 = arith.constant 0 : i32
    %scan3A_481 = arith.constant 0 : i32
    %scan3A_482 = arith.constant 320 : i32
    %scan3A_483 = arith.addi %scan3A_481, %scan3A_482 : i32
    %scan3A_484 = arith.constant 1 : i32
    scf.for %scan3A_642 = %scan3A_481 to %scan3A_483 step %scan3A_484  : i32 {
      %mul3A_643 = arith.constant 16 : i32
      %mul3A_644 = arith.muli %mul3A_643, %scan3A_642 : i32
      %add3A_645 = vector.broadcast %mul3A_644 : i32 to vector<16xi32>
      %add3A_646 = arith.addi %add3A_645, %iota3A : vector<16xi32>
      %gather3A = tpu.vector_load_idx %arg7[%add3A_646, %broadcast_in_dim3A_3] : memref<5120x8xf32, #tpu.memory_space<vmem>>[vector<16xi32>, vector<16xi32>], vector<16xf32>,
      %mul3A_647 = arith.constant 16 : i32
      %mul3A_648 = arith.muli %mul3A_647, %scan3A_642 : i32
      %swap3A = arith.constant 0 : i32
      %swap3A_649 = arith.index_cast %swap3A : i32 to index
      %swap3A_650 = arith.index_cast %mul3A_648 : i32 to index
      %swap3A_651 = tpu.vector_load %arg9[%swap3A_649, %swap3A_650] {strides = array<i32>} : memref<3x5120xf32, #tpu.memory_space<vmem>>, vector<16xf32>,
      tpu.vector_store %arg9[%swap3A_649, %swap3A_650], %gather3A {strides = array<i32>} : memref<3x5120xf32, #tpu.memory_space<vmem>>, vector<16xf32>,
      %gather3A_652 = tpu.vector_load_idx %arg7[%add3A_646, %broadcast_in_dim3A_5] : memref<5120x8xf32, #tpu.memory_space<vmem>>[vector<16xi32>, vector<16xi32>], vector<16xf32>,
      %mul3A_653 = arith.constant 16 : i32
      %mul3A_654 = arith.muli %mul3A_653, %scan3A_642 : i32
      %swap3A_655 = arith.constant 1 : i32
      %swap3A_656 = arith.index_cast %swap3A_655 : i32 to index
      %swap3A_657 = arith.index_cast %mul3A_654 : i32 to index
      %swap3A_658 = tpu.vector_load %arg9[%swap3A_656, %swap3A_657] {strides = array<i32>} : memref<3x5120xf32, #tpu.memory_space<vmem>>, vector<16xf32>,
      tpu.vector_store %arg9[%swap3A_656, %swap3A_657], %gather3A_652 {strides = array<i32>} : memref<3x5120xf32, #tpu.memory_space<vmem>>, vector<16xf32>,
      %gather3A_659 = tpu.vector_load_idx %arg7[%add3A_646, %broadcast_in_dim3A_7] : memref<5120x8xf32, #tpu.memory_space<vmem>>[vector<16xi32>, vector<16xi32>], vector<16xf32>,
      %mul3A_660 = arith.constant 16 : i32
      %mul3A_661 = arith.muli %mul3A_660, %scan3A_642 : i32
      %swap3A_662 = arith.constant 2 : i32
      %swap3A_663 = arith.index_cast %swap3A_662 : i32 to index
      %swap3A_664 = arith.index_cast %mul3A_661 : i32 to index
      %swap3A_665 = tpu.vector_load %arg9[%swap3A_663, %swap3A_664] {strides = array<i32>} : memref<3x5120xf32, #tpu.memory_space<vmem>>, vector<16xf32>,
      tpu.vector_store %arg9[%swap3A_663, %swap3A_664], %gather3A_659 {strides = array<i32>} : memref<3x5120xf32, #tpu.memory_space<vmem>>, vector<16xf32>,
    }
    %scan3A_485 = arith.constant 320 : i32
    %add3A_486 = arith.constant 0 : i32
    %add3A_487 = arith.addi %add3A_486, %add3A_479 : i32
    %run_scoped3A_488 = arith.constant 0 : i32
    "tpu.region"() ({
      %run_scoped3A_642 = tpu.sem_alloc : memref<!tpu.dma_semaphore, #tpu.memory_space<semaphore_mem>>
      %dma_start3A_643 = arith.constant 0 : i32
      %dma_start3A_644 = tpu.memref_slice %arg9[%run_scoped3A_488, %dma_start3A_643] : memref<3x5120xf32, #tpu.memory_space<vmem>> -> memref<1x5120xf32, #tpu.memory_space<vmem>>
      %dma_start3A_645 = tpu.memref_squeeze %dma_start3A_644 : memref<1x5120xf32, #tpu.memory_space<vmem>> -> memref<5120xf32, #tpu.memory_space<vmem>>
      %dma_start3A_646 = tpu.memref_slice %arg4[%add3A_487] : memref<9830400xf32, #tpu.memory_space<hbm>> -> memref<5120xf32, #tpu.memory_space<hbm>>
      %dma_start3A_647 = tpu.memref_slice %arg4[%add3A_487] : memref<9830400xf32, #tpu.memory_space<hbm>> -> memref<5120xf32, #tpu.memory_space<hbm>>
      %dma_start3A_648 = arith.constant 0 : i32
      %dma_start3A_649 = tpu.memref_slice %arg9[%run_scoped3A_488, %dma_start3A_648] : memref<3x5120xf32, #tpu.memory_space<vmem>> -> memref<1x5120xf32, #tpu.memory_space<vmem>>
      %dma_start3A_650 = tpu.memref_squeeze %dma_start3A_649 : memref<1x5120xf32, #tpu.memory_space<vmem>> -> memref<5120xf32, #tpu.memory_space<vmem>>
      tpu.enqueue_dma source(%dma_start3A_650 : memref<5120xf32, #tpu.memory_space<vmem>>) target(%dma_start3A_647 : memref<5120xf32, #tpu.memory_space<hbm>>) target_semaphore(%run_scoped3A_642 : memref<!tpu.dma_semaphore, #tpu.memory_space<semaphore_mem>>)
      %dma_wait3A_651 = arith.constant 0 : i32
      %dma_wait3A_652 = tpu.memref_slice %arg9[%run_scoped3A_488, %dma_wait3A_651] : memref<3x5120xf32, #tpu.memory_space<vmem>> -> memref<1x5120xf32, #tpu.memory_space<vmem>>
      %dma_wait3A_653 = tpu.memref_squeeze %dma_wait3A_652 : memref<1x5120xf32, #tpu.memory_space<vmem>> -> memref<5120xf32, #tpu.memory_space<vmem>>
      %dma_wait3A_654 = tpu.memref_slice %arg4[%add3A_487] : memref<9830400xf32, #tpu.memory_space<hbm>> -> memref<5120xf32, #tpu.memory_space<hbm>>
      %dma_wait3A_655 = tpu.memref_slice %arg4[%add3A_487] : memref<9830400xf32, #tpu.memory_space<hbm>> -> memref<5120xf32, #tpu.memory_space<hbm>>
      %dma_wait3A_656 = arith.constant 0 : i32
      %dma_wait3A_657 = tpu.memref_slice %arg9[%run_scoped3A_488, %dma_wait3A_656] : memref<3x5120xf32, #tpu.memory_space<vmem>> -> memref<1x5120xf32, #tpu.memory_space<vmem>>
      %dma_wait3A_658 = tpu.memref_squeeze %dma_wait3A_657 : memref<1x5120xf32, #tpu.memory_space<vmem>> -> memref<5120xf32, #tpu.memory_space<vmem>>
      tpu.wait_dma2 semaphore(%run_scoped3A_642 : memref<!tpu.dma_semaphore, #tpu.memory_space<semaphore_mem>>) src(%dma_wait3A_658 : memref<5120xf32, #tpu.memory_space<vmem>>) dst(%dma_wait3A_655 : memref<5120xf32, #tpu.memory_space<hbm>>)
      tpu.yield
    }) : () -> ()
    %add3A_489 = arith.constant 3276800 : i32
    %add3A_490 = arith.addi %add3A_489, %add3A_479 : i32
    %run_scoped3A_491 = arith.constant 1 : i32
    "tpu.region"() ({
      %run_scoped3A_642 = tpu.sem_alloc : memref<!tpu.dma_semaphore, #tpu.memory_space<semaphore_mem>>
      %dma_start3A_643 = arith.constant 0 : i32
      %dma_start3A_644 = tpu.memref_slice %arg9[%run_scoped3A_491, %dma_start3A_643] : memref<3x5120xf32, #tpu.memory_space<vmem>> -> memref<1x5120xf32, #tpu.memory_space<vmem>>
      %dma_start3A_645 = tpu.memref_squeeze %dma_start3A_644 : memref<1x5120xf32, #tpu.memory_space<vmem>> -> memref<5120xf32, #tpu.memory_space<vmem>>
      %dma_start3A_646 = tpu.memref_slice %arg4[%add3A_490] : memref<9830400xf32, #tpu.memory_space<hbm>> -> memref<5120xf32, #tpu.memory_space<hbm>>
      %dma_start3A_647 = tpu.memref_slice %arg4[%add3A_490] : memref<9830400xf32, #tpu.memory_space<hbm>> -> memref<5120xf32, #tpu.memory_space<hbm>>
      %dma_start3A_648 = arith.constant 0 : i32
      %dma_start3A_649 = tpu.memref_slice %arg9[%run_scoped3A_491, %dma_start3A_648] : memref<3x5120xf32, #tpu.memory_space<vmem>> -> memref<1x5120xf32, #tpu.memory_space<vmem>>
      %dma_start3A_650 = tpu.memref_squeeze %dma_start3A_649 : memref<1x5120xf32, #tpu.memory_space<vmem>> -> memref<5120xf32, #tpu.memory_space<vmem>>
      tpu.enqueue_dma source(%dma_start3A_650 : memref<5120xf32, #tpu.memory_space<vmem>>) target(%dma_start3A_647 : memref<5120xf32, #tpu.memory_space<hbm>>) target_semaphore(%run_scoped3A_642 : memref<!tpu.dma_semaphore, #tpu.memory_space<semaphore_mem>>)
      %dma_wait3A_651 = arith.constant 0 : i32
      %dma_wait3A_652 = tpu.memref_slice %arg9[%run_scoped3A_491, %dma_wait3A_651] : memref<3x5120xf32, #tpu.memory_space<vmem>> -> memref<1x5120xf32, #tpu.memory_space<vmem>>
      %dma_wait3A_653 = tpu.memref_squeeze %dma_wait3A_652 : memref<1x5120xf32, #tpu.memory_space<vmem>> -> memref<5120xf32, #tpu.memory_space<vmem>>
      %dma_wait3A_654 = tpu.memref_slice %arg4[%add3A_490] : memref<9830400xf32, #tpu.memory_space<hbm>> -> memref<5120xf32, #tpu.memory_space<hbm>>
      %dma_wait3A_655 = tpu.memref_slice %arg4[%add3A_490] : memref<9830400xf32, #tpu.memory_space<hbm>> -> memref<5120xf32, #tpu.memory_space<hbm>>
      %dma_wait3A_656 = arith.constant 0 : i32
      %dma_wait3A_657 = tpu.memref_slice %arg9[%run_scoped3A_491, %dma_wait3A_656] : memref<3x5120xf32, #tpu.memory_space<vmem>> -> memref<1x5120xf32, #tpu.memory_space<vmem>>
      %dma_wait3A_658 = tpu.memref_squeeze %dma_wait3A_657 : memref<1x5120xf32, #tpu.memory_space<vmem>> -> memref<5120xf32, #tpu.memory_space<vmem>>
      tpu.wait_dma2 semaphore(%run_scoped3A_642 : memref<!tpu.dma_semaphore, #tpu.memory_space<semaphore_mem>>) src(%dma_wait3A_658 : memref<5120xf32, #tpu.memory_space<vmem>>) dst(%dma_wait3A_655 : memref<5120xf32, #tpu.memory_space<hbm>>)
      tpu.yield
    }) : () -> ()
    %add3A_492 = arith.constant 6553600 : i32
    %add3A_493 = arith.addi %add3A_492, %add3A_479 : i32
    %run_scoped3A_494 = arith.constant 2 : i32
    "tpu.region"() ({
      %run_scoped3A_642 = tpu.sem_alloc : memref<!tpu.dma_semaphore, #tpu.memory_space<semaphore_mem>>
      %dma_start3A_643 = arith.constant 0 : i32
      %dma_start3A_644 = tpu.memref_slice %arg9[%run_scoped3A_494, %dma_start3A_643] : memref<3x5120xf32, #tpu.memory_space<vmem>> -> memref<1x5120xf32, #tpu.memory_space<vmem>>
      %dma_start3A_645 = tpu.memref_squeeze %dma_start3A_644 : memref<1x5120xf32, #tpu.memory_space<vmem>> -> memref<5120xf32, #tpu.memory_space<vmem>>
      %dma_start3A_646 = tpu.memref_slice %arg4[%add3A_493] : memref<9830400xf32, #tpu.memory_space<hbm>> -> memref<5120xf32, #tpu.memory_space<hbm>>
      %dma_start3A_647 = tpu.memref_slice %arg4[%add3A_493] : memref<9830400xf32, #tpu.memory_space<hbm>> -> memref<5120xf32, #tpu.memory_space<hbm>>
      %dma_start3A_648 = arith.constant 0 : i32
      %dma_start3A_649 = tpu.memref_slice %arg9[%run_scoped3A_494, %dma_start3A_648] : memref<3x5120xf32, #tpu.memory_space<vmem>> -> memref<1x5120xf32, #tpu.memory_space<vmem>>
      %dma_start3A_650 = tpu.memref_squeeze %dma_start3A_649 : memref<1x5120xf32, #tpu.memory_space<vmem>> -> memref<5120xf32, #tpu.memory_space<vmem>>
      tpu.enqueue_dma source(%dma_start3A_650 : memref<5120xf32, #tpu.memory_space<vmem>>) target(%dma_start3A_647 : memref<5120xf32, #tpu.memory_space<hbm>>) target_semaphore(%run_scoped3A_642 : memref<!tpu.dma_semaphore, #tpu.memory_space<semaphore_mem>>)
      %dma_wait3A_651 = arith.constant 0 : i32
      %dma_wait3A_652 = tpu.memref_slice %arg9[%run_scoped3A_494, %dma_wait3A_651] : memref<3x5120xf32, #tpu.memory_space<vmem>> -> memref<1x5120xf32, #tpu.memory_space<vmem>>
      %dma_wait3A_653 = tpu.memref_squeeze %dma_wait3A_652 : memref<1x5120xf32, #tpu.memory_space<vmem>> -> memref<5120xf32, #tpu.memory_space<vmem>>
      %dma_wait3A_654 = tpu.memref_slice %arg4[%add3A_493] : memref<9830400xf32, #tpu.memory_space<hbm>> -> memref<5120xf32, #tpu.memory_space<hbm>>
      %dma_wait3A_655 = tpu.memref_slice %arg4[%add3A_493] : memref<9830400xf32, #tpu.memory_space<hbm>> -> memref<5120xf32, #tpu.memory_space<hbm>>
      %dma_wait3A_656 = arith.constant 0 : i32
      %dma_wait3A_657 = tpu.memref_slice %arg9[%run_scoped3A_494, %dma_wait3A_656] : memref<3x5120xf32, #tpu.memory_space<vmem>> -> memref<1x5120xf32, #tpu.memory_space<vmem>>
      %dma_wait3A_658 = tpu.memref_squeeze %dma_wait3A_657 : memref<1x5120xf32, #tpu.memory_space<vmem>> -> memref<5120xf32, #tpu.memory_space<vmem>>
      tpu.wait_dma2 semaphore(%run_scoped3A_642 : memref<!tpu.dma_semaphore, #tpu.memory_space<semaphore_mem>>) src(%dma_wait3A_658 : memref<5120xf32, #tpu.memory_space<vmem>>) dst(%dma_wait3A_655 : memref<5120xf32, #tpu.memory_space<hbm>>)
      tpu.yield
    }) : () -> ()
    %dma_wait3A_495 = tpu.memref_slice %arg2[%mul3A_2] : memref<3276800xi32, #tpu.memory_space<hbm>> -> memref<5120xi32, #tpu.memory_space<hbm>>
    %dma_wait3A_496 = tpu.memref_slice %arg2[%mul3A_2] : memref<3276800xi32, #tpu.memory_space<hbm>> -> memref<5120xi32, #tpu.memory_space<hbm>>
    tpu.wait_dma2 semaphore(%arg10 : memref<!tpu.dma_semaphore, #tpu.memory_space<semaphore_mem>>) src(%dma_wait3A_496 : memref<5120xi32, #tpu.memory_space<hbm>>) dst(%arg5 : memref<5120xi32, #tpu.memory_space<vmem>>)
    %dma_wait3A_497 = arith.constant 0 : i32
    %dma_wait3A_498 = arith.constant 0 : i32
    %dma_wait3A_499 = tpu.memref_slice %arg3[%dma_wait3A_497, %dma_wait3A_498] : memref<1000000x8xf32, #tpu.memory_space<hbm>> -> memref<5120x8xf32, #tpu.memory_space<hbm>>
    %dma_wait3A_500 = arith.constant 0 : i32
    %dma_wait3A_501 = arith.constant 0 : i32
    %dma_wait3A_502 = tpu.memref_slice %arg3[%dma_wait3A_500, %dma_wait3A_501] : memref<1000000x8xf32, #tpu.memory_space<hbm>> -> memref<5120x8xf32, #tpu.memory_space<hbm>>
    tpu.wait_dma2 semaphore(%arg12 : memref<!tpu.dma_semaphore, #tpu.memory_space<semaphore_mem>>) src(%dma_wait3A_502 : memref<5120x8xf32, #tpu.memory_space<hbm>>) dst(%arg8 : memref<5120x8xf32, #tpu.memory_space<vmem>>)
    %dma_start3A_503 = arith.constant 0 : i32
    %dma_start3A_504 = arith.constant 0 : i32
    %dma_start3A_505 = tpu.memref_slice %arg3[%dma_start3A_503, %dma_start3A_504] : memref<1000000x8xf32, #tpu.memory_space<hbm>> -> memref<1000000x8xf32, #tpu.memory_space<hbm>>
    tpu.enqueue_indirect_dma source(%dma_start3A_505 : memref<1000000x8xf32, #tpu.memory_space<hbm>>) target(%arg7 : memref<5120x8xf32, #tpu.memory_space<vmem>>) offsets(%arg5 : memref<5120xi32, #tpu.memory_space<vmem>>) semaphore(%arg11 : memref<!tpu.dma_semaphore, #tpu.memory_space<semaphore_mem>>)
    %add3A_506 = arith.constant 87040 : i32
    %add3A_507 = arith.addi %mul3A_2, %add3A_506 : i32
    %dma_start3A_508 = tpu.memref_slice %arg2[%add3A_507] : memref<3276800xi32, #tpu.memory_space<hbm>> -> memref<5120xi32, #tpu.memory_space<hbm>>
    %dma_start3A_509 = tpu.memref_slice %arg2[%add3A_507] : memref<3276800xi32, #tpu.memory_space<hbm>> -> memref<5120xi32, #tpu.memory_space<hbm>>
    tpu.enqueue_dma source(%dma_start3A_509 : memref<5120xi32, #tpu.memory_space<hbm>>) target(%arg6 : memref<5120xi32, #tpu.memory_space<vmem>>) target_semaphore(%arg10 : memref<!tpu.dma_semaphore, #tpu.memory_space<semaphore_mem>>)
    %add3A_510 = arith.constant 76800 : i32
    %add3A_511 = arith.addi %mul3A_2, %add3A_510 : i32
    %scan3A_512 = arith.constant 0 : i32
    %scan3A_513 = arith.constant 0 : i32
    %scan3A_514 = arith.constant 320 : i32
    %scan3A_515 = arith.addi %scan3A_513, %scan3A_514 : i32
    %scan3A_516 = arith.constant 1 : i32
    scf.for %scan3A_642 = %scan3A_513 to %scan3A_515 step %scan3A_516  : i32 {
      %mul3A_643 = arith.constant 16 : i32
      %mul3A_644 = arith.muli %mul3A_643, %scan3A_642 : i32
      %add3A_645 = vector.broadcast %mul3A_644 : i32 to vector<16xi32>
      %add3A_646 = arith.addi %add3A_645, %iota3A : vector<16xi32>
      %gather3A = tpu.vector_load_idx %arg8[%add3A_646, %broadcast_in_dim3A_3] : memref<5120x8xf32, #tpu.memory_space<vmem>>[vector<16xi32>, vector<16xi32>], vector<16xf32>,
      %mul3A_647 = arith.constant 16 : i32
      %mul3A_648 = arith.muli %mul3A_647, %scan3A_642 : i32
      %swap3A = arith.constant 0 : i32
      %swap3A_649 = arith.index_cast %swap3A : i32 to index
      %swap3A_650 = arith.index_cast %mul3A_648 : i32 to index
      %swap3A_651 = tpu.vector_load %arg9[%swap3A_649, %swap3A_650] {strides = array<i32>} : memref<3x5120xf32, #tpu.memory_space<vmem>>, vector<16xf32>,
      tpu.vector_store %arg9[%swap3A_649, %swap3A_650], %gather3A {strides = array<i32>} : memref<3x5120xf32, #tpu.memory_space<vmem>>, vector<16xf32>,
      %gather3A_652 = tpu.vector_load_idx %arg8[%add3A_646, %broadcast_in_dim3A_5] : memref<5120x8xf32, #tpu.memory_space<vmem>>[vector<16xi32>, vector<16xi32>], vector<16xf32>,
      %mul3A_653 = arith.constant 16 : i32
      %mul3A_654 = arith.muli %mul3A_653, %scan3A_642 : i32
      %swap3A_655 = arith.constant 1 : i32
      %swap3A_656 = arith.index_cast %swap3A_655 : i32 to index
      %swap3A_657 = arith.index_cast %mul3A_654 : i32 to index
      %swap3A_658 = tpu.vector_load %arg9[%swap3A_656, %swap3A_657] {strides = array<i32>} : memref<3x5120xf32, #tpu.memory_space<vmem>>, vector<16xf32>,
      tpu.vector_store %arg9[%swap3A_656, %swap3A_657], %gather3A_652 {strides = array<i32>} : memref<3x5120xf32, #tpu.memory_space<vmem>>, vector<16xf32>,
      %gather3A_659 = tpu.vector_load_idx %arg8[%add3A_646, %broadcast_in_dim3A_7] : memref<5120x8xf32, #tpu.memory_space<vmem>>[vector<16xi32>, vector<16xi32>], vector<16xf32>,
      %mul3A_660 = arith.constant 16 : i32
      %mul3A_661 = arith.muli %mul3A_660, %scan3A_642 : i32
      %swap3A_662 = arith.constant 2 : i32
      %swap3A_663 = arith.index_cast %swap3A_662 : i32 to index
      %swap3A_664 = arith.index_cast %mul3A_661 : i32 to index
      %swap3A_665 = tpu.vector_load %arg9[%swap3A_663, %swap3A_664] {strides = array<i32>} : memref<3x5120xf32, #tpu.memory_space<vmem>>, vector<16xf32>,
      tpu.vector_store %arg9[%swap3A_663, %swap3A_664], %gather3A_659 {strides = array<i32>} : memref<3x5120xf32, #tpu.memory_space<vmem>>, vector<16xf32>,
    }
    %scan3A_517 = arith.constant 320 : i32
    %add3A_518 = arith.constant 0 : i32
    %add3A_519 = arith.addi %add3A_518, %add3A_511 : i32
    %run_scoped3A_520 = arith.constant 0 : i32
    "tpu.region"() ({
      %run_scoped3A_642 = tpu.sem_alloc : memref<!tpu.dma_semaphore, #tpu.memory_space<semaphore_mem>>
      %dma_start3A_643 = arith.constant 0 : i32
      %dma_start3A_644 = tpu.memref_slice %arg9[%run_scoped3A_520, %dma_start3A_643] : memref<3x5120xf32, #tpu.memory_space<vmem>> -> memref<1x5120xf32, #tpu.memory_space<vmem>>
      %dma_start3A_645 = tpu.memref_squeeze %dma_start3A_644 : memref<1x5120xf32, #tpu.memory_space<vmem>> -> memref<5120xf32, #tpu.memory_space<vmem>>
      %dma_start3A_646 = tpu.memref_slice %arg4[%add3A_519] : memref<9830400xf32, #tpu.memory_space<hbm>> -> memref<5120xf32, #tpu.memory_space<hbm>>
      %dma_start3A_647 = tpu.memref_slice %arg4[%add3A_519] : memref<9830400xf32, #tpu.memory_space<hbm>> -> memref<5120xf32, #tpu.memory_space<hbm>>
      %dma_start3A_648 = arith.constant 0 : i32
      %dma_start3A_649 = tpu.memref_slice %arg9[%run_scoped3A_520, %dma_start3A_648] : memref<3x5120xf32, #tpu.memory_space<vmem>> -> memref<1x5120xf32, #tpu.memory_space<vmem>>
      %dma_start3A_650 = tpu.memref_squeeze %dma_start3A_649 : memref<1x5120xf32, #tpu.memory_space<vmem>> -> memref<5120xf32, #tpu.memory_space<vmem>>
      tpu.enqueue_dma source(%dma_start3A_650 : memref<5120xf32, #tpu.memory_space<vmem>>) target(%dma_start3A_647 : memref<5120xf32, #tpu.memory_space<hbm>>) target_semaphore(%run_scoped3A_642 : memref<!tpu.dma_semaphore, #tpu.memory_space<semaphore_mem>>)
      %dma_wait3A_651 = arith.constant 0 : i32
      %dma_wait3A_652 = tpu.memref_slice %arg9[%run_scoped3A_520, %dma_wait3A_651] : memref<3x5120xf32, #tpu.memory_space<vmem>> -> memref<1x5120xf32, #tpu.memory_space<vmem>>
      %dma_wait3A_653 = tpu.memref_squeeze %dma_wait3A_652 : memref<1x5120xf32, #tpu.memory_space<vmem>> -> memref<5120xf32, #tpu.memory_space<vmem>>
      %dma_wait3A_654 = tpu.memref_slice %arg4[%add3A_519] : memref<9830400xf32, #tpu.memory_space<hbm>> -> memref<5120xf32, #tpu.memory_space<hbm>>
      %dma_wait3A_655 = tpu.memref_slice %arg4[%add3A_519] : memref<9830400xf32, #tpu.memory_space<hbm>> -> memref<5120xf32, #tpu.memory_space<hbm>>
      %dma_wait3A_656 = arith.constant 0 : i32
      %dma_wait3A_657 = tpu.memref_slice %arg9[%run_scoped3A_520, %dma_wait3A_656] : memref<3x5120xf32, #tpu.memory_space<vmem>> -> memref<1x5120xf32, #tpu.memory_space<vmem>>
      %dma_wait3A_658 = tpu.memref_squeeze %dma_wait3A_657 : memref<1x5120xf32, #tpu.memory_space<vmem>> -> memref<5120xf32, #tpu.memory_space<vmem>>
      tpu.wait_dma2 semaphore(%run_scoped3A_642 : memref<!tpu.dma_semaphore, #tpu.memory_space<semaphore_mem>>) src(%dma_wait3A_658 : memref<5120xf32, #tpu.memory_space<vmem>>) dst(%dma_wait3A_655 : memref<5120xf32, #tpu.memory_space<hbm>>)
      tpu.yield
    }) : () -> ()
    %add3A_521 = arith.constant 3276800 : i32
    %add3A_522 = arith.addi %add3A_521, %add3A_511 : i32
    %run_scoped3A_523 = arith.constant 1 : i32
    "tpu.region"() ({
      %run_scoped3A_642 = tpu.sem_alloc : memref<!tpu.dma_semaphore, #tpu.memory_space<semaphore_mem>>
      %dma_start3A_643 = arith.constant 0 : i32
      %dma_start3A_644 = tpu.memref_slice %arg9[%run_scoped3A_523, %dma_start3A_643] : memref<3x5120xf32, #tpu.memory_space<vmem>> -> memref<1x5120xf32, #tpu.memory_space<vmem>>
      %dma_start3A_645 = tpu.memref_squeeze %dma_start3A_644 : memref<1x5120xf32, #tpu.memory_space<vmem>> -> memref<5120xf32, #tpu.memory_space<vmem>>
      %dma_start3A_646 = tpu.memref_slice %arg4[%add3A_522] : memref<9830400xf32, #tpu.memory_space<hbm>> -> memref<5120xf32, #tpu.memory_space<hbm>>
      %dma_start3A_647 = tpu.memref_slice %arg4[%add3A_522] : memref<9830400xf32, #tpu.memory_space<hbm>> -> memref<5120xf32, #tpu.memory_space<hbm>>
      %dma_start3A_648 = arith.constant 0 : i32
      %dma_start3A_649 = tpu.memref_slice %arg9[%run_scoped3A_523, %dma_start3A_648] : memref<3x5120xf32, #tpu.memory_space<vmem>> -> memref<1x5120xf32, #tpu.memory_space<vmem>>
      %dma_start3A_650 = tpu.memref_squeeze %dma_start3A_649 : memref<1x5120xf32, #tpu.memory_space<vmem>> -> memref<5120xf32, #tpu.memory_space<vmem>>
      tpu.enqueue_dma source(%dma_start3A_650 : memref<5120xf32, #tpu.memory_space<vmem>>) target(%dma_start3A_647 : memref<5120xf32, #tpu.memory_space<hbm>>) target_semaphore(%run_scoped3A_642 : memref<!tpu.dma_semaphore, #tpu.memory_space<semaphore_mem>>)
      %dma_wait3A_651 = arith.constant 0 : i32
      %dma_wait3A_652 = tpu.memref_slice %arg9[%run_scoped3A_523, %dma_wait3A_651] : memref<3x5120xf32, #tpu.memory_space<vmem>> -> memref<1x5120xf32, #tpu.memory_space<vmem>>
      %dma_wait3A_653 = tpu.memref_squeeze %dma_wait3A_652 : memref<1x5120xf32, #tpu.memory_space<vmem>> -> memref<5120xf32, #tpu.memory_space<vmem>>
      %dma_wait3A_654 = tpu.memref_slice %arg4[%add3A_522] : memref<9830400xf32, #tpu.memory_space<hbm>> -> memref<5120xf32, #tpu.memory_space<hbm>>
      %dma_wait3A_655 = tpu.memref_slice %arg4[%add3A_522] : memref<9830400xf32, #tpu.memory_space<hbm>> -> memref<5120xf32, #tpu.memory_space<hbm>>
      %dma_wait3A_656 = arith.constant 0 : i32
      %dma_wait3A_657 = tpu.memref_slice %arg9[%run_scoped3A_523, %dma_wait3A_656] : memref<3x5120xf32, #tpu.memory_space<vmem>> -> memref<1x5120xf32, #tpu.memory_space<vmem>>
      %dma_wait3A_658 = tpu.memref_squeeze %dma_wait3A_657 : memref<1x5120xf32, #tpu.memory_space<vmem>> -> memref<5120xf32, #tpu.memory_space<vmem>>
      tpu.wait_dma2 semaphore(%run_scoped3A_642 : memref<!tpu.dma_semaphore, #tpu.memory_space<semaphore_mem>>) src(%dma_wait3A_658 : memref<5120xf32, #tpu.memory_space<vmem>>) dst(%dma_wait3A_655 : memref<5120xf32, #tpu.memory_space<hbm>>)
      tpu.yield
    }) : () -> ()
    %add3A_524 = arith.constant 6553600 : i32
    %add3A_525 = arith.addi %add3A_524, %add3A_511 : i32
    %run_scoped3A_526 = arith.constant 2 : i32
    "tpu.region"() ({
      %run_scoped3A_642 = tpu.sem_alloc : memref<!tpu.dma_semaphore, #tpu.memory_space<semaphore_mem>>
      %dma_start3A_643 = arith.constant 0 : i32
      %dma_start3A_644 = tpu.memref_slice %arg9[%run_scoped3A_526, %dma_start3A_643] : memref<3x5120xf32, #tpu.memory_space<vmem>> -> memref<1x5120xf32, #tpu.memory_space<vmem>>
      %dma_start3A_645 = tpu.memref_squeeze %dma_start3A_644 : memref<1x5120xf32, #tpu.memory_space<vmem>> -> memref<5120xf32, #tpu.memory_space<vmem>>
      %dma_start3A_646 = tpu.memref_slice %arg4[%add3A_525] : memref<9830400xf32, #tpu.memory_space<hbm>> -> memref<5120xf32, #tpu.memory_space<hbm>>
      %dma_start3A_647 = tpu.memref_slice %arg4[%add3A_525] : memref<9830400xf32, #tpu.memory_space<hbm>> -> memref<5120xf32, #tpu.memory_space<hbm>>
      %dma_start3A_648 = arith.constant 0 : i32
      %dma_start3A_649 = tpu.memref_slice %arg9[%run_scoped3A_526, %dma_start3A_648] : memref<3x5120xf32, #tpu.memory_space<vmem>> -> memref<1x5120xf32, #tpu.memory_space<vmem>>
      %dma_start3A_650 = tpu.memref_squeeze %dma_start3A_649 : memref<1x5120xf32, #tpu.memory_space<vmem>> -> memref<5120xf32, #tpu.memory_space<vmem>>
      tpu.enqueue_dma source(%dma_start3A_650 : memref<5120xf32, #tpu.memory_space<vmem>>) target(%dma_start3A_647 : memref<5120xf32, #tpu.memory_space<hbm>>) target_semaphore(%run_scoped3A_642 : memref<!tpu.dma_semaphore, #tpu.memory_space<semaphore_mem>>)
      %dma_wait3A_651 = arith.constant 0 : i32
      %dma_wait3A_652 = tpu.memref_slice %arg9[%run_scoped3A_526, %dma_wait3A_651] : memref<3x5120xf32, #tpu.memory_space<vmem>> -> memref<1x5120xf32, #tpu.memory_space<vmem>>
      %dma_wait3A_653 = tpu.memref_squeeze %dma_wait3A_652 : memref<1x5120xf32, #tpu.memory_space<vmem>> -> memref<5120xf32, #tpu.memory_space<vmem>>
      %dma_wait3A_654 = tpu.memref_slice %arg4[%add3A_525] : memref<9830400xf32, #tpu.memory_space<hbm>> -> memref<5120xf32, #tpu.memory_space<hbm>>
      %dma_wait3A_655 = tpu.memref_slice %arg4[%add3A_525] : memref<9830400xf32, #tpu.memory_space<hbm>> -> memref<5120xf32, #tpu.memory_space<hbm>>
      %dma_wait3A_656 = arith.constant 0 : i32
      %dma_wait3A_657 = tpu.memref_slice %arg9[%run_scoped3A_526, %dma_wait3A_656] : memref<3x5120xf32, #tpu.memory_space<vmem>> -> memref<1x5120xf32, #tpu.memory_space<vmem>>
      %dma_wait3A_658 = tpu.memref_squeeze %dma_wait3A_657 : memref<1x5120xf32, #tpu.memory_space<vmem>> -> memref<5120xf32, #tpu.memory_space<vmem>>
      tpu.wait_dma2 semaphore(%run_scoped3A_642 : memref<!tpu.dma_semaphore, #tpu.memory_space<semaphore_mem>>) src(%dma_wait3A_658 : memref<5120xf32, #tpu.memory_space<vmem>>) dst(%dma_wait3A_655 : memref<5120xf32, #tpu.memory_space<hbm>>)
      tpu.yield
    }) : () -> ()
    %dma_wait3A_527 = tpu.memref_slice %arg2[%mul3A_2] : memref<3276800xi32, #tpu.memory_space<hbm>> -> memref<5120xi32, #tpu.memory_space<hbm>>
    %dma_wait3A_528 = tpu.memref_slice %arg2[%mul3A_2] : memref<3276800xi32, #tpu.memory_space<hbm>> -> memref<5120xi32, #tpu.memory_space<hbm>>
    tpu.wait_dma2 semaphore(%arg10 : memref<!tpu.dma_semaphore, #tpu.memory_space<semaphore_mem>>) src(%dma_wait3A_528 : memref<5120xi32, #tpu.memory_space<hbm>>) dst(%arg6 : memref<5120xi32, #tpu.memory_space<vmem>>)
    %dma_wait3A_529 = arith.constant 0 : i32
    %dma_wait3A_530 = arith.constant 0 : i32
    %dma_wait3A_531 = tpu.memref_slice %arg3[%dma_wait3A_529, %dma_wait3A_530] : memref<1000000x8xf32, #tpu.memory_space<hbm>> -> memref<5120x8xf32, #tpu.memory_space<hbm>>
    %dma_wait3A_532 = arith.constant 0 : i32
    %dma_wait3A_533 = arith.constant 0 : i32
    %dma_wait3A_534 = tpu.memref_slice %arg3[%dma_wait3A_532, %dma_wait3A_533] : memref<1000000x8xf32, #tpu.memory_space<hbm>> -> memref<5120x8xf32, #tpu.memory_space<hbm>>
    tpu.wait_dma2 semaphore(%arg11 : memref<!tpu.dma_semaphore, #tpu.memory_space<semaphore_mem>>) src(%dma_wait3A_534 : memref<5120x8xf32, #tpu.memory_space<hbm>>) dst(%arg7 : memref<5120x8xf32, #tpu.memory_space<vmem>>)
    %dma_start3A_535 = arith.constant 0 : i32
    %dma_start3A_536 = arith.constant 0 : i32
    %dma_start3A_537 = tpu.memref_slice %arg3[%dma_start3A_535, %dma_start3A_536] : memref<1000000x8xf32, #tpu.memory_space<hbm>> -> memref<1000000x8xf32, #tpu.memory_space<hbm>>
    tpu.enqueue_indirect_dma source(%dma_start3A_537 : memref<1000000x8xf32, #tpu.memory_space<hbm>>) target(%arg8 : memref<5120x8xf32, #tpu.memory_space<vmem>>) offsets(%arg6 : memref<5120xi32, #tpu.memory_space<vmem>>) semaphore(%arg12 : memref<!tpu.dma_semaphore, #tpu.memory_space<semaphore_mem>>)
    %add3A_538 = arith.constant 92160 : i32
    %add3A_539 = arith.addi %mul3A_2, %add3A_538 : i32
    %dma_start3A_540 = tpu.memref_slice %arg2[%add3A_539] : memref<3276800xi32, #tpu.memory_space<hbm>> -> memref<5120xi32, #tpu.memory_space<hbm>>
    %dma_start3A_541 = tpu.memref_slice %arg2[%add3A_539] : memref<3276800xi32, #tpu.memory_space<hbm>> -> memref<5120xi32, #tpu.memory_space<hbm>>
    tpu.enqueue_dma source(%dma_start3A_541 : memref<5120xi32, #tpu.memory_space<hbm>>) target(%arg5 : memref<5120xi32, #tpu.memory_space<vmem>>) target_semaphore(%arg10 : memref<!tpu.dma_semaphore, #tpu.memory_space<semaphore_mem>>)
    %add3A_542 = arith.constant 81920 : i32
    %add3A_543 = arith.addi %mul3A_2, %add3A_542 : i32
    %scan3A_544 = arith.constant 0 : i32
    %scan3A_545 = arith.constant 0 : i32
    %scan3A_546 = arith.constant 320 : i32
    %scan3A_547 = arith.addi %scan3A_545, %scan3A_546 : i32
    %scan3A_548 = arith.constant 1 : i32
    scf.for %scan3A_642 = %scan3A_545 to %scan3A_547 step %scan3A_548  : i32 {
      %mul3A_643 = arith.constant 16 : i32
      %mul3A_644 = arith.muli %mul3A_643, %scan3A_642 : i32
      %add3A_645 = vector.broadcast %mul3A_644 : i32 to vector<16xi32>
      %add3A_646 = arith.addi %add3A_645, %iota3A : vector<16xi32>
      %gather3A = tpu.vector_load_idx %arg7[%add3A_646, %broadcast_in_dim3A_3] : memref<5120x8xf32, #tpu.memory_space<vmem>>[vector<16xi32>, vector<16xi32>], vector<16xf32>,
      %mul3A_647 = arith.constant 16 : i32
      %mul3A_648 = arith.muli %mul3A_647, %scan3A_642 : i32
      %swap3A = arith.constant 0 : i32
      %swap3A_649 = arith.index_cast %swap3A : i32 to index
      %swap3A_650 = arith.index_cast %mul3A_648 : i32 to index
      %swap3A_651 = tpu.vector_load %arg9[%swap3A_649, %swap3A_650] {strides = array<i32>} : memref<3x5120xf32, #tpu.memory_space<vmem>>, vector<16xf32>,
      tpu.vector_store %arg9[%swap3A_649, %swap3A_650], %gather3A {strides = array<i32>} : memref<3x5120xf32, #tpu.memory_space<vmem>>, vector<16xf32>,
      %gather3A_652 = tpu.vector_load_idx %arg7[%add3A_646, %broadcast_in_dim3A_5] : memref<5120x8xf32, #tpu.memory_space<vmem>>[vector<16xi32>, vector<16xi32>], vector<16xf32>,
      %mul3A_653 = arith.constant 16 : i32
      %mul3A_654 = arith.muli %mul3A_653, %scan3A_642 : i32
      %swap3A_655 = arith.constant 1 : i32
      %swap3A_656 = arith.index_cast %swap3A_655 : i32 to index
      %swap3A_657 = arith.index_cast %mul3A_654 : i32 to index
      %swap3A_658 = tpu.vector_load %arg9[%swap3A_656, %swap3A_657] {strides = array<i32>} : memref<3x5120xf32, #tpu.memory_space<vmem>>, vector<16xf32>,
      tpu.vector_store %arg9[%swap3A_656, %swap3A_657], %gather3A_652 {strides = array<i32>} : memref<3x5120xf32, #tpu.memory_space<vmem>>, vector<16xf32>,
      %gather3A_659 = tpu.vector_load_idx %arg7[%add3A_646, %broadcast_in_dim3A_7] : memref<5120x8xf32, #tpu.memory_space<vmem>>[vector<16xi32>, vector<16xi32>], vector<16xf32>,
      %mul3A_660 = arith.constant 16 : i32
      %mul3A_661 = arith.muli %mul3A_660, %scan3A_642 : i32
      %swap3A_662 = arith.constant 2 : i32
      %swap3A_663 = arith.index_cast %swap3A_662 : i32 to index
      %swap3A_664 = arith.index_cast %mul3A_661 : i32 to index
      %swap3A_665 = tpu.vector_load %arg9[%swap3A_663, %swap3A_664] {strides = array<i32>} : memref<3x5120xf32, #tpu.memory_space<vmem>>, vector<16xf32>,
      tpu.vector_store %arg9[%swap3A_663, %swap3A_664], %gather3A_659 {strides = array<i32>} : memref<3x5120xf32, #tpu.memory_space<vmem>>, vector<16xf32>,
    }
    %scan3A_549 = arith.constant 320 : i32
    %add3A_550 = arith.constant 0 : i32
    %add3A_551 = arith.addi %add3A_550, %add3A_543 : i32
    %run_scoped3A_552 = arith.constant 0 : i32
    "tpu.region"() ({
      %run_scoped3A_642 = tpu.sem_alloc : memref<!tpu.dma_semaphore, #tpu.memory_space<semaphore_mem>>
      %dma_start3A_643 = arith.constant 0 : i32
      %dma_start3A_644 = tpu.memref_slice %arg9[%run_scoped3A_552, %dma_start3A_643] : memref<3x5120xf32, #tpu.memory_space<vmem>> -> memref<1x5120xf32, #tpu.memory_space<vmem>>
      %dma_start3A_645 = tpu.memref_squeeze %dma_start3A_644 : memref<1x5120xf32, #tpu.memory_space<vmem>> -> memref<5120xf32, #tpu.memory_space<vmem>>
      %dma_start3A_646 = tpu.memref_slice %arg4[%add3A_551] : memref<9830400xf32, #tpu.memory_space<hbm>> -> memref<5120xf32, #tpu.memory_space<hbm>>
      %dma_start3A_647 = tpu.memref_slice %arg4[%add3A_551] : memref<9830400xf32, #tpu.memory_space<hbm>> -> memref<5120xf32, #tpu.memory_space<hbm>>
      %dma_start3A_648 = arith.constant 0 : i32
      %dma_start3A_649 = tpu.memref_slice %arg9[%run_scoped3A_552, %dma_start3A_648] : memref<3x5120xf32, #tpu.memory_space<vmem>> -> memref<1x5120xf32, #tpu.memory_space<vmem>>
      %dma_start3A_650 = tpu.memref_squeeze %dma_start3A_649 : memref<1x5120xf32, #tpu.memory_space<vmem>> -> memref<5120xf32, #tpu.memory_space<vmem>>
      tpu.enqueue_dma source(%dma_start3A_650 : memref<5120xf32, #tpu.memory_space<vmem>>) target(%dma_start3A_647 : memref<5120xf32, #tpu.memory_space<hbm>>) target_semaphore(%run_scoped3A_642 : memref<!tpu.dma_semaphore, #tpu.memory_space<semaphore_mem>>)
      %dma_wait3A_651 = arith.constant 0 : i32
      %dma_wait3A_652 = tpu.memref_slice %arg9[%run_scoped3A_552, %dma_wait3A_651] : memref<3x5120xf32, #tpu.memory_space<vmem>> -> memref<1x5120xf32, #tpu.memory_space<vmem>>
      %dma_wait3A_653 = tpu.memref_squeeze %dma_wait3A_652 : memref<1x5120xf32, #tpu.memory_space<vmem>> -> memref<5120xf32, #tpu.memory_space<vmem>>
      %dma_wait3A_654 = tpu.memref_slice %arg4[%add3A_551] : memref<9830400xf32, #tpu.memory_space<hbm>> -> memref<5120xf32, #tpu.memory_space<hbm>>
      %dma_wait3A_655 = tpu.memref_slice %arg4[%add3A_551] : memref<9830400xf32, #tpu.memory_space<hbm>> -> memref<5120xf32, #tpu.memory_space<hbm>>
      %dma_wait3A_656 = arith.constant 0 : i32
      %dma_wait3A_657 = tpu.memref_slice %arg9[%run_scoped3A_552, %dma_wait3A_656] : memref<3x5120xf32, #tpu.memory_space<vmem>> -> memref<1x5120xf32, #tpu.memory_space<vmem>>
      %dma_wait3A_658 = tpu.memref_squeeze %dma_wait3A_657 : memref<1x5120xf32, #tpu.memory_space<vmem>> -> memref<5120xf32, #tpu.memory_space<vmem>>
      tpu.wait_dma2 semaphore(%run_scoped3A_642 : memref<!tpu.dma_semaphore, #tpu.memory_space<semaphore_mem>>) src(%dma_wait3A_658 : memref<5120xf32, #tpu.memory_space<vmem>>) dst(%dma_wait3A_655 : memref<5120xf32, #tpu.memory_space<hbm>>)
      tpu.yield
    }) : () -> ()
    %add3A_553 = arith.constant 3276800 : i32
    %add3A_554 = arith.addi %add3A_553, %add3A_543 : i32
    %run_scoped3A_555 = arith.constant 1 : i32
    "tpu.region"() ({
      %run_scoped3A_642 = tpu.sem_alloc : memref<!tpu.dma_semaphore, #tpu.memory_space<semaphore_mem>>
      %dma_start3A_643 = arith.constant 0 : i32
      %dma_start3A_644 = tpu.memref_slice %arg9[%run_scoped3A_555, %dma_start3A_643] : memref<3x5120xf32, #tpu.memory_space<vmem>> -> memref<1x5120xf32, #tpu.memory_space<vmem>>
      %dma_start3A_645 = tpu.memref_squeeze %dma_start3A_644 : memref<1x5120xf32, #tpu.memory_space<vmem>> -> memref<5120xf32, #tpu.memory_space<vmem>>
      %dma_start3A_646 = tpu.memref_slice %arg4[%add3A_554] : memref<9830400xf32, #tpu.memory_space<hbm>> -> memref<5120xf32, #tpu.memory_space<hbm>>
      %dma_start3A_647 = tpu.memref_slice %arg4[%add3A_554] : memref<9830400xf32, #tpu.memory_space<hbm>> -> memref<5120xf32, #tpu.memory_space<hbm>>
      %dma_start3A_648 = arith.constant 0 : i32
      %dma_start3A_649 = tpu.memref_slice %arg9[%run_scoped3A_555, %dma_start3A_648] : memref<3x5120xf32, #tpu.memory_space<vmem>> -> memref<1x5120xf32, #tpu.memory_space<vmem>>
      %dma_start3A_650 = tpu.memref_squeeze %dma_start3A_649 : memref<1x5120xf32, #tpu.memory_space<vmem>> -> memref<5120xf32, #tpu.memory_space<vmem>>
      tpu.enqueue_dma source(%dma_start3A_650 : memref<5120xf32, #tpu.memory_space<vmem>>) target(%dma_start3A_647 : memref<5120xf32, #tpu.memory_space<hbm>>) target_semaphore(%run_scoped3A_642 : memref<!tpu.dma_semaphore, #tpu.memory_space<semaphore_mem>>)
      %dma_wait3A_651 = arith.constant 0 : i32
      %dma_wait3A_652 = tpu.memref_slice %arg9[%run_scoped3A_555, %dma_wait3A_651] : memref<3x5120xf32, #tpu.memory_space<vmem>> -> memref<1x5120xf32, #tpu.memory_space<vmem>>
      %dma_wait3A_653 = tpu.memref_squeeze %dma_wait3A_652 : memref<1x5120xf32, #tpu.memory_space<vmem>> -> memref<5120xf32, #tpu.memory_space<vmem>>
      %dma_wait3A_654 = tpu.memref_slice %arg4[%add3A_554] : memref<9830400xf32, #tpu.memory_space<hbm>> -> memref<5120xf32, #tpu.memory_space<hbm>>
      %dma_wait3A_655 = tpu.memref_slice %arg4[%add3A_554] : memref<9830400xf32, #tpu.memory_space<hbm>> -> memref<5120xf32, #tpu.memory_space<hbm>>
      %dma_wait3A_656 = arith.constant 0 : i32
      %dma_wait3A_657 = tpu.memref_slice %arg9[%run_scoped3A_555, %dma_wait3A_656] : memref<3x5120xf32, #tpu.memory_space<vmem>> -> memref<1x5120xf32, #tpu.memory_space<vmem>>
      %dma_wait3A_658 = tpu.memref_squeeze %dma_wait3A_657 : memref<1x5120xf32, #tpu.memory_space<vmem>> -> memref<5120xf32, #tpu.memory_space<vmem>>
      tpu.wait_dma2 semaphore(%run_scoped3A_642 : memref<!tpu.dma_semaphore, #tpu.memory_space<semaphore_mem>>) src(%dma_wait3A_658 : memref<5120xf32, #tpu.memory_space<vmem>>) dst(%dma_wait3A_655 : memref<5120xf32, #tpu.memory_space<hbm>>)
      tpu.yield
    }) : () -> ()
    %add3A_556 = arith.constant 6553600 : i32
    %add3A_557 = arith.addi %add3A_556, %add3A_543 : i32
    %run_scoped3A_558 = arith.constant 2 : i32
    "tpu.region"() ({
      %run_scoped3A_642 = tpu.sem_alloc : memref<!tpu.dma_semaphore, #tpu.memory_space<semaphore_mem>>
      %dma_start3A_643 = arith.constant 0 : i32
      %dma_start3A_644 = tpu.memref_slice %arg9[%run_scoped3A_558, %dma_start3A_643] : memref<3x5120xf32, #tpu.memory_space<vmem>> -> memref<1x5120xf32, #tpu.memory_space<vmem>>
      %dma_start3A_645 = tpu.memref_squeeze %dma_start3A_644 : memref<1x5120xf32, #tpu.memory_space<vmem>> -> memref<5120xf32, #tpu.memory_space<vmem>>
      %dma_start3A_646 = tpu.memref_slice %arg4[%add3A_557] : memref<9830400xf32, #tpu.memory_space<hbm>> -> memref<5120xf32, #tpu.memory_space<hbm>>
      %dma_start3A_647 = tpu.memref_slice %arg4[%add3A_557] : memref<9830400xf32, #tpu.memory_space<hbm>> -> memref<5120xf32, #tpu.memory_space<hbm>>
      %dma_start3A_648 = arith.constant 0 : i32
      %dma_start3A_649 = tpu.memref_slice %arg9[%run_scoped3A_558, %dma_start3A_648] : memref<3x5120xf32, #tpu.memory_space<vmem>> -> memref<1x5120xf32, #tpu.memory_space<vmem>>
      %dma_start3A_650 = tpu.memref_squeeze %dma_start3A_649 : memref<1x5120xf32, #tpu.memory_space<vmem>> -> memref<5120xf32, #tpu.memory_space<vmem>>
      tpu.enqueue_dma source(%dma_start3A_650 : memref<5120xf32, #tpu.memory_space<vmem>>) target(%dma_start3A_647 : memref<5120xf32, #tpu.memory_space<hbm>>) target_semaphore(%run_scoped3A_642 : memref<!tpu.dma_semaphore, #tpu.memory_space<semaphore_mem>>)
      %dma_wait3A_651 = arith.constant 0 : i32
      %dma_wait3A_652 = tpu.memref_slice %arg9[%run_scoped3A_558, %dma_wait3A_651] : memref<3x5120xf32, #tpu.memory_space<vmem>> -> memref<1x5120xf32, #tpu.memory_space<vmem>>
      %dma_wait3A_653 = tpu.memref_squeeze %dma_wait3A_652 : memref<1x5120xf32, #tpu.memory_space<vmem>> -> memref<5120xf32, #tpu.memory_space<vmem>>
      %dma_wait3A_654 = tpu.memref_slice %arg4[%add3A_557] : memref<9830400xf32, #tpu.memory_space<hbm>> -> memref<5120xf32, #tpu.memory_space<hbm>>
      %dma_wait3A_655 = tpu.memref_slice %arg4[%add3A_557] : memref<9830400xf32, #tpu.memory_space<hbm>> -> memref<5120xf32, #tpu.memory_space<hbm>>
      %dma_wait3A_656 = arith.constant 0 : i32
      %dma_wait3A_657 = tpu.memref_slice %arg9[%run_scoped3A_558, %dma_wait3A_656] : memref<3x5120xf32, #tpu.memory_space<vmem>> -> memref<1x5120xf32, #tpu.memory_space<vmem>>
      %dma_wait3A_658 = tpu.memref_squeeze %dma_wait3A_657 : memref<1x5120xf32, #tpu.memory_space<vmem>> -> memref<5120xf32, #tpu.memory_space<vmem>>
      tpu.wait_dma2 semaphore(%run_scoped3A_642 : memref<!tpu.dma_semaphore, #tpu.memory_space<semaphore_mem>>) src(%dma_wait3A_658 : memref<5120xf32, #tpu.memory_space<vmem>>) dst(%dma_wait3A_655 : memref<5120xf32, #tpu.memory_space<hbm>>)
      tpu.yield
    }) : () -> ()
    %dma_wait3A_559 = tpu.memref_slice %arg2[%mul3A_2] : memref<3276800xi32, #tpu.memory_space<hbm>> -> memref<5120xi32, #tpu.memory_space<hbm>>
    %dma_wait3A_560 = tpu.memref_slice %arg2[%mul3A_2] : memref<3276800xi32, #tpu.memory_space<hbm>> -> memref<5120xi32, #tpu.memory_space<hbm>>
    tpu.wait_dma2 semaphore(%arg10 : memref<!tpu.dma_semaphore, #tpu.memory_space<semaphore_mem>>) src(%dma_wait3A_560 : memref<5120xi32, #tpu.memory_space<hbm>>) dst(%arg5 : memref<5120xi32, #tpu.memory_space<vmem>>)
    %dma_wait3A_561 = arith.constant 0 : i32
    %dma_wait3A_562 = arith.constant 0 : i32
    %dma_wait3A_563 = tpu.memref_slice %arg3[%dma_wait3A_561, %dma_wait3A_562] : memref<1000000x8xf32, #tpu.memory_space<hbm>> -> memref<5120x8xf32, #tpu.memory_space<hbm>>
    %dma_wait3A_564 = arith.constant 0 : i32
    %dma_wait3A_565 = arith.constant 0 : i32
    %dma_wait3A_566 = tpu.memref_slice %arg3[%dma_wait3A_564, %dma_wait3A_565] : memref<1000000x8xf32, #tpu.memory_space<hbm>> -> memref<5120x8xf32, #tpu.memory_space<hbm>>
    tpu.wait_dma2 semaphore(%arg12 : memref<!tpu.dma_semaphore, #tpu.memory_space<semaphore_mem>>) src(%dma_wait3A_566 : memref<5120x8xf32, #tpu.memory_space<hbm>>) dst(%arg8 : memref<5120x8xf32, #tpu.memory_space<vmem>>)
    %dma_start3A_567 = arith.constant 0 : i32
    %dma_start3A_568 = arith.constant 0 : i32
    %dma_start3A_569 = tpu.memref_slice %arg3[%dma_start3A_567, %dma_start3A_568] : memref<1000000x8xf32, #tpu.memory_space<hbm>> -> memref<1000000x8xf32, #tpu.memory_space<hbm>>
    tpu.enqueue_indirect_dma source(%dma_start3A_569 : memref<1000000x8xf32, #tpu.memory_space<hbm>>) target(%arg7 : memref<5120x8xf32, #tpu.memory_space<vmem>>) offsets(%arg5 : memref<5120xi32, #tpu.memory_space<vmem>>) semaphore(%arg11 : memref<!tpu.dma_semaphore, #tpu.memory_space<semaphore_mem>>)
    %add3A_570 = arith.constant 97280 : i32
    %add3A_571 = arith.addi %mul3A_2, %add3A_570 : i32
    %dma_start3A_572 = tpu.memref_slice %arg2[%add3A_571] : memref<3276800xi32, #tpu.memory_space<hbm>> -> memref<5120xi32, #tpu.memory_space<hbm>>
    %dma_start3A_573 = tpu.memref_slice %arg2[%add3A_571] : memref<3276800xi32, #tpu.memory_space<hbm>> -> memref<5120xi32, #tpu.memory_space<hbm>>
    tpu.enqueue_dma source(%dma_start3A_573 : memref<5120xi32, #tpu.memory_space<hbm>>) target(%arg6 : memref<5120xi32, #tpu.memory_space<vmem>>) target_semaphore(%arg10 : memref<!tpu.dma_semaphore, #tpu.memory_space<semaphore_mem>>)
    %add3A_574 = arith.constant 87040 : i32
    %add3A_575 = arith.addi %mul3A_2, %add3A_574 : i32
    %scan3A_576 = arith.constant 0 : i32
    %scan3A_577 = arith.constant 0 : i32
    %scan3A_578 = arith.constant 320 : i32
    %scan3A_579 = arith.addi %scan3A_577, %scan3A_578 : i32
    %scan3A_580 = arith.constant 1 : i32
    scf.for %scan3A_642 = %scan3A_577 to %scan3A_579 step %scan3A_580  : i32 {
      %mul3A_643 = arith.constant 16 : i32
      %mul3A_644 = arith.muli %mul3A_643, %scan3A_642 : i32
      %add3A_645 = vector.broadcast %mul3A_644 : i32 to vector<16xi32>
      %add3A_646 = arith.addi %add3A_645, %iota3A : vector<16xi32>
      %gather3A = tpu.vector_load_idx %arg8[%add3A_646, %broadcast_in_dim3A_3] : memref<5120x8xf32, #tpu.memory_space<vmem>>[vector<16xi32>, vector<16xi32>], vector<16xf32>,
      %mul3A_647 = arith.constant 16 : i32
      %mul3A_648 = arith.muli %mul3A_647, %scan3A_642 : i32
      %swap3A = arith.constant 0 : i32
      %swap3A_649 = arith.index_cast %swap3A : i32 to index
      %swap3A_650 = arith.index_cast %mul3A_648 : i32 to index
      %swap3A_651 = tpu.vector_load %arg9[%swap3A_649, %swap3A_650] {strides = array<i32>} : memref<3x5120xf32, #tpu.memory_space<vmem>>, vector<16xf32>,
      tpu.vector_store %arg9[%swap3A_649, %swap3A_650], %gather3A {strides = array<i32>} : memref<3x5120xf32, #tpu.memory_space<vmem>>, vector<16xf32>,
      %gather3A_652 = tpu.vector_load_idx %arg8[%add3A_646, %broadcast_in_dim3A_5] : memref<5120x8xf32, #tpu.memory_space<vmem>>[vector<16xi32>, vector<16xi32>], vector<16xf32>,
      %mul3A_653 = arith.constant 16 : i32
      %mul3A_654 = arith.muli %mul3A_653, %scan3A_642 : i32
      %swap3A_655 = arith.constant 1 : i32
      %swap3A_656 = arith.index_cast %swap3A_655 : i32 to index
      %swap3A_657 = arith.index_cast %mul3A_654 : i32 to index
      %swap3A_658 = tpu.vector_load %arg9[%swap3A_656, %swap3A_657] {strides = array<i32>} : memref<3x5120xf32, #tpu.memory_space<vmem>>, vector<16xf32>,
      tpu.vector_store %arg9[%swap3A_656, %swap3A_657], %gather3A_652 {strides = array<i32>} : memref<3x5120xf32, #tpu.memory_space<vmem>>, vector<16xf32>,
      %gather3A_659 = tpu.vector_load_idx %arg8[%add3A_646, %broadcast_in_dim3A_7] : memref<5120x8xf32, #tpu.memory_space<vmem>>[vector<16xi32>, vector<16xi32>], vector<16xf32>,
      %mul3A_660 = arith.constant 16 : i32
      %mul3A_661 = arith.muli %mul3A_660, %scan3A_642 : i32
      %swap3A_662 = arith.constant 2 : i32
      %swap3A_663 = arith.index_cast %swap3A_662 : i32 to index
      %swap3A_664 = arith.index_cast %mul3A_661 : i32 to index
      %swap3A_665 = tpu.vector_load %arg9[%swap3A_663, %swap3A_664] {strides = array<i32>} : memref<3x5120xf32, #tpu.memory_space<vmem>>, vector<16xf32>,
      tpu.vector_store %arg9[%swap3A_663, %swap3A_664], %gather3A_659 {strides = array<i32>} : memref<3x5120xf32, #tpu.memory_space<vmem>>, vector<16xf32>,
    }
    %scan3A_581 = arith.constant 320 : i32
    %add3A_582 = arith.constant 0 : i32
    %add3A_583 = arith.addi %add3A_582, %add3A_575 : i32
    %run_scoped3A_584 = arith.constant 0 : i32
    "tpu.region"() ({
      %run_scoped3A_642 = tpu.sem_alloc : memref<!tpu.dma_semaphore, #tpu.memory_space<semaphore_mem>>
      %dma_start3A_643 = arith.constant 0 : i32
      %dma_start3A_644 = tpu.memref_slice %arg9[%run_scoped3A_584, %dma_start3A_643] : memref<3x5120xf32, #tpu.memory_space<vmem>> -> memref<1x5120xf32, #tpu.memory_space<vmem>>
      %dma_start3A_645 = tpu.memref_squeeze %dma_start3A_644 : memref<1x5120xf32, #tpu.memory_space<vmem>> -> memref<5120xf32, #tpu.memory_space<vmem>>
      %dma_start3A_646 = tpu.memref_slice %arg4[%add3A_583] : memref<9830400xf32, #tpu.memory_space<hbm>> -> memref<5120xf32, #tpu.memory_space<hbm>>
      %dma_start3A_647 = tpu.memref_slice %arg4[%add3A_583] : memref<9830400xf32, #tpu.memory_space<hbm>> -> memref<5120xf32, #tpu.memory_space<hbm>>
      %dma_start3A_648 = arith.constant 0 : i32
      %dma_start3A_649 = tpu.memref_slice %arg9[%run_scoped3A_584, %dma_start3A_648] : memref<3x5120xf32, #tpu.memory_space<vmem>> -> memref<1x5120xf32, #tpu.memory_space<vmem>>
      %dma_start3A_650 = tpu.memref_squeeze %dma_start3A_649 : memref<1x5120xf32, #tpu.memory_space<vmem>> -> memref<5120xf32, #tpu.memory_space<vmem>>
      tpu.enqueue_dma source(%dma_start3A_650 : memref<5120xf32, #tpu.memory_space<vmem>>) target(%dma_start3A_647 : memref<5120xf32, #tpu.memory_space<hbm>>) target_semaphore(%run_scoped3A_642 : memref<!tpu.dma_semaphore, #tpu.memory_space<semaphore_mem>>)
      %dma_wait3A_651 = arith.constant 0 : i32
      %dma_wait3A_652 = tpu.memref_slice %arg9[%run_scoped3A_584, %dma_wait3A_651] : memref<3x5120xf32, #tpu.memory_space<vmem>> -> memref<1x5120xf32, #tpu.memory_space<vmem>>
      %dma_wait3A_653 = tpu.memref_squeeze %dma_wait3A_652 : memref<1x5120xf32, #tpu.memory_space<vmem>> -> memref<5120xf32, #tpu.memory_space<vmem>>
      %dma_wait3A_654 = tpu.memref_slice %arg4[%add3A_583] : memref<9830400xf32, #tpu.memory_space<hbm>> -> memref<5120xf32, #tpu.memory_space<hbm>>
      %dma_wait3A_655 = tpu.memref_slice %arg4[%add3A_583] : memref<9830400xf32, #tpu.memory_space<hbm>> -> memref<5120xf32, #tpu.memory_space<hbm>>
      %dma_wait3A_656 = arith.constant 0 : i32
      %dma_wait3A_657 = tpu.memref_slice %arg9[%run_scoped3A_584, %dma_wait3A_656] : memref<3x5120xf32, #tpu.memory_space<vmem>> -> memref<1x5120xf32, #tpu.memory_space<vmem>>
      %dma_wait3A_658 = tpu.memref_squeeze %dma_wait3A_657 : memref<1x5120xf32, #tpu.memory_space<vmem>> -> memref<5120xf32, #tpu.memory_space<vmem>>
      tpu.wait_dma2 semaphore(%run_scoped3A_642 : memref<!tpu.dma_semaphore, #tpu.memory_space<semaphore_mem>>) src(%dma_wait3A_658 : memref<5120xf32, #tpu.memory_space<vmem>>) dst(%dma_wait3A_655 : memref<5120xf32, #tpu.memory_space<hbm>>)
      tpu.yield
    }) : () -> ()
    %add3A_585 = arith.constant 3276800 : i32
    %add3A_586 = arith.addi %add3A_585, %add3A_575 : i32
    %run_scoped3A_587 = arith.constant 1 : i32
    "tpu.region"() ({
      %run_scoped3A_642 = tpu.sem_alloc : memref<!tpu.dma_semaphore, #tpu.memory_space<semaphore_mem>>
      %dma_start3A_643 = arith.constant 0 : i32
      %dma_start3A_644 = tpu.memref_slice %arg9[%run_scoped3A_587, %dma_start3A_643] : memref<3x5120xf32, #tpu.memory_space<vmem>> -> memref<1x5120xf32, #tpu.memory_space<vmem>>
      %dma_start3A_645 = tpu.memref_squeeze %dma_start3A_644 : memref<1x5120xf32, #tpu.memory_space<vmem>> -> memref<5120xf32, #tpu.memory_space<vmem>>
      %dma_start3A_646 = tpu.memref_slice %arg4[%add3A_586] : memref<9830400xf32, #tpu.memory_space<hbm>> -> memref<5120xf32, #tpu.memory_space<hbm>>
      %dma_start3A_647 = tpu.memref_slice %arg4[%add3A_586] : memref<9830400xf32, #tpu.memory_space<hbm>> -> memref<5120xf32, #tpu.memory_space<hbm>>
      %dma_start3A_648 = arith.constant 0 : i32
      %dma_start3A_649 = tpu.memref_slice %arg9[%run_scoped3A_587, %dma_start3A_648] : memref<3x5120xf32, #tpu.memory_space<vmem>> -> memref<1x5120xf32, #tpu.memory_space<vmem>>
      %dma_start3A_650 = tpu.memref_squeeze %dma_start3A_649 : memref<1x5120xf32, #tpu.memory_space<vmem>> -> memref<5120xf32, #tpu.memory_space<vmem>>
      tpu.enqueue_dma source(%dma_start3A_650 : memref<5120xf32, #tpu.memory_space<vmem>>) target(%dma_start3A_647 : memref<5120xf32, #tpu.memory_space<hbm>>) target_semaphore(%run_scoped3A_642 : memref<!tpu.dma_semaphore, #tpu.memory_space<semaphore_mem>>)
      %dma_wait3A_651 = arith.constant 0 : i32
      %dma_wait3A_652 = tpu.memref_slice %arg9[%run_scoped3A_587, %dma_wait3A_651] : memref<3x5120xf32, #tpu.memory_space<vmem>> -> memref<1x5120xf32, #tpu.memory_space<vmem>>
      %dma_wait3A_653 = tpu.memref_squeeze %dma_wait3A_652 : memref<1x5120xf32, #tpu.memory_space<vmem>> -> memref<5120xf32, #tpu.memory_space<vmem>>
      %dma_wait3A_654 = tpu.memref_slice %arg4[%add3A_586] : memref<9830400xf32, #tpu.memory_space<hbm>> -> memref<5120xf32, #tpu.memory_space<hbm>>
      %dma_wait3A_655 = tpu.memref_slice %arg4[%add3A_586] : memref<9830400xf32, #tpu.memory_space<hbm>> -> memref<5120xf32, #tpu.memory_space<hbm>>
      %dma_wait3A_656 = arith.constant 0 : i32
      %dma_wait3A_657 = tpu.memref_slice %arg9[%run_scoped3A_587, %dma_wait3A_656] : memref<3x5120xf32, #tpu.memory_space<vmem>> -> memref<1x5120xf32, #tpu.memory_space<vmem>>
      %dma_wait3A_658 = tpu.memref_squeeze %dma_wait3A_657 : memref<1x5120xf32, #tpu.memory_space<vmem>> -> memref<5120xf32, #tpu.memory_space<vmem>>
      tpu.wait_dma2 semaphore(%run_scoped3A_642 : memref<!tpu.dma_semaphore, #tpu.memory_space<semaphore_mem>>) src(%dma_wait3A_658 : memref<5120xf32, #tpu.memory_space<vmem>>) dst(%dma_wait3A_655 : memref<5120xf32, #tpu.memory_space<hbm>>)
      tpu.yield
    }) : () -> ()
    %add3A_588 = arith.constant 6553600 : i32
    %add3A_589 = arith.addi %add3A_588, %add3A_575 : i32
    %run_scoped3A_590 = arith.constant 2 : i32
    "tpu.region"() ({
      %run_scoped3A_642 = tpu.sem_alloc : memref<!tpu.dma_semaphore, #tpu.memory_space<semaphore_mem>>
      %dma_start3A_643 = arith.constant 0 : i32
      %dma_start3A_644 = tpu.memref_slice %arg9[%run_scoped3A_590, %dma_start3A_643] : memref<3x5120xf32, #tpu.memory_space<vmem>> -> memref<1x5120xf32, #tpu.memory_space<vmem>>
      %dma_start3A_645 = tpu.memref_squeeze %dma_start3A_644 : memref<1x5120xf32, #tpu.memory_space<vmem>> -> memref<5120xf32, #tpu.memory_space<vmem>>
      %dma_start3A_646 = tpu.memref_slice %arg4[%add3A_589] : memref<9830400xf32, #tpu.memory_space<hbm>> -> memref<5120xf32, #tpu.memory_space<hbm>>
      %dma_start3A_647 = tpu.memref_slice %arg4[%add3A_589] : memref<9830400xf32, #tpu.memory_space<hbm>> -> memref<5120xf32, #tpu.memory_space<hbm>>
      %dma_start3A_648 = arith.constant 0 : i32
      %dma_start3A_649 = tpu.memref_slice %arg9[%run_scoped3A_590, %dma_start3A_648] : memref<3x5120xf32, #tpu.memory_space<vmem>> -> memref<1x5120xf32, #tpu.memory_space<vmem>>
      %dma_start3A_650 = tpu.memref_squeeze %dma_start3A_649 : memref<1x5120xf32, #tpu.memory_space<vmem>> -> memref<5120xf32, #tpu.memory_space<vmem>>
      tpu.enqueue_dma source(%dma_start3A_650 : memref<5120xf32, #tpu.memory_space<vmem>>) target(%dma_start3A_647 : memref<5120xf32, #tpu.memory_space<hbm>>) target_semaphore(%run_scoped3A_642 : memref<!tpu.dma_semaphore, #tpu.memory_space<semaphore_mem>>)
      %dma_wait3A_651 = arith.constant 0 : i32
      %dma_wait3A_652 = tpu.memref_slice %arg9[%run_scoped3A_590, %dma_wait3A_651] : memref<3x5120xf32, #tpu.memory_space<vmem>> -> memref<1x5120xf32, #tpu.memory_space<vmem>>
      %dma_wait3A_653 = tpu.memref_squeeze %dma_wait3A_652 : memref<1x5120xf32, #tpu.memory_space<vmem>> -> memref<5120xf32, #tpu.memory_space<vmem>>
      %dma_wait3A_654 = tpu.memref_slice %arg4[%add3A_589] : memref<9830400xf32, #tpu.memory_space<hbm>> -> memref<5120xf32, #tpu.memory_space<hbm>>
      %dma_wait3A_655 = tpu.memref_slice %arg4[%add3A_589] : memref<9830400xf32, #tpu.memory_space<hbm>> -> memref<5120xf32, #tpu.memory_space<hbm>>
      %dma_wait3A_656 = arith.constant 0 : i32
      %dma_wait3A_657 = tpu.memref_slice %arg9[%run_scoped3A_590, %dma_wait3A_656] : memref<3x5120xf32, #tpu.memory_space<vmem>> -> memref<1x5120xf32, #tpu.memory_space<vmem>>
      %dma_wait3A_658 = tpu.memref_squeeze %dma_wait3A_657 : memref<1x5120xf32, #tpu.memory_space<vmem>> -> memref<5120xf32, #tpu.memory_space<vmem>>
      tpu.wait_dma2 semaphore(%run_scoped3A_642 : memref<!tpu.dma_semaphore, #tpu.memory_space<semaphore_mem>>) src(%dma_wait3A_658 : memref<5120xf32, #tpu.memory_space<vmem>>) dst(%dma_wait3A_655 : memref<5120xf32, #tpu.memory_space<hbm>>)
      tpu.yield
    }) : () -> ()
    %dma_wait3A_591 = tpu.memref_slice %arg2[%mul3A_2] : memref<3276800xi32, #tpu.memory_space<hbm>> -> memref<5120xi32, #tpu.memory_space<hbm>>
    %dma_wait3A_592 = tpu.memref_slice %arg2[%mul3A_2] : memref<3276800xi32, #tpu.memory_space<hbm>> -> memref<5120xi32, #tpu.memory_space<hbm>>
    tpu.wait_dma2 semaphore(%arg10 : memref<!tpu.dma_semaphore, #tpu.memory_space<semaphore_mem>>) src(%dma_wait3A_592 : memref<5120xi32, #tpu.memory_space<hbm>>) dst(%arg6 : memref<5120xi32, #tpu.memory_space<vmem>>)
    %dma_wait3A_593 = arith.constant 0 : i32
    %dma_wait3A_594 = arith.constant 0 : i32
    %dma_wait3A_595 = tpu.memref_slice %arg3[%dma_wait3A_593, %dma_wait3A_594] : memref<1000000x8xf32, #tpu.memory_space<hbm>> -> memref<5120x8xf32, #tpu.memory_space<hbm>>
    %dma_wait3A_596 = arith.constant 0 : i32
    %dma_wait3A_597 = arith.constant 0 : i32
    %dma_wait3A_598 = tpu.memref_slice %arg3[%dma_wait3A_596, %dma_wait3A_597] : memref<1000000x8xf32, #tpu.memory_space<hbm>> -> memref<5120x8xf32, #tpu.memory_space<hbm>>
    tpu.wait_dma2 semaphore(%arg11 : memref<!tpu.dma_semaphore, #tpu.memory_space<semaphore_mem>>) src(%dma_wait3A_598 : memref<5120x8xf32, #tpu.memory_space<hbm>>) dst(%arg7 : memref<5120x8xf32, #tpu.memory_space<vmem>>)
    %dma_start3A_599 = arith.constant 0 : i32
    %dma_start3A_600 = arith.constant 0 : i32
    %dma_start3A_601 = tpu.memref_slice %arg3[%dma_start3A_599, %dma_start3A_600] : memref<1000000x8xf32, #tpu.memory_space<hbm>> -> memref<1000000x8xf32, #tpu.memory_space<hbm>>
    tpu.enqueue_indirect_dma source(%dma_start3A_601 : memref<1000000x8xf32, #tpu.memory_space<hbm>>) target(%arg8 : memref<5120x8xf32, #tpu.memory_space<vmem>>) offsets(%arg6 : memref<5120xi32, #tpu.memory_space<vmem>>) semaphore(%arg12 : memref<!tpu.dma_semaphore, #tpu.memory_space<semaphore_mem>>)
    %add3A_602 = arith.constant 92160 : i32
    %add3A_603 = arith.addi %mul3A_2, %add3A_602 : i32
    %scan3A_604 = arith.constant 0 : i32
    %scan3A_605 = arith.constant 0 : i32
    %scan3A_606 = arith.constant 320 : i32
    %scan3A_607 = arith.addi %scan3A_605, %scan3A_606 : i32
    %scan3A_608 = arith.constant 1 : i32
    scf.for %scan3A_642 = %scan3A_605 to %scan3A_607 step %scan3A_608  : i32 {
      %mul3A_643 = arith.constant 16 : i32
      %mul3A_644 = arith.muli %mul3A_643, %scan3A_642 : i32
      %add3A_645 = vector.broadcast %mul3A_644 : i32 to vector<16xi32>
      %add3A_646 = arith.addi %add3A_645, %iota3A : vector<16xi32>
      %gather3A = tpu.vector_load_idx %arg7[%add3A_646, %broadcast_in_dim3A_3] : memref<5120x8xf32, #tpu.memory_space<vmem>>[vector<16xi32>, vector<16xi32>], vector<16xf32>,
      %mul3A_647 = arith.constant 16 : i32
      %mul3A_648 = arith.muli %mul3A_647, %scan3A_642 : i32
      %swap3A = arith.constant 0 : i32
      %swap3A_649 = arith.index_cast %swap3A : i32 to index
      %swap3A_650 = arith.index_cast %mul3A_648 : i32 to index
      %swap3A_651 = tpu.vector_load %arg9[%swap3A_649, %swap3A_650] {strides = array<i32>} : memref<3x5120xf32, #tpu.memory_space<vmem>>, vector<16xf32>,
      tpu.vector_store %arg9[%swap3A_649, %swap3A_650], %gather3A {strides = array<i32>} : memref<3x5120xf32, #tpu.memory_space<vmem>>, vector<16xf32>,
      %gather3A_652 = tpu.vector_load_idx %arg7[%add3A_646, %broadcast_in_dim3A_5] : memref<5120x8xf32, #tpu.memory_space<vmem>>[vector<16xi32>, vector<16xi32>], vector<16xf32>,
      %mul3A_653 = arith.constant 16 : i32
      %mul3A_654 = arith.muli %mul3A_653, %scan3A_642 : i32
      %swap3A_655 = arith.constant 1 : i32
      %swap3A_656 = arith.index_cast %swap3A_655 : i32 to index
      %swap3A_657 = arith.index_cast %mul3A_654 : i32 to index
      %swap3A_658 = tpu.vector_load %arg9[%swap3A_656, %swap3A_657] {strides = array<i32>} : memref<3x5120xf32, #tpu.memory_space<vmem>>, vector<16xf32>,
      tpu.vector_store %arg9[%swap3A_656, %swap3A_657], %gather3A_652 {strides = array<i32>} : memref<3x5120xf32, #tpu.memory_space<vmem>>, vector<16xf32>,
      %gather3A_659 = tpu.vector_load_idx %arg7[%add3A_646, %broadcast_in_dim3A_7] : memref<5120x8xf32, #tpu.memory_space<vmem>>[vector<16xi32>, vector<16xi32>], vector<16xf32>,
      %mul3A_660 = arith.constant 16 : i32
      %mul3A_661 = arith.muli %mul3A_660, %scan3A_642 : i32
      %swap3A_662 = arith.constant 2 : i32
      %swap3A_663 = arith.index_cast %swap3A_662 : i32 to index
      %swap3A_664 = arith.index_cast %mul3A_661 : i32 to index
      %swap3A_665 = tpu.vector_load %arg9[%swap3A_663, %swap3A_664] {strides = array<i32>} : memref<3x5120xf32, #tpu.memory_space<vmem>>, vector<16xf32>,
      tpu.vector_store %arg9[%swap3A_663, %swap3A_664], %gather3A_659 {strides = array<i32>} : memref<3x5120xf32, #tpu.memory_space<vmem>>, vector<16xf32>,
    }
    %scan3A_609 = arith.constant 320 : i32
    %add3A_610 = arith.constant 0 : i32
    %add3A_611 = arith.addi %add3A_610, %add3A_603 : i32
    %run_scoped3A_612 = arith.constant 0 : i32
    "tpu.region"() ({
      %run_scoped3A_642 = tpu.sem_alloc : memref<!tpu.dma_semaphore, #tpu.memory_space<semaphore_mem>>
      %dma_start3A_643 = arith.constant 0 : i32
      %dma_start3A_644 = tpu.memref_slice %arg9[%run_scoped3A_612, %dma_start3A_643] : memref<3x5120xf32, #tpu.memory_space<vmem>> -> memref<1x5120xf32, #tpu.memory_space<vmem>>
      %dma_start3A_645 = tpu.memref_squeeze %dma_start3A_644 : memref<1x5120xf32, #tpu.memory_space<vmem>> -> memref<5120xf32, #tpu.memory_space<vmem>>
      %dma_start3A_646 = tpu.memref_slice %arg4[%add3A_611] : memref<9830400xf32, #tpu.memory_space<hbm>> -> memref<5120xf32, #tpu.memory_space<hbm>>
      %dma_start3A_647 = tpu.memref_slice %arg4[%add3A_611] : memref<9830400xf32, #tpu.memory_space<hbm>> -> memref<5120xf32, #tpu.memory_space<hbm>>
      %dma_start3A_648 = arith.constant 0 : i32
      %dma_start3A_649 = tpu.memref_slice %arg9[%run_scoped3A_612, %dma_start3A_648] : memref<3x5120xf32, #tpu.memory_space<vmem>> -> memref<1x5120xf32, #tpu.memory_space<vmem>>
      %dma_start3A_650 = tpu.memref_squeeze %dma_start3A_649 : memref<1x5120xf32, #tpu.memory_space<vmem>> -> memref<5120xf32, #tpu.memory_space<vmem>>
      tpu.enqueue_dma source(%dma_start3A_650 : memref<5120xf32, #tpu.memory_space<vmem>>) target(%dma_start3A_647 : memref<5120xf32, #tpu.memory_space<hbm>>) target_semaphore(%run_scoped3A_642 : memref<!tpu.dma_semaphore, #tpu.memory_space<semaphore_mem>>)
      %dma_wait3A_651 = arith.constant 0 : i32
      %dma_wait3A_652 = tpu.memref_slice %arg9[%run_scoped3A_612, %dma_wait3A_651] : memref<3x5120xf32, #tpu.memory_space<vmem>> -> memref<1x5120xf32, #tpu.memory_space<vmem>>
      %dma_wait3A_653 = tpu.memref_squeeze %dma_wait3A_652 : memref<1x5120xf32, #tpu.memory_space<vmem>> -> memref<5120xf32, #tpu.memory_space<vmem>>
      %dma_wait3A_654 = tpu.memref_slice %arg4[%add3A_611] : memref<9830400xf32, #tpu.memory_space<hbm>> -> memref<5120xf32, #tpu.memory_space<hbm>>
      %dma_wait3A_655 = tpu.memref_slice %arg4[%add3A_611] : memref<9830400xf32, #tpu.memory_space<hbm>> -> memref<5120xf32, #tpu.memory_space<hbm>>
      %dma_wait3A_656 = arith.constant 0 : i32
      %dma_wait3A_657 = tpu.memref_slice %arg9[%run_scoped3A_612, %dma_wait3A_656] : memref<3x5120xf32, #tpu.memory_space<vmem>> -> memref<1x5120xf32, #tpu.memory_space<vmem>>
      %dma_wait3A_658 = tpu.memref_squeeze %dma_wait3A_657 : memref<1x5120xf32, #tpu.memory_space<vmem>> -> memref<5120xf32, #tpu.memory_space<vmem>>
      tpu.wait_dma2 semaphore(%run_scoped3A_642 : memref<!tpu.dma_semaphore, #tpu.memory_space<semaphore_mem>>) src(%dma_wait3A_658 : memref<5120xf32, #tpu.memory_space<vmem>>) dst(%dma_wait3A_655 : memref<5120xf32, #tpu.memory_space<hbm>>)
      tpu.yield
    }) : () -> ()
    %add3A_613 = arith.constant 3276800 : i32
    %add3A_614 = arith.addi %add3A_613, %add3A_603 : i32
    %run_scoped3A_615 = arith.constant 1 : i32
    "tpu.region"() ({
      %run_scoped3A_642 = tpu.sem_alloc : memref<!tpu.dma_semaphore, #tpu.memory_space<semaphore_mem>>
      %dma_start3A_643 = arith.constant 0 : i32
      %dma_start3A_644 = tpu.memref_slice %arg9[%run_scoped3A_615, %dma_start3A_643] : memref<3x5120xf32, #tpu.memory_space<vmem>> -> memref<1x5120xf32, #tpu.memory_space<vmem>>
      %dma_start3A_645 = tpu.memref_squeeze %dma_start3A_644 : memref<1x5120xf32, #tpu.memory_space<vmem>> -> memref<5120xf32, #tpu.memory_space<vmem>>
      %dma_start3A_646 = tpu.memref_slice %arg4[%add3A_614] : memref<9830400xf32, #tpu.memory_space<hbm>> -> memref<5120xf32, #tpu.memory_space<hbm>>
      %dma_start3A_647 = tpu.memref_slice %arg4[%add3A_614] : memref<9830400xf32, #tpu.memory_space<hbm>> -> memref<5120xf32, #tpu.memory_space<hbm>>
      %dma_start3A_648 = arith.constant 0 : i32
      %dma_start3A_649 = tpu.memref_slice %arg9[%run_scoped3A_615, %dma_start3A_648] : memref<3x5120xf32, #tpu.memory_space<vmem>> -> memref<1x5120xf32, #tpu.memory_space<vmem>>
      %dma_start3A_650 = tpu.memref_squeeze %dma_start3A_649 : memref<1x5120xf32, #tpu.memory_space<vmem>> -> memref<5120xf32, #tpu.memory_space<vmem>>
      tpu.enqueue_dma source(%dma_start3A_650 : memref<5120xf32, #tpu.memory_space<vmem>>) target(%dma_start3A_647 : memref<5120xf32, #tpu.memory_space<hbm>>) target_semaphore(%run_scoped3A_642 : memref<!tpu.dma_semaphore, #tpu.memory_space<semaphore_mem>>)
      %dma_wait3A_651 = arith.constant 0 : i32
      %dma_wait3A_652 = tpu.memref_slice %arg9[%run_scoped3A_615, %dma_wait3A_651] : memref<3x5120xf32, #tpu.memory_space<vmem>> -> memref<1x5120xf32, #tpu.memory_space<vmem>>
      %dma_wait3A_653 = tpu.memref_squeeze %dma_wait3A_652 : memref<1x5120xf32, #tpu.memory_space<vmem>> -> memref<5120xf32, #tpu.memory_space<vmem>>
      %dma_wait3A_654 = tpu.memref_slice %arg4[%add3A_614] : memref<9830400xf32, #tpu.memory_space<hbm>> -> memref<5120xf32, #tpu.memory_space<hbm>>
      %dma_wait3A_655 = tpu.memref_slice %arg4[%add3A_614] : memref<9830400xf32, #tpu.memory_space<hbm>> -> memref<5120xf32, #tpu.memory_space<hbm>>
      %dma_wait3A_656 = arith.constant 0 : i32
      %dma_wait3A_657 = tpu.memref_slice %arg9[%run_scoped3A_615, %dma_wait3A_656] : memref<3x5120xf32, #tpu.memory_space<vmem>> -> memref<1x5120xf32, #tpu.memory_space<vmem>>
      %dma_wait3A_658 = tpu.memref_squeeze %dma_wait3A_657 : memref<1x5120xf32, #tpu.memory_space<vmem>> -> memref<5120xf32, #tpu.memory_space<vmem>>
      tpu.wait_dma2 semaphore(%run_scoped3A_642 : memref<!tpu.dma_semaphore, #tpu.memory_space<semaphore_mem>>) src(%dma_wait3A_658 : memref<5120xf32, #tpu.memory_space<vmem>>) dst(%dma_wait3A_655 : memref<5120xf32, #tpu.memory_space<hbm>>)
      tpu.yield
    }) : () -> ()
    %add3A_616 = arith.constant 6553600 : i32
    %add3A_617 = arith.addi %add3A_616, %add3A_603 : i32
    %run_scoped3A_618 = arith.constant 2 : i32
    "tpu.region"() ({
      %run_scoped3A_642 = tpu.sem_alloc : memref<!tpu.dma_semaphore, #tpu.memory_space<semaphore_mem>>
      %dma_start3A_643 = arith.constant 0 : i32
      %dma_start3A_644 = tpu.memref_slice %arg9[%run_scoped3A_618, %dma_start3A_643] : memref<3x5120xf32, #tpu.memory_space<vmem>> -> memref<1x5120xf32, #tpu.memory_space<vmem>>
      %dma_start3A_645 = tpu.memref_squeeze %dma_start3A_644 : memref<1x5120xf32, #tpu.memory_space<vmem>> -> memref<5120xf32, #tpu.memory_space<vmem>>
      %dma_start3A_646 = tpu.memref_slice %arg4[%add3A_617] : memref<9830400xf32, #tpu.memory_space<hbm>> -> memref<5120xf32, #tpu.memory_space<hbm>>
      %dma_start3A_647 = tpu.memref_slice %arg4[%add3A_617] : memref<9830400xf32, #tpu.memory_space<hbm>> -> memref<5120xf32, #tpu.memory_space<hbm>>
      %dma_start3A_648 = arith.constant 0 : i32
      %dma_start3A_649 = tpu.memref_slice %arg9[%run_scoped3A_618, %dma_start3A_648] : memref<3x5120xf32, #tpu.memory_space<vmem>> -> memref<1x5120xf32, #tpu.memory_space<vmem>>
      %dma_start3A_650 = tpu.memref_squeeze %dma_start3A_649 : memref<1x5120xf32, #tpu.memory_space<vmem>> -> memref<5120xf32, #tpu.memory_space<vmem>>
      tpu.enqueue_dma source(%dma_start3A_650 : memref<5120xf32, #tpu.memory_space<vmem>>) target(%dma_start3A_647 : memref<5120xf32, #tpu.memory_space<hbm>>) target_semaphore(%run_scoped3A_642 : memref<!tpu.dma_semaphore, #tpu.memory_space<semaphore_mem>>)
      %dma_wait3A_651 = arith.constant 0 : i32
      %dma_wait3A_652 = tpu.memref_slice %arg9[%run_scoped3A_618, %dma_wait3A_651] : memref<3x5120xf32, #tpu.memory_space<vmem>> -> memref<1x5120xf32, #tpu.memory_space<vmem>>
      %dma_wait3A_653 = tpu.memref_squeeze %dma_wait3A_652 : memref<1x5120xf32, #tpu.memory_space<vmem>> -> memref<5120xf32, #tpu.memory_space<vmem>>
      %dma_wait3A_654 = tpu.memref_slice %arg4[%add3A_617] : memref<9830400xf32, #tpu.memory_space<hbm>> -> memref<5120xf32, #tpu.memory_space<hbm>>
      %dma_wait3A_655 = tpu.memref_slice %arg4[%add3A_617] : memref<9830400xf32, #tpu.memory_space<hbm>> -> memref<5120xf32, #tpu.memory_space<hbm>>
      %dma_wait3A_656 = arith.constant 0 : i32
      %dma_wait3A_657 = tpu.memref_slice %arg9[%run_scoped3A_618, %dma_wait3A_656] : memref<3x5120xf32, #tpu.memory_space<vmem>> -> memref<1x5120xf32, #tpu.memory_space<vmem>>
      %dma_wait3A_658 = tpu.memref_squeeze %dma_wait3A_657 : memref<1x5120xf32, #tpu.memory_space<vmem>> -> memref<5120xf32, #tpu.memory_space<vmem>>
      tpu.wait_dma2 semaphore(%run_scoped3A_642 : memref<!tpu.dma_semaphore, #tpu.memory_space<semaphore_mem>>) src(%dma_wait3A_658 : memref<5120xf32, #tpu.memory_space<vmem>>) dst(%dma_wait3A_655 : memref<5120xf32, #tpu.memory_space<hbm>>)
      tpu.yield
    }) : () -> ()
    %dma_wait3A_619 = arith.constant 0 : i32
    %dma_wait3A_620 = arith.constant 0 : i32
    %dma_wait3A_621 = tpu.memref_slice %arg3[%dma_wait3A_619, %dma_wait3A_620] : memref<1000000x8xf32, #tpu.memory_space<hbm>> -> memref<5120x8xf32, #tpu.memory_space<hbm>>
    %dma_wait3A_622 = arith.constant 0 : i32
    %dma_wait3A_623 = arith.constant 0 : i32
    %dma_wait3A_624 = tpu.memref_slice %arg3[%dma_wait3A_622, %dma_wait3A_623] : memref<1000000x8xf32, #tpu.memory_space<hbm>> -> memref<5120x8xf32, #tpu.memory_space<hbm>>
    tpu.wait_dma2 semaphore(%arg12 : memref<!tpu.dma_semaphore, #tpu.memory_space<semaphore_mem>>) src(%dma_wait3A_624 : memref<5120x8xf32, #tpu.memory_space<hbm>>) dst(%arg8 : memref<5120x8xf32, #tpu.memory_space<vmem>>)
    %add3A_625 = arith.constant 97280 : i32
    %add3A_626 = arith.addi %mul3A_2, %add3A_625 : i32
    %scan3A_627 = arith.constant 0 : i32
    %scan3A_628 = arith.constant 0 : i32
    %scan3A_629 = arith.constant 320 : i32
    %scan3A_630 = arith.addi %scan3A_628, %scan3A_629 : i32
    %scan3A_631 = arith.constant 1 : i32
    scf.for %scan3A_642 = %scan3A_628 to %scan3A_630 step %scan3A_631  : i32 {
      %mul3A_643 = arith.constant 16 : i32
      %mul3A_644 = arith.muli %mul3A_643, %scan3A_642 : i32
      %add3A_645 = vector.broadcast %mul3A_644 : i32 to vector<16xi32>
      %add3A_646 = arith.addi %add3A_645, %iota3A : vector<16xi32>
      %gather3A = tpu.vector_load_idx %arg8[%add3A_646, %broadcast_in_dim3A_3] : memref<5120x8xf32, #tpu.memory_space<vmem>>[vector<16xi32>, vector<16xi32>], vector<16xf32>,
      %mul3A_647 = arith.constant 16 : i32
      %mul3A_648 = arith.muli %mul3A_647, %scan3A_642 : i32
      %swap3A = arith.constant 0 : i32
      %swap3A_649 = arith.index_cast %swap3A : i32 to index
      %swap3A_650 = arith.index_cast %mul3A_648 : i32 to index
      %swap3A_651 = tpu.vector_load %arg9[%swap3A_649, %swap3A_650] {strides = array<i32>} : memref<3x5120xf32, #tpu.memory_space<vmem>>, vector<16xf32>,
      tpu.vector_store %arg9[%swap3A_649, %swap3A_650], %gather3A {strides = array<i32>} : memref<3x5120xf32, #tpu.memory_space<vmem>>, vector<16xf32>,
      %gather3A_652 = tpu.vector_load_idx %arg8[%add3A_646, %broadcast_in_dim3A_5] : memref<5120x8xf32, #tpu.memory_space<vmem>>[vector<16xi32>, vector<16xi32>], vector<16xf32>,
      %mul3A_653 = arith.constant 16 : i32
      %mul3A_654 = arith.muli %mul3A_653, %scan3A_642 : i32
      %swap3A_655 = arith.constant 1 : i32
      %swap3A_656 = arith.index_cast %swap3A_655 : i32 to index
      %swap3A_657 = arith.index_cast %mul3A_654 : i32 to index
      %swap3A_658 = tpu.vector_load %arg9[%swap3A_656, %swap3A_657] {strides = array<i32>} : memref<3x5120xf32, #tpu.memory_space<vmem>>, vector<16xf32>,
      tpu.vector_store %arg9[%swap3A_656, %swap3A_657], %gather3A_652 {strides = array<i32>} : memref<3x5120xf32, #tpu.memory_space<vmem>>, vector<16xf32>,
      %gather3A_659 = tpu.vector_load_idx %arg8[%add3A_646, %broadcast_in_dim3A_7] : memref<5120x8xf32, #tpu.memory_space<vmem>>[vector<16xi32>, vector<16xi32>], vector<16xf32>,
      %mul3A_660 = arith.constant 16 : i32
      %mul3A_661 = arith.muli %mul3A_660, %scan3A_642 : i32
      %swap3A_662 = arith.constant 2 : i32
      %swap3A_663 = arith.index_cast %swap3A_662 : i32 to index
      %swap3A_664 = arith.index_cast %mul3A_661 : i32 to index
      %swap3A_665 = tpu.vector_load %arg9[%swap3A_663, %swap3A_664] {strides = array<i32>} : memref<3x5120xf32, #tpu.memory_space<vmem>>, vector<16xf32>,
      tpu.vector_store %arg9[%swap3A_663, %swap3A_664], %gather3A_659 {strides = array<i32>} : memref<3x5120xf32, #tpu.memory_space<vmem>>, vector<16xf32>,
    }
    %scan3A_632 = arith.constant 320 : i32
    %add3A_633 = arith.constant 0 : i32
    %add3A_634 = arith.addi %add3A_633, %add3A_626 : i32
    %run_scoped3A_635 = arith.constant 0 : i32
    "tpu.region"() ({
      %run_scoped3A_642 = tpu.sem_alloc : memref<!tpu.dma_semaphore, #tpu.memory_space<semaphore_mem>>
      %dma_start3A_643 = arith.constant 0 : i32
      %dma_start3A_644 = tpu.memref_slice %arg9[%run_scoped3A_635, %dma_start3A_643] : memref<3x5120xf32, #tpu.memory_space<vmem>> -> memref<1x5120xf32, #tpu.memory_space<vmem>>
      %dma_start3A_645 = tpu.memref_squeeze %dma_start3A_644 : memref<1x5120xf32, #tpu.memory_space<vmem>> -> memref<5120xf32, #tpu.memory_space<vmem>>
      %dma_start3A_646 = tpu.memref_slice %arg4[%add3A_634] : memref<9830400xf32, #tpu.memory_space<hbm>> -> memref<5120xf32, #tpu.memory_space<hbm>>
      %dma_start3A_647 = tpu.memref_slice %arg4[%add3A_634] : memref<9830400xf32, #tpu.memory_space<hbm>> -> memref<5120xf32, #tpu.memory_space<hbm>>
      %dma_start3A_648 = arith.constant 0 : i32
      %dma_start3A_649 = tpu.memref_slice %arg9[%run_scoped3A_635, %dma_start3A_648] : memref<3x5120xf32, #tpu.memory_space<vmem>> -> memref<1x5120xf32, #tpu.memory_space<vmem>>
      %dma_start3A_650 = tpu.memref_squeeze %dma_start3A_649 : memref<1x5120xf32, #tpu.memory_space<vmem>> -> memref<5120xf32, #tpu.memory_space<vmem>>
      tpu.enqueue_dma source(%dma_start3A_650 : memref<5120xf32, #tpu.memory_space<vmem>>) target(%dma_start3A_647 : memref<5120xf32, #tpu.memory_space<hbm>>) target_semaphore(%run_scoped3A_642 : memref<!tpu.dma_semaphore, #tpu.memory_space<semaphore_mem>>)
      %dma_wait3A_651 = arith.constant 0 : i32
      %dma_wait3A_652 = tpu.memref_slice %arg9[%run_scoped3A_635, %dma_wait3A_651] : memref<3x5120xf32, #tpu.memory_space<vmem>> -> memref<1x5120xf32, #tpu.memory_space<vmem>>
      %dma_wait3A_653 = tpu.memref_squeeze %dma_wait3A_652 : memref<1x5120xf32, #tpu.memory_space<vmem>> -> memref<5120xf32, #tpu.memory_space<vmem>>
      %dma_wait3A_654 = tpu.memref_slice %arg4[%add3A_634] : memref<9830400xf32, #tpu.memory_space<hbm>> -> memref<5120xf32, #tpu.memory_space<hbm>>
      %dma_wait3A_655 = tpu.memref_slice %arg4[%add3A_634] : memref<9830400xf32, #tpu.memory_space<hbm>> -> memref<5120xf32, #tpu.memory_space<hbm>>
      %dma_wait3A_656 = arith.constant 0 : i32
      %dma_wait3A_657 = tpu.memref_slice %arg9[%run_scoped3A_635, %dma_wait3A_656] : memref<3x5120xf32, #tpu.memory_space<vmem>> -> memref<1x5120xf32, #tpu.memory_space<vmem>>
      %dma_wait3A_658 = tpu.memref_squeeze %dma_wait3A_657 : memref<1x5120xf32, #tpu.memory_space<vmem>> -> memref<5120xf32, #tpu.memory_space<vmem>>
      tpu.wait_dma2 semaphore(%run_scoped3A_642 : memref<!tpu.dma_semaphore, #tpu.memory_space<semaphore_mem>>) src(%dma_wait3A_658 : memref<5120xf32, #tpu.memory_space<vmem>>) dst(%dma_wait3A_655 : memref<5120xf32, #tpu.memory_space<hbm>>)
      tpu.yield
    }) : () -> ()
    %add3A_636 = arith.constant 3276800 : i32
    %add3A_637 = arith.addi %add3A_636, %add3A_626 : i32
    %run_scoped3A_638 = arith.constant 1 : i32
    "tpu.region"() ({
      %run_scoped3A_642 = tpu.sem_alloc : memref<!tpu.dma_semaphore, #tpu.memory_space<semaphore_mem>>
      %dma_start3A_643 = arith.constant 0 : i32
      %dma_start3A_644 = tpu.memref_slice %arg9[%run_scoped3A_638, %dma_start3A_643] : memref<3x5120xf32, #tpu.memory_space<vmem>> -> memref<1x5120xf32, #tpu.memory_space<vmem>>
      %dma_start3A_645 = tpu.memref_squeeze %dma_start3A_644 : memref<1x5120xf32, #tpu.memory_space<vmem>> -> memref<5120xf32, #tpu.memory_space<vmem>>
      %dma_start3A_646 = tpu.memref_slice %arg4[%add3A_637] : memref<9830400xf32, #tpu.memory_space<hbm>> -> memref<5120xf32, #tpu.memory_space<hbm>>
      %dma_start3A_647 = tpu.memref_slice %arg4[%add3A_637] : memref<9830400xf32, #tpu.memory_space<hbm>> -> memref<5120xf32, #tpu.memory_space<hbm>>
      %dma_start3A_648 = arith.constant 0 : i32
      %dma_start3A_649 = tpu.memref_slice %arg9[%run_scoped3A_638, %dma_start3A_648] : memref<3x5120xf32, #tpu.memory_space<vmem>> -> memref<1x5120xf32, #tpu.memory_space<vmem>>
      %dma_start3A_650 = tpu.memref_squeeze %dma_start3A_649 : memref<1x5120xf32, #tpu.memory_space<vmem>> -> memref<5120xf32, #tpu.memory_space<vmem>>
      tpu.enqueue_dma source(%dma_start3A_650 : memref<5120xf32, #tpu.memory_space<vmem>>) target(%dma_start3A_647 : memref<5120xf32, #tpu.memory_space<hbm>>) target_semaphore(%run_scoped3A_642 : memref<!tpu.dma_semaphore, #tpu.memory_space<semaphore_mem>>)
      %dma_wait3A_651 = arith.constant 0 : i32
      %dma_wait3A_652 = tpu.memref_slice %arg9[%run_scoped3A_638, %dma_wait3A_651] : memref<3x5120xf32, #tpu.memory_space<vmem>> -> memref<1x5120xf32, #tpu.memory_space<vmem>>
      %dma_wait3A_653 = tpu.memref_squeeze %dma_wait3A_652 : memref<1x5120xf32, #tpu.memory_space<vmem>> -> memref<5120xf32, #tpu.memory_space<vmem>>
      %dma_wait3A_654 = tpu.memref_slice %arg4[%add3A_637] : memref<9830400xf32, #tpu.memory_space<hbm>> -> memref<5120xf32, #tpu.memory_space<hbm>>
      %dma_wait3A_655 = tpu.memref_slice %arg4[%add3A_637] : memref<9830400xf32, #tpu.memory_space<hbm>> -> memref<5120xf32, #tpu.memory_space<hbm>>
      %dma_wait3A_656 = arith.constant 0 : i32
      %dma_wait3A_657 = tpu.memref_slice %arg9[%run_scoped3A_638, %dma_wait3A_656] : memref<3x5120xf32, #tpu.memory_space<vmem>> -> memref<1x5120xf32, #tpu.memory_space<vmem>>
      %dma_wait3A_658 = tpu.memref_squeeze %dma_wait3A_657 : memref<1x5120xf32, #tpu.memory_space<vmem>> -> memref<5120xf32, #tpu.memory_space<vmem>>
      tpu.wait_dma2 semaphore(%run_scoped3A_642 : memref<!tpu.dma_semaphore, #tpu.memory_space<semaphore_mem>>) src(%dma_wait3A_658 : memref<5120xf32, #tpu.memory_space<vmem>>) dst(%dma_wait3A_655 : memref<5120xf32, #tpu.memory_space<hbm>>)
      tpu.yield
    }) : () -> ()
    %add3A_639 = arith.constant 6553600 : i32
    %add3A_640 = arith.addi %add3A_639, %add3A_626 : i32
    %run_scoped3A_641 = arith.constant 2 : i32
    "tpu.region"() ({
      %run_scoped3A_642 = tpu.sem_alloc : memref<!tpu.dma_semaphore, #tpu.memory_space<semaphore_mem>>
      %dma_start3A_643 = arith.constant 0 : i32
      %dma_start3A_644 = tpu.memref_slice %arg9[%run_scoped3A_641, %dma_start3A_643] : memref<3x5120xf32, #tpu.memory_space<vmem>> -> memref<1x5120xf32, #tpu.memory_space<vmem>>
      %dma_start3A_645 = tpu.memref_squeeze %dma_start3A_644 : memref<1x5120xf32, #tpu.memory_space<vmem>> -> memref<5120xf32, #tpu.memory_space<vmem>>
      %dma_start3A_646 = tpu.memref_slice %arg4[%add3A_640] : memref<9830400xf32, #tpu.memory_space<hbm>> -> memref<5120xf32, #tpu.memory_space<hbm>>
      %dma_start3A_647 = tpu.memref_slice %arg4[%add3A_640] : memref<9830400xf32, #tpu.memory_space<hbm>> -> memref<5120xf32, #tpu.memory_space<hbm>>
      %dma_start3A_648 = arith.constant 0 : i32
      %dma_start3A_649 = tpu.memref_slice %arg9[%run_scoped3A_641, %dma_start3A_648] : memref<3x5120xf32, #tpu.memory_space<vmem>> -> memref<1x5120xf32, #tpu.memory_space<vmem>>
      %dma_start3A_650 = tpu.memref_squeeze %dma_start3A_649 : memref<1x5120xf32, #tpu.memory_space<vmem>> -> memref<5120xf32, #tpu.memory_space<vmem>>
      tpu.enqueue_dma source(%dma_start3A_650 : memref<5120xf32, #tpu.memory_space<vmem>>) target(%dma_start3A_647 : memref<5120xf32, #tpu.memory_space<hbm>>) target_semaphore(%run_scoped3A_642 : memref<!tpu.dma_semaphore, #tpu.memory_space<semaphore_mem>>)
      %dma_wait3A_651 = arith.constant 0 : i32
      %dma_wait3A_652 = tpu.memref_slice %arg9[%run_scoped3A_641, %dma_wait3A_651] : memref<3x5120xf32, #tpu.memory_space<vmem>> -> memref<1x5120xf32, #tpu.memory_space<vmem>>
      %dma_wait3A_653 = tpu.memref_squeeze %dma_wait3A_652 : memref<1x5120xf32, #tpu.memory_space<vmem>> -> memref<5120xf32, #tpu.memory_space<vmem>>
      %dma_wait3A_654 = tpu.memref_slice %arg4[%add3A_640] : memref<9830400xf32, #tpu.memory_space<hbm>> -> memref<5120xf32, #tpu.memory_space<hbm>>
      %dma_wait3A_655 = tpu.memref_slice %arg4[%add3A_640] : memref<9830400xf32, #tpu.memory_space<hbm>> -> memref<5120xf32, #tpu.memory_space<hbm>>
      %dma_wait3A_656 = arith.constant 0 : i32
      %dma_wait3A_657 = tpu.memref_slice %arg9[%run_scoped3A_641, %dma_wait3A_656] : memref<3x5120xf32, #tpu.memory_space<vmem>> -> memref<1x5120xf32, #tpu.memory_space<vmem>>
      %dma_wait3A_658 = tpu.memref_squeeze %dma_wait3A_657 : memref<1x5120xf32, #tpu.memory_space<vmem>> -> memref<5120xf32, #tpu.memory_space<vmem>>
      tpu.wait_dma2 semaphore(%run_scoped3A_642 : memref<!tpu.dma_semaphore, #tpu.memory_space<semaphore_mem>>) src(%dma_wait3A_658 : memref<5120xf32, #tpu.memory_space<vmem>>) dst(%dma_wait3A_655 : memref<5120xf32, #tpu.memory_space<hbm>>)
      tpu.yield
    }) : () -> ()
    return
  }
}

#map = affine_map<(d0, d1) -> (0)>
module attributes {stable_mosaic.version = 14 : i64} {
  func.func @_prep(%arg0: i32, %arg1: i32, %arg2: memref<3000000xf32, #tpu.memory_space<hbm>>, %arg3: memref<8000000xf32, #tpu.memory_space<hbm>>, %arg4: memref<6400xf32, #tpu.memory_space<vmem>>, %arg5: memref<6400xf32, #tpu.memory_space<vmem>>, %arg6: memref<6400xf32, #tpu.memory_space<vmem>>, %arg7: memref<51200xf32, #tpu.memory_space<vmem>>, %arg8: memref<!tpu.dma_semaphore, #tpu.memory_space<semaphore_mem>>) attributes {dimension_semantics = [#tpu.dimension_semantics<core_parallel>, #tpu.dimension_semantics<subcore_parallel>], iteration_bounds = array<i64: 2, 16>, scalar_prefetch = 0 : i64, scratch_operands = 5 : i64, tpu.core_type = #tpu.core_type<sc_vector_subcore>, window_params = [{transform_indices = #map}, {transform_indices = #map}]} {
    %mul3A = arith.constant 2 : i32
    %mul3A_0 = arith.muli %arg1, %mul3A : i32
    %add3A = arith.addi %mul3A_0, %arg0 : i32
    %iota3A = tpu.iota {dimensions = array<i32: 0>} : vector<16xi32>
    %mul3A_1 = arith.constant 8 : i32
    %mul3A_2 = vector.broadcast %mul3A_1 : i32 to vector<16xi32>
    %mul3A_3 = arith.muli %mul3A_2, %iota3A : vector<16xi32>
    %lt3A = arith.constant 156 : i32
    %lt3A_4 = arith.cmpi slt, %add3A, %lt3A : i32
    %convert_element_type3A = arith.extui %lt3A_4 : i1 to i32
    %cond3A = arith.constant 0 : i32
    %cond3A_5 = arith.cmpi ne, %convert_element_type3A, %cond3A : i32
    scf.if %cond3A_5 {
      %mul3A_45 = arith.constant 6400 : i32
      %mul3A_46 = arith.muli %add3A, %mul3A_45 : i32
      %multiple_of3A = tpu.assume_multiple %mul3A_46, 8 : i32
      %add3A_47 = arith.constant 0 : i32
      %add3A_48 = arith.addi %add3A_47, %multiple_of3A : i32
      %dma_start3A = tpu.memref_slice %arg2[%add3A_48] : memref<3000000xf32, #tpu.memory_space<hbm>> -> memref<6400xf32, #tpu.memory_space<hbm>>
      %dma_start3A_49 = tpu.memref_slice %arg2[%add3A_48] : memref<3000000xf32, #tpu.memory_space<hbm>> -> memref<6400xf32, #tpu.memory_space<hbm>>
      tpu.enqueue_dma source(%dma_start3A_49 : memref<6400xf32, #tpu.memory_space<hbm>>) target(%arg4 : memref<6400xf32, #tpu.memory_space<vmem>>) target_semaphore(%arg8 : memref<!tpu.dma_semaphore, #tpu.memory_space<semaphore_mem>>)
      %add3A_50 = arith.constant 1000000 : i32
      %add3A_51 = arith.addi %add3A_50, %multiple_of3A : i32
      %dma_start3A_52 = tpu.memref_slice %arg2[%add3A_51] : memref<3000000xf32, #tpu.memory_space<hbm>> -> memref<6400xf32, #tpu.memory_space<hbm>>
      %dma_start3A_53 = tpu.memref_slice %arg2[%add3A_51] : memref<3000000xf32, #tpu.memory_space<hbm>> -> memref<6400xf32, #tpu.memory_space<hbm>>
      tpu.enqueue_dma source(%dma_start3A_53 : memref<6400xf32, #tpu.memory_space<hbm>>) target(%arg5 : memref<6400xf32, #tpu.memory_space<vmem>>) target_semaphore(%arg8 : memref<!tpu.dma_semaphore, #tpu.memory_space<semaphore_mem>>)
      %add3A_54 = arith.constant 2000000 : i32
      %add3A_55 = arith.addi %add3A_54, %multiple_of3A : i32
      %dma_start3A_56 = tpu.memref_slice %arg2[%add3A_55] : memref<3000000xf32, #tpu.memory_space<hbm>> -> memref<6400xf32, #tpu.memory_space<hbm>>
      %dma_start3A_57 = tpu.memref_slice %arg2[%add3A_55] : memref<3000000xf32, #tpu.memory_space<hbm>> -> memref<6400xf32, #tpu.memory_space<hbm>>
      tpu.enqueue_dma source(%dma_start3A_57 : memref<6400xf32, #tpu.memory_space<hbm>>) target(%arg6 : memref<6400xf32, #tpu.memory_space<vmem>>) target_semaphore(%arg8 : memref<!tpu.dma_semaphore, #tpu.memory_space<semaphore_mem>>)
    } else {
    }
    %add3A_6 = arith.constant 0 : i32
    %add3A_7 = arith.addi %add3A, %add3A_6 : i32
    %lt3A_8 = arith.constant 156 : i32
    %lt3A_9 = arith.cmpi slt, %add3A_7, %lt3A_8 : i32
    %convert_element_type3A_10 = arith.extui %lt3A_9 : i1 to i32
    %cond3A_11 = arith.constant 0 : i32
    %cond3A_12 = arith.cmpi ne, %convert_element_type3A_10, %cond3A_11 : i32
    scf.if %cond3A_12 {
      %dma_wait3A = arith.constant 0 : i32
      %dma_wait3A_45 = tpu.memref_slice %arg2[%dma_wait3A] : memref<3000000xf32, #tpu.memory_space<hbm>> -> memref<6400xf32, #tpu.memory_space<hbm>>
      %dma_wait3A_46 = arith.constant 0 : i32
      %dma_wait3A_47 = tpu.memref_slice %arg2[%dma_wait3A_46] : memref<3000000xf32, #tpu.memory_space<hbm>> -> memref<6400xf32, #tpu.memory_space<hbm>>
      tpu.wait_dma2 semaphore(%arg8 : memref<!tpu.dma_semaphore, #tpu.memory_space<semaphore_mem>>) src(%dma_wait3A_47 : memref<6400xf32, #tpu.memory_space<hbm>>) dst(%arg4 : memref<6400xf32, #tpu.memory_space<vmem>>)
      %dma_wait3A_48 = arith.constant 0 : i32
      %dma_wait3A_49 = tpu.memref_slice %arg2[%dma_wait3A_48] : memref<3000000xf32, #tpu.memory_space<hbm>> -> memref<6400xf32, #tpu.memory_space<hbm>>
      %dma_wait3A_50 = arith.constant 0 : i32
      %dma_wait3A_51 = tpu.memref_slice %arg2[%dma_wait3A_50] : memref<3000000xf32, #tpu.memory_space<hbm>> -> memref<6400xf32, #tpu.memory_space<hbm>>
      tpu.wait_dma2 semaphore(%arg8 : memref<!tpu.dma_semaphore, #tpu.memory_space<semaphore_mem>>) src(%dma_wait3A_51 : memref<6400xf32, #tpu.memory_space<hbm>>) dst(%arg5 : memref<6400xf32, #tpu.memory_space<vmem>>)
      %dma_wait3A_52 = arith.constant 0 : i32
      %dma_wait3A_53 = tpu.memref_slice %arg2[%dma_wait3A_52] : memref<3000000xf32, #tpu.memory_space<hbm>> -> memref<6400xf32, #tpu.memory_space<hbm>>
      %dma_wait3A_54 = arith.constant 0 : i32
      %dma_wait3A_55 = tpu.memref_slice %arg2[%dma_wait3A_54] : memref<3000000xf32, #tpu.memory_space<hbm>> -> memref<6400xf32, #tpu.memory_space<hbm>>
      tpu.wait_dma2 semaphore(%arg8 : memref<!tpu.dma_semaphore, #tpu.memory_space<semaphore_mem>>) src(%dma_wait3A_55 : memref<6400xf32, #tpu.memory_space<hbm>>) dst(%arg6 : memref<6400xf32, #tpu.memory_space<vmem>>)
      %scan3A = arith.constant 0 : i32
      %scan3A_56 = arith.constant 0 : i32
      %scan3A_57 = arith.constant 400 : i32
      %scan3A_58 = arith.addi %scan3A_56, %scan3A_57 : i32
      %scan3A_59 = arith.constant 1 : i32
      scf.for %scan3A_72 = %scan3A_56 to %scan3A_58 step %scan3A_59  : i32 {
        %mul3A_73 = arith.constant 16 : i32
        %mul3A_74 = arith.muli %mul3A_73, %scan3A_72 : i32
        %get3A = arith.index_cast %mul3A_74 : i32 to index
        %get3A_75 = tpu.vector_load %arg4[%get3A] {strides = array<i32>} : memref<6400xf32, #tpu.memory_space<vmem>>, vector<16xf32>,
        %mul3A_76 = arith.constant 128 : i32
        %mul3A_77 = arith.muli %mul3A_76, %scan3A_72 : i32
        %add3A_78 = arith.constant 0 : i32
        %add3A_79 = arith.addi %mul3A_77, %add3A_78 : i32
        %add3A_80 = vector.broadcast %add3A_79 : i32 to vector<16xi32>
        %add3A_81 = arith.addi %mul3A_3, %add3A_80 : vector<16xi32>
        tpu.vector_store_idx %arg7[%add3A_81], %get3A_75 : memref<51200xf32, #tpu.memory_space<vmem>>[vector<16xi32>], vector<16xf32>,
        %mul3A_82 = arith.constant 16 : i32
        %mul3A_83 = arith.muli %mul3A_82, %scan3A_72 : i32
        %get3A_84 = arith.index_cast %mul3A_83 : i32 to index
        %get3A_85 = tpu.vector_load %arg5[%get3A_84] {strides = array<i32>} : memref<6400xf32, #tpu.memory_space<vmem>>, vector<16xf32>,
        %mul3A_86 = arith.constant 128 : i32
        %mul3A_87 = arith.muli %mul3A_86, %scan3A_72 : i32
        %add3A_88 = arith.constant 1 : i32
        %add3A_89 = arith.addi %mul3A_87, %add3A_88 : i32
        %add3A_90 = vector.broadcast %add3A_89 : i32 to vector<16xi32>
        %add3A_91 = arith.addi %mul3A_3, %add3A_90 : vector<16xi32>
        tpu.vector_store_idx %arg7[%add3A_91], %get3A_85 : memref<51200xf32, #tpu.memory_space<vmem>>[vector<16xi32>], vector<16xf32>,
        %mul3A_92 = arith.constant 16 : i32
        %mul3A_93 = arith.muli %mul3A_92, %scan3A_72 : i32
        %get3A_94 = arith.index_cast %mul3A_93 : i32 to index
        %get3A_95 = tpu.vector_load %arg6[%get3A_94] {strides = array<i32>} : memref<6400xf32, #tpu.memory_space<vmem>>, vector<16xf32>,
        %mul3A_96 = arith.constant 128 : i32
        %mul3A_97 = arith.muli %mul3A_96, %scan3A_72 : i32
        %add3A_98 = arith.constant 2 : i32
        %add3A_99 = arith.addi %mul3A_97, %add3A_98 : i32
        %add3A_100 = vector.broadcast %add3A_99 : i32 to vector<16xi32>
        %add3A_101 = arith.addi %mul3A_3, %add3A_100 : vector<16xi32>
        tpu.vector_store_idx %arg7[%add3A_101], %get3A_95 : memref<51200xf32, #tpu.memory_space<vmem>>[vector<16xi32>], vector<16xf32>,
      }
      %scan3A_60 = arith.constant 400 : i32
      %add3A_61 = arith.constant 32 : i32
      %add3A_62 = arith.addi %add3A_7, %add3A_61 : i32
      %lt3A_63 = arith.constant 156 : i32
      %lt3A_64 = arith.cmpi slt, %add3A_62, %lt3A_63 : i32
      %convert_element_type3A_65 = arith.extui %lt3A_64 : i1 to i32
      %cond3A_66 = arith.constant 0 : i32
      %cond3A_67 = arith.cmpi ne, %convert_element_type3A_65, %cond3A_66 : i32
      scf.if %cond3A_67 {
        %mul3A_72 = arith.constant 6400 : i32
        %mul3A_73 = arith.muli %add3A_62, %mul3A_72 : i32
        %multiple_of3A_74 = tpu.assume_multiple %mul3A_73, 8 : i32
        %add3A_75 = arith.constant 0 : i32
        %add3A_76 = arith.addi %add3A_75, %multiple_of3A_74 : i32
        %dma_start3A = tpu.memref_slice %arg2[%add3A_76] : memref<3000000xf32, #tpu.memory_space<hbm>> -> memref<6400xf32, #tpu.memory_space<hbm>>
        %dma_start3A_77 = tpu.memref_slice %arg2[%add3A_76] : memref<3000000xf32, #tpu.memory_space<hbm>> -> memref<6400xf32, #tpu.memory_space<hbm>>
        tpu.enqueue_dma source(%dma_start3A_77 : memref<6400xf32, #tpu.memory_space<hbm>>) target(%arg4 : memref<6400xf32, #tpu.memory_space<vmem>>) target_semaphore(%arg8 : memref<!tpu.dma_semaphore, #tpu.memory_space<semaphore_mem>>)
        %add3A_78 = arith.constant 1000000 : i32
        %add3A_79 = arith.addi %add3A_78, %multiple_of3A_74 : i32
        %dma_start3A_80 = tpu.memref_slice %arg2[%add3A_79] : memref<3000000xf32, #tpu.memory_space<hbm>> -> memref<6400xf32, #tpu.memory_space<hbm>>
        %dma_start3A_81 = tpu.memref_slice %arg2[%add3A_79] : memref<3000000xf32, #tpu.memory_space<hbm>> -> memref<6400xf32, #tpu.memory_space<hbm>>
        tpu.enqueue_dma source(%dma_start3A_81 : memref<6400xf32, #tpu.memory_space<hbm>>) target(%arg5 : memref<6400xf32, #tpu.memory_space<vmem>>) target_semaphore(%arg8 : memref<!tpu.dma_semaphore, #tpu.memory_space<semaphore_mem>>)
        %add3A_82 = arith.constant 2000000 : i32
        %add3A_83 = arith.addi %add3A_82, %multiple_of3A_74 : i32
        %dma_start3A_84 = tpu.memref_slice %arg2[%add3A_83] : memref<3000000xf32, #tpu.memory_space<hbm>> -> memref<6400xf32, #tpu.memory_space<hbm>>
        %dma_start3A_85 = tpu.memref_slice %arg2[%add3A_83] : memref<3000000xf32, #tpu.memory_space<hbm>> -> memref<6400xf32, #tpu.memory_space<hbm>>
        tpu.enqueue_dma source(%dma_start3A_85 : memref<6400xf32, #tpu.memory_space<hbm>>) target(%arg6 : memref<6400xf32, #tpu.memory_space<vmem>>) target_semaphore(%arg8 : memref<!tpu.dma_semaphore, #tpu.memory_space<semaphore_mem>>)
      } else {
      }
      %mul3A_68 = arith.constant 6400 : i32
      %mul3A_69 = arith.muli %add3A_7, %mul3A_68 : i32
      %multiple_of3A = tpu.assume_multiple %mul3A_69, 8 : i32
      %mul3A_70 = arith.constant 8 : i32
      %mul3A_71 = arith.muli %multiple_of3A, %mul3A_70 : i32
      "tpu.region"() ({
        %run_scoped3A = tpu.sem_alloc : memref<!tpu.dma_semaphore, #tpu.memory_space<semaphore_mem>>
        %dma_start3A = tpu.memref_slice %arg3[%mul3A_71] : memref<8000000xf32, #tpu.memory_space<hbm>> -> memref<51200xf32, #tpu.memory_space<hbm>>
        %dma_start3A_72 = tpu.memref_slice %arg3[%mul3A_71] : memref<8000000xf32, #tpu.memory_space<hbm>> -> memref<51200xf32, #tpu.memory_space<hbm>>
        tpu.enqueue_dma source(%arg7 : memref<51200xf32, #tpu.memory_space<vmem>>) target(%dma_start3A_72 : memref<51200xf32, #tpu.memory_space<hbm>>) target_semaphore(%run_scoped3A : memref<!tpu.dma_semaphore, #tpu.memory_space<semaphore_mem>>)
        %dma_wait3A_73 = tpu.memref_slice %arg3[%mul3A_71] : memref<8000000xf32, #tpu.memory_space<hbm>> -> memref<51200xf32, #tpu.memory_space<hbm>>
        %dma_wait3A_74 = tpu.memref_slice %arg3[%mul3A_71] : memref<8000000xf32, #tpu.memory_space<hbm>> -> memref<51200xf32, #tpu.memory_space<hbm>>
        tpu.wait_dma2 semaphore(%run_scoped3A : memref<!tpu.dma_semaphore, #tpu.memory_space<semaphore_mem>>) src(%arg7 : memref<51200xf32, #tpu.memory_space<vmem>>) dst(%dma_wait3A_74 : memref<51200xf32, #tpu.memory_space<hbm>>)
        tpu.yield
      }) : () -> ()
    } else {
    }
    %add3A_13 = arith.constant 32 : i32
    %add3A_14 = arith.addi %add3A, %add3A_13 : i32
    %lt3A_15 = arith.constant 156 : i32
    %lt3A_16 = arith.cmpi slt, %add3A_14, %lt3A_15 : i32
    %convert_element_type3A_17 = arith.extui %lt3A_16 : i1 to i32
    %cond3A_18 = arith.constant 0 : i32
    %cond3A_19 = arith.cmpi ne, %convert_element_type3A_17, %cond3A_18 : i32
    scf.if %cond3A_19 {
      %dma_wait3A = arith.constant 0 : i32
      %dma_wait3A_45 = tpu.memref_slice %arg2[%dma_wait3A] : memref<3000000xf32, #tpu.memory_space<hbm>> -> memref<6400xf32, #tpu.memory_space<hbm>>
      %dma_wait3A_46 = arith.constant 0 : i32
      %dma_wait3A_47 = tpu.memref_slice %arg2[%dma_wait3A_46] : memref<3000000xf32, #tpu.memory_space<hbm>> -> memref<6400xf32, #tpu.memory_space<hbm>>
      tpu.wait_dma2 semaphore(%arg8 : memref<!tpu.dma_semaphore, #tpu.memory_space<semaphore_mem>>) src(%dma_wait3A_47 : memref<6400xf32, #tpu.memory_space<hbm>>) dst(%arg4 : memref<6400xf32, #tpu.memory_space<vmem>>)
      %dma_wait3A_48 = arith.constant 0 : i32
      %dma_wait3A_49 = tpu.memref_slice %arg2[%dma_wait3A_48] : memref<3000000xf32, #tpu.memory_space<hbm>> -> memref<6400xf32, #tpu.memory_space<hbm>>
      %dma_wait3A_50 = arith.constant 0 : i32
      %dma_wait3A_51 = tpu.memref_slice %arg2[%dma_wait3A_50] : memref<3000000xf32, #tpu.memory_space<hbm>> -> memref<6400xf32, #tpu.memory_space<hbm>>
      tpu.wait_dma2 semaphore(%arg8 : memref<!tpu.dma_semaphore, #tpu.memory_space<semaphore_mem>>) src(%dma_wait3A_51 : memref<6400xf32, #tpu.memory_space<hbm>>) dst(%arg5 : memref<6400xf32, #tpu.memory_space<vmem>>)
      %dma_wait3A_52 = arith.constant 0 : i32
      %dma_wait3A_53 = tpu.memref_slice %arg2[%dma_wait3A_52] : memref<3000000xf32, #tpu.memory_space<hbm>> -> memref<6400xf32, #tpu.memory_space<hbm>>
      %dma_wait3A_54 = arith.constant 0 : i32
      %dma_wait3A_55 = tpu.memref_slice %arg2[%dma_wait3A_54] : memref<3000000xf32, #tpu.memory_space<hbm>> -> memref<6400xf32, #tpu.memory_space<hbm>>
      tpu.wait_dma2 semaphore(%arg8 : memref<!tpu.dma_semaphore, #tpu.memory_space<semaphore_mem>>) src(%dma_wait3A_55 : memref<6400xf32, #tpu.memory_space<hbm>>) dst(%arg6 : memref<6400xf32, #tpu.memory_space<vmem>>)
      %scan3A = arith.constant 0 : i32
      %scan3A_56 = arith.constant 0 : i32
      %scan3A_57 = arith.constant 400 : i32
      %scan3A_58 = arith.addi %scan3A_56, %scan3A_57 : i32
      %scan3A_59 = arith.constant 1 : i32
      scf.for %scan3A_72 = %scan3A_56 to %scan3A_58 step %scan3A_59  : i32 {
        %mul3A_73 = arith.constant 16 : i32
        %mul3A_74 = arith.muli %mul3A_73, %scan3A_72 : i32
        %get3A = arith.index_cast %mul3A_74 : i32 to index
        %get3A_75 = tpu.vector_load %arg4[%get3A] {strides = array<i32>} : memref<6400xf32, #tpu.memory_space<vmem>>, vector<16xf32>,
        %mul3A_76 = arith.constant 128 : i32
        %mul3A_77 = arith.muli %mul3A_76, %scan3A_72 : i32
        %add3A_78 = arith.constant 0 : i32
        %add3A_79 = arith.addi %mul3A_77, %add3A_78 : i32
        %add3A_80 = vector.broadcast %add3A_79 : i32 to vector<16xi32>
        %add3A_81 = arith.addi %mul3A_3, %add3A_80 : vector<16xi32>
        tpu.vector_store_idx %arg7[%add3A_81], %get3A_75 : memref<51200xf32, #tpu.memory_space<vmem>>[vector<16xi32>], vector<16xf32>,
        %mul3A_82 = arith.constant 16 : i32
        %mul3A_83 = arith.muli %mul3A_82, %scan3A_72 : i32
        %get3A_84 = arith.index_cast %mul3A_83 : i32 to index
        %get3A_85 = tpu.vector_load %arg5[%get3A_84] {strides = array<i32>} : memref<6400xf32, #tpu.memory_space<vmem>>, vector<16xf32>,
        %mul3A_86 = arith.constant 128 : i32
        %mul3A_87 = arith.muli %mul3A_86, %scan3A_72 : i32
        %add3A_88 = arith.constant 1 : i32
        %add3A_89 = arith.addi %mul3A_87, %add3A_88 : i32
        %add3A_90 = vector.broadcast %add3A_89 : i32 to vector<16xi32>
        %add3A_91 = arith.addi %mul3A_3, %add3A_90 : vector<16xi32>
        tpu.vector_store_idx %arg7[%add3A_91], %get3A_85 : memref<51200xf32, #tpu.memory_space<vmem>>[vector<16xi32>], vector<16xf32>,
        %mul3A_92 = arith.constant 16 : i32
        %mul3A_93 = arith.muli %mul3A_92, %scan3A_72 : i32
        %get3A_94 = arith.index_cast %mul3A_93 : i32 to index
        %get3A_95 = tpu.vector_load %arg6[%get3A_94] {strides = array<i32>} : memref<6400xf32, #tpu.memory_space<vmem>>, vector<16xf32>,
        %mul3A_96 = arith.constant 128 : i32
        %mul3A_97 = arith.muli %mul3A_96, %scan3A_72 : i32
        %add3A_98 = arith.constant 2 : i32
        %add3A_99 = arith.addi %mul3A_97, %add3A_98 : i32
        %add3A_100 = vector.broadcast %add3A_99 : i32 to vector<16xi32>
        %add3A_101 = arith.addi %mul3A_3, %add3A_100 : vector<16xi32>
        tpu.vector_store_idx %arg7[%add3A_101], %get3A_95 : memref<51200xf32, #tpu.memory_space<vmem>>[vector<16xi32>], vector<16xf32>,
      }
      %scan3A_60 = arith.constant 400 : i32
      %add3A_61 = arith.constant 32 : i32
      %add3A_62 = arith.addi %add3A_14, %add3A_61 : i32
      %lt3A_63 = arith.constant 156 : i32
      %lt3A_64 = arith.cmpi slt, %add3A_62, %lt3A_63 : i32
      %convert_element_type3A_65 = arith.extui %lt3A_64 : i1 to i32
      %cond3A_66 = arith.constant 0 : i32
      %cond3A_67 = arith.cmpi ne, %convert_element_type3A_65, %cond3A_66 : i32
      scf.if %cond3A_67 {
        %mul3A_72 = arith.constant 6400 : i32
        %mul3A_73 = arith.muli %add3A_62, %mul3A_72 : i32
        %multiple_of3A_74 = tpu.assume_multiple %mul3A_73, 8 : i32
        %add3A_75 = arith.constant 0 : i32
        %add3A_76 = arith.addi %add3A_75, %multiple_of3A_74 : i32
        %dma_start3A = tpu.memref_slice %arg2[%add3A_76] : memref<3000000xf32, #tpu.memory_space<hbm>> -> memref<6400xf32, #tpu.memory_space<hbm>>
        %dma_start3A_77 = tpu.memref_slice %arg2[%add3A_76] : memref<3000000xf32, #tpu.memory_space<hbm>> -> memref<6400xf32, #tpu.memory_space<hbm>>
        tpu.enqueue_dma source(%dma_start3A_77 : memref<6400xf32, #tpu.memory_space<hbm>>) target(%arg4 : memref<6400xf32, #tpu.memory_space<vmem>>) target_semaphore(%arg8 : memref<!tpu.dma_semaphore, #tpu.memory_space<semaphore_mem>>)
        %add3A_78 = arith.constant 1000000 : i32
        %add3A_79 = arith.addi %add3A_78, %multiple_of3A_74 : i32
        %dma_start3A_80 = tpu.memref_slice %arg2[%add3A_79] : memref<3000000xf32, #tpu.memory_space<hbm>> -> memref<6400xf32, #tpu.memory_space<hbm>>
        %dma_start3A_81 = tpu.memref_slice %arg2[%add3A_79] : memref<3000000xf32, #tpu.memory_space<hbm>> -> memref<6400xf32, #tpu.memory_space<hbm>>
        tpu.enqueue_dma source(%dma_start3A_81 : memref<6400xf32, #tpu.memory_space<hbm>>) target(%arg5 : memref<6400xf32, #tpu.memory_space<vmem>>) target_semaphore(%arg8 : memref<!tpu.dma_semaphore, #tpu.memory_space<semaphore_mem>>)
        %add3A_82 = arith.constant 2000000 : i32
        %add3A_83 = arith.addi %add3A_82, %multiple_of3A_74 : i32
        %dma_start3A_84 = tpu.memref_slice %arg2[%add3A_83] : memref<3000000xf32, #tpu.memory_space<hbm>> -> memref<6400xf32, #tpu.memory_space<hbm>>
        %dma_start3A_85 = tpu.memref_slice %arg2[%add3A_83] : memref<3000000xf32, #tpu.memory_space<hbm>> -> memref<6400xf32, #tpu.memory_space<hbm>>
        tpu.enqueue_dma source(%dma_start3A_85 : memref<6400xf32, #tpu.memory_space<hbm>>) target(%arg6 : memref<6400xf32, #tpu.memory_space<vmem>>) target_semaphore(%arg8 : memref<!tpu.dma_semaphore, #tpu.memory_space<semaphore_mem>>)
      } else {
      }
      %mul3A_68 = arith.constant 6400 : i32
      %mul3A_69 = arith.muli %add3A_14, %mul3A_68 : i32
      %multiple_of3A = tpu.assume_multiple %mul3A_69, 8 : i32
      %mul3A_70 = arith.constant 8 : i32
      %mul3A_71 = arith.muli %multiple_of3A, %mul3A_70 : i32
      "tpu.region"() ({
        %run_scoped3A = tpu.sem_alloc : memref<!tpu.dma_semaphore, #tpu.memory_space<semaphore_mem>>
        %dma_start3A = tpu.memref_slice %arg3[%mul3A_71] : memref<8000000xf32, #tpu.memory_space<hbm>> -> memref<51200xf32, #tpu.memory_space<hbm>>
        %dma_start3A_72 = tpu.memref_slice %arg3[%mul3A_71] : memref<8000000xf32, #tpu.memory_space<hbm>> -> memref<51200xf32, #tpu.memory_space<hbm>>
        tpu.enqueue_dma source(%arg7 : memref<51200xf32, #tpu.memory_space<vmem>>) target(%dma_start3A_72 : memref<51200xf32, #tpu.memory_space<hbm>>) target_semaphore(%run_scoped3A : memref<!tpu.dma_semaphore, #tpu.memory_space<semaphore_mem>>)
        %dma_wait3A_73 = tpu.memref_slice %arg3[%mul3A_71] : memref<8000000xf32, #tpu.memory_space<hbm>> -> memref<51200xf32, #tpu.memory_space<hbm>>
        %dma_wait3A_74 = tpu.memref_slice %arg3[%mul3A_71] : memref<8000000xf32, #tpu.memory_space<hbm>> -> memref<51200xf32, #tpu.memory_space<hbm>>
        tpu.wait_dma2 semaphore(%run_scoped3A : memref<!tpu.dma_semaphore, #tpu.memory_space<semaphore_mem>>) src(%arg7 : memref<51200xf32, #tpu.memory_space<vmem>>) dst(%dma_wait3A_74 : memref<51200xf32, #tpu.memory_space<hbm>>)
        tpu.yield
      }) : () -> ()
    } else {
    }
    %add3A_20 = arith.constant 64 : i32
    %add3A_21 = arith.addi %add3A, %add3A_20 : i32
    %lt3A_22 = arith.constant 156 : i32
    %lt3A_23 = arith.cmpi slt, %add3A_21, %lt3A_22 : i32
    %convert_element_type3A_24 = arith.extui %lt3A_23 : i1 to i32
    %cond3A_25 = arith.constant 0 : i32
    %cond3A_26 = arith.cmpi ne, %convert_element_type3A_24, %cond3A_25 : i32
    scf.if %cond3A_26 {
      %dma_wait3A = arith.constant 0 : i32
      %dma_wait3A_45 = tpu.memref_slice %arg2[%dma_wait3A] : memref<3000000xf32, #tpu.memory_space<hbm>> -> memref<6400xf32, #tpu.memory_space<hbm>>
      %dma_wait3A_46 = arith.constant 0 : i32
      %dma_wait3A_47 = tpu.memref_slice %arg2[%dma_wait3A_46] : memref<3000000xf32, #tpu.memory_space<hbm>> -> memref<6400xf32, #tpu.memory_space<hbm>>
      tpu.wait_dma2 semaphore(%arg8 : memref<!tpu.dma_semaphore, #tpu.memory_space<semaphore_mem>>) src(%dma_wait3A_47 : memref<6400xf32, #tpu.memory_space<hbm>>) dst(%arg4 : memref<6400xf32, #tpu.memory_space<vmem>>)
      %dma_wait3A_48 = arith.constant 0 : i32
      %dma_wait3A_49 = tpu.memref_slice %arg2[%dma_wait3A_48] : memref<3000000xf32, #tpu.memory_space<hbm>> -> memref<6400xf32, #tpu.memory_space<hbm>>
      %dma_wait3A_50 = arith.constant 0 : i32
      %dma_wait3A_51 = tpu.memref_slice %arg2[%dma_wait3A_50] : memref<3000000xf32, #tpu.memory_space<hbm>> -> memref<6400xf32, #tpu.memory_space<hbm>>
      tpu.wait_dma2 semaphore(%arg8 : memref<!tpu.dma_semaphore, #tpu.memory_space<semaphore_mem>>) src(%dma_wait3A_51 : memref<6400xf32, #tpu.memory_space<hbm>>) dst(%arg5 : memref<6400xf32, #tpu.memory_space<vmem>>)
      %dma_wait3A_52 = arith.constant 0 : i32
      %dma_wait3A_53 = tpu.memref_slice %arg2[%dma_wait3A_52] : memref<3000000xf32, #tpu.memory_space<hbm>> -> memref<6400xf32, #tpu.memory_space<hbm>>
      %dma_wait3A_54 = arith.constant 0 : i32
      %dma_wait3A_55 = tpu.memref_slice %arg2[%dma_wait3A_54] : memref<3000000xf32, #tpu.memory_space<hbm>> -> memref<6400xf32, #tpu.memory_space<hbm>>
      tpu.wait_dma2 semaphore(%arg8 : memref<!tpu.dma_semaphore, #tpu.memory_space<semaphore_mem>>) src(%dma_wait3A_55 : memref<6400xf32, #tpu.memory_space<hbm>>) dst(%arg6 : memref<6400xf32, #tpu.memory_space<vmem>>)
      %scan3A = arith.constant 0 : i32
      %scan3A_56 = arith.constant 0 : i32
      %scan3A_57 = arith.constant 400 : i32
      %scan3A_58 = arith.addi %scan3A_56, %scan3A_57 : i32
      %scan3A_59 = arith.constant 1 : i32
      scf.for %scan3A_72 = %scan3A_56 to %scan3A_58 step %scan3A_59  : i32 {
        %mul3A_73 = arith.constant 16 : i32
        %mul3A_74 = arith.muli %mul3A_73, %scan3A_72 : i32
        %get3A = arith.index_cast %mul3A_74 : i32 to index
        %get3A_75 = tpu.vector_load %arg4[%get3A] {strides = array<i32>} : memref<6400xf32, #tpu.memory_space<vmem>>, vector<16xf32>,
        %mul3A_76 = arith.constant 128 : i32
        %mul3A_77 = arith.muli %mul3A_76, %scan3A_72 : i32
        %add3A_78 = arith.constant 0 : i32
        %add3A_79 = arith.addi %mul3A_77, %add3A_78 : i32
        %add3A_80 = vector.broadcast %add3A_79 : i32 to vector<16xi32>
        %add3A_81 = arith.addi %mul3A_3, %add3A_80 : vector<16xi32>
        tpu.vector_store_idx %arg7[%add3A_81], %get3A_75 : memref<51200xf32, #tpu.memory_space<vmem>>[vector<16xi32>], vector<16xf32>,
        %mul3A_82 = arith.constant 16 : i32
        %mul3A_83 = arith.muli %mul3A_82, %scan3A_72 : i32
        %get3A_84 = arith.index_cast %mul3A_83 : i32 to index
        %get3A_85 = tpu.vector_load %arg5[%get3A_84] {strides = array<i32>} : memref<6400xf32, #tpu.memory_space<vmem>>, vector<16xf32>,
        %mul3A_86 = arith.constant 128 : i32
        %mul3A_87 = arith.muli %mul3A_86, %scan3A_72 : i32
        %add3A_88 = arith.constant 1 : i32
        %add3A_89 = arith.addi %mul3A_87, %add3A_88 : i32
        %add3A_90 = vector.broadcast %add3A_89 : i32 to vector<16xi32>
        %add3A_91 = arith.addi %mul3A_3, %add3A_90 : vector<16xi32>
        tpu.vector_store_idx %arg7[%add3A_91], %get3A_85 : memref<51200xf32, #tpu.memory_space<vmem>>[vector<16xi32>], vector<16xf32>,
        %mul3A_92 = arith.constant 16 : i32
        %mul3A_93 = arith.muli %mul3A_92, %scan3A_72 : i32
        %get3A_94 = arith.index_cast %mul3A_93 : i32 to index
        %get3A_95 = tpu.vector_load %arg6[%get3A_94] {strides = array<i32>} : memref<6400xf32, #tpu.memory_space<vmem>>, vector<16xf32>,
        %mul3A_96 = arith.constant 128 : i32
        %mul3A_97 = arith.muli %mul3A_96, %scan3A_72 : i32
        %add3A_98 = arith.constant 2 : i32
        %add3A_99 = arith.addi %mul3A_97, %add3A_98 : i32
        %add3A_100 = vector.broadcast %add3A_99 : i32 to vector<16xi32>
        %add3A_101 = arith.addi %mul3A_3, %add3A_100 : vector<16xi32>
        tpu.vector_store_idx %arg7[%add3A_101], %get3A_95 : memref<51200xf32, #tpu.memory_space<vmem>>[vector<16xi32>], vector<16xf32>,
      }
      %scan3A_60 = arith.constant 400 : i32
      %add3A_61 = arith.constant 32 : i32
      %add3A_62 = arith.addi %add3A_21, %add3A_61 : i32
      %lt3A_63 = arith.constant 156 : i32
      %lt3A_64 = arith.cmpi slt, %add3A_62, %lt3A_63 : i32
      %convert_element_type3A_65 = arith.extui %lt3A_64 : i1 to i32
      %cond3A_66 = arith.constant 0 : i32
      %cond3A_67 = arith.cmpi ne, %convert_element_type3A_65, %cond3A_66 : i32
      scf.if %cond3A_67 {
        %mul3A_72 = arith.constant 6400 : i32
        %mul3A_73 = arith.muli %add3A_62, %mul3A_72 : i32
        %multiple_of3A_74 = tpu.assume_multiple %mul3A_73, 8 : i32
        %add3A_75 = arith.constant 0 : i32
        %add3A_76 = arith.addi %add3A_75, %multiple_of3A_74 : i32
        %dma_start3A = tpu.memref_slice %arg2[%add3A_76] : memref<3000000xf32, #tpu.memory_space<hbm>> -> memref<6400xf32, #tpu.memory_space<hbm>>
        %dma_start3A_77 = tpu.memref_slice %arg2[%add3A_76] : memref<3000000xf32, #tpu.memory_space<hbm>> -> memref<6400xf32, #tpu.memory_space<hbm>>
        tpu.enqueue_dma source(%dma_start3A_77 : memref<6400xf32, #tpu.memory_space<hbm>>) target(%arg4 : memref<6400xf32, #tpu.memory_space<vmem>>) target_semaphore(%arg8 : memref<!tpu.dma_semaphore, #tpu.memory_space<semaphore_mem>>)
        %add3A_78 = arith.constant 1000000 : i32
        %add3A_79 = arith.addi %add3A_78, %multiple_of3A_74 : i32
        %dma_start3A_80 = tpu.memref_slice %arg2[%add3A_79] : memref<3000000xf32, #tpu.memory_space<hbm>> -> memref<6400xf32, #tpu.memory_space<hbm>>
        %dma_start3A_81 = tpu.memref_slice %arg2[%add3A_79] : memref<3000000xf32, #tpu.memory_space<hbm>> -> memref<6400xf32, #tpu.memory_space<hbm>>
        tpu.enqueue_dma source(%dma_start3A_81 : memref<6400xf32, #tpu.memory_space<hbm>>) target(%arg5 : memref<6400xf32, #tpu.memory_space<vmem>>) target_semaphore(%arg8 : memref<!tpu.dma_semaphore, #tpu.memory_space<semaphore_mem>>)
        %add3A_82 = arith.constant 2000000 : i32
        %add3A_83 = arith.addi %add3A_82, %multiple_of3A_74 : i32
        %dma_start3A_84 = tpu.memref_slice %arg2[%add3A_83] : memref<3000000xf32, #tpu.memory_space<hbm>> -> memref<6400xf32, #tpu.memory_space<hbm>>
        %dma_start3A_85 = tpu.memref_slice %arg2[%add3A_83] : memref<3000000xf32, #tpu.memory_space<hbm>> -> memref<6400xf32, #tpu.memory_space<hbm>>
        tpu.enqueue_dma source(%dma_start3A_85 : memref<6400xf32, #tpu.memory_space<hbm>>) target(%arg6 : memref<6400xf32, #tpu.memory_space<vmem>>) target_semaphore(%arg8 : memref<!tpu.dma_semaphore, #tpu.memory_space<semaphore_mem>>)
      } else {
      }
      %mul3A_68 = arith.constant 6400 : i32
      %mul3A_69 = arith.muli %add3A_21, %mul3A_68 : i32
      %multiple_of3A = tpu.assume_multiple %mul3A_69, 8 : i32
      %mul3A_70 = arith.constant 8 : i32
      %mul3A_71 = arith.muli %multiple_of3A, %mul3A_70 : i32
      "tpu.region"() ({
        %run_scoped3A = tpu.sem_alloc : memref<!tpu.dma_semaphore, #tpu.memory_space<semaphore_mem>>
        %dma_start3A = tpu.memref_slice %arg3[%mul3A_71] : memref<8000000xf32, #tpu.memory_space<hbm>> -> memref<51200xf32, #tpu.memory_space<hbm>>
        %dma_start3A_72 = tpu.memref_slice %arg3[%mul3A_71] : memref<8000000xf32, #tpu.memory_space<hbm>> -> memref<51200xf32, #tpu.memory_space<hbm>>
        tpu.enqueue_dma source(%arg7 : memref<51200xf32, #tpu.memory_space<vmem>>) target(%dma_start3A_72 : memref<51200xf32, #tpu.memory_space<hbm>>) target_semaphore(%run_scoped3A : memref<!tpu.dma_semaphore, #tpu.memory_space<semaphore_mem>>)
        %dma_wait3A_73 = tpu.memref_slice %arg3[%mul3A_71] : memref<8000000xf32, #tpu.memory_space<hbm>> -> memref<51200xf32, #tpu.memory_space<hbm>>
        %dma_wait3A_74 = tpu.memref_slice %arg3[%mul3A_71] : memref<8000000xf32, #tpu.memory_space<hbm>> -> memref<51200xf32, #tpu.memory_space<hbm>>
        tpu.wait_dma2 semaphore(%run_scoped3A : memref<!tpu.dma_semaphore, #tpu.memory_space<semaphore_mem>>) src(%arg7 : memref<51200xf32, #tpu.memory_space<vmem>>) dst(%dma_wait3A_74 : memref<51200xf32, #tpu.memory_space<hbm>>)
        tpu.yield
      }) : () -> ()
    } else {
    }
    %add3A_27 = arith.constant 96 : i32
    %add3A_28 = arith.addi %add3A, %add3A_27 : i32
    %lt3A_29 = arith.constant 156 : i32
    %lt3A_30 = arith.cmpi slt, %add3A_28, %lt3A_29 : i32
    %convert_element_type3A_31 = arith.extui %lt3A_30 : i1 to i32
    %cond3A_32 = arith.constant 0 : i32
    %cond3A_33 = arith.cmpi ne, %convert_element_type3A_31, %cond3A_32 : i32
    scf.if %cond3A_33 {
      %dma_wait3A = arith.constant 0 : i32
      %dma_wait3A_45 = tpu.memref_slice %arg2[%dma_wait3A] : memref<3000000xf32, #tpu.memory_space<hbm>> -> memref<6400xf32, #tpu.memory_space<hbm>>
      %dma_wait3A_46 = arith.constant 0 : i32
      %dma_wait3A_47 = tpu.memref_slice %arg2[%dma_wait3A_46] : memref<3000000xf32, #tpu.memory_space<hbm>> -> memref<6400xf32, #tpu.memory_space<hbm>>
      tpu.wait_dma2 semaphore(%arg8 : memref<!tpu.dma_semaphore, #tpu.memory_space<semaphore_mem>>) src(%dma_wait3A_47 : memref<6400xf32, #tpu.memory_space<hbm>>) dst(%arg4 : memref<6400xf32, #tpu.memory_space<vmem>>)
      %dma_wait3A_48 = arith.constant 0 : i32
      %dma_wait3A_49 = tpu.memref_slice %arg2[%dma_wait3A_48] : memref<3000000xf32, #tpu.memory_space<hbm>> -> memref<6400xf32, #tpu.memory_space<hbm>>
      %dma_wait3A_50 = arith.constant 0 : i32
      %dma_wait3A_51 = tpu.memref_slice %arg2[%dma_wait3A_50] : memref<3000000xf32, #tpu.memory_space<hbm>> -> memref<6400xf32, #tpu.memory_space<hbm>>
      tpu.wait_dma2 semaphore(%arg8 : memref<!tpu.dma_semaphore, #tpu.memory_space<semaphore_mem>>) src(%dma_wait3A_51 : memref<6400xf32, #tpu.memory_space<hbm>>) dst(%arg5 : memref<6400xf32, #tpu.memory_space<vmem>>)
      %dma_wait3A_52 = arith.constant 0 : i32
      %dma_wait3A_53 = tpu.memref_slice %arg2[%dma_wait3A_52] : memref<3000000xf32, #tpu.memory_space<hbm>> -> memref<6400xf32, #tpu.memory_space<hbm>>
      %dma_wait3A_54 = arith.constant 0 : i32
      %dma_wait3A_55 = tpu.memref_slice %arg2[%dma_wait3A_54] : memref<3000000xf32, #tpu.memory_space<hbm>> -> memref<6400xf32, #tpu.memory_space<hbm>>
      tpu.wait_dma2 semaphore(%arg8 : memref<!tpu.dma_semaphore, #tpu.memory_space<semaphore_mem>>) src(%dma_wait3A_55 : memref<6400xf32, #tpu.memory_space<hbm>>) dst(%arg6 : memref<6400xf32, #tpu.memory_space<vmem>>)
      %scan3A = arith.constant 0 : i32
      %scan3A_56 = arith.constant 0 : i32
      %scan3A_57 = arith.constant 400 : i32
      %scan3A_58 = arith.addi %scan3A_56, %scan3A_57 : i32
      %scan3A_59 = arith.constant 1 : i32
      scf.for %scan3A_72 = %scan3A_56 to %scan3A_58 step %scan3A_59  : i32 {
        %mul3A_73 = arith.constant 16 : i32
        %mul3A_74 = arith.muli %mul3A_73, %scan3A_72 : i32
        %get3A = arith.index_cast %mul3A_74 : i32 to index
        %get3A_75 = tpu.vector_load %arg4[%get3A] {strides = array<i32>} : memref<6400xf32, #tpu.memory_space<vmem>>, vector<16xf32>,
        %mul3A_76 = arith.constant 128 : i32
        %mul3A_77 = arith.muli %mul3A_76, %scan3A_72 : i32
        %add3A_78 = arith.constant 0 : i32
        %add3A_79 = arith.addi %mul3A_77, %add3A_78 : i32
        %add3A_80 = vector.broadcast %add3A_79 : i32 to vector<16xi32>
        %add3A_81 = arith.addi %mul3A_3, %add3A_80 : vector<16xi32>
        tpu.vector_store_idx %arg7[%add3A_81], %get3A_75 : memref<51200xf32, #tpu.memory_space<vmem>>[vector<16xi32>], vector<16xf32>,
        %mul3A_82 = arith.constant 16 : i32
        %mul3A_83 = arith.muli %mul3A_82, %scan3A_72 : i32
        %get3A_84 = arith.index_cast %mul3A_83 : i32 to index
        %get3A_85 = tpu.vector_load %arg5[%get3A_84] {strides = array<i32>} : memref<6400xf32, #tpu.memory_space<vmem>>, vector<16xf32>,
        %mul3A_86 = arith.constant 128 : i32
        %mul3A_87 = arith.muli %mul3A_86, %scan3A_72 : i32
        %add3A_88 = arith.constant 1 : i32
        %add3A_89 = arith.addi %mul3A_87, %add3A_88 : i32
        %add3A_90 = vector.broadcast %add3A_89 : i32 to vector<16xi32>
        %add3A_91 = arith.addi %mul3A_3, %add3A_90 : vector<16xi32>
        tpu.vector_store_idx %arg7[%add3A_91], %get3A_85 : memref<51200xf32, #tpu.memory_space<vmem>>[vector<16xi32>], vector<16xf32>,
        %mul3A_92 = arith.constant 16 : i32
        %mul3A_93 = arith.muli %mul3A_92, %scan3A_72 : i32
        %get3A_94 = arith.index_cast %mul3A_93 : i32 to index
        %get3A_95 = tpu.vector_load %arg6[%get3A_94] {strides = array<i32>} : memref<6400xf32, #tpu.memory_space<vmem>>, vector<16xf32>,
        %mul3A_96 = arith.constant 128 : i32
        %mul3A_97 = arith.muli %mul3A_96, %scan3A_72 : i32
        %add3A_98 = arith.constant 2 : i32
        %add3A_99 = arith.addi %mul3A_97, %add3A_98 : i32
        %add3A_100 = vector.broadcast %add3A_99 : i32 to vector<16xi32>
        %add3A_101 = arith.addi %mul3A_3, %add3A_100 : vector<16xi32>
        tpu.vector_store_idx %arg7[%add3A_101], %get3A_95 : memref<51200xf32, #tpu.memory_space<vmem>>[vector<16xi32>], vector<16xf32>,
      }
      %scan3A_60 = arith.constant 400 : i32
      %add3A_61 = arith.constant 32 : i32
      %add3A_62 = arith.addi %add3A_28, %add3A_61 : i32
      %lt3A_63 = arith.constant 156 : i32
      %lt3A_64 = arith.cmpi slt, %add3A_62, %lt3A_63 : i32
      %convert_element_type3A_65 = arith.extui %lt3A_64 : i1 to i32
      %cond3A_66 = arith.constant 0 : i32
      %cond3A_67 = arith.cmpi ne, %convert_element_type3A_65, %cond3A_66 : i32
      scf.if %cond3A_67 {
        %mul3A_72 = arith.constant 6400 : i32
        %mul3A_73 = arith.muli %add3A_62, %mul3A_72 : i32
        %multiple_of3A_74 = tpu.assume_multiple %mul3A_73, 8 : i32
        %add3A_75 = arith.constant 0 : i32
        %add3A_76 = arith.addi %add3A_75, %multiple_of3A_74 : i32
        %dma_start3A = tpu.memref_slice %arg2[%add3A_76] : memref<3000000xf32, #tpu.memory_space<hbm>> -> memref<6400xf32, #tpu.memory_space<hbm>>
        %dma_start3A_77 = tpu.memref_slice %arg2[%add3A_76] : memref<3000000xf32, #tpu.memory_space<hbm>> -> memref<6400xf32, #tpu.memory_space<hbm>>
        tpu.enqueue_dma source(%dma_start3A_77 : memref<6400xf32, #tpu.memory_space<hbm>>) target(%arg4 : memref<6400xf32, #tpu.memory_space<vmem>>) target_semaphore(%arg8 : memref<!tpu.dma_semaphore, #tpu.memory_space<semaphore_mem>>)
        %add3A_78 = arith.constant 1000000 : i32
        %add3A_79 = arith.addi %add3A_78, %multiple_of3A_74 : i32
        %dma_start3A_80 = tpu.memref_slice %arg2[%add3A_79] : memref<3000000xf32, #tpu.memory_space<hbm>> -> memref<6400xf32, #tpu.memory_space<hbm>>
        %dma_start3A_81 = tpu.memref_slice %arg2[%add3A_79] : memref<3000000xf32, #tpu.memory_space<hbm>> -> memref<6400xf32, #tpu.memory_space<hbm>>
        tpu.enqueue_dma source(%dma_start3A_81 : memref<6400xf32, #tpu.memory_space<hbm>>) target(%arg5 : memref<6400xf32, #tpu.memory_space<vmem>>) target_semaphore(%arg8 : memref<!tpu.dma_semaphore, #tpu.memory_space<semaphore_mem>>)
        %add3A_82 = arith.constant 2000000 : i32
        %add3A_83 = arith.addi %add3A_82, %multiple_of3A_74 : i32
        %dma_start3A_84 = tpu.memref_slice %arg2[%add3A_83] : memref<3000000xf32, #tpu.memory_space<hbm>> -> memref<6400xf32, #tpu.memory_space<hbm>>
        %dma_start3A_85 = tpu.memref_slice %arg2[%add3A_83] : memref<3000000xf32, #tpu.memory_space<hbm>> -> memref<6400xf32, #tpu.memory_space<hbm>>
        tpu.enqueue_dma source(%dma_start3A_85 : memref<6400xf32, #tpu.memory_space<hbm>>) target(%arg6 : memref<6400xf32, #tpu.memory_space<vmem>>) target_semaphore(%arg8 : memref<!tpu.dma_semaphore, #tpu.memory_space<semaphore_mem>>)
      } else {
      }
      %mul3A_68 = arith.constant 6400 : i32
      %mul3A_69 = arith.muli %add3A_28, %mul3A_68 : i32
      %multiple_of3A = tpu.assume_multiple %mul3A_69, 8 : i32
      %mul3A_70 = arith.constant 8 : i32
      %mul3A_71 = arith.muli %multiple_of3A, %mul3A_70 : i32
      "tpu.region"() ({
        %run_scoped3A = tpu.sem_alloc : memref<!tpu.dma_semaphore, #tpu.memory_space<semaphore_mem>>
        %dma_start3A = tpu.memref_slice %arg3[%mul3A_71] : memref<8000000xf32, #tpu.memory_space<hbm>> -> memref<51200xf32, #tpu.memory_space<hbm>>
        %dma_start3A_72 = tpu.memref_slice %arg3[%mul3A_71] : memref<8000000xf32, #tpu.memory_space<hbm>> -> memref<51200xf32, #tpu.memory_space<hbm>>
        tpu.enqueue_dma source(%arg7 : memref<51200xf32, #tpu.memory_space<vmem>>) target(%dma_start3A_72 : memref<51200xf32, #tpu.memory_space<hbm>>) target_semaphore(%run_scoped3A : memref<!tpu.dma_semaphore, #tpu.memory_space<semaphore_mem>>)
        %dma_wait3A_73 = tpu.memref_slice %arg3[%mul3A_71] : memref<8000000xf32, #tpu.memory_space<hbm>> -> memref<51200xf32, #tpu.memory_space<hbm>>
        %dma_wait3A_74 = tpu.memref_slice %arg3[%mul3A_71] : memref<8000000xf32, #tpu.memory_space<hbm>> -> memref<51200xf32, #tpu.memory_space<hbm>>
        tpu.wait_dma2 semaphore(%run_scoped3A : memref<!tpu.dma_semaphore, #tpu.memory_space<semaphore_mem>>) src(%arg7 : memref<51200xf32, #tpu.memory_space<vmem>>) dst(%dma_wait3A_74 : memref<51200xf32, #tpu.memory_space<hbm>>)
        tpu.yield
      }) : () -> ()
    } else {
    }
    %add3A_34 = arith.constant 128 : i32
    %add3A_35 = arith.addi %add3A, %add3A_34 : i32
    %lt3A_36 = arith.constant 156 : i32
    %lt3A_37 = arith.cmpi slt, %add3A_35, %lt3A_36 : i32
    %convert_element_type3A_38 = arith.extui %lt3A_37 : i1 to i32
    %cond3A_39 = arith.constant 0 : i32
    %cond3A_40 = arith.cmpi ne, %convert_element_type3A_38, %cond3A_39 : i32
    scf.if %cond3A_40 {
      %dma_wait3A = arith.constant 0 : i32
      %dma_wait3A_45 = tpu.memref_slice %arg2[%dma_wait3A] : memref<3000000xf32, #tpu.memory_space<hbm>> -> memref<6400xf32, #tpu.memory_space<hbm>>
      %dma_wait3A_46 = arith.constant 0 : i32
      %dma_wait3A_47 = tpu.memref_slice %arg2[%dma_wait3A_46] : memref<3000000xf32, #tpu.memory_space<hbm>> -> memref<6400xf32, #tpu.memory_space<hbm>>
      tpu.wait_dma2 semaphore(%arg8 : memref<!tpu.dma_semaphore, #tpu.memory_space<semaphore_mem>>) src(%dma_wait3A_47 : memref<6400xf32, #tpu.memory_space<hbm>>) dst(%arg4 : memref<6400xf32, #tpu.memory_space<vmem>>)
      %dma_wait3A_48 = arith.constant 0 : i32
      %dma_wait3A_49 = tpu.memref_slice %arg2[%dma_wait3A_48] : memref<3000000xf32, #tpu.memory_space<hbm>> -> memref<6400xf32, #tpu.memory_space<hbm>>
      %dma_wait3A_50 = arith.constant 0 : i32
      %dma_wait3A_51 = tpu.memref_slice %arg2[%dma_wait3A_50] : memref<3000000xf32, #tpu.memory_space<hbm>> -> memref<6400xf32, #tpu.memory_space<hbm>>
      tpu.wait_dma2 semaphore(%arg8 : memref<!tpu.dma_semaphore, #tpu.memory_space<semaphore_mem>>) src(%dma_wait3A_51 : memref<6400xf32, #tpu.memory_space<hbm>>) dst(%arg5 : memref<6400xf32, #tpu.memory_space<vmem>>)
      %dma_wait3A_52 = arith.constant 0 : i32
      %dma_wait3A_53 = tpu.memref_slice %arg2[%dma_wait3A_52] : memref<3000000xf32, #tpu.memory_space<hbm>> -> memref<6400xf32, #tpu.memory_space<hbm>>
      %dma_wait3A_54 = arith.constant 0 : i32
      %dma_wait3A_55 = tpu.memref_slice %arg2[%dma_wait3A_54] : memref<3000000xf32, #tpu.memory_space<hbm>> -> memref<6400xf32, #tpu.memory_space<hbm>>
      tpu.wait_dma2 semaphore(%arg8 : memref<!tpu.dma_semaphore, #tpu.memory_space<semaphore_mem>>) src(%dma_wait3A_55 : memref<6400xf32, #tpu.memory_space<hbm>>) dst(%arg6 : memref<6400xf32, #tpu.memory_space<vmem>>)
      %scan3A = arith.constant 0 : i32
      %scan3A_56 = arith.constant 0 : i32
      %scan3A_57 = arith.constant 400 : i32
      %scan3A_58 = arith.addi %scan3A_56, %scan3A_57 : i32
      %scan3A_59 = arith.constant 1 : i32
      scf.for %scan3A_72 = %scan3A_56 to %scan3A_58 step %scan3A_59  : i32 {
        %mul3A_73 = arith.constant 16 : i32
        %mul3A_74 = arith.muli %mul3A_73, %scan3A_72 : i32
        %get3A = arith.index_cast %mul3A_74 : i32 to index
        %get3A_75 = tpu.vector_load %arg4[%get3A] {strides = array<i32>} : memref<6400xf32, #tpu.memory_space<vmem>>, vector<16xf32>,
        %mul3A_76 = arith.constant 128 : i32
        %mul3A_77 = arith.muli %mul3A_76, %scan3A_72 : i32
        %add3A_78 = arith.constant 0 : i32
        %add3A_79 = arith.addi %mul3A_77, %add3A_78 : i32
        %add3A_80 = vector.broadcast %add3A_79 : i32 to vector<16xi32>
        %add3A_81 = arith.addi %mul3A_3, %add3A_80 : vector<16xi32>
        tpu.vector_store_idx %arg7[%add3A_81], %get3A_75 : memref<51200xf32, #tpu.memory_space<vmem>>[vector<16xi32>], vector<16xf32>,
        %mul3A_82 = arith.constant 16 : i32
        %mul3A_83 = arith.muli %mul3A_82, %scan3A_72 : i32
        %get3A_84 = arith.index_cast %mul3A_83 : i32 to index
        %get3A_85 = tpu.vector_load %arg5[%get3A_84] {strides = array<i32>} : memref<6400xf32, #tpu.memory_space<vmem>>, vector<16xf32>,
        %mul3A_86 = arith.constant 128 : i32
        %mul3A_87 = arith.muli %mul3A_86, %scan3A_72 : i32
        %add3A_88 = arith.constant 1 : i32
        %add3A_89 = arith.addi %mul3A_87, %add3A_88 : i32
        %add3A_90 = vector.broadcast %add3A_89 : i32 to vector<16xi32>
        %add3A_91 = arith.addi %mul3A_3, %add3A_90 : vector<16xi32>
        tpu.vector_store_idx %arg7[%add3A_91], %get3A_85 : memref<51200xf32, #tpu.memory_space<vmem>>[vector<16xi32>], vector<16xf32>,
        %mul3A_92 = arith.constant 16 : i32
        %mul3A_93 = arith.muli %mul3A_92, %scan3A_72 : i32
        %get3A_94 = arith.index_cast %mul3A_93 : i32 to index
        %get3A_95 = tpu.vector_load %arg6[%get3A_94] {strides = array<i32>} : memref<6400xf32, #tpu.memory_space<vmem>>, vector<16xf32>,
        %mul3A_96 = arith.constant 128 : i32
        %mul3A_97 = arith.muli %mul3A_96, %scan3A_72 : i32
        %add3A_98 = arith.constant 2 : i32
        %add3A_99 = arith.addi %mul3A_97, %add3A_98 : i32
        %add3A_100 = vector.broadcast %add3A_99 : i32 to vector<16xi32>
        %add3A_101 = arith.addi %mul3A_3, %add3A_100 : vector<16xi32>
        tpu.vector_store_idx %arg7[%add3A_101], %get3A_95 : memref<51200xf32, #tpu.memory_space<vmem>>[vector<16xi32>], vector<16xf32>,
      }
      %scan3A_60 = arith.constant 400 : i32
      %add3A_61 = arith.constant 32 : i32
      %add3A_62 = arith.addi %add3A_35, %add3A_61 : i32
      %lt3A_63 = arith.constant 156 : i32
      %lt3A_64 = arith.cmpi slt, %add3A_62, %lt3A_63 : i32
      %convert_element_type3A_65 = arith.extui %lt3A_64 : i1 to i32
      %cond3A_66 = arith.constant 0 : i32
      %cond3A_67 = arith.cmpi ne, %convert_element_type3A_65, %cond3A_66 : i32
      scf.if %cond3A_67 {
        %mul3A_72 = arith.constant 6400 : i32
        %mul3A_73 = arith.muli %add3A_62, %mul3A_72 : i32
        %multiple_of3A_74 = tpu.assume_multiple %mul3A_73, 8 : i32
        %add3A_75 = arith.constant 0 : i32
        %add3A_76 = arith.addi %add3A_75, %multiple_of3A_74 : i32
        %dma_start3A = tpu.memref_slice %arg2[%add3A_76] : memref<3000000xf32, #tpu.memory_space<hbm>> -> memref<6400xf32, #tpu.memory_space<hbm>>
        %dma_start3A_77 = tpu.memref_slice %arg2[%add3A_76] : memref<3000000xf32, #tpu.memory_space<hbm>> -> memref<6400xf32, #tpu.memory_space<hbm>>
        tpu.enqueue_dma source(%dma_start3A_77 : memref<6400xf32, #tpu.memory_space<hbm>>) target(%arg4 : memref<6400xf32, #tpu.memory_space<vmem>>) target_semaphore(%arg8 : memref<!tpu.dma_semaphore, #tpu.memory_space<semaphore_mem>>)
        %add3A_78 = arith.constant 1000000 : i32
        %add3A_79 = arith.addi %add3A_78, %multiple_of3A_74 : i32
        %dma_start3A_80 = tpu.memref_slice %arg2[%add3A_79] : memref<3000000xf32, #tpu.memory_space<hbm>> -> memref<6400xf32, #tpu.memory_space<hbm>>
        %dma_start3A_81 = tpu.memref_slice %arg2[%add3A_79] : memref<3000000xf32, #tpu.memory_space<hbm>> -> memref<6400xf32, #tpu.memory_space<hbm>>
        tpu.enqueue_dma source(%dma_start3A_81 : memref<6400xf32, #tpu.memory_space<hbm>>) target(%arg5 : memref<6400xf32, #tpu.memory_space<vmem>>) target_semaphore(%arg8 : memref<!tpu.dma_semaphore, #tpu.memory_space<semaphore_mem>>)
        %add3A_82 = arith.constant 2000000 : i32
        %add3A_83 = arith.addi %add3A_82, %multiple_of3A_74 : i32
        %dma_start3A_84 = tpu.memref_slice %arg2[%add3A_83] : memref<3000000xf32, #tpu.memory_space<hbm>> -> memref<6400xf32, #tpu.memory_space<hbm>>
        %dma_start3A_85 = tpu.memref_slice %arg2[%add3A_83] : memref<3000000xf32, #tpu.memory_space<hbm>> -> memref<6400xf32, #tpu.memory_space<hbm>>
        tpu.enqueue_dma source(%dma_start3A_85 : memref<6400xf32, #tpu.memory_space<hbm>>) target(%arg6 : memref<6400xf32, #tpu.memory_space<vmem>>) target_semaphore(%arg8 : memref<!tpu.dma_semaphore, #tpu.memory_space<semaphore_mem>>)
      } else {
      }
      %mul3A_68 = arith.constant 6400 : i32
      %mul3A_69 = arith.muli %add3A_35, %mul3A_68 : i32
      %multiple_of3A = tpu.assume_multiple %mul3A_69, 8 : i32
      %mul3A_70 = arith.constant 8 : i32
      %mul3A_71 = arith.muli %multiple_of3A, %mul3A_70 : i32
      "tpu.region"() ({
        %run_scoped3A = tpu.sem_alloc : memref<!tpu.dma_semaphore, #tpu.memory_space<semaphore_mem>>
        %dma_start3A = tpu.memref_slice %arg3[%mul3A_71] : memref<8000000xf32, #tpu.memory_space<hbm>> -> memref<51200xf32, #tpu.memory_space<hbm>>
        %dma_start3A_72 = tpu.memref_slice %arg3[%mul3A_71] : memref<8000000xf32, #tpu.memory_space<hbm>> -> memref<51200xf32, #tpu.memory_space<hbm>>
        tpu.enqueue_dma source(%arg7 : memref<51200xf32, #tpu.memory_space<vmem>>) target(%dma_start3A_72 : memref<51200xf32, #tpu.memory_space<hbm>>) target_semaphore(%run_scoped3A : memref<!tpu.dma_semaphore, #tpu.memory_space<semaphore_mem>>)
        %dma_wait3A_73 = tpu.memref_slice %arg3[%mul3A_71] : memref<8000000xf32, #tpu.memory_space<hbm>> -> memref<51200xf32, #tpu.memory_space<hbm>>
        %dma_wait3A_74 = tpu.memref_slice %arg3[%mul3A_71] : memref<8000000xf32, #tpu.memory_space<hbm>> -> memref<51200xf32, #tpu.memory_space<hbm>>
        tpu.wait_dma2 semaphore(%run_scoped3A : memref<!tpu.dma_semaphore, #tpu.memory_space<semaphore_mem>>) src(%arg7 : memref<51200xf32, #tpu.memory_space<vmem>>) dst(%dma_wait3A_74 : memref<51200xf32, #tpu.memory_space<hbm>>)
        tpu.yield
      }) : () -> ()
    } else {
    }
    %eq3A = arith.constant 0 : i32
    %eq3A_41 = arith.cmpi eq, %add3A, %eq3A : i32
    %convert_element_type3A_42 = arith.extui %eq3A_41 : i1 to i32
    %cond3A_43 = arith.constant 0 : i32
    %cond3A_44 = arith.cmpi ne, %convert_element_type3A_42, %cond3A_43 : i32
    scf.if %cond3A_44 {
      "tpu.region"() ({
        %run_scoped3A = tpu.sem_alloc : memref<!tpu.dma_semaphore, #tpu.memory_space<semaphore_mem>>
        %dma_start3A = arith.constant 0 : i32
        %dma_start3A_50 = tpu.memref_slice %arg4[%dma_start3A] : memref<6400xf32, #tpu.memory_space<vmem>> -> memref<1600xf32, #tpu.memory_space<vmem>>
        %dma_start3A_51 = arith.constant 998400 : i32
        %dma_start3A_52 = tpu.memref_slice %arg2[%dma_start3A_51] : memref<3000000xf32, #tpu.memory_space<hbm>> -> memref<1600xf32, #tpu.memory_space<hbm>>
        %dma_start3A_53 = arith.constant 0 : i32
        %dma_start3A_54 = tpu.memref_slice %arg4[%dma_start3A_53] : memref<6400xf32, #tpu.memory_space<vmem>> -> memref<1600xf32, #tpu.memory_space<vmem>>
        %dma_start3A_55 = arith.constant 998400 : i32
        %dma_start3A_56 = tpu.memref_slice %arg2[%dma_start3A_55] : memref<3000000xf32, #tpu.memory_space<hbm>> -> memref<1600xf32, #tpu.memory_space<hbm>>
        tpu.enqueue_dma source(%dma_start3A_56 : memref<1600xf32, #tpu.memory_space<hbm>>) target(%dma_start3A_54 : memref<1600xf32, #tpu.memory_space<vmem>>) target_semaphore(%run_scoped3A : memref<!tpu.dma_semaphore, #tpu.memory_space<semaphore_mem>>)
        %dma_wait3A = arith.constant 0 : i32
        %dma_wait3A_57 = tpu.memref_slice %arg4[%dma_wait3A] : memref<6400xf32, #tpu.memory_space<vmem>> -> memref<1600xf32, #tpu.memory_space<vmem>>
        %dma_wait3A_58 = arith.constant 998400 : i32
        %dma_wait3A_59 = tpu.memref_slice %arg2[%dma_wait3A_58] : memref<3000000xf32, #tpu.memory_space<hbm>> -> memref<1600xf32, #tpu.memory_space<hbm>>
        %dma_wait3A_60 = arith.constant 0 : i32
        %dma_wait3A_61 = tpu.memref_slice %arg4[%dma_wait3A_60] : memref<6400xf32, #tpu.memory_space<vmem>> -> memref<1600xf32, #tpu.memory_space<vmem>>
        %dma_wait3A_62 = arith.constant 998400 : i32
        %dma_wait3A_63 = tpu.memref_slice %arg2[%dma_wait3A_62] : memref<3000000xf32, #tpu.memory_space<hbm>> -> memref<1600xf32, #tpu.memory_space<hbm>>
        tpu.wait_dma2 semaphore(%run_scoped3A : memref<!tpu.dma_semaphore, #tpu.memory_space<semaphore_mem>>) src(%dma_wait3A_63 : memref<1600xf32, #tpu.memory_space<hbm>>) dst(%dma_wait3A_61 : memref<1600xf32, #tpu.memory_space<vmem>>)
        tpu.yield
      }) : () -> ()
      "tpu.region"() ({
        %run_scoped3A = tpu.sem_alloc : memref<!tpu.dma_semaphore, #tpu.memory_space<semaphore_mem>>
        %dma_start3A = arith.constant 0 : i32
        %dma_start3A_50 = tpu.memref_slice %arg5[%dma_start3A] : memref<6400xf32, #tpu.memory_space<vmem>> -> memref<1600xf32, #tpu.memory_space<vmem>>
        %dma_start3A_51 = arith.constant 1998400 : i32
        %dma_start3A_52 = tpu.memref_slice %arg2[%dma_start3A_51] : memref<3000000xf32, #tpu.memory_space<hbm>> -> memref<1600xf32, #tpu.memory_space<hbm>>
        %dma_start3A_53 = arith.constant 0 : i32
        %dma_start3A_54 = tpu.memref_slice %arg5[%dma_start3A_53] : memref<6400xf32, #tpu.memory_space<vmem>> -> memref<1600xf32, #tpu.memory_space<vmem>>
        %dma_start3A_55 = arith.constant 1998400 : i32
        %dma_start3A_56 = tpu.memref_slice %arg2[%dma_start3A_55] : memref<3000000xf32, #tpu.memory_space<hbm>> -> memref<1600xf32, #tpu.memory_space<hbm>>
        tpu.enqueue_dma source(%dma_start3A_56 : memref<1600xf32, #tpu.memory_space<hbm>>) target(%dma_start3A_54 : memref<1600xf32, #tpu.memory_space<vmem>>) target_semaphore(%run_scoped3A : memref<!tpu.dma_semaphore, #tpu.memory_space<semaphore_mem>>)
        %dma_wait3A = arith.constant 0 : i32
        %dma_wait3A_57 = tpu.memref_slice %arg5[%dma_wait3A] : memref<6400xf32, #tpu.memory_space<vmem>> -> memref<1600xf32, #tpu.memory_space<vmem>>
        %dma_wait3A_58 = arith.constant 1998400 : i32
        %dma_wait3A_59 = tpu.memref_slice %arg2[%dma_wait3A_58] : memref<3000000xf32, #tpu.memory_space<hbm>> -> memref<1600xf32, #tpu.memory_space<hbm>>
        %dma_wait3A_60 = arith.constant 0 : i32
        %dma_wait3A_61 = tpu.memref_slice %arg5[%dma_wait3A_60] : memref<6400xf32, #tpu.memory_space<vmem>> -> memref<1600xf32, #tpu.memory_space<vmem>>
        %dma_wait3A_62 = arith.constant 1998400 : i32
        %dma_wait3A_63 = tpu.memref_slice %arg2[%dma_wait3A_62] : memref<3000000xf32, #tpu.memory_space<hbm>> -> memref<1600xf32, #tpu.memory_space<hbm>>
        tpu.wait_dma2 semaphore(%run_scoped3A : memref<!tpu.dma_semaphore, #tpu.memory_space<semaphore_mem>>) src(%dma_wait3A_63 : memref<1600xf32, #tpu.memory_space<hbm>>) dst(%dma_wait3A_61 : memref<1600xf32, #tpu.memory_space<vmem>>)
        tpu.yield
      }) : () -> ()
      "tpu.region"() ({
        %run_scoped3A = tpu.sem_alloc : memref<!tpu.dma_semaphore, #tpu.memory_space<semaphore_mem>>
        %dma_start3A = arith.constant 0 : i32
        %dma_start3A_50 = tpu.memref_slice %arg6[%dma_start3A] : memref<6400xf32, #tpu.memory_space<vmem>> -> memref<1600xf32, #tpu.memory_space<vmem>>
        %dma_start3A_51 = arith.constant 2998400 : i32
        %dma_start3A_52 = tpu.memref_slice %arg2[%dma_start3A_51] : memref<3000000xf32, #tpu.memory_space<hbm>> -> memref<1600xf32, #tpu.memory_space<hbm>>
        %dma_start3A_53 = arith.constant 0 : i32
        %dma_start3A_54 = tpu.memref_slice %arg6[%dma_start3A_53] : memref<6400xf32, #tpu.memory_space<vmem>> -> memref<1600xf32, #tpu.memory_space<vmem>>
        %dma_start3A_55 = arith.constant 2998400 : i32
        %dma_start3A_56 = tpu.memref_slice %arg2[%dma_start3A_55] : memref<3000000xf32, #tpu.memory_space<hbm>> -> memref<1600xf32, #tpu.memory_space<hbm>>
        tpu.enqueue_dma source(%dma_start3A_56 : memref<1600xf32, #tpu.memory_space<hbm>>) target(%dma_start3A_54 : memref<1600xf32, #tpu.memory_space<vmem>>) target_semaphore(%run_scoped3A : memref<!tpu.dma_semaphore, #tpu.memory_space<semaphore_mem>>)
        %dma_wait3A = arith.constant 0 : i32
        %dma_wait3A_57 = tpu.memref_slice %arg6[%dma_wait3A] : memref<6400xf32, #tpu.memory_space<vmem>> -> memref<1600xf32, #tpu.memory_space<vmem>>
        %dma_wait3A_58 = arith.constant 2998400 : i32
        %dma_wait3A_59 = tpu.memref_slice %arg2[%dma_wait3A_58] : memref<3000000xf32, #tpu.memory_space<hbm>> -> memref<1600xf32, #tpu.memory_space<hbm>>
        %dma_wait3A_60 = arith.constant 0 : i32
        %dma_wait3A_61 = tpu.memref_slice %arg6[%dma_wait3A_60] : memref<6400xf32, #tpu.memory_space<vmem>> -> memref<1600xf32, #tpu.memory_space<vmem>>
        %dma_wait3A_62 = arith.constant 2998400 : i32
        %dma_wait3A_63 = tpu.memref_slice %arg2[%dma_wait3A_62] : memref<3000000xf32, #tpu.memory_space<hbm>> -> memref<1600xf32, #tpu.memory_space<hbm>>
        tpu.wait_dma2 semaphore(%run_scoped3A : memref<!tpu.dma_semaphore, #tpu.memory_space<semaphore_mem>>) src(%dma_wait3A_63 : memref<1600xf32, #tpu.memory_space<hbm>>) dst(%dma_wait3A_61 : memref<1600xf32, #tpu.memory_space<vmem>>)
        tpu.yield
      }) : () -> ()
      %scan3A = arith.constant 0 : i32
      %scan3A_45 = arith.constant 0 : i32
      %scan3A_46 = arith.constant 100 : i32
      %scan3A_47 = arith.addi %scan3A_45, %scan3A_46 : i32
      %scan3A_48 = arith.constant 1 : i32
      scf.for %scan3A_50 = %scan3A_45 to %scan3A_47 step %scan3A_48  : i32 {
        %mul3A_51 = arith.constant 16 : i32
        %mul3A_52 = arith.muli %mul3A_51, %scan3A_50 : i32
        %get3A = arith.index_cast %mul3A_52 : i32 to index
        %get3A_53 = tpu.vector_load %arg4[%get3A] {strides = array<i32>} : memref<6400xf32, #tpu.memory_space<vmem>>, vector<16xf32>,
        %mul3A_54 = arith.constant 128 : i32
        %mul3A_55 = arith.muli %mul3A_54, %scan3A_50 : i32
        %add3A_56 = arith.constant 0 : i32
        %add3A_57 = arith.addi %mul3A_55, %add3A_56 : i32
        %add3A_58 = vector.broadcast %add3A_57 : i32 to vector<16xi32>
        %add3A_59 = arith.addi %mul3A_3, %add3A_58 : vector<16xi32>
        tpu.vector_store_idx %arg7[%add3A_59], %get3A_53 : memref<51200xf32, #tpu.memory_space<vmem>>[vector<16xi32>], vector<16xf32>,
        %mul3A_60 = arith.constant 16 : i32
        %mul3A_61 = arith.muli %mul3A_60, %scan3A_50 : i32
        %get3A_62 = arith.index_cast %mul3A_61 : i32 to index
        %get3A_63 = tpu.vector_load %arg5[%get3A_62] {strides = array<i32>} : memref<6400xf32, #tpu.memory_space<vmem>>, vector<16xf32>,
        %mul3A_64 = arith.constant 128 : i32
        %mul3A_65 = arith.muli %mul3A_64, %scan3A_50 : i32
        %add3A_66 = arith.constant 1 : i32
        %add3A_67 = arith.addi %mul3A_65, %add3A_66 : i32
        %add3A_68 = vector.broadcast %add3A_67 : i32 to vector<16xi32>
        %add3A_69 = arith.addi %mul3A_3, %add3A_68 : vector<16xi32>
        tpu.vector_store_idx %arg7[%add3A_69], %get3A_63 : memref<51200xf32, #tpu.memory_space<vmem>>[vector<16xi32>], vector<16xf32>,
        %mul3A_70 = arith.constant 16 : i32
        %mul3A_71 = arith.muli %mul3A_70, %scan3A_50 : i32
        %get3A_72 = arith.index_cast %mul3A_71 : i32 to index
        %get3A_73 = tpu.vector_load %arg6[%get3A_72] {strides = array<i32>} : memref<6400xf32, #tpu.memory_space<vmem>>, vector<16xf32>,
        %mul3A_74 = arith.constant 128 : i32
        %mul3A_75 = arith.muli %mul3A_74, %scan3A_50 : i32
        %add3A_76 = arith.constant 2 : i32
        %add3A_77 = arith.addi %mul3A_75, %add3A_76 : i32
        %add3A_78 = vector.broadcast %add3A_77 : i32 to vector<16xi32>
        %add3A_79 = arith.addi %mul3A_3, %add3A_78 : vector<16xi32>
        tpu.vector_store_idx %arg7[%add3A_79], %get3A_73 : memref<51200xf32, #tpu.memory_space<vmem>>[vector<16xi32>], vector<16xf32>,
      }
      %scan3A_49 = arith.constant 100 : i32
      "tpu.region"() ({
        %run_scoped3A = tpu.sem_alloc : memref<!tpu.dma_semaphore, #tpu.memory_space<semaphore_mem>>
        %dma_start3A = arith.constant 0 : i32
        %dma_start3A_50 = tpu.memref_slice %arg7[%dma_start3A] : memref<51200xf32, #tpu.memory_space<vmem>> -> memref<12800xf32, #tpu.memory_space<vmem>>
        %dma_start3A_51 = arith.constant 7987200 : i32
        %dma_start3A_52 = tpu.memref_slice %arg3[%dma_start3A_51] : memref<8000000xf32, #tpu.memory_space<hbm>> -> memref<12800xf32, #tpu.memory_space<hbm>>
        %dma_start3A_53 = arith.constant 7987200 : i32
        %dma_start3A_54 = tpu.memref_slice %arg3[%dma_start3A_53] : memref<8000000xf32, #tpu.memory_space<hbm>> -> memref<12800xf32, #tpu.memory_space<hbm>>
        %dma_start3A_55 = arith.constant 0 : i32
        %dma_start3A_56 = tpu.memref_slice %arg7[%dma_start3A_55] : memref<51200xf32, #tpu.memory_space<vmem>> -> memref<12800xf32, #tpu.memory_space<vmem>>
        tpu.enqueue_dma source(%dma_start3A_56 : memref<12800xf32, #tpu.memory_space<vmem>>) target(%dma_start3A_54 : memref<12800xf32, #tpu.memory_space<hbm>>) target_semaphore(%run_scoped3A : memref<!tpu.dma_semaphore, #tpu.memory_space<semaphore_mem>>)
        %dma_wait3A = arith.constant 0 : i32
        %dma_wait3A_57 = tpu.memref_slice %arg7[%dma_wait3A] : memref<51200xf32, #tpu.memory_space<vmem>> -> memref<12800xf32, #tpu.memory_space<vmem>>
        %dma_wait3A_58 = arith.constant 7987200 : i32
        %dma_wait3A_59 = tpu.memref_slice %arg3[%dma_wait3A_58] : memref<8000000xf32, #tpu.memory_space<hbm>> -> memref<12800xf32, #tpu.memory_space<hbm>>
        %dma_wait3A_60 = arith.constant 7987200 : i32
        %dma_wait3A_61 = tpu.memref_slice %arg3[%dma_wait3A_60] : memref<8000000xf32, #tpu.memory_space<hbm>> -> memref<12800xf32, #tpu.memory_space<hbm>>
        %dma_wait3A_62 = arith.constant 0 : i32
        %dma_wait3A_63 = tpu.memref_slice %arg7[%dma_wait3A_62] : memref<51200xf32, #tpu.memory_space<vmem>> -> memref<12800xf32, #tpu.memory_space<vmem>>
        tpu.wait_dma2 semaphore(%run_scoped3A : memref<!tpu.dma_semaphore, #tpu.memory_space<semaphore_mem>>) src(%dma_wait3A_63 : memref<12800xf32, #tpu.memory_space<vmem>>) dst(%dma_wait3A_61 : memref<12800xf32, #tpu.memory_space<hbm>>)
        tpu.yield
      }) : () -> ()
    } else {
    }
    return
  }
}

module attributes {stable_mosaic.version = 14 : i64} {
  func.func @_asm_body(%arg0: i32, %arg1: i32, %arg2: memref<131072xf32, #tpu.memory_space<vmem>>, %arg3: memref<1x8x16384xf32, #tpu.memory_space<vmem>>) attributes {dimension_semantics = [#tpu.dimension_semantics<arbitrary>, #tpu.dimension_semantics<arbitrary>], iteration_bounds = array<i64: 3, 25>, scalar_prefetch = 0 : i64, scratch_operands = 0 : i64, tpu.core_type = #tpu.core_type<tc>, window_params = [{transform_indices = @transform_0, window_bounds = array<i64: 131072>}, {transform_indices = @transform_1, window_bounds = array<i64: 1, 8, 16384>}]} {
    %get3A = arith.constant 0 : index
    %get3A_0 = vector.load %arg2[%get3A] : memref<131072xf32, #tpu.memory_space<vmem>>, vector<131072xf32>
    %reshape3A = vector.shape_cast %get3A_0 : vector<131072xf32> to vector<128x8x128xf32>
    %transpose3A = tpu.transpose %reshape3A, [1, 0, 2] : vector<128x8x128xf32> -> vector<8x128x128xf32>
    %reshape3A_1 = vector.shape_cast %transpose3A : vector<8x128x128xf32> to vector<8x16384xf32>
    %swap3A = arith.constant 0 : index
    %swap3A_2 = arith.constant 0 : index
    %swap3A_3 = arith.constant 0 : index
    %swap3A_4 = vector.load %arg3[%swap3A, %swap3A_2, %swap3A_3] : memref<1x8x16384xf32, #tpu.memory_space<vmem>>, vector<1x8x16384xf32>
    %swap3A_5 = vector.shape_cast %swap3A_4 : vector<1x8x16384xf32> to vector<8x16384xf32>
    %swap3A_6 = vector.shape_cast %reshape3A_1 : vector<8x16384xf32> to vector<1x8x16384xf32>
    tpu.vector_store %arg3[%swap3A, %swap3A_2, %swap3A_3], %swap3A_6 {strides = array<i32>} : memref<1x8x16384xf32, #tpu.memory_space<vmem>>, vector<1x8x16384xf32>,
    return
  }
  func.func @transform_0(%arg0: i32, %arg1: i32) -> i32 {
    %mul3A = arith.constant 25 : i32
    %mul3A_0 = arith.muli %arg0, %mul3A : i32
    %add3A = arith.addi %mul3A_0, %arg1 : i32
    %c0_i32 = arith.constant 0 : i32
    return %add3A : i32
  }
  func.func @transform_1(%arg0: i32, %arg1: i32) -> (i32, i32, i32) {
    %c0_i32 = arith.constant 0 : i32
    %c0_i32_0 = arith.constant 0 : i32
    return %arg0, %arg1, %c0_i32 : i32, i32, i32
  }
}

</mosaic_0001>

<sc_bundles>
// kernel: kernel.5.cloned.1.call-start
scs
__scs_entry_jumppad:
0x0: {  	(pc) =	sbr.rel $0x88, $3  }
0x1: {  	(tag) =	ssettag $0x0;
	lr =	simm.s32 $0x1  }
0x2: {  	[smem:$0x3F9F] =	sst lr;
	_ =	strace $0xD0000000  }
0x3: {  	_ = 	snop  }
0x4: {  	_ = 	snop  }
0x5: {  	_ = 	snop  }
0x6: {  	_ = 	snop  }
0x7: {  	_ = 	snop  }
__scs_overlays_trampoline_lowered:
0x8: {  	[smem:$0x3FAE] =	sst s0  }
0x9: {  	[smem:$0x3FAF] =	sst s1  }
0xa: {  	[smem:$0x3FB0] =	sst s2  }
0xb: {  	[smem:$0x3FB1] =	sst s3  }
0xc: {  	[smem:$0x3FB2] =	sst s4  }
0xd: {  	[smem:$0x3FB3] =	sst s5  }
0xe: {  	[smem:$0x3FB4] =	sst s6  }
0xf: {  	[smem:$0x3FB5] =	sst s7  }
0x10: {  	[smem:$0x3FB6] =	sst s8  }
0x11: {  	[smem:$0x3FB7] =	sst s9;
	s0 =	simm.s32 @!p0 $0x0  }
0x12: {  	s1 =	sld [smem:$0x3F9D];
	s0 =	simm.s32 @p0 $0x1  }
0x13: {  	[smem:$0x3FB8] =	sst s0;
	s0 =	simm.s32 @!p1 $0x0  }
0x14: {  	s2 =	sld [smem:$0x3F9C];
	s0 =	simm.s32 @p1 $0x1  }
0x15: {  	[smem:$0x3FB9] =	sst s0;
	s0 =	simm.s32 @!p2 $0x0  }
0x16: {  	s3 =	sld [smem:$0x3FDB];
	s0 =	simm.s32 @p2 $0x1  }
0x17: {  	s4 =	simm.s32 $0x1BF5;
	[smem:$0x3FBB] =	sst s0  }
0x18: {  	s0 =	sld [smem:$0x3F9E];
	_ =	swait.ge [sflag:s4], $0x0  }
0x19: {  	s7 =	sld [smem:$0x3F9F]  }
0x1a: {  	s8 =	sadd.s32 $0xFFFFE003, lr  }
0x1b: {  	s9 =	sadd.s32 $0xFFFFFEF7, lr;
	s5 =	simm.s32 $0xFFFFFFFF;
	p2 =	slt.u32 s8, $0xFFFFF086  }
0x1c: {  	p1 =	slt.u32 s9, $0xF7A;
	s5 =	simm.s32 @!p2 $0x0  }
0x1d: {  	s5 =	simm.s32 @p1 $0x1;
	p0 =	seq.s32 s7, s2  }
0x1e: {  	s7 =	smul.u32 @!p0 $0xF7A, s2;
	p2 =	seq.s32 @!p0 s5, $0x0  }
0x1f: {  	s9 =	smul.u32 $0xF7A, s1;
	s8 =	simm.s32 @!p0 $0x1BF5;
	p2 =	por !p2, p0  }
0x20: {  	[sflag:s8] =	ssyncset.s32 @!p0 $0xFFFFF086;
	s6 =	sadd.s32 @!p0 s3, s7;
	s7 =	simm.s32 @!p0 $0x108  }
0x21: {  	s3 =	sadd.s32 s3, s9;
	s6 =	sadd.s32 @!p0 $0x88, s6;
	s7 =	simm.s32 @p2 $0x1082  }
0x22: {  	[simem:s7], [sflag:s8] =	dma.local @!p0 [hbm:s6], $0xF7A  }
0x23: {  	s9 =	sor.u32 $0xD0000000, s2;
	s6 =	simm.s32 $0x108;
	_ =	swait.ge @!p0 [sflag:s8], $0x0  }
0x24: {  	s3 =	sadd.s32 $0x88, s3;
	s6 =	simm.s32 @!p1 $0x1082;
	[sflag:s4] =	ssyncset.s32 $0xFFFFF086  }
0x25: {  	[simem:s6], [sflag:s4] =	dma.local [hbm:s3], $0xF7A  }
0x26: {  	[smem:$0x3F9F] =	sst s1;
	(tag) =	ssettag s2;
	_ =	strace s9  }
0x27: {  	s1 =	sld [smem:$0x3FAF]  }
0x28: {  	s2 =	sld [smem:$0x3FB0]  }
0x29: {  	s4 =	sld [smem:$0x3FB2]  }
0x2a: {  	p0 =	seq.s32 s5, $0x0;
	s5 =	sld [smem:$0x3FB3]  }
0x2b: {  	s6 =	sld [smem:$0x3FB4]  }
0x2c: {  	s7 =	sld [smem:$0x3FB5]  }
0x2d: {  	s3 =	simm.s32 $0x108;
	s8 =	sld [smem:$0x3FB6]  }
0x2e: {  	s3 =	simm.s32 @!p0 $0x1082;
	s9 =	sld [smem:$0x3FB7]  }
0x2f: {  	lr =	sadd.s32 s0, s3;
	s0 =	sld [smem:$0x3FAE]  }
0x30: {  	s3 =	sld [smem:$0x3FB1]  }
0x31: {  	[smem:$0x3FBA] =	sst s10  }
0x32: {  	s10 =	sld [smem:$0x3FB8];
	_ =	sdelay $0x3  }
0x33: {  	p0 =	seq.s32 s10, $0x1;
	s10 =	sld [smem:$0x3FBA];
	_ =	sdelay $0x3  }
0x34: {  	[smem:$0x3FBA] =	sst s10  }
0x35: {  	s10 =	sld [smem:$0x3FB9];
	_ =	sdelay $0x3  }
0x36: {  	p1 =	seq.s32 s10, $0x1;
	s10 =	sld [smem:$0x3FBA];
	_ =	sdelay $0x3  }
0x37: {  	[smem:$0x3FBA] =	sst s10  }
0x38: {  	s10 =	sld [smem:$0x3FBB]  }
0x39: {  	_ = 	snop;
	(pc) =	sbr.ind lr, $3  }
0x3a: {  	_ = 	snop  }
0x3b: {  	_ = 	snop  }
0x3c: {  	p2 =	seq.s32 s10, $0x1;
	s10 =	sld [smem:$0x3FBA]  }
0x3d: {  	_ =	shalt  }
0x3e: {  	_ =	shalt  }
0x3f: {  	_ =	shalt  }
0x40: {  	_ =	shalt  }
0x41: {  	_ =	shalt  }
0x42: {  	_ =	shalt  }
0x43: {  	_ =	shalt  }
0x44: {  	_ =	shalt  }
0x45: {  	_ =	shalt  }
0x46: {  	_ =	shalt  }
0x47: {  	_ =	shalt  }
0x48: {  	_ =	shalt  }
0x49: {  	_ =	shalt  }
0x4a: {  	_ =	shalt  }
0x4b: {  	_ =	shalt  }
0x4c: {  	_ =	shalt  }
0x4d: {  	_ =	shalt  }
0x4e: {  	_ =	shalt  }
0x4f: {  	_ =	shalt  }
0x50: {  	_ =	shalt  }
0x51: {  	_ =	shalt  }
0x52: {  	_ =	shalt  }
0x53: {  	_ =	shalt  }
0x54: {  	_ =	shalt  }
0x55: {  	_ =	shalt  }
0x56: {  	_ =	shalt  }
0x57: {  	_ =	shalt  }
0x58: {  	_ =	shalt  }
0x59: {  	_ =	shalt  }
0x5a: {  	_ =	shalt  }
0x5b: {  	_ =	shalt  }
0x5c: {  	_ =	shalt  }
0x5d: {  	_ =	shalt  }
0x5e: {  	_ =	shalt  }
0x5f: {  	_ =	shalt  }
0x60: {  	_ =	shalt  }
0x61: {  	_ =	shalt  }
0x62: {  	_ =	shalt  }
0x63: {  	_ =	shalt  }
0x64: {  	_ =	shalt  }
0x65: {  	_ =	shalt  }
0x66: {  	_ =	shalt  }
0x67: {  	_ =	shalt  }
0x68: {  	_ =	shalt  }
0x69: {  	_ =	shalt  }
0x6a: {  	_ =	shalt  }
0x6b: {  	_ =	shalt  }
0x6c: {  	_ =	shalt  }
0x6d: {  	_ =	shalt  }
0x6e: {  	_ =	shalt  }
0x6f: {  	_ =	shalt  }
0x70: {  	_ =	shalt  }
0x71: {  	_ =	shalt  }
0x72: {  	_ =	shalt  }
0x73: {  	_ =	shalt  }
0x74: {  	_ =	shalt  }
0x75: {  	_ =	shalt  }
0x76: {  	_ =	shalt  }
0x77: {  	_ =	shalt  }
0x78: {  	_ =	shalt  }
0x79: {  	_ =	shalt  }
0x7a: {  	_ =	shalt  }
0x7b: {  	_ =	shalt  }
0x7c: {  	_ =	shalt  }
0x7d: {  	_ =	shalt  }
0x7e: {  	_ =	shalt  }
0x7f: {  	_ =	shalt  }
0x80: {  	_ =	shalt  }
0x81: {  	_ =	shalt  }
0x82: {  	_ =	shalt  }
0x83: {  	_ =	shalt  }
0x84: {  	_ =	shalt  }
0x85: {  	_ =	shalt  }
0x86: {  	_ =	shalt  }
0x87: {  	_ =	shalt  }
.Lfunc_end0:
.L_simem_size_0:
called_computation_lowered:
.L_overlay_start_0:
0x88: {  	s2 =	sld [smem:$0x3FD9]  }
0x89: {  	s3 =	sld [smem:$0x3FFE];
	_ =	sdelay $0x1  }
0x8a: {  	s1 =	srdreg.scid  }
0x8b: {  	s0 =	sand.u32 $0x1, s1  }
0x8c: {  	s17 =	sshll.u32 s0, $0xA;
	s2 =	sadd.s32 s3, s2  }
0x8d: {  	s2 =	sadd.s32 s2, s17  }
0x8e: {  	[smem:$0x3FC6] =	sst s2  }
0x8f: {  	_ = 	snop  }
0x90: {  	s2 =	sld [smem:$0x3FD0];
	(tm) =	ssettm $0x1  }
0x91: {  	s18 =	sld [smem:$0x3FFB];
	_ =	sdelay $0x3  }
0x92: {  	_ =	strace s18  }
0x93: {  	s3 =	sld [smem:$0x3FFC];
	_ =	sdelay $0x3  }
0x94: {  	_ =	strace s3  }
0x95: {  	s3 =	sld [smem:$0x3FFD];
	_ =	sdelay $0x3  }
0x96: {  	_ =	strace s3  }
0x97: {  	_ =	strace $0x8FFFFFFF  }
0x98: {  	s19 =	sld [smem:$0x3FDB];
	_ =	sdelay $0x1  }
0x99: {  	s4 =	simm.s32 $_scs_section_size  }
0x9a: {  	s5 =	simm.s32 $_size__tile_overlayer_lowered;
	s6 =	simm.s32 $_tile_overlayer_lowered  }
0x9b: {  	s22 =	simm.s32 $0x1BFF;
	s21 =	sshll.u32 s6, $0x1;
	s3 =	sadd.s32 s4, s19  }
0x9c: {  	s7 =	simm.s32 $0x0;
	s20 =	sshll.u32 s5, $0x1;
	s5 =	sadd.s32 s21, s3  }
0x9d: {  	[timem:s7], [sflag:s22] =	dma.local [hbm:s5], s20  }
0x9e: {  	_ =	swait.ge [sflag:s22], s20  }
0x9f: {  	s4 =	ssub.s32 $0x0, s20;
	[sflag:s22] =	ssyncset.done $0x0  }
0xa0: {  	[sflag:s22] =	ssyncadd.s32 s4;
	_ =	sdelay $0x1  }
0xa1: {  	s23 =	simm.s32 $0x1B8B  }
0xa2: {  	_ =	swait.ge [sflag:s23], $0x1  }
0xa3: {  	[sflag:s23] =	ssyncset.done $0x0  }
0xa4: {  	s25 =	simm.s32 $0x1B8E;
	s24 =	sld [smem:$0x3FFE];
	[sflag:s23] =	ssyncadd.s32 $0xFFFFFFFF  }
0xa5: {  	s26 =	simm.s32 $execute0_lowered;
	[smem:$0x3FD2] =	sst s25  }
0xa6: {  	s5 =	sshll.u32 s26, $0x1;
	_ =	strace $0x80000046;
	[dreg:$0x1] =	wrdreg $0xFFFFFFFF  }
0xa7: {  	s28 =	simm.s32 $_size_execute0_lowered;
	s3 =	sadd.s32 s3, s5;
	[dreg:$0x0] =	wrdreg $0x0  }
0xa8: {  	s5 =	sshll.u32 s28, $0x1;
	[dreg:$0x2] =	wrdreg s3  }
0xa9: {  	[dreg:$0x3] =	wrdreg s5  }
0xaa: {  	[dreg:$0x4] =	wrdreg $0xC0  }
0xab: {  	_ =	task [dreg:s7], $0x5FFFF  }
0xac: {  	[dreg:$0x1] =	wrdreg $0xFFFFFFFF  }
0xad: {  	[dreg:$0x0] =	wrdreg $0x60  }
0xae: {  	[dreg:$0x2] =	wrdreg s24  }
0xaf: {  	[dreg:$0x3] =	wrdreg s2  }
0xb0: {  	[dreg:$0x4] =	wrdreg $0x9  }
0xb1: {  	_ =	task.clear_ibuf [dreg:s7], $0x5FFFF;
	_ =	strace $0x90000046  }
0xb2: {  	s29 =	simm.s32 $0x9;
	_ =	strace $0x80000048  }
0xb3: {  	_ =	swait.ge [sflag:s29], $0x1  }
0xb4: {  	[sflag:s29] =	ssyncadd.s32 $0xFFFFFFFF  }
0xb5: {  	_ =	strace $0x90000048  }
0xb6: {  	_ =	sfence  }
0xb7: {  	s30 =	sld [smem:$0x0];
	_ =	sdelay $0x2  }
0xb8: {  	s31 =	sshll.u32 s1, $0xD;
	s1 =	sshrl.u32 s1, $0x2  }
0xb9: {  	s3 =	sand.u32 $0x4000, s31;
	s1 =	sadd.s32 s1, s30  }
0xba: {  	s0 =	sor.u32 s3, s0;
	s1 =	sshll.u32 s1, $0x11  }
0xbb: {  	s0 =	sor.u32 s1, s0  }
0xbc: {  	s0 =	sadd.s32 $0x8F2B, s0  }
0xbd: {  	[sflag:s0] =	ssyncadd.remote.s32 $0x1  }
0xbe: {  	_ =	sfence.sel $0xFFFF  }
0xbf: {  	[dreg:$0x0] =	wrdreg $0xFFFFFFFF;
	(pc) =	sbr.abs _section_cstart, $3  }
0xc0: {  	[dreg:$0x1] =	wrdreg $0xFFFFFFFF  }
0xc1: {  	_ =	task.clear_ibuf [dreg:s7], $0x2FFFF;
	_ =	strace $0x9FFFFFFF  }
0xc2: {  	(tm) =	ssettm $0x7FFFFFFF  }
0xc3: {  	_ =	shalt  }
tec
execute0_lowered:
.L_overlay_start_1:
0x0: {  	(tag) =	ssettag $0x1  }
0x1: {  	s0 =	srdreg.scid;
	s23 =	rddreg [dreg:$0x0]  }
0x2: {  	s25 =	stileid.u32;
	s24 =	rddreg [dreg:$0x1]  }
0x3: {  	s2 =	simm.s32 $0x0;
	s29 =	simm.s32 $0x1;
	s30 =	simm.s32 $0x4B00  }
0x4: {  	s31 =	simm.s32 $0x2;
	s0 =	sand.u32 $0x1, s0;
	s1 =	sshll.u32 s25, $0x1  }
0x5: {  	[smem:$0x7FF] =	sst s2;
	s26 =	sadd.s32 $0x1EF80, s23;
	p1 =	sgt.u32 s25, $0xD  }
0x6: {  	s1 =	sor.u32 s0, s1;
	s0 =	ssub.s32 $0x2, s0;
	_ =	strace $0x80000047  }
0x7: {  	[dreg:$0x3] =	wrdreg s26;
	s26 =	sadd.s32 $0x3D7C8, s23;
	s9 =	smul.u32 $0x1900, s1  }
0x8: {  	s22 =	sshrl.u32 s0, $0x1;
	s11 =	smul.u32 $0xC800, s1;
	p0 =	sne.s32 s1, $0x0  }
0x9: {  	[dreg:$0x4] =	wrdreg s26;
	s26 =	sadd.s32 $0xF3C00, s24;
	s1 =	simm.s32 $0x0  }
0xa: {  	s0 =	ssub.s32 s0, s22;
	[dreg:$0x6] =	wrdreg s26;
	s3 =	sshrl.u32 s9, $0x3  }
0xb: {  	s9 =	sadd.s32 s24, s9;
	s13 =	sshrl.u32 s11, $0x3;
	s28 =	smax.u32 s0, $0x1  }
0xc: {  	s21 =	sadd.s32 s3, s23;
	s22 =	sadd.s32 s24, s13;
	s23 =	sadd.s32 $0x5C010, s23  }
0xd: {  	s3 =	sadd.s32 $0x800, s21;
	s4 =	sadd.s32 $0x1F048, s21;
	s5 =	sadd.s32 $0x3D890, s21  }
0xe: {  	s6 =	sadd.s32 $0x6C00, s21;
	s7 =	sadd.s32 $0x25448, s21;
	s8 =	sadd.s32 $0x43C90, s21  }
.Ltmp0:
0xf: {  	s10 =	sadd.s32 $0xD000, s21;
	s11 =	sadd.s32 $0x2B848, s21;
	(pc) =	sbr.rel .LBB2_1-.Ltmp0, $4  }
0x10: {  	v0 =	vlaneseq.u32;
	s12 =	sadd.s32 $0x4A090, s21;
	s13 =	sadd.s32 $0x32000, s22;
	s14 =	sadd.s32 $0x13400, s21  }
0x11: {  	v0 =	vmul.u32 $0x8, v0;
	s15 =	sadd.s32 $0x31C48, s21;
	s16 =	sadd.s32 $0x50490, s21;
	s17 =	sadd.s32 $0x64000, s22  }
0x12: {  	s18 =	sadd.s32 $0x96000, s22;
	s19 =	sadd.s32 $0x19800, s21;
	s20 =	sadd.s32 $0x38048, s21  }
0x13: {  	v1 =	vor.u32 $0x1, v0;
	v2 =	vor.u32 $0x2, v0;
	s21 =	sadd.s32 $0x56890, s21;
	s22 =	sadd.s32 $0xC8000, s22;
	[dreg:$0x5] =	wrdreg s23  }
.LBB2_16:
0x14: {  	_ =	sdelay $0x3  }
0x15: {  	[tilespmem:v4+s30+$0x0] =	vst.idx.msk $0xffff, v3;
	s0 =	sadd.s32 $0x10, s0  }
0x16: {  	v62 =	vor.u32 s24, v1;
	v3 =	vld [tilespmem:s0+$0x0];
	_ =	sdelay $0x4  }
0x17: {  	s25 =	sadd.s32 $0x10, s23;
	[tilespmem:v62+s30+$0x0] =	vst.idx.msk $0xffff, v3  }
0x18: {  	v63 =	vor.u32 s24, v2;
	v3 =	vld [tilespmem:s25+$0x0];
	_ =	sdelay $0x4  }
0x19: {  	s26 =	rddreg [dreg:$0x6];
	[tilespmem:v63+s30+$0x0] =	vst.idx.msk $0xffff, v3  }
0x1a: {  	[hbm4b:s26+s2] =	stream.linear.scatter [tilespmem:s30], [sflag:$0x2], $0x3200, $0x38;
	[tilespmem:$0x11300] =	vst v63  }
0x1b: {  	_ =	swait.ge [sflag:s31], $0x3200  }
0x1c: {  	[sflag:s31] =	ssyncset.done $0x0  }
0x1d: {  	[sflag:s31] =	ssyncadd.s32 $0xFFFFCE00  }
.LBB2_17:
0x1e: {  	s1 =	sadd.s32 $0x1, s1  }
0x1f: {  	p2 =	sne.s32 s1, s28  }
.Ltmp1:
0x20: {  	_ = 	snop;
	(pc) =	sbr.rel @!p2 .LBB2_18-.Ltmp1, $1  }
0x21: {  	_ =	sdelay $0x3  }
.LBB2_1:
0x22: {  	[tilespmem:s2], [sflag:$0x1] =	stream.linear.gather [hbm4b:s3+s2], $0x1900, $0x38;
	[tilespmem:$0x11300] =	vst v63  }
0x23: {  	s23 =	simm.s32 $0x1900  }
0x24: {  	[tilespmem:s23], [sflag:$0x1] =	stream.linear.gather [hbm4b:s4+s2], $0x1900, $0x38;
	[tilespmem:$0x11300] =	vst v63  }
0x25: {  	s0 =	simm.s32 $0x3200  }
0x26: {  	[tilespmem:s0], [sflag:$0x1] =	stream.linear.gather [hbm4b:s5+s2], $0x1900, $0x38;
	[tilespmem:$0x11300] =	vst v63  }
0x27: {  	_ =	swait.ge [sflag:s29], $0x1900  }
0x28: {  	[sflag:s29] =	ssyncset.done $0x0  }
0x29: {  	[sflag:s29] =	ssyncadd.s32 $0xFFFFE700  }
0x2a: {  	_ =	swait.ge [sflag:s29], $0x1900  }
0x2b: {  	[sflag:s29] =	ssyncset.done $0x0  }
0x2c: {  	[sflag:s29] =	ssyncadd.s32 $0xFFFFE700  }
0x2d: {  	_ =	swait.ge [sflag:s29], $0x1900  }
0x2e: {  	[sflag:s29] =	ssyncset.done $0x0  }
0x2f: {  	[sflag:s29] =	ssyncadd.s32 $0xFFFFE700  }
0x30: {  	v4 =	vor.u32 s2, v0;
	v3 =	vld [tilespmem:s2+$0x0];
	_ =	sdelay $0x4  }
0x31: {  	[tilespmem:v4+s30+$0x0] =	vst.idx.msk $0xffff, v3  }
0x32: {  	v4 =	vor.u32 s2, v1;
	v3 =	vld [tilespmem:s23+$0x0];
	_ =	sdelay $0x4  }
0x33: {  	[tilespmem:v4+s30+$0x0] =	vst.idx.msk $0xffff, v3  }
0x34: {  	v4 =	vor.u32 s2, v2;
	v3 =	vld [tilespmem:s0+$0x0];
	_ =	sdelay $0x4  }
0x35: {  	s24 =	simm.s32 $0x80;
	s25 =	simm.s32 $0x10;
	[tilespmem:v4+s30+$0x0] =	vst.idx.msk $0xffff, v3  }
0x36: {  	s26 =	simm.s32 $0x100;
	v4 =	vor.u32 s24, v0;
	v3 =	vld [tilespmem:s25+$0x0]  }
.LBB2_2:
0x37: {  	p2 =	sne.s32 s26, $0xC780;
	_ =	sdelay $0x3  }
0x38: {  	s23 =	sadd.s32 $0x10, s23;
	[tilespmem:v4+s30+$0x0] =	vst.idx.msk $0xffff, v3  }
0x39: {  	v4 =	vor.u32 s24, v1;
	v3 =	vld [tilespmem:s23+$0x0];
	_ =	sdelay $0x4  }
0x3a: {  	s0 =	sadd.s32 $0x10, s0;
	[tilespmem:v4+s30+$0x0] =	vst.idx.msk $0xffff, v3  }
0x3b: {  	v4 =	vor.u32 s24, v2;
	s24 =	smov.u32 s26;
	v3 =	vld [tilespmem:s0+$0x0];
	_ =	sdelay $0x1  }
.Ltmp2:
0x3c: {  	(pc) =	sbr.rel @p2 .LBB2_2-.Ltmp2, $3  }
0x3d: {  	_ =	sdelay $0x1  }
0x3e: {  	s25 =	sadd.s32 $0x10, s25;
	[tilespmem:v4+s30+$0x0] =	vst.idx.msk $0xffff, v3  }
0x3f: {  	s26 =	sadd.s32 $0x80, s26;
	v4 =	vor.u32 s24, v0;
	v3 =	vld [tilespmem:s25+$0x0]  }
0x40: {  	_ =	sdelay $0x3  }
0x41: {  	s23 =	sadd.s32 $0x10, s23;
	[tilespmem:v4+s30+$0x0] =	vst.idx.msk $0xffff, v3  }
0x42: {  	v4 =	vor.u32 s24, v1;
	v3 =	vld [tilespmem:s23+$0x0];
	_ =	sdelay $0x4  }
0x43: {  	s0 =	sadd.s32 $0x10, s0;
	[tilespmem:v4+s30+$0x0] =	vst.idx.msk $0xffff, v3  }
0x44: {  	v4 =	vor.u32 s24, v2;
	v3 =	vld [tilespmem:s0+$0x0];
	_ =	sdelay $0x4  }
0x45: {  	s26 =	simm.s32 $0x0;
	[tilespmem:v4+s30+$0x0] =	vst.idx.msk $0xffff, v3  }
0x46: {  	[tilespmem:s26], [sflag:$0x1] =	stream.linear.gather [hbm4b:s6+s26], $0x1900, $0x38;
	[tilespmem:$0x11300] =	vst v63  }
0x47: {  	s23 =	simm.s32 $0x1900  }
0x48: {  	[tilespmem:s23], [sflag:$0x1] =	stream.linear.gather [hbm4b:s7+s26], $0x1900, $0x38;
	[tilespmem:$0x11300] =	vst v63  }
0x49: {  	s0 =	simm.s32 $0x3200  }
0x4a: {  	[tilespmem:s0], [sflag:$0x1] =	stream.linear.gather [hbm4b:s8+s26], $0x1900, $0x38;
	[tilespmem:$0x11300] =	vst v63  }
0x4b: {  	_ = 	snop  }
0x4c: {  	[hbm4b:s9+s26] =	stream.linear.scatter [tilespmem:s30], [sflag:$0x2], $0xC800, $0x38;
	[tilespmem:$0x11300] =	vst v63  }
0x4d: {  	_ =	swait.ge [sflag:s31], $0xC800  }
0x4e: {  	[sflag:s31] =	ssyncset.done $0x0  }
0x4f: {  	[sflag:s31] =	ssyncadd.s32 $0xFFFF3800  }
0x50: {  	_ =	swait.ge [sflag:s29], $0x1900  }
0x51: {  	[sflag:s29] =	ssyncset.done $0x0  }
0x52: {  	[sflag:s29] =	ssyncadd.s32 $0xFFFFE700  }
0x53: {  	_ =	swait.ge [sflag:s29], $0x1900  }
0x54: {  	[sflag:s29] =	ssyncset.done $0x0  }
0x55: {  	[sflag:s29] =	ssyncadd.s32 $0xFFFFE700  }
0x56: {  	_ =	swait.ge [sflag:s29], $0x1900  }
0x57: {  	[sflag:s29] =	ssyncset.done $0x0  }
0x58: {  	[sflag:s29] =	ssyncadd.s32 $0xFFFFE700  }
0x59: {  	v4 =	vor.u32 s26, v0;
	v3 =	vld [tilespmem:s26+$0x0];
	_ =	sdelay $0x4  }
0x5a: {  	[tilespmem:v4+s30+$0x0] =	vst.idx.msk $0xffff, v3  }
0x5b: {  	v4 =	vor.u32 s26, v1;
	v3 =	vld [tilespmem:s23+$0x0];
	_ =	sdelay $0x4  }
0x5c: {  	[tilespmem:v4+s30+$0x0] =	vst.idx.msk $0xffff, v3  }
0x5d: {  	v4 =	vor.u32 s26, v2;
	v3 =	vld [tilespmem:s0+$0x0];
	_ =	sdelay $0x4  }
0x5e: {  	s25 =	simm.s32 $0x10;
	s24 =	simm.s32 $0x80;
	[tilespmem:v4+s30+$0x0] =	vst.idx.msk $0xffff, v3  }
0x5f: {  	s26 =	simm.s32 $0x100;
	v4 =	vor.u32 s24, v0;
	v3 =	vld [tilespmem:s25+$0x0]  }
.LBB2_4:
0x60: {  	p2 =	sne.s32 s26, $0xC780;
	_ =	sdelay $0x3  }
0x61: {  	s23 =	sadd.s32 $0x10, s23;
	[tilespmem:v4+s30+$0x0] =	vst.idx.msk $0xffff, v3  }
0x62: {  	v4 =	vor.u32 s24, v1;
	v3 =	vld [tilespmem:s23+$0x0];
	_ =	sdelay $0x4  }
0x63: {  	s0 =	sadd.s32 $0x10, s0;
	[tilespmem:v4+s30+$0x0] =	vst.idx.msk $0xffff, v3  }
0x64: {  	v4 =	vor.u32 s24, v2;
	s24 =	smov.u32 s26;
	v3 =	vld [tilespmem:s0+$0x0];
	_ =	sdelay $0x1  }
.Ltmp3:
0x65: {  	(pc) =	sbr.rel @p2 .LBB2_4-.Ltmp3, $3  }
0x66: {  	_ =	sdelay $0x1  }
0x67: {  	s25 =	sadd.s32 $0x10, s25;
	[tilespmem:v4+s30+$0x0] =	vst.idx.msk $0xffff, v3  }
0x68: {  	s26 =	sadd.s32 $0x80, s26;
	v4 =	vor.u32 s24, v0;
	v3 =	vld [tilespmem:s25+$0x0]  }
0x69: {  	_ =	sdelay $0x3  }
0x6a: {  	s23 =	sadd.s32 $0x10, s23;
	[tilespmem:v4+s30+$0x0] =	vst.idx.msk $0xffff, v3  }
0x6b: {  	v4 =	vor.u32 s24, v1;
	v3 =	vld [tilespmem:s23+$0x0];
	_ =	sdelay $0x4  }
0x6c: {  	s0 =	sadd.s32 $0x10, s0;
	[tilespmem:v4+s30+$0x0] =	vst.idx.msk $0xffff, v3  }
0x6d: {  	v4 =	vor.u32 s24, v2;
	v3 =	vld [tilespmem:s0+$0x0];
	_ =	sdelay $0x4  }
0x6e: {  	s26 =	simm.s32 $0x0;
	[tilespmem:v4+s30+$0x0] =	vst.idx.msk $0xffff, v3  }
0x6f: {  	[tilespmem:s26], [sflag:$0x1] =	stream.linear.gather [hbm4b:s10+s26], $0x1900, $0x38;
	[tilespmem:$0x11300] =	vst v63  }
0x70: {  	s23 =	simm.s32 $0x1900  }
0x71: {  	[tilespmem:s23], [sflag:$0x1] =	stream.linear.gather [hbm4b:s11+s26], $0x1900, $0x38;
	[tilespmem:$0x11300] =	vst v63  }
0x72: {  	s0 =	simm.s32 $0x3200  }
0x73: {  	[tilespmem:s0], [sflag:$0x1] =	stream.linear.gather [hbm4b:s12+s26], $0x1900, $0x38;
	[tilespmem:$0x11300] =	vst v63  }
0x74: {  	_ = 	snop  }
0x75: {  	[hbm4b:s13+s26] =	stream.linear.scatter [tilespmem:s30], [sflag:$0x2], $0xC800, $0x38;
	[tilespmem:$0x11300] =	vst v63  }
0x76: {  	_ =	swait.ge [sflag:s31], $0xC800  }
0x77: {  	[sflag:s31] =	ssyncset.done $0x0  }
0x78: {  	[sflag:s31] =	ssyncadd.s32 $0xFFFF3800  }
0x79: {  	_ =	swait.ge [sflag:s29], $0x1900  }
0x7a: {  	[sflag:s29] =	ssyncset.done $0x0  }
0x7b: {  	[sflag:s29] =	ssyncadd.s32 $0xFFFFE700  }
0x7c: {  	_ =	swait.ge [sflag:s29], $0x1900  }
0x7d: {  	[sflag:s29] =	ssyncset.done $0x0  }
0x7e: {  	[sflag:s29] =	ssyncadd.s32 $0xFFFFE700  }
0x7f: {  	_ =	swait.ge [sflag:s29], $0x1900  }
0x80: {  	[sflag:s29] =	ssyncset.done $0x0  }
0x81: {  	[sflag:s29] =	ssyncadd.s32 $0xFFFFE700  }
0x82: {  	v4 =	vor.u32 s26, v0;
	v3 =	vld [tilespmem:s26+$0x0];
	_ =	sdelay $0x4  }
0x83: {  	[tilespmem:v4+s30+$0x0] =	vst.idx.msk $0xffff, v3  }
0x84: {  	v4 =	vor.u32 s26, v1;
	v3 =	vld [tilespmem:s23+$0x0];
	_ =	sdelay $0x4  }
0x85: {  	[tilespmem:v4+s30+$0x0] =	vst.idx.msk $0xffff, v3  }
0x86: {  	v4 =	vor.u32 s26, v2;
	v3 =	vld [tilespmem:s0+$0x0];
	_ =	sdelay $0x4  }
0x87: {  	s25 =	simm.s32 $0x10;
	s24 =	simm.s32 $0x80;
	[tilespmem:v4+s30+$0x0] =	vst.idx.msk $0xffff, v3  }
0x88: {  	s26 =	simm.s32 $0x100;
	v4 =	vor.u32 s24, v0;
	v3 =	vld [tilespmem:s25+$0x0]  }
.LBB2_6:
0x89: {  	p2 =	sne.s32 s26, $0xC780;
	_ =	sdelay $0x3  }
0x8a: {  	s23 =	sadd.s32 $0x10, s23;
	[tilespmem:v4+s30+$0x0] =	vst.idx.msk $0xffff, v3  }
0x8b: {  	v4 =	vor.u32 s24, v1;
	v3 =	vld [tilespmem:s23+$0x0];
	_ =	sdelay $0x4  }
0x8c: {  	s0 =	sadd.s32 $0x10, s0;
	[tilespmem:v4+s30+$0x0] =	vst.idx.msk $0xffff, v3  }
0x8d: {  	v4 =	vor.u32 s24, v2;
	s24 =	smov.u32 s26;
	v3 =	vld [tilespmem:s0+$0x0];
	_ =	sdelay $0x1  }
.Ltmp4:
0x8e: {  	(pc) =	sbr.rel @p2 .LBB2_6-.Ltmp4, $3  }
0x8f: {  	_ =	sdelay $0x1  }
0x90: {  	s25 =	sadd.s32 $0x10, s25;
	[tilespmem:v4+s30+$0x0] =	vst.idx.msk $0xffff, v3  }
0x91: {  	s26 =	sadd.s32 $0x80, s26;
	v4 =	vor.u32 s24, v0;
	v3 =	vld [tilespmem:s25+$0x0]  }
0x92: {  	_ =	sdelay $0x3  }
0x93: {  	s23 =	sadd.s32 $0x10, s23;
	[tilespmem:v4+s30+$0x0] =	vst.idx.msk $0xffff, v3  }
0x94: {  	v4 =	vor.u32 s24, v1;
	v3 =	vld [tilespmem:s23+$0x0];
	_ =	sdelay $0x4  }
0x95: {  	s0 =	sadd.s32 $0x10, s0;
	[tilespmem:v4+s30+$0x0] =	vst.idx.msk $0xffff, v3  }
0x96: {  	v4 =	vor.u32 s24, v2;
	v3 =	vld [tilespmem:s0+$0x0];
	_ =	sdelay $0x4  }
0x97: {  	s26 =	simm.s32 $0x0;
	[tilespmem:v4+s30+$0x0] =	vst.idx.msk $0xffff, v3  }
0x98: {  	[tilespmem:s26], [sflag:$0x1] =	stream.linear.gather [hbm4b:s14+s26], $0x1900, $0x38;
	[tilespmem:$0x11300] =	vst v63  }
0x99: {  	s23 =	simm.s32 $0x1900  }
0x9a: {  	[tilespmem:s23], [sflag:$0x1] =	stream.linear.gather [hbm4b:s15+s26], $0x1900, $0x38;
	[tilespmem:$0x11300] =	vst v63  }
0x9b: {  	s0 =	simm.s32 $0x3200  }
0x9c: {  	[tilespmem:s0], [sflag:$0x1] =	stream.linear.gather [hbm4b:s16+s26], $0x1900, $0x38;
	[tilespmem:$0x11300] =	vst v63  }
0x9d: {  	_ = 	snop  }
0x9e: {  	[hbm4b:s17+s26] =	stream.linear.scatter [tilespmem:s30], [sflag:$0x2], $0xC800, $0x38;
	[tilespmem:$0x11300] =	vst v63  }
0x9f: {  	_ =	swait.ge [sflag:s31], $0xC800  }
0xa0: {  	[sflag:s31] =	ssyncset.done $0x0  }
0xa1: {  	[sflag:s31] =	ssyncadd.s32 $0xFFFF3800  }
0xa2: {  	_ =	swait.ge [sflag:s29], $0x1900  }
0xa3: {  	[sflag:s29] =	ssyncset.done $0x0  }
0xa4: {  	[sflag:s29] =	ssyncadd.s32 $0xFFFFE700  }
0xa5: {  	_ =	swait.ge [sflag:s29], $0x1900  }
0xa6: {  	[sflag:s29] =	ssyncset.done $0x0  }
0xa7: {  	[sflag:s29] =	ssyncadd.s32 $0xFFFFE700  }
0xa8: {  	_ =	swait.ge [sflag:s29], $0x1900  }
0xa9: {  	[sflag:s29] =	ssyncset.done $0x0  }
0xaa: {  	[sflag:s29] =	ssyncadd.s32 $0xFFFFE700  }
0xab: {  	v4 =	vor.u32 s26, v0;
	v3 =	vld [tilespmem:s26+$0x0];
	_ =	sdelay $0x4  }
0xac: {  	[tilespmem:v4+s30+$0x0] =	vst.idx.msk $0xffff, v3  }
0xad: {  	v4 =	vor.u32 s26, v1;
	v3 =	vld [tilespmem:s23+$0x0];
	_ =	sdelay $0x4  }
0xae: {  	[tilespmem:v4+s30+$0x0] =	vst.idx.msk $0xffff, v3  }
0xaf: {  	v4 =	vor.u32 s26, v2;
	v3 =	vld [tilespmem:s0+$0x0];
	_ =	sdelay $0x4  }
0xb0: {  	s25 =	simm.s32 $0x10;
	s24 =	simm.s32 $0x80;
	[tilespmem:v4+s30+$0x0] =	vst.idx.msk $0xffff, v3  }
0xb1: {  	s26 =	simm.s32 $0x100;
	v4 =	vor.u32 s24, v0;
	v3 =	vld [tilespmem:s25+$0x0]  }
.LBB2_8:
0xb2: {  	p2 =	sne.s32 s26, $0xC780;
	_ =	sdelay $0x3  }
0xb3: {  	s23 =	sadd.s32 $0x10, s23;
	[tilespmem:v4+s30+$0x0] =	vst.idx.msk $0xffff, v3  }
0xb4: {  	v4 =	vor.u32 s24, v1;
	v3 =	vld [tilespmem:s23+$0x0];
	_ =	sdelay $0x4  }
0xb5: {  	s0 =	sadd.s32 $0x10, s0;
	[tilespmem:v4+s30+$0x0] =	vst.idx.msk $0xffff, v3  }
0xb6: {  	v4 =	vor.u32 s24, v2;
	s24 =	smov.u32 s26;
	v3 =	vld [tilespmem:s0+$0x0];
	_ =	sdelay $0x1  }
.Ltmp5:
0xb7: {  	(pc) =	sbr.rel @p2 .LBB2_8-.Ltmp5, $3  }
0xb8: {  	_ =	sdelay $0x1  }
0xb9: {  	s25 =	sadd.s32 $0x10, s25;
	[tilespmem:v4+s30+$0x0] =	vst.idx.msk $0xffff, v3  }
0xba: {  	s26 =	sadd.s32 $0x80, s26;
	v4 =	vor.u32 s24, v0;
	v3 =	vld [tilespmem:s25+$0x0]  }
0xbb: {  	_ =	sdelay $0x3  }
0xbc: {  	s23 =	sadd.s32 $0x10, s23;
	[tilespmem:v4+s30+$0x0] =	vst.idx.msk $0xffff, v3  }
0xbd: {  	v62 =	vor.u32 s24, v1;
	v3 =	vld [tilespmem:s23+$0x0];
	_ =	sdelay $0x4  }
0xbe: {  	s0 =	sadd.s32 $0x10, s0;
	[tilespmem:v62+s30+$0x0] =	vst.idx.msk $0xffff, v3  }
0xbf: {  	v63 =	vor.u32 s24, v2;
	v3 =	vld [tilespmem:s0+$0x0]  }
.Ltmp6:
0xc0: {  	_ = 	snop;
	(pc) =	sbr.rel @p1 .LBB2_13-.Ltmp6, $2  }
0xc1: {  	_ =	sdelay $0x2  }
0xc2: {  	s0 =	smov.u32 s18;
	[tilespmem:v63+s30+$0x0] =	vst.idx.msk $0xffff, v3  }
0xc3: {  	s24 =	simm.s32 $0x0  }
0xc4: {  	[tilespmem:s24], [sflag:$0x1] =	stream.linear.gather [hbm4b:s19+s24], $0x1900, $0x38;
	[tilespmem:$0x11300] =	vst v63  }
0xc5: {  	s23 =	simm.s32 $0x1900  }
0xc6: {  	[tilespmem:s23], [sflag:$0x1] =	stream.linear.gather [hbm4b:s20+s24], $0x1900, $0x38;
	[tilespmem:$0x11300] =	vst v63  }
0xc7: {  	s0 =	simm.s32 $0x3200  }
0xc8: {  	[tilespmem:s0], [sflag:$0x1] =	stream.linear.gather [hbm4b:s21+s24], $0x1900, $0x38;
	[tilespmem:$0x11300] =	vst v63  }
0xc9: {  	_ = 	snop  }
0xca: {  	[hbm4b:s18+s24] =	stream.linear.scatter [tilespmem:s30], [sflag:$0x2], $0xC800, $0x38;
	[tilespmem:$0x11300] =	vst v63  }
0xcb: {  	_ =	swait.ge [sflag:s31], $0xC800  }
0xcc: {  	[sflag:s31] =	ssyncset.done $0x0  }
0xcd: {  	[sflag:s31] =	ssyncadd.s32 $0xFFFF3800  }
0xce: {  	_ =	swait.ge [sflag:s29], $0x1900  }
0xcf: {  	[sflag:s29] =	ssyncset.done $0x0  }
0xd0: {  	[sflag:s29] =	ssyncadd.s32 $0xFFFFE700  }
0xd1: {  	_ =	swait.ge [sflag:s29], $0x1900  }
0xd2: {  	[sflag:s29] =	ssyncset.done $0x0  }
0xd3: {  	[sflag:s29] =	ssyncadd.s32 $0xFFFFE700  }
0xd4: {  	_ =	swait.ge [sflag:s29], $0x1900  }
0xd5: {  	[sflag:s29] =	ssyncset.done $0x0  }
0xd6: {  	[sflag:s29] =	ssyncadd.s32 $0xFFFFE700  }
0xd7: {  	v4 =	vor.u32 s24, v0;
	v3 =	vld [tilespmem:s24+$0x0];
	_ =	sdelay $0x4  }
0xd8: {  	[tilespmem:v4+s30+$0x0] =	vst.idx.msk $0xffff, v3  }
0xd9: {  	v4 =	vor.u32 s24, v1;
	v3 =	vld [tilespmem:s23+$0x0];
	_ =	sdelay $0x4  }
0xda: {  	[tilespmem:v4+s30+$0x0] =	vst.idx.msk $0xffff, v3  }
0xdb: {  	v4 =	vor.u32 s24, v2;
	v3 =	vld [tilespmem:s0+$0x0];
	_ =	sdelay $0x4  }
0xdc: {  	s25 =	simm.s32 $0x10;
	s24 =	simm.s32 $0x80;
	[tilespmem:v4+s30+$0x0] =	vst.idx.msk $0xffff, v3  }
0xdd: {  	s26 =	simm.s32 $0x100;
	v4 =	vor.u32 s24, v0;
	v3 =	vld [tilespmem:s25+$0x0]  }
.LBB2_11:
0xde: {  	p2 =	sne.s32 s26, $0xC780;
	_ =	sdelay $0x3  }
0xdf: {  	s23 =	sadd.s32 $0x10, s23;
	[tilespmem:v4+s30+$0x0] =	vst.idx.msk $0xffff, v3  }
0xe0: {  	v4 =	vor.u32 s24, v1;
	v3 =	vld [tilespmem:s23+$0x0];
	_ =	sdelay $0x4  }
0xe1: {  	s0 =	sadd.s32 $0x10, s0;
	[tilespmem:v4+s30+$0x0] =	vst.idx.msk $0xffff, v3  }
0xe2: {  	v4 =	vor.u32 s24, v2;
	s24 =	smov.u32 s26;
	v3 =	vld [tilespmem:s0+$0x0];
	_ =	sdelay $0x1  }
.Ltmp7:
0xe3: {  	(pc) =	sbr.rel @p2 .LBB2_11-.Ltmp7, $3  }
0xe4: {  	_ =	sdelay $0x1  }
0xe5: {  	s25 =	sadd.s32 $0x10, s25;
	[tilespmem:v4+s30+$0x0] =	vst.idx.msk $0xffff, v3  }
0xe6: {  	s26 =	sadd.s32 $0x80, s26;
	v4 =	vor.u32 s24, v0;
	v3 =	vld [tilespmem:s25+$0x0]  }
0xe7: {  	_ =	sdelay $0x3  }
0xe8: {  	s23 =	sadd.s32 $0x10, s23;
	[tilespmem:v4+s30+$0x0] =	vst.idx.msk $0xffff, v3  }
0xe9: {  	v62 =	vor.u32 s24, v1;
	v3 =	vld [tilespmem:s23+$0x0];
	_ =	sdelay $0x4  }
0xea: {  	s0 =	sadd.s32 $0x10, s0;
	[tilespmem:v62+s30+$0x0] =	vst.idx.msk $0xffff, v3  }
0xeb: {  	v63 =	vor.u32 s24, v2;
	v3 =	vld [tilespmem:s0+$0x0];
	_ =	sdelay $0x4  }
0xec: {  	s0 =	smov.u32 s22;
	[tilespmem:v63+s30+$0x0] =	vst.idx.msk $0xffff, v3  }
.LBB2_13:
.Ltmp8:
0xed: {  	(pc) =	sbr.rel @p0 .LBB2_17-.Ltmp8, $4  }
0xee: {  	[hbm4b:s0+s2] =	stream.linear.scatter [tilespmem:s30], [sflag:$0x2], $0xC800, $0x38;
	[tilespmem:$0x11300] =	vst v63  }
0xef: {  	_ =	swait.ge [sflag:s31], $0xC800  }
0xf0: {  	[sflag:s31] =	ssyncset.done $0x0  }
0xf1: {  	[sflag:s31] =	ssyncadd.s32 $0xFFFF3800  }
0xf2: {  	s24 =	simm.s32 $0x0;
	s0 =	rddreg [dreg:$0x3]  }
0xf3: {  	[tilespmem:s24], [sflag:$0x2] =	stream.linear.gather [hbm4b:s0+s24], $0x640, $0x38;
	[tilespmem:$0x11300] =	vst v63  }
0xf4: {  	_ =	swait.ge [sflag:s31], $0x640  }
0xf5: {  	[sflag:s31] =	ssyncset.done $0x0  }
0xf6: {  	s0 =	simm.s32 $0x1900;
	s23 =	rddreg [dreg:$0x4];
	[sflag:s31] =	ssyncadd.s32 $0xFFFFF9C0  }
0xf7: {  	[tilespmem:s0], [sflag:$0x2] =	stream.linear.gather [hbm4b:s23+s24], $0x640, $0x38;
	[tilespmem:$0x11300] =	vst v63  }
0xf8: {  	_ =	swait.ge [sflag:s31], $0x640  }
0xf9: {  	[sflag:s31] =	ssyncset.done $0x0  }
0xfa: {  	s23 =	simm.s32 $0x3200;
	s25 =	rddreg [dreg:$0x5];
	[sflag:s31] =	ssyncadd.s32 $0xFFFFF9C0  }
0xfb: {  	[tilespmem:s23], [sflag:$0x2] =	stream.linear.gather [hbm4b:s25+s24], $0x640, $0x38;
	[tilespmem:$0x11300] =	vst v63  }
0xfc: {  	_ =	swait.ge [sflag:s31], $0x640  }
0xfd: {  	[sflag:s31] =	ssyncset.done $0x0  }
0xfe: {  	[sflag:s31] =	ssyncadd.s32 $0xFFFFF9C0  }
0xff: {  	v4 =	vor.u32 s24, v0;
	v3 =	vld [tilespmem:s24+$0x0];
	_ =	sdelay $0x4  }
0x100: {  	[tilespmem:v4+s30+$0x0] =	vst.idx.msk $0xffff, v3  }
0x101: {  	v4 =	vor.u32 s24, v1;
	v3 =	vld [tilespmem:s0+$0x0];
	_ =	sdelay $0x4  }
0x102: {  	[tilespmem:v4+s30+$0x0] =	vst.idx.msk $0xffff, v3  }
0x103: {  	v4 =	vor.u32 s24, v2;
	v3 =	vld [tilespmem:s23+$0x0];
	_ =	sdelay $0x4  }
0x104: {  	s25 =	simm.s32 $0x10;
	s24 =	simm.s32 $0x80;
	[tilespmem:v4+s30+$0x0] =	vst.idx.msk $0xffff, v3  }
0x105: {  	s26 =	simm.s32 $0x100;
	v4 =	vor.u32 s24, v0;
	v3 =	vld [tilespmem:s25+$0x0]  }
.LBB2_15:
0x106: {  	p2 =	sne.s32 s26, $0x3180;
	_ =	sdelay $0x3  }
0x107: {  	s0 =	sadd.s32 $0x10, s0;
	[tilespmem:v4+s30+$0x0] =	vst.idx.msk $0xffff, v3  }
0x108: {  	v4 =	vor.u32 s24, v1;
	v3 =	vld [tilespmem:s0+$0x0];
	_ =	sdelay $0x4  }
0x109: {  	s23 =	sadd.s32 $0x10, s23;
	[tilespmem:v4+s30+$0x0] =	vst.idx.msk $0xffff, v3  }
0x10a: {  	v4 =	vor.u32 s24, v2;
	s24 =	smov.u32 s26;
	v3 =	vld [tilespmem:s23+$0x0];
	_ =	sdelay $0x1  }
.Ltmp9:
0x10b: {  	(pc) =	sbr.rel @p2 .LBB2_15-.Ltmp9, $3  }
0x10c: {  	_ =	sdelay $0x1  }
0x10d: {  	s25 =	sadd.s32 $0x10, s25;
	[tilespmem:v4+s30+$0x0] =	vst.idx.msk $0xffff, v3  }
0x10e: {  	s26 =	sadd.s32 $0x80, s26;
	v4 =	vor.u32 s24, v0;
	v3 =	vld [tilespmem:s25+$0x0]  }
.Ltmp10:
0x10f: {  	_ = 	snop;
	(pc) =	sbr.rel .LBB2_16-.Ltmp10, $1  }
0x110: {  	_ =	sdelay $0x3  }
.LBB2_18:
0x111: {  	_ =	sfence.sel $0x180000  }
0x112: {  	[bflag:$0x0] =	sbarrier.arrive $0xFFFF  }
0x113: {  	_ =	strace $0x90000047  }
0x114: {  	s0 =	stileid.u32;
	[bflag:$0x2] =	sbarrier.arrive $0xFFFF  }
0x115: {  	p0 =	sne.s32 s0, $0x0;
	s0 =	rddreg [dreg:$0x2]  }
0x116: {  	s0 =	sadd.s32 @!p0 $0x100000, s0  }
0x117: {  	[sflag:s0] =	ssyncadd.tile.s32 @!p0 $0x1;
	_ =	shalt  }
.Lfunc_end2:
_tile_overlayer_lowered:
.L_overlay_start_2:
0x118: {  	(tag) =	ssettag $0x2  }
0x119: {  	s0 =	rddreg [dreg:$0x0];
	s2 =	stileid.u32  }
0x11a: {  	s1 =	rddreg [dreg:$0x1];
	p0 =	sne.s32 s2, $0x0  }
0x11b: {  	s3 =	rddreg [dreg:$0x2];
	[bflag:$0x3] =	sbarrier.arrive $0xFFFF;
	s2 =	simm.s32 @!p0 $0x1C02  }
0x11c: {  	[timem:s3], [sflag:s2] =	dma.local @!p0 [hbm:s0], s1  }
0x11d: {  	s0 =	simm.s32 @!p0 $0x2  }
0x11e: {  	_ =	swait.ge @!p0 [sflag:s0], s1  }
0x11f: {  	s1 =	ssub.s32 @!p0 $0x0, s1;
	[sflag:s0] =	ssyncset.done @!p0 $0x0  }
0x120: {  	[sflag:s0] =	ssyncadd.s32 @!p0 s1  }
0x121: {  	[bflag:$0x3] =	sbarrier.arrive $0xFFFF  }
0x122: {  	_ =	shalt  }

// kernel: kernel.8.cloned.1.call-start
scs
__scs_entry_jumppad:
0x0: {  	(pc) =	sbr.rel $0x88, $3  }
0x1: {  	(tag) =	ssettag $0x0;
	lr =	simm.s32 $0x1  }
0x2: {  	[smem:$0x3F9F] =	sst lr;
	_ =	strace $0xD0000000  }
0x3: {  	_ = 	snop  }
0x4: {  	_ = 	snop  }
0x5: {  	_ = 	snop  }
0x6: {  	_ = 	snop  }
0x7: {  	_ = 	snop  }
__scs_overlays_trampoline_lowered:
0x8: {  	[smem:$0x3FAE] =	sst s0  }
0x9: {  	[smem:$0x3FAF] =	sst s1  }
0xa: {  	[smem:$0x3FB0] =	sst s2  }
0xb: {  	[smem:$0x3FB1] =	sst s3  }
0xc: {  	[smem:$0x3FB2] =	sst s4  }
0xd: {  	[smem:$0x3FB3] =	sst s5  }
0xe: {  	[smem:$0x3FB4] =	sst s6  }
0xf: {  	[smem:$0x3FB5] =	sst s7  }
0x10: {  	[smem:$0x3FB6] =	sst s8  }
0x11: {  	[smem:$0x3FB7] =	sst s9;
	s0 =	simm.s32 @!p0 $0x0  }
0x12: {  	s1 =	sld [smem:$0x3F9D];
	s0 =	simm.s32 @p0 $0x1  }
0x13: {  	[smem:$0x3FB8] =	sst s0;
	s0 =	simm.s32 @!p1 $0x0  }
0x14: {  	s2 =	sld [smem:$0x3F9C];
	s0 =	simm.s32 @p1 $0x1  }
0x15: {  	[smem:$0x3FB9] =	sst s0;
	s0 =	simm.s32 @!p2 $0x0  }
0x16: {  	s3 =	sld [smem:$0x3FDB];
	s0 =	simm.s32 @p2 $0x1  }
0x17: {  	s4 =	simm.s32 $0x1BF5;
	[smem:$0x3FBB] =	sst s0  }
0x18: {  	s0 =	sld [smem:$0x3F9E];
	_ =	swait.ge [sflag:s4], $0x0  }
0x19: {  	s7 =	sld [smem:$0x3F9F]  }
0x1a: {  	s8 =	sadd.s32 $0xFFFFE003, lr  }
0x1b: {  	s9 =	sadd.s32 $0xFFFFFEF7, lr;
	s5 =	simm.s32 $0xFFFFFFFF;
	p2 =	slt.u32 s8, $0xFFFFF086  }
0x1c: {  	p1 =	slt.u32 s9, $0xF7A;
	s5 =	simm.s32 @!p2 $0x0  }
0x1d: {  	s5 =	simm.s32 @p1 $0x1;
	p0 =	seq.s32 s7, s2  }
0x1e: {  	s7 =	smul.u32 @!p0 $0xF7A, s2;
	p2 =	seq.s32 @!p0 s5, $0x0  }
0x1f: {  	s9 =	smul.u32 $0xF7A, s1;
	s8 =	simm.s32 @!p0 $0x1BF5;
	p2 =	por !p2, p0  }
0x20: {  	[sflag:s8] =	ssyncset.s32 @!p0 $0xFFFFF086;
	s6 =	sadd.s32 @!p0 s3, s7;
	s7 =	simm.s32 @!p0 $0x108  }
0x21: {  	s3 =	sadd.s32 s3, s9;
	s6 =	sadd.s32 @!p0 $0x88, s6;
	s7 =	simm.s32 @p2 $0x1082  }
0x22: {  	[simem:s7], [sflag:s8] =	dma.local @!p0 [hbm:s6], $0xF7A  }
0x23: {  	s9 =	sor.u32 $0xD0000000, s2;
	s6 =	simm.s32 $0x108;
	_ =	swait.ge @!p0 [sflag:s8], $0x0  }
0x24: {  	s3 =	sadd.s32 $0x88, s3;
	s6 =	simm.s32 @!p1 $0x1082;
	[sflag:s4] =	ssyncset.s32 $0xFFFFF086  }
0x25: {  	[simem:s6], [sflag:s4] =	dma.local [hbm:s3], $0xF7A  }
0x26: {  	[smem:$0x3F9F] =	sst s1;
	(tag) =	ssettag s2;
	_ =	strace s9  }
0x27: {  	s1 =	sld [smem:$0x3FAF]  }
0x28: {  	s2 =	sld [smem:$0x3FB0]  }
0x29: {  	s4 =	sld [smem:$0x3FB2]  }
0x2a: {  	p0 =	seq.s32 s5, $0x0;
	s5 =	sld [smem:$0x3FB3]  }
0x2b: {  	s6 =	sld [smem:$0x3FB4]  }
0x2c: {  	s7 =	sld [smem:$0x3FB5]  }
0x2d: {  	s3 =	simm.s32 $0x108;
	s8 =	sld [smem:$0x3FB6]  }
0x2e: {  	s3 =	simm.s32 @!p0 $0x1082;
	s9 =	sld [smem:$0x3FB7]  }
0x2f: {  	lr =	sadd.s32 s0, s3;
	s0 =	sld [smem:$0x3FAE]  }
0x30: {  	s3 =	sld [smem:$0x3FB1]  }
0x31: {  	[smem:$0x3FBA] =	sst s10  }
0x32: {  	s10 =	sld [smem:$0x3FB8];
	_ =	sdelay $0x3  }
0x33: {  	p0 =	seq.s32 s10, $0x1;
	s10 =	sld [smem:$0x3FBA];
	_ =	sdelay $0x3  }
0x34: {  	[smem:$0x3FBA] =	sst s10  }
0x35: {  	s10 =	sld [smem:$0x3FB9];
	_ =	sdelay $0x3  }
0x36: {  	p1 =	seq.s32 s10, $0x1;
	s10 =	sld [smem:$0x3FBA];
	_ =	sdelay $0x3  }
0x37: {  	[smem:$0x3FBA] =	sst s10  }
0x38: {  	s10 =	sld [smem:$0x3FBB]  }
0x39: {  	_ = 	snop;
	(pc) =	sbr.ind lr, $3  }
0x3a: {  	_ = 	snop  }
0x3b: {  	_ = 	snop  }
0x3c: {  	p2 =	seq.s32 s10, $0x1;
	s10 =	sld [smem:$0x3FBA]  }
0x3d: {  	_ =	shalt  }
0x3e: {  	_ =	shalt  }
0x3f: {  	_ =	shalt  }
0x40: {  	_ =	shalt  }
0x41: {  	_ =	shalt  }
0x42: {  	_ =	shalt  }
0x43: {  	_ =	shalt  }
0x44: {  	_ =	shalt  }
0x45: {  	_ =	shalt  }
0x46: {  	_ =	shalt  }
0x47: {  	_ =	shalt  }
0x48: {  	_ =	shalt  }
0x49: {  	_ =	shalt  }
0x4a: {  	_ =	shalt  }
0x4b: {  	_ =	shalt  }
0x4c: {  	_ =	shalt  }
0x4d: {  	_ =	shalt  }
0x4e: {  	_ =	shalt  }
0x4f: {  	_ =	shalt  }
0x50: {  	_ =	shalt  }
0x51: {  	_ =	shalt  }
0x52: {  	_ =	shalt  }
0x53: {  	_ =	shalt  }
0x54: {  	_ =	shalt  }
0x55: {  	_ =	shalt  }
0x56: {  	_ =	shalt  }
0x57: {  	_ =	shalt  }
0x58: {  	_ =	shalt  }
0x59: {  	_ =	shalt  }
0x5a: {  	_ =	shalt  }
0x5b: {  	_ =	shalt  }
0x5c: {  	_ =	shalt  }
0x5d: {  	_ =	shalt  }
0x5e: {  	_ =	shalt  }
0x5f: {  	_ =	shalt  }
0x60: {  	_ =	shalt  }
0x61: {  	_ =	shalt  }
0x62: {  	_ =	shalt  }
0x63: {  	_ =	shalt  }
0x64: {  	_ =	shalt  }
0x65: {  	_ =	shalt  }
0x66: {  	_ =	shalt  }
0x67: {  	_ =	shalt  }
0x68: {  	_ =	shalt  }
0x69: {  	_ =	shalt  }
0x6a: {  	_ =	shalt  }
0x6b: {  	_ =	shalt  }
0x6c: {  	_ =	shalt  }
0x6d: {  	_ =	shalt  }
0x6e: {  	_ =	shalt  }
0x6f: {  	_ =	shalt  }
0x70: {  	_ =	shalt  }
0x71: {  	_ =	shalt  }
0x72: {  	_ =	shalt  }
0x73: {  	_ =	shalt  }
0x74: {  	_ =	shalt  }
0x75: {  	_ =	shalt  }
0x76: {  	_ =	shalt  }
0x77: {  	_ =	shalt  }
0x78: {  	_ =	shalt  }
0x79: {  	_ =	shalt  }
0x7a: {  	_ =	shalt  }
0x7b: {  	_ =	shalt  }
0x7c: {  	_ =	shalt  }
0x7d: {  	_ =	shalt  }
0x7e: {  	_ =	shalt  }
0x7f: {  	_ =	shalt  }
0x80: {  	_ =	shalt  }
0x81: {  	_ =	shalt  }
0x82: {  	_ =	shalt  }
0x83: {  	_ =	shalt  }
0x84: {  	_ =	shalt  }
0x85: {  	_ =	shalt  }
0x86: {  	_ =	shalt  }
0x87: {  	_ =	shalt  }
.Lfunc_end0:
.L_simem_size_0:
called_computation.1_lowered:
.L_overlay_start_0:
0x88: {  	s2 =	sld [smem:$0x3FD9]  }
0x89: {  	s3 =	sld [smem:$0x3FFE];
	_ =	sdelay $0x1  }
0x8a: {  	s1 =	srdreg.scid  }
0x8b: {  	s0 =	sand.u32 $0x1, s1  }
0x8c: {  	s17 =	sshll.u32 s0, $0xA;
	s2 =	sadd.s32 s3, s2  }
0x8d: {  	s2 =	sadd.s32 s2, s17  }
0x8e: {  	[smem:$0x3FC6] =	sst s2  }
0x8f: {  	_ = 	snop  }
0x90: {  	s2 =	sld [smem:$0x3FC9]  }
0x91: {  	s18 =	sld [smem:$0x3FD0];
	(tm) =	ssettm $0x1  }
0x92: {  	s4 =	sld [smem:$0x3FFB];
	_ =	sdelay $0x3  }
0x93: {  	_ =	strace s4  }
0x94: {  	s4 =	sld [smem:$0x3FFC];
	_ =	sdelay $0x3  }
0x95: {  	_ =	strace s4  }
0x96: {  	s4 =	sld [smem:$0x3FFD];
	_ =	sdelay $0x3  }
0x97: {  	_ =	strace s4  }
0x98: {  	_ =	strace $0x8FFFFFFF  }
0x99: {  	s19 =	sld [smem:$0x3FDB];
	_ =	sdelay $0x1  }
0x9a: {  	s5 =	simm.s32 $_scs_section_size  }
0x9b: {  	s6 =	simm.s32 $_size__tile_overlayer_lowered;
	s7 =	simm.s32 $_tile_overlayer_lowered  }
0x9c: {  	s22 =	simm.s32 $0x1BFF;
	s21 =	sshll.u32 s7, $0x1;
	s4 =	sadd.s32 s5, s19  }
0x9d: {  	s8 =	simm.s32 $0x0;
	s20 =	sshll.u32 s6, $0x1;
	s6 =	sadd.s32 s21, s4  }
0x9e: {  	[timem:s8], [sflag:s22] =	dma.local [hbm:s6], s20  }
0x9f: {  	_ =	swait.ge [sflag:s22], s20  }
0xa0: {  	s5 =	ssub.s32 $0x0, s20;
	[sflag:s22] =	ssyncset.done $0x0  }
0xa1: {  	[sflag:s22] =	ssyncadd.s32 s5;
	_ =	sdelay $0x1  }
0xa2: {  	s23 =	simm.s32 $0x1B8B  }
0xa3: {  	_ =	swait.ge [sflag:s23], $0x1  }
0xa4: {  	[sflag:s23] =	ssyncset.done $0x0  }
0xa5: {  	s25 =	simm.s32 $0x1B8E;
	s24 =	sld [smem:$0x3FFE];
	[sflag:s23] =	ssyncadd.s32 $0xFFFFFFFF  }
0xa6: {  	s26 =	simm.s32 $execute0_lowered;
	[smem:$0x3FD2] =	sst s25  }
0xa7: {  	s6 =	sshll.u32 s26, $0x1;
	_ =	strace $0x80000049;
	[dreg:$0x1] =	wrdreg $0xFFFFFFFF  }
0xa8: {  	s28 =	simm.s32 $_size_execute0_lowered;
	s4 =	sadd.s32 s4, s6;
	[dreg:$0x0] =	wrdreg $0x0  }
0xa9: {  	s6 =	sshll.u32 s28, $0x1;
	[dreg:$0x2] =	wrdreg s4  }
0xaa: {  	[dreg:$0x3] =	wrdreg s6  }
0xab: {  	[dreg:$0x4] =	wrdreg $0xC0  }
0xac: {  	_ =	task [dreg:s8], $0x5FFFF  }
0xad: {  	[dreg:$0x1] =	wrdreg $0xFFFFFFFF  }
0xae: {  	[dreg:$0x0] =	wrdreg $0x60  }
0xaf: {  	[dreg:$0x2] =	wrdreg s2  }
0xb0: {  	[dreg:$0x3] =	wrdreg s18  }
0xb1: {  	[dreg:$0x4] =	wrdreg s24  }
0xb2: {  	[dreg:$0x5] =	wrdreg $0x9  }
0xb3: {  	_ =	task.clear_ibuf [dreg:s8], $0x6FFFF;
	_ =	strace $0x90000049  }
0xb4: {  	s29 =	simm.s32 $0x9;
	_ =	strace $0x8000004B  }
0xb5: {  	_ =	swait.ge [sflag:s29], $0x1  }
0xb6: {  	[sflag:s29] =	ssyncadd.s32 $0xFFFFFFFF  }
0xb7: {  	_ =	strace $0x9000004B  }
0xb8: {  	_ =	sfence  }
0xb9: {  	s30 =	sld [smem:$0x0];
	_ =	sdelay $0x2  }
0xba: {  	s31 =	sshll.u32 s1, $0xD;
	s1 =	sshrl.u32 s1, $0x2  }
0xbb: {  	s3 =	sand.u32 $0x4000, s31;
	s1 =	sadd.s32 s1, s30  }
0xbc: {  	s0 =	sor.u32 s3, s0;
	s1 =	sshll.u32 s1, $0x11  }
0xbd: {  	s0 =	sor.u32 s1, s0  }
0xbe: {  	s0 =	sadd.s32 $0x8F2B, s0  }
0xbf: {  	[sflag:s0] =	ssyncadd.remote.s32 $0x1  }
0xc0: {  	_ =	sfence.sel $0xFFFF  }
0xc1: {  	[dreg:$0x0] =	wrdreg $0xFFFFFFFF;
	(pc) =	sbr.abs _section_cstart, $3  }
0xc2: {  	[dreg:$0x1] =	wrdreg $0xFFFFFFFF  }
0xc3: {  	_ =	task.clear_ibuf [dreg:s8], $0x2FFFF;
	_ =	strace $0x9FFFFFFF  }
0xc4: {  	(tm) =	ssettm $0x7FFFFFFF  }
0xc5: {  	_ =	shalt  }
tec
execute0_lowered:
.L_overlay_start_1:
0x0: {  	(tag) =	ssettag $0x1  }
0x1: {  	s0 =	srdreg.scid;
	s1 =	stileid.u32  }
0x2: {  	s2 =	sand.u32 $0x1, s0;
	s18 =	sshll.u32 s1, $0x1  }
0x3: {  	s1 =	sor.u32 s2, s18  }
0x4: {  	s3 =	smul.u32 $0x19000, s1  }
0x5: {  	s4 =	rddreg [dreg:$0x2]  }
0x6: {  	s0 =	rddreg [dreg:$0x0];
	s5 =	ssub.s32 $0x2, s2;
	s3 =	sshrl.u32 s3, $0x3  }
0x7: {  	s2 =	sadd.s32 $0x800, s4;
	s1 =	simm.s32 $0x0;
	s6 =	sadd.s32 $0x280, s3  }
0x8: {  	[smem:$0x7FF] =	sst s1;
	s21 =	sadd.s32 $0x500, s3;
	s20 =	sadd.s32 s0, s6  }
0x9: {  	s22 =	sadd.s32 $0x780, s3;
	s7 =	sadd.s32 s0, s21;
	[dreg:$0x4] =	wrdreg s20  }
0xa: {  	s19 =	sshrl.u32 s5, $0x1;
	s9 =	sadd.s32 s0, s22;
	[dreg:$0x5] =	wrdreg s7  }
0xb: {  	s8 =	sadd.s32 $0xA00, s3;
	s6 =	sadd.s32 s2, s6;
	[dreg:$0x6] =	wrdreg s9  }
0xc: {  	s4 =	ssub.s32 s5, s19;
	s23 =	sadd.s32 s0, s8;
	[dreg:$0x7] =	wrdreg s6  }
0xd: {  	s24 =	sadd.s32 $0xC80, s3;
	s5 =	sadd.s32 s2, s21;
	[dreg:$0x8] =	wrdreg s23  }
0xe: {  	s25 =	sadd.s32 $0xF00, s3;
	s26 =	sadd.s32 s0, s24;
	[dreg:$0x9] =	wrdreg s5  }
0xf: {  	s10 =	sadd.s32 s0, s25;
	[dreg:$0xa] =	wrdreg s26  }
0x10: {  	s12 =	sadd.s32 $0x1180, s3;
	s11 =	sadd.s32 s2, s8;
	[dreg:$0xc] =	wrdreg s10  }
0x11: {  	s13 =	sadd.s32 $0x1400, s3;
	s14 =	sadd.s32 s0, s12;
	[dreg:$0xd] =	wrdreg s11  }
0x12: {  	s15 =	sadd.s32 s0, s13;
	[dreg:$0xe] =	wrdreg s14  }
0x13: {  	s17 =	sadd.s32 $0x1680, s3;
	s16 =	sadd.s32 s2, s25;
	[dreg:$0x10] =	wrdreg s15  }
0x14: {  	s19 =	sadd.s32 s0, s17;
	[dreg:$0x11] =	wrdreg s16  }
0x15: {  	s21 =	sadd.s32 s2, s13;
	[dreg:$0x12] =	wrdreg s19  }
0x16: {  	s7 =	sadd.s32 s2, s22;
	[dreg:$0x15] =	wrdreg s21  }
0x17: {  	s18 =	sadd.s32 $0x1900, s3;
	s5 =	sadd.s32 s2, s24;
	[dreg:$0xb] =	wrdreg s7  }
0x18: {  	s20 =	sadd.s32 s0, s18;
	[dreg:$0xf] =	wrdreg s5  }
0x19: {  	s8 =	sadd.s32 $0x2300, s3;
	s6 =	sadd.s32 s2, s18;
	[dreg:$0x14] =	wrdreg s20  }
0x1a: {  	s9 =	sadd.s32 s0, s8;
	[dreg:$0x17] =	wrdreg s6  }
0x1b: {  	s15 =	sadd.s32 s0, s3;
	[dreg:$0x1e] =	wrdreg s9  }
0x1c: {  	[smem:$0x7DC] =	sst s15  }
0x1d: {  	s7 =	sadd.s32 s2, s12;
	s9 =	rddreg [dreg:$0x1]  }
0x1e: {  	s22 =	sadd.s32 $0x1B80, s3;
	s5 =	sadd.s32 s2, s17;
	[dreg:$0x13] =	wrdreg s7  }
0x1f: {  	s24 =	sadd.s32 $0x1E00, s3;
	s23 =	sadd.s32 s0, s22;
	[dreg:$0x16] =	wrdreg s5  }
0x20: {  	s25 =	sadd.s32 s0, s24;
	[dreg:$0x18] =	wrdreg s23  }
0x21: {  	s10 =	sadd.s32 $0x2580, s3;
	s6 =	sadd.s32 s2, s24;
	[dreg:$0x1a] =	wrdreg s25  }
0x22: {  	s16 =	sadd.s32 $0x2A80, s3;
	s11 =	sadd.s32 s0, s10;
	[dreg:$0x1b] =	wrdreg s6  }
0x23: {  	s18 =	sadd.s32 s0, s16;
	[smem:$0x7D8] =	sst s11  }
0x24: {  	s20 =	sadd.s32 s2, s16;
	[smem:$0x7DD] =	sst s18  }
0x25: {  	s26 =	sadd.s32 $0x2080, s3;
	s5 =	sadd.s32 s2, s22;
	[smem:$0x7E0] =	sst s20  }
0x26: {  	s7 =	sadd.s32 s0, s26;
	[dreg:$0x19] =	wrdreg s5  }
0x27: {  	s12 =	sadd.s32 $0x2800, s3;
	s6 =	sadd.s32 s2, s8;
	[dreg:$0x1c] =	wrdreg s7  }
0x28: {  	s13 =	sadd.s32 s0, s12;
	[dreg:$0x1f] =	wrdreg s6  }
0x29: {  	s17 =	sadd.s32 $0x2D00, s3;
	s14 =	sadd.s32 s2, s12;
	[smem:$0x7DA] =	sst s13  }
0x2a: {  	s19 =	sadd.s32 s0, s17;
	[smem:$0x7DB] =	sst s14  }
0x2b: {  	s5 =	sadd.s32 s2, s26;
	[smem:$0x7DE] =	sst s19  }
0x2c: {  	s21 =	sadd.s32 s2, s17;
	[dreg:$0x1d] =	wrdreg s5;
	s5 =	sadd.s32 s2, s10  }
0x2d: {  	[smem:$0x7D9] =	sst s5;
	s5 =	sadd.s32 s2, s3;
	s3 =	sadd.s32 $0x2F80, s3  }
0x2e: {  	[smem:$0x7E1] =	sst s21;
	s0 =	sadd.s32 s0, s3  }
0x2f: {  	s22 =	sadd.s32 s2, s3;
	[smem:$0x7DF] =	sst s0  }
0x30: {  	s23 =	smax.u32 s4, $0x1;
	[smem:$0x7E2] =	sst s22  }
0x31: {  	s24 =	sadd.s32 $0x64000, s5;
	_ =	strace $0x8000004A;
	[smem:$0x7E3] =	sst s23  }
0x32: {  	s25 =	sadd.s32 $0xC8000, s5;
	[smem:$0x7E4] =	sst s24  }
0x33: {  	s26 =	sadd.s32 $0x64280, s5;
	[smem:$0x7E5] =	sst s25  }
0x34: {  	s2 =	sadd.s32 $0xC8280, s5;
	[smem:$0x7E6] =	sst s26  }
0x35: {  	s3 =	sadd.s32 $0x64500, s5;
	[smem:$0x7E7] =	sst s2  }
0x36: {  	s4 =	sadd.s32 $0xC8500, s5;
	[smem:$0x7E8] =	sst s3  }
0x37: {  	s6 =	sadd.s32 $0x64780, s5;
	[smem:$0x7E9] =	sst s4  }
0x38: {  	s7 =	sadd.s32 $0xC8780, s5;
	[smem:$0x7EA] =	sst s6  }
0x39: {  	s8 =	sadd.s32 $0x64A00, s5;
	[smem:$0x7EB] =	sst s7  }
0x3a: {  	s10 =	sadd.s32 $0xC8A00, s5;
	[smem:$0x7EC] =	sst s8  }
0x3b: {  	s11 =	sadd.s32 $0x64C80, s5;
	[smem:$0x7ED] =	sst s10  }
0x3c: {  	s12 =	sadd.s32 $0xC8C80, s5;
	[smem:$0x7EE] =	sst s11  }
0x3d: {  	s13 =	sadd.s32 $0x64F00, s5;
	[smem:$0x7EF] =	sst s12  }
0x3e: {  	s14 =	sadd.s32 $0xC8F00, s5;
	[smem:$0x7F0] =	sst s13  }
0x3f: {  	s15 =	sadd.s32 $0x65180, s5;
	[smem:$0x7F1] =	sst s14  }
0x40: {  	s16 =	sadd.s32 $0xC9180, s5;
	[smem:$0x7F2] =	sst s15  }
0x41: {  	s17 =	sadd.s32 $0x65400, s5;
	[smem:$0x7F3] =	sst s16  }
0x42: {  	s18 =	sadd.s32 $0xC9400, s5;
	[smem:$0x7F4] =	sst s17  }
0x43: {  	s28 =	simm.s32 $0x1400;
	s19 =	sadd.s32 $0x65680, s5;
	[smem:$0x7F5] =	sst s18  }
0x44: {  	s29 =	simm.s32 $0x2800;
	s20 =	sadd.s32 $0xC9680, s5;
	[smem:$0x7F6] =	sst s19  }
0x45: {  	s30 =	simm.s32 $0x2;
	s21 =	sadd.s32 $0x65900, s5;
	[smem:$0x7F7] =	sst s20  }
0x46: {  	s31 =	simm.s32 $0xC800;
	s22 =	sadd.s32 $0xC9900, s5;
	[smem:$0x7F8] =	sst s21  }
0x47: {  	s0 =	simm.s32 $0x16800;
	[smem:$0x7F9] =	sst s22;
	s23 =	sadd.s32 $0x65B80, s5  }
0x48: {  	s24 =	sadd.s32 $0xC9B80, s5;
	s25 =	sadd.s32 $0x65E00, s5;
	s26 =	sadd.s32 $0xC9E00, s5  }
0x49: {  	s12 =	sadd.s32 $0x66080, s5;
	s13 =	sadd.s32 $0xCA080, s5;
	s14 =	sadd.s32 $0x66300, s5  }
0x4a: {  	s15 =	sadd.s32 $0xCA300, s5;
	s16 =	sadd.s32 $0x66580, s5;
	s17 =	sadd.s32 $0xCA580, s5  }
0x4b: {  	s18 =	sadd.s32 $0x66800, s5;
	s19 =	sadd.s32 $0xCA800, s5;
	s20 =	sadd.s32 $0x66A80, s5  }
0x4c: {  	s21 =	sadd.s32 $0xCAA80, s5;
	s22 =	sadd.s32 $0x66D00, s5;
	[smem:$0x7FA] =	sst s23  }
0x4d: {  	s2 =	simm.s32 $0x4;
	s3 =	simm.s32 $0x19000;
	[smem:$0x7FB] =	sst s24  }
0x4e: {  	s4 =	simm.s32 $0x3;
	s6 =	simm.s32 $0x17C00;
	[smem:$0x7FC] =	sst s25  }
0x4f: {  	v0 =	vlaneseq.u32;
	s7 =	simm.s32 $0x0;
	[smem:$0x7FD] =	sst s26;
	s23 =	sadd.s32 $0xCAD00, s5  }
0x50: {  	v0 =	vmul.u32 $0x8, v0;
	s24 =	sadd.s32 $0x66F80, s5;
	s25 =	sadd.s32 $0xCAF80, s5;
	s26 =	simm.s32 $0x1  }
.LBB2_1:
0x51: {  	s8 =	sld [smem:$0x7DC];
	_ =	sdelay $0x2  }
0x52: {  	[tilespmem:s1], [sflag:$0x1] =	stream.linear.gather [hbm4b:s8+s1], $0x1400, $0x38;
	[tilespmem:$0x1A400] =	vst v63  }
0x53: {  	_ =	swait.ge [sflag:s26], $0x1400  }
0x54: {  	[sflag:s26] =	ssyncset.done $0x0  }
0x55: {  	[sflag:s26] =	ssyncadd.s32 $0xFFFFEC00  }
0x56: {  	[tilespmem:s29], [sflag:$0x2] =	stream.indirect.gather [hbm4b:s9+s28], $0x8, s1, s28, $0xb8;
	[tilespmem:$0x1A400] =	vst v63  }
0x57: {  	s11 =	rddreg [dreg:$0x4]  }
0x58: {  	[tilespmem:s28], [sflag:$0x1] =	stream.linear.gather [hbm4b:s11+s1], $0x1400, $0x38;
	[tilespmem:$0x1A400] =	vst v63  }
0x59: {  	_ =	swait.ge [sflag:s26], $0x1400  }
0x5a: {  	[sflag:s26] =	ssyncset.done $0x0  }
0x5b: {  	v1 =	vmov s1;
	[sflag:s26] =	ssyncadd.s32 $0xFFFFEC00  }
0x5c: {  	v1 =	vshll.u32 v1, $0x3;
	_ =	swait.ge [sflag:s30], $0xA000  }
0x5d: {  	v1 =	vor.u32 v0, v1;
	[sflag:s30] =	ssyncset.done $0x0  }
0x5e: {  	[sflag:s30] =	ssyncadd.s32 $0xFFFF6000  }
0x5f: {  	[tilespmem:s31], [sflag:$0x3] =	stream.indirect.gather [hbm4b:s9+s28], $0x8, s28, s28, $0xb8;
	[tilespmem:$0x1A400] =	vst v63  }
0x60: {  	s10 =	rddreg [dreg:$0x5]  }
0x61: {  	[tilespmem:s1], [sflag:$0x1] =	stream.linear.gather [hbm4b:s10+s1], $0x1400, $0x38;
	[tilespmem:$0x1A400] =	vst v63  }
0x62: {  	v2 =	vld.idx.msk [tilespmem:v1+s29+$0x0], $0xffff  }
0x63: {  	v3 =	vor.u32 $0x1, v1;
	_ =	sdelay $0x3  }
0x64: {  	[tilespmem:s6+$0xFFFFEC00] =	vst v2  }
0x65: {  	v2 =	vld.idx.msk [tilespmem:v3+s29+$0x0], $0xffff  }
0x66: {  	v1 =	vor.u32 $0x2, v1;
	_ =	sdelay $0x3  }
0x67: {  	s11 =	simm.s32 $0x10;
	[tilespmem:s6+$0x0] =	vst v2  }
0x68: {  	s8 =	simm.s32 $0x17C00;
	s10 =	simm.s32 $0x20;
	v2 =	vmov s11;
	v1 =	vld.idx.msk [tilespmem:v1+s29+$0x0], $0xffff  }
.LBB2_2:
0x69: {  	p0 =	sne.s32 s10, $0x13F0;
	v2 =	vshll.u32 v2, $0x3  }
0x6a: {  	v2 =	vor.u32 v0, v2;
	_ =	sdelay $0x3  }
0x6b: {  	[tilespmem:s8+$0x1400] =	vst v1  }
0x6c: {  	v1 =	vld.idx.msk [tilespmem:v2+s29+$0x0], $0xffff;
	_ =	sdelay $0x1  }
0x6d: {  	v3 =	vor.u32 $0x1, v2;
	_ =	sdelay $0x2  }
0x6e: {  	s8 =	sadd.s32 $0x10, s8  }
0x6f: {  	[tilespmem:s8+$0xFFFFEC00] =	vst v1  }
0x70: {  	v1 =	vld.idx.msk [tilespmem:v3+s29+$0x0], $0xffff;
	_ =	sdelay $0x1  }
0x71: {  	v3 =	vor.u32 $0x2, v2  }
.Ltmp0:
0x72: {  	(pc) =	sbr.rel @p0 .LBB2_2-.Ltmp0, $3  }
0x73: {  	_ =	sdelay $0x1  }
0x74: {  	[tilespmem:s8+$0x0] =	vst v1  }
0x75: {  	v2 =	vmov s10;
	s10 =	sadd.s32 $0x10, s10;
	v1 =	vld.idx.msk [tilespmem:v3+s29+$0x0], $0xffff  }
0x76: {  	v2 =	vshll.u32 v2, $0x3  }
0x77: {  	v2 =	vor.u32 v0, v2;
	_ =	sdelay $0x3  }
0x78: {  	[tilespmem:s8+$0x1400] =	vst v1  }
0x79: {  	v1 =	vld.idx.msk [tilespmem:v2+s29+$0x0], $0xffff  }
0x7a: {  	v3 =	vor.u32 $0x1, v2;
	_ =	sdelay $0x2  }
0x7b: {  	s10 =	sadd.s32 $0x10, s8  }
0x7c: {  	[tilespmem:s10+$0xFFFFEC00] =	vst v1  }
0x7d: {  	v1 =	vld.idx.msk [tilespmem:v3+s29+$0x0], $0xffff  }
0x7e: {  	v2 =	vor.u32 $0x2, v2;
	_ =	sdelay $0x3  }
0x7f: {  	[tilespmem:s10+$0x0] =	vst v1  }
0x80: {  	v1 =	vld.idx.msk [tilespmem:v2+s29+$0x0], $0xffff;
	_ =	sdelay $0x4  }
0x81: {  	[tilespmem:s10+$0x1400] =	vst v1;
	s10 =	simm.s32 $0x0  }
0x82: {  	[hbm4b:s5+s10] =	stream.linear.scatter [tilespmem:s0], [sflag:$0x4], $0x1400, $0x38;
	[tilespmem:$0x1A400] =	vst v63  }
0x83: {  	_ =	swait.ge [sflag:s2], $0x1400  }
0x84: {  	s11 =	sld [smem:$0x7E4]  }
0x85: {  	[sflag:s2] =	ssyncset.done $0x0  }
0x86: {  	s8 =	simm.s32 $0x17C00;
	[sflag:s2] =	ssyncadd.s32 $0xFFFFEC00  }
0x87: {  	[hbm4b:s11+s10] =	stream.linear.scatter [tilespmem:s8], [sflag:$0x4], $0x1400, $0x38;
	[tilespmem:$0x1A400] =	vst v63  }
0x88: {  	_ =	swait.ge [sflag:s2], $0x1400  }
0x89: {  	s11 =	sld [smem:$0x7E5]  }
0x8a: {  	[sflag:s2] =	ssyncset.done $0x0  }
0x8b: {  	[sflag:s2] =	ssyncadd.s32 $0xFFFFEC00  }
0x8c: {  	[hbm4b:s11+s10] =	stream.linear.scatter [tilespmem:s3], [sflag:$0x4], $0x1400, $0x38;
	[tilespmem:$0x1A400] =	vst v63  }
0x8d: {  	_ =	swait.ge [sflag:s2], $0x1400  }
0x8e: {  	[sflag:s2] =	ssyncset.done $0x0  }
0x8f: {  	[sflag:s2] =	ssyncadd.s32 $0xFFFFEC00  }
0x90: {  	_ =	swait.ge [sflag:s26], $0x1400  }
0x91: {  	[sflag:s26] =	ssyncset.done $0x0  }
0x92: {  	v1 =	vmov s10;
	[sflag:s26] =	ssyncadd.s32 $0xFFFFEC00  }
0x93: {  	v1 =	vshll.u32 v1, $0x3;
	_ =	swait.ge [sflag:s4], $0xA000  }
0x94: {  	v1 =	vor.u32 v0, v1;
	[sflag:s4] =	ssyncset.done $0x0  }
0x95: {  	[sflag:s4] =	ssyncadd.s32 $0xFFFF6000  }
0x96: {  	[tilespmem:s29], [sflag:$0x2] =	stream.indirect.gather [hbm4b:s9+s28], $0x8, s10, s28, $0xb8;
	[tilespmem:$0x1A400] =	vst v63  }
0x97: {  	s11 =	rddreg [dreg:$0x6]  }
0x98: {  	[tilespmem:s28], [sflag:$0x1] =	stream.linear.gather [hbm4b:s11+s10], $0x1400, $0x38;
	[tilespmem:$0x1A400] =	vst v63  }
0x99: {  	v2 =	vld.idx.msk [tilespmem:v1+s31+$0x0], $0xffff  }
0x9a: {  	v3 =	vor.u32 $0x1, v1;
	_ =	sdelay $0x3  }
0x9b: {  	[tilespmem:s8+$0xFFFFEC00] =	vst v2  }
0x9c: {  	v2 =	vld.idx.msk [tilespmem:v3+s31+$0x0], $0xffff  }
0x9d: {  	v1 =	vor.u32 $0x2, v1;
	_ =	sdelay $0x3  }
0x9e: {  	s11 =	simm.s32 $0x10;
	[tilespmem:s8+$0x0] =	vst v2  }
0x9f: {  	s10 =	simm.s32 $0x20;
	v2 =	vmov s11;
	v1 =	vld.idx.msk [tilespmem:v1+s31+$0x0], $0xffff  }
.LBB2_4:
0xa0: {  	p0 =	sne.s32 s10, $0x13F0;
	v2 =	vshll.u32 v2, $0x3  }
0xa1: {  	v2 =	vor.u32 v0, v2;
	_ =	sdelay $0x3  }
0xa2: {  	[tilespmem:s8+$0x1400] =	vst v1  }
0xa3: {  	v1 =	vld.idx.msk [tilespmem:v2+s31+$0x0], $0xffff;
	_ =	sdelay $0x1  }
0xa4: {  	v3 =	vor.u32 $0x1, v2;
	_ =	sdelay $0x2  }
0xa5: {  	s8 =	sadd.s32 $0x10, s8  }
0xa6: {  	[tilespmem:s8+$0xFFFFEC00] =	vst v1  }
0xa7: {  	v1 =	vld.idx.msk [tilespmem:v3+s31+$0x0], $0xffff;
	_ =	sdelay $0x1  }
0xa8: {  	v3 =	vor.u32 $0x2, v2  }
.Ltmp1:
0xa9: {  	(pc) =	sbr.rel @p0 .LBB2_4-.Ltmp1, $3  }
0xaa: {  	_ =	sdelay $0x1  }
0xab: {  	[tilespmem:s8+$0x0] =	vst v1  }
0xac: {  	v2 =	vmov s10;
	s10 =	sadd.s32 $0x10, s10;
	v1 =	vld.idx.msk [tilespmem:v3+s31+$0x0], $0xffff  }
0xad: {  	v2 =	vshll.u32 v2, $0x3  }
0xae: {  	v2 =	vor.u32 v0, v2;
	_ =	sdelay $0x3  }
0xaf: {  	[tilespmem:s8+$0x1400] =	vst v1  }
0xb0: {  	v1 =	vld.idx.msk [tilespmem:v2+s31+$0x0], $0xffff  }
0xb1: {  	v3 =	vor.u32 $0x1, v2;
	_ =	sdelay $0x2  }
0xb2: {  	s10 =	sadd.s32 $0x10, s8  }
0xb3: {  	[tilespmem:s10+$0xFFFFEC00] =	vst v1  }
0xb4: {  	v1 =	vld.idx.msk [tilespmem:v3+s31+$0x0], $0xffff  }
0xb5: {  	v2 =	vor.u32 $0x2, v2;
	_ =	sdelay $0x3  }
0xb6: {  	[tilespmem:s10+$0x0] =	vst v1  }
0xb7: {  	v1 =	vld.idx.msk [tilespmem:v2+s31+$0x0], $0xffff;
	_ =	sdelay $0x4  }
0xb8: {  	s11 =	rddreg [dreg:$0x7];
	[tilespmem:s10+$0x1400] =	vst v1;
	s10 =	simm.s32 $0x0  }
0xb9: {  	[hbm4b:s11+s10] =	stream.linear.scatter [tilespmem:s0], [sflag:$0x4], $0x1400, $0x38;
	[tilespmem:$0x1A400] =	vst v63  }
0xba: {  	_ =	swait.ge [sflag:s2], $0x1400  }
0xbb: {  	s11 =	sld [smem:$0x7E6]  }
0xbc: {  	[sflag:s2] =	ssyncset.done $0x0  }
0xbd: {  	s8 =	simm.s32 $0x17C00;
	[sflag:s2] =	ssyncadd.s32 $0xFFFFEC00  }
0xbe: {  	[hbm4b:s11+s10] =	stream.linear.scatter [tilespmem:s8], [sflag:$0x4], $0x1400, $0x38;
	[tilespmem:$0x1A400] =	vst v63  }
0xbf: {  	_ =	swait.ge [sflag:s2], $0x1400  }
0xc0: {  	s11 =	sld [smem:$0x7E7]  }
0xc1: {  	[sflag:s2] =	ssyncset.done $0x0  }
0xc2: {  	[sflag:s2] =	ssyncadd.s32 $0xFFFFEC00  }
0xc3: {  	[hbm4b:s11+s10] =	stream.linear.scatter [tilespmem:s3], [sflag:$0x4], $0x1400, $0x38;
	[tilespmem:$0x1A400] =	vst v63  }
0xc4: {  	_ =	swait.ge [sflag:s2], $0x1400  }
0xc5: {  	[sflag:s2] =	ssyncset.done $0x0  }
0xc6: {  	[sflag:s2] =	ssyncadd.s32 $0xFFFFEC00  }
0xc7: {  	_ =	swait.ge [sflag:s26], $0x1400  }
0xc8: {  	[sflag:s26] =	ssyncset.done $0x0  }
0xc9: {  	v1 =	vmov s10;
	[sflag:s26] =	ssyncadd.s32 $0xFFFFEC00  }
0xca: {  	v1 =	vshll.u32 v1, $0x3;
	_ =	swait.ge [sflag:s30], $0xA000  }
0xcb: {  	v1 =	vor.u32 v0, v1;
	[sflag:s30] =	ssyncset.done $0x0  }
0xcc: {  	[sflag:s30] =	ssyncadd.s32 $0xFFFF6000  }
0xcd: {  	[tilespmem:s31], [sflag:$0x3] =	stream.indirect.gather [hbm4b:s9+s28], $0x8, s28, s28, $0xb8;
	[tilespmem:$0x1A400] =	vst v63  }
0xce: {  	s11 =	rddreg [dreg:$0x8]  }
0xcf: {  	[tilespmem:s10], [sflag:$0x1] =	stream.linear.gather [hbm4b:s11+s10], $0x1400, $0x38;
	[tilespmem:$0x1A400] =	vst v63  }
0xd0: {  	v2 =	vld.idx.msk [tilespmem:v1+s29+$0x0], $0xffff  }
0xd1: {  	v3 =	vor.u32 $0x1, v1;
	_ =	sdelay $0x3  }
0xd2: {  	[tilespmem:s8+$0xFFFFEC00] =	vst v2  }
0xd3: {  	v2 =	vld.idx.msk [tilespmem:v3+s29+$0x0], $0xffff  }
0xd4: {  	v1 =	vor.u32 $0x2, v1;
	_ =	sdelay $0x3  }
0xd5: {  	s11 =	simm.s32 $0x10;
	[tilespmem:s8+$0x0] =	vst v2  }
0xd6: {  	s10 =	simm.s32 $0x20;
	v2 =	vmov s11;
	v1 =	vld.idx.msk [tilespmem:v1+s29+$0x0], $0xffff  }
.LBB2_6:
0xd7: {  	p0 =	sne.s32 s10, $0x13F0;
	v2 =	vshll.u32 v2, $0x3  }
0xd8: {  	v2 =	vor.u32 v0, v2;
	_ =	sdelay $0x3  }
0xd9: {  	[tilespmem:s8+$0x1400] =	vst v1  }
0xda: {  	v1 =	vld.idx.msk [tilespmem:v2+s29+$0x0], $0xffff;
	_ =	sdelay $0x1  }
0xdb: {  	v3 =	vor.u32 $0x1, v2;
	_ =	sdelay $0x2  }
0xdc: {  	s8 =	sadd.s32 $0x10, s8  }
0xdd: {  	[tilespmem:s8+$0xFFFFEC00] =	vst v1  }
0xde: {  	v1 =	vld.idx.msk [tilespmem:v3+s29+$0x0], $0xffff;
	_ =	sdelay $0x1  }
0xdf: {  	v3 =	vor.u32 $0x2, v2  }
.Ltmp2:
0xe0: {  	(pc) =	sbr.rel @p0 .LBB2_6-.Ltmp2, $3  }
0xe1: {  	_ =	sdelay $0x1  }
0xe2: {  	[tilespmem:s8+$0x0] =	vst v1  }
0xe3: {  	v2 =	vmov s10;
	s10 =	sadd.s32 $0x10, s10;
	v1 =	vld.idx.msk [tilespmem:v3+s29+$0x0], $0xffff  }
0xe4: {  	v2 =	vshll.u32 v2, $0x3  }
0xe5: {  	v2 =	vor.u32 v0, v2;
	_ =	sdelay $0x3  }
0xe6: {  	[tilespmem:s8+$0x1400] =	vst v1  }
0xe7: {  	v1 =	vld.idx.msk [tilespmem:v2+s29+$0x0], $0xffff  }
0xe8: {  	v3 =	vor.u32 $0x1, v2;
	_ =	sdelay $0x2  }
0xe9: {  	s10 =	sadd.s32 $0x10, s8  }
0xea: {  	[tilespmem:s10+$0xFFFFEC00] =	vst v1  }
0xeb: {  	v1 =	vld.idx.msk [tilespmem:v3+s29+$0x0], $0xffff  }
0xec: {  	v2 =	vor.u32 $0x2, v2;
	_ =	sdelay $0x3  }
0xed: {  	[tilespmem:s10+$0x0] =	vst v1  }
0xee: {  	v1 =	vld.idx.msk [tilespmem:v2+s29+$0x0], $0xffff;
	_ =	sdelay $0x4  }
0xef: {  	s11 =	rddreg [dreg:$0x9];
	[tilespmem:s10+$0x1400] =	vst v1;
	s10 =	simm.s32 $0x0  }
0xf0: {  	[hbm4b:s11+s10] =	stream.linear.scatter [tilespmem:s0], [sflag:$0x4], $0x1400, $0x38;
	[tilespmem:$0x1A400] =	vst v63  }
0xf1: {  	_ =	swait.ge [sflag:s2], $0x1400  }
0xf2: {  	s11 =	sld [smem:$0x7E8]  }
0xf3: {  	[sflag:s2] =	ssyncset.done $0x0  }
0xf4: {  	s8 =	simm.s32 $0x17C00;
	[sflag:s2] =	ssyncadd.s32 $0xFFFFEC00  }
0xf5: {  	[hbm4b:s11+s10] =	stream.linear.scatter [tilespmem:s8], [sflag:$0x4], $0x1400, $0x38;
	[tilespmem:$0x1A400] =	vst v63  }
0xf6: {  	_ =	swait.ge [sflag:s2], $0x1400  }
0xf7: {  	s11 =	sld [smem:$0x7E9]  }
0xf8: {  	[sflag:s2] =	ssyncset.done $0x0  }
0xf9: {  	[sflag:s2] =	ssyncadd.s32 $0xFFFFEC00  }
0xfa: {  	[hbm4b:s11+s10] =	stream.linear.scatter [tilespmem:s3], [sflag:$0x4], $0x1400, $0x38;
	[tilespmem:$0x1A400] =	vst v63  }
0xfb: {  	_ =	swait.ge [sflag:s2], $0x1400  }
0xfc: {  	[sflag:s2] =	ssyncset.done $0x0  }
0xfd: {  	[sflag:s2] =	ssyncadd.s32 $0xFFFFEC00  }
0xfe: {  	_ =	swait.ge [sflag:s26], $0x1400  }
0xff: {  	[sflag:s26] =	ssyncset.done $0x0  }
0x100: {  	v1 =	vmov s10;
	[sflag:s26] =	ssyncadd.s32 $0xFFFFEC00  }
0x101: {  	v1 =	vshll.u32 v1, $0x3;
	_ =	swait.ge [sflag:s4], $0xA000  }
0x102: {  	v1 =	vor.u32 v0, v1;
	[sflag:s4] =	ssyncset.done $0x0  }
0x103: {  	[sflag:s4] =	ssyncadd.s32 $0xFFFF6000  }
0x104: {  	[tilespmem:s29], [sflag:$0x2] =	stream.indirect.gather [hbm4b:s9+s28], $0x8, s10, s28, $0xb8;
	[tilespmem:$0x1A400] =	vst v63  }
0x105: {  	s11 =	rddreg [dreg:$0xa]  }
0x106: {  	[tilespmem:s28], [sflag:$0x1] =	stream.linear.gather [hbm4b:s11+s10], $0x1400, $0x38;
	[tilespmem:$0x1A400] =	vst v63  }
0x107: {  	v2 =	vld.idx.msk [tilespmem:v1+s31+$0x0], $0xffff  }
0x108: {  	v3 =	vor.u32 $0x1, v1;
	_ =	sdelay $0x3  }
0x109: {  	[tilespmem:s8+$0xFFFFEC00] =	vst v2  }
0x10a: {  	v2 =	vld.idx.msk [tilespmem:v3+s31+$0x0], $0xffff  }
0x10b: {  	v1 =	vor.u32 $0x2, v1;
	_ =	sdelay $0x3  }
0x10c: {  	s11 =	simm.s32 $0x10;
	[tilespmem:s8+$0x0] =	vst v2  }
0x10d: {  	s10 =	simm.s32 $0x20;
	v2 =	vmov s11;
	v1 =	vld.idx.msk [tilespmem:v1+s31+$0x0], $0xffff  }
.LBB2_8:
0x10e: {  	p0 =	sne.s32 s10, $0x13F0;
	v2 =	vshll.u32 v2, $0x3  }
0x10f: {  	v2 =	vor.u32 v0, v2;
	_ =	sdelay $0x3  }
0x110: {  	[tilespmem:s8+$0x1400] =	vst v1  }
0x111: {  	v1 =	vld.idx.msk [tilespmem:v2+s31+$0x0], $0xffff;
	_ =	sdelay $0x1  }
0x112: {  	v3 =	vor.u32 $0x1, v2;
	_ =	sdelay $0x2  }
0x113: {  	s8 =	sadd.s32 $0x10, s8  }
0x114: {  	[tilespmem:s8+$0xFFFFEC00] =	vst v1  }
0x115: {  	v1 =	vld.idx.msk [tilespmem:v3+s31+$0x0], $0xffff;
	_ =	sdelay $0x1  }
0x116: {  	v3 =	vor.u32 $0x2, v2  }
.Ltmp3:
0x117: {  	(pc) =	sbr.rel @p0 .LBB2_8-.Ltmp3, $3  }
0x118: {  	_ =	sdelay $0x1  }
0x119: {  	[tilespmem:s8+$0x0] =	vst v1  }
0x11a: {  	v2 =	vmov s10;
	s10 =	sadd.s32 $0x10, s10;
	v1 =	vld.idx.msk [tilespmem:v3+s31+$0x0], $0xffff  }
0x11b: {  	v2 =	vshll.u32 v2, $0x3  }
0x11c: {  	v2 =	vor.u32 v0, v2;
	_ =	sdelay $0x3  }
0x11d: {  	[tilespmem:s8+$0x1400] =	vst v1  }
0x11e: {  	v1 =	vld.idx.msk [tilespmem:v2+s31+$0x0], $0xffff  }
0x11f: {  	v3 =	vor.u32 $0x1, v2;
	_ =	sdelay $0x2  }
0x120: {  	s10 =	sadd.s32 $0x10, s8  }
0x121: {  	[tilespmem:s10+$0xFFFFEC00] =	vst v1  }
0x122: {  	v1 =	vld.idx.msk [tilespmem:v3+s31+$0x0], $0xffff  }
0x123: {  	v2 =	vor.u32 $0x2, v2;
	_ =	sdelay $0x3  }
0x124: {  	[tilespmem:s10+$0x0] =	vst v1  }
0x125: {  	v1 =	vld.idx.msk [tilespmem:v2+s31+$0x0], $0xffff;
	_ =	sdelay $0x4  }
0x126: {  	s11 =	rddreg [dreg:$0xb];
	[tilespmem:s10+$0x1400] =	vst v1;
	s10 =	simm.s32 $0x0  }
0x127: {  	[hbm4b:s11+s10] =	stream.linear.scatter [tilespmem:s0], [sflag:$0x4], $0x1400, $0x38;
	[tilespmem:$0x1A400] =	vst v63  }
0x128: {  	_ =	swait.ge [sflag:s2], $0x1400  }
0x129: {  	s11 =	sld [smem:$0x7EA]  }
0x12a: {  	[sflag:s2] =	ssyncset.done $0x0  }
0x12b: {  	s8 =	simm.s32 $0x17C00;
	[sflag:s2] =	ssyncadd.s32 $0xFFFFEC00  }
0x12c: {  	[hbm4b:s11+s10] =	stream.linear.scatter [tilespmem:s8], [sflag:$0x4], $0x1400, $0x38;
	[tilespmem:$0x1A400] =	vst v63  }
0x12d: {  	_ =	swait.ge [sflag:s2], $0x1400  }
0x12e: {  	s11 =	sld [smem:$0x7EB]  }
0x12f: {  	[sflag:s2] =	ssyncset.done $0x0  }
0x130: {  	[sflag:s2] =	ssyncadd.s32 $0xFFFFEC00  }
0x131: {  	[hbm4b:s11+s10] =	stream.linear.scatter [tilespmem:s3], [sflag:$0x4], $0x1400, $0x38;
	[tilespmem:$0x1A400] =	vst v63  }
0x132: {  	_ =	swait.ge [sflag:s2], $0x1400  }
0x133: {  	[sflag:s2] =	ssyncset.done $0x0  }
0x134: {  	[sflag:s2] =	ssyncadd.s32 $0xFFFFEC00  }
0x135: {  	_ =	swait.ge [sflag:s26], $0x1400  }
0x136: {  	[sflag:s26] =	ssyncset.done $0x0  }
0x137: {  	v1 =	vmov s10;
	[sflag:s26] =	ssyncadd.s32 $0xFFFFEC00  }
0x138: {  	v1 =	vshll.u32 v1, $0x3;
	_ =	swait.ge [sflag:s30], $0xA000  }
0x139: {  	v1 =	vor.u32 v0, v1;
	[sflag:s30] =	ssyncset.done $0x0  }
0x13a: {  	[sflag:s30] =	ssyncadd.s32 $0xFFFF6000  }
0x13b: {  	[tilespmem:s31], [sflag:$0x3] =	stream.indirect.gather [hbm4b:s9+s28], $0x8, s28, s28, $0xb8;
	[tilespmem:$0x1A400] =	vst v63  }
0x13c: {  	s11 =	rddreg [dreg:$0xc]  }
0x13d: {  	[tilespmem:s10], [sflag:$0x1] =	stream.linear.gather [hbm4b:s11+s10], $0x1400, $0x38;
	[tilespmem:$0x1A400] =	vst v63  }
0x13e: {  	v2 =	vld.idx.msk [tilespmem:v1+s29+$0x0], $0xffff  }
0x13f: {  	v3 =	vor.u32 $0x1, v1;
	_ =	sdelay $0x3  }
0x140: {  	[tilespmem:s8+$0xFFFFEC00] =	vst v2  }
0x141: {  	v2 =	vld.idx.msk [tilespmem:v3+s29+$0x0], $0xffff  }
0x142: {  	v1 =	vor.u32 $0x2, v1;
	_ =	sdelay $0x3  }
0x143: {  	s11 =	simm.s32 $0x10;
	[tilespmem:s8+$0x0] =	vst v2  }
0x144: {  	s10 =	simm.s32 $0x20;
	v2 =	vmov s11;
	v1 =	vld.idx.msk [tilespmem:v1+s29+$0x0], $0xffff  }
.LBB2_10:
0x145: {  	p0 =	sne.s32 s10, $0x13F0;
	v2 =	vshll.u32 v2, $0x3  }
0x146: {  	v2 =	vor.u32 v0, v2;
	_ =	sdelay $0x3  }
0x147: {  	[tilespmem:s8+$0x1400] =	vst v1  }
0x148: {  	v1 =	vld.idx.msk [tilespmem:v2+s29+$0x0], $0xffff;
	_ =	sdelay $0x1  }
0x149: {  	v3 =	vor.u32 $0x1, v2;
	_ =	sdelay $0x2  }
0x14a: {  	s8 =	sadd.s32 $0x10, s8  }
0x14b: {  	[tilespmem:s8+$0xFFFFEC00] =	vst v1  }
0x14c: {  	v1 =	vld.idx.msk [tilespmem:v3+s29+$0x0], $0xffff;
	_ =	sdelay $0x1  }
0x14d: {  	v3 =	vor.u32 $0x2, v2  }
.Ltmp4:
0x14e: {  	(pc) =	sbr.rel @p0 .LBB2_10-.Ltmp4, $3  }
0x14f: {  	_ =	sdelay $0x1  }
0x150: {  	[tilespmem:s8+$0x0] =	vst v1  }
0x151: {  	v2 =	vmov s10;
	s10 =	sadd.s32 $0x10, s10;
	v1 =	vld.idx.msk [tilespmem:v3+s29+$0x0], $0xffff  }
0x152: {  	v2 =	vshll.u32 v2, $0x3  }
0x153: {  	v2 =	vor.u32 v0, v2;
	_ =	sdelay $0x3  }
0x154: {  	[tilespmem:s8+$0x1400] =	vst v1  }
0x155: {  	v1 =	vld.idx.msk [tilespmem:v2+s29+$0x0], $0xffff  }
0x156: {  	v3 =	vor.u32 $0x1, v2;
	_ =	sdelay $0x2  }
0x157: {  	s10 =	sadd.s32 $0x10, s8  }
0x158: {  	[tilespmem:s10+$0xFFFFEC00] =	vst v1  }
0x159: {  	v1 =	vld.idx.msk [tilespmem:v3+s29+$0x0], $0xffff  }
0x15a: {  	v2 =	vor.u32 $0x2, v2;
	_ =	sdelay $0x3  }
0x15b: {  	[tilespmem:s10+$0x0] =	vst v1  }
0x15c: {  	v1 =	vld.idx.msk [tilespmem:v2+s29+$0x0], $0xffff;
	_ =	sdelay $0x4  }
0x15d: {  	s11 =	rddreg [dreg:$0xd];
	[tilespmem:s10+$0x1400] =	vst v1;
	s10 =	simm.s32 $0x0  }
0x15e: {  	[hbm4b:s11+s10] =	stream.linear.scatter [tilespmem:s0], [sflag:$0x4], $0x1400, $0x38;
	[tilespmem:$0x1A400] =	vst v63  }
0x15f: {  	_ =	swait.ge [sflag:s2], $0x1400  }
0x160: {  	s11 =	sld [smem:$0x7EC]  }
0x161: {  	[sflag:s2] =	ssyncset.done $0x0  }
0x162: {  	s8 =	simm.s32 $0x17C00;
	[sflag:s2] =	ssyncadd.s32 $0xFFFFEC00  }
0x163: {  	[hbm4b:s11+s10] =	stream.linear.scatter [tilespmem:s8], [sflag:$0x4], $0x1400, $0x38;
	[tilespmem:$0x1A400] =	vst v63  }
0x164: {  	_ =	swait.ge [sflag:s2], $0x1400  }
0x165: {  	s11 =	sld [smem:$0x7ED]  }
0x166: {  	[sflag:s2] =	ssyncset.done $0x0  }
0x167: {  	[sflag:s2] =	ssyncadd.s32 $0xFFFFEC00  }
0x168: {  	[hbm4b:s11+s10] =	stream.linear.scatter [tilespmem:s3], [sflag:$0x4], $0x1400, $0x38;
	[tilespmem:$0x1A400] =	vst v63  }
0x169: {  	_ =	swait.ge [sflag:s2], $0x1400  }
0x16a: {  	[sflag:s2] =	ssyncset.done $0x0  }
0x16b: {  	[sflag:s2] =	ssyncadd.s32 $0xFFFFEC00  }
0x16c: {  	_ =	swait.ge [sflag:s26], $0x1400  }
0x16d: {  	[sflag:s26] =	ssyncset.done $0x0  }
0x16e: {  	v1 =	vmov s10;
	[sflag:s26] =	ssyncadd.s32 $0xFFFFEC00  }
0x16f: {  	v1 =	vshll.u32 v1, $0x3;
	_ =	swait.ge [sflag:s4], $0xA000  }
0x170: {  	v1 =	vor.u32 v0, v1;
	[sflag:s4] =	ssyncset.done $0x0  }
0x171: {  	[sflag:s4] =	ssyncadd.s32 $0xFFFF6000  }
0x172: {  	[tilespmem:s29], [sflag:$0x2] =	stream.indirect.gather [hbm4b:s9+s28], $0x8, s10, s28, $0xb8;
	[tilespmem:$0x1A400] =	vst v63  }
0x173: {  	s11 =	rddreg [dreg:$0xe]  }
0x174: {  	[tilespmem:s28], [sflag:$0x1] =	stream.linear.gather [hbm4b:s11+s10], $0x1400, $0x38;
	[tilespmem:$0x1A400] =	vst v63  }
0x175: {  	v2 =	vld.idx.msk [tilespmem:v1+s31+$0x0], $0xffff  }
0x176: {  	v3 =	vor.u32 $0x1, v1;
	_ =	sdelay $0x3  }
0x177: {  	[tilespmem:s8+$0xFFFFEC00] =	vst v2  }
0x178: {  	v2 =	vld.idx.msk [tilespmem:v3+s31+$0x0], $0xffff  }
0x179: {  	v1 =	vor.u32 $0x2, v1;
	_ =	sdelay $0x3  }
0x17a: {  	s11 =	simm.s32 $0x10;
	[tilespmem:s8+$0x0] =	vst v2  }
0x17b: {  	s10 =	simm.s32 $0x20;
	v2 =	vmov s11;
	v1 =	vld.idx.msk [tilespmem:v1+s31+$0x0], $0xffff  }
.LBB2_12:
0x17c: {  	p0 =	sne.s32 s10, $0x13F0;
	v2 =	vshll.u32 v2, $0x3  }
0x17d: {  	v2 =	vor.u32 v0, v2;
	_ =	sdelay $0x3  }
0x17e: {  	[tilespmem:s8+$0x1400] =	vst v1  }
0x17f: {  	v1 =	vld.idx.msk [tilespmem:v2+s31+$0x0], $0xffff;
	_ =	sdelay $0x1  }
0x180: {  	v3 =	vor.u32 $0x1, v2;
	_ =	sdelay $0x2  }
0x181: {  	s8 =	sadd.s32 $0x10, s8  }
0x182: {  	[tilespmem:s8+$0xFFFFEC00] =	vst v1  }
0x183: {  	v1 =	vld.idx.msk [tilespmem:v3+s31+$0x0], $0xffff;
	_ =	sdelay $0x1  }
0x184: {  	v3 =	vor.u32 $0x2, v2  }
.Ltmp5:
0x185: {  	(pc) =	sbr.rel @p0 .LBB2_12-.Ltmp5, $3  }
0x186: {  	_ =	sdelay $0x1  }
0x187: {  	[tilespmem:s8+$0x0] =	vst v1  }
0x188: {  	v2 =	vmov s10;
	s10 =	sadd.s32 $0x10, s10;
	v1 =	vld.idx.msk [tilespmem:v3+s31+$0x0], $0xffff  }
0x189: {  	v2 =	vshll.u32 v2, $0x3  }
0x18a: {  	v2 =	vor.u32 v0, v2;
	_ =	sdelay $0x3  }
0x18b: {  	[tilespmem:s8+$0x1400] =	vst v1  }
0x18c: {  	v1 =	vld.idx.msk [tilespmem:v2+s31+$0x0], $0xffff  }
0x18d: {  	v3 =	vor.u32 $0x1, v2;
	_ =	sdelay $0x2  }
0x18e: {  	s10 =	sadd.s32 $0x10, s8  }
0x18f: {  	[tilespmem:s10+$0xFFFFEC00] =	vst v1  }
0x190: {  	v1 =	vld.idx.msk [tilespmem:v3+s31+$0x0], $0xffff  }
0x191: {  	v2 =	vor.u32 $0x2, v2;
	_ =	sdelay $0x3  }
0x192: {  	[tilespmem:s10+$0x0] =	vst v1  }
0x193: {  	v1 =	vld.idx.msk [tilespmem:v2+s31+$0x0], $0xffff;
	_ =	sdelay $0x4  }
0x194: {  	s11 =	rddreg [dreg:$0xf];
	[tilespmem:s10+$0x1400] =	vst v1;
	s10 =	simm.s32 $0x0  }
0x195: {  	[hbm4b:s11+s10] =	stream.linear.scatter [tilespmem:s0], [sflag:$0x4], $0x1400, $0x38;
	[tilespmem:$0x1A400] =	vst v63  }
0x196: {  	_ =	swait.ge [sflag:s2], $0x1400  }
0x197: {  	s11 =	sld [smem:$0x7EE]  }
0x198: {  	[sflag:s2] =	ssyncset.done $0x0  }
0x199: {  	s8 =	simm.s32 $0x17C00;
	[sflag:s2] =	ssyncadd.s32 $0xFFFFEC00  }
0x19a: {  	[hbm4b:s11+s10] =	stream.linear.scatter [tilespmem:s8], [sflag:$0x4], $0x1400, $0x38;
	[tilespmem:$0x1A400] =	vst v63  }
0x19b: {  	_ =	swait.ge [sflag:s2], $0x1400  }
0x19c: {  	s11 =	sld [smem:$0x7EF]  }
0x19d: {  	[sflag:s2] =	ssyncset.done $0x0  }
0x19e: {  	[sflag:s2] =	ssyncadd.s32 $0xFFFFEC00  }
0x19f: {  	[hbm4b:s11+s10] =	stream.linear.scatter [tilespmem:s3], [sflag:$0x4], $0x1400, $0x38;
	[tilespmem:$0x1A400] =	vst v63  }
0x1a0: {  	_ =	swait.ge [sflag:s2], $0x1400  }
0x1a1: {  	[sflag:s2] =	ssyncset.done $0x0  }
0x1a2: {  	[sflag:s2] =	ssyncadd.s32 $0xFFFFEC00  }
0x1a3: {  	_ =	swait.ge [sflag:s26], $0x1400  }
0x1a4: {  	[sflag:s26] =	ssyncset.done $0x0  }
0x1a5: {  	v1 =	vmov s10;
	[sflag:s26] =	ssyncadd.s32 $0xFFFFEC00  }
0x1a6: {  	v1 =	vshll.u32 v1, $0x3;
	_ =	swait.ge [sflag:s30], $0xA000  }
0x1a7: {  	v1 =	vor.u32 v0, v1;
	[sflag:s30] =	ssyncset.done $0x0  }
0x1a8: {  	[sflag:s30] =	ssyncadd.s32 $0xFFFF6000  }
0x1a9: {  	[tilespmem:s31], [sflag:$0x3] =	stream.indirect.gather [hbm4b:s9+s28], $0x8, s28, s28, $0xb8;
	[tilespmem:$0x1A400] =	vst v63  }
0x1aa: {  	s11 =	rddreg [dreg:$0x10]  }
0x1ab: {  	[tilespmem:s10], [sflag:$0x1] =	stream.linear.gather [hbm4b:s11+s10], $0x1400, $0x38;
	[tilespmem:$0x1A400] =	vst v63  }
0x1ac: {  	v2 =	vld.idx.msk [tilespmem:v1+s29+$0x0], $0xffff  }
0x1ad: {  	v3 =	vor.u32 $0x1, v1;
	_ =	sdelay $0x3  }
0x1ae: {  	[tilespmem:s8+$0xFFFFEC00] =	vst v2  }
0x1af: {  	v2 =	vld.idx.msk [tilespmem:v3+s29+$0x0], $0xffff  }
0x1b0: {  	v1 =	vor.u32 $0x2, v1;
	_ =	sdelay $0x3  }
0x1b1: {  	s11 =	simm.s32 $0x10;
	[tilespmem:s8+$0x0] =	vst v2  }
0x1b2: {  	s10 =	simm.s32 $0x20;
	v2 =	vmov s11;
	v1 =	vld.idx.msk [tilespmem:v1+s29+$0x0], $0xffff  }
.LBB2_14:
0x1b3: {  	p0 =	sne.s32 s10, $0x13F0;
	v2 =	vshll.u32 v2, $0x3  }
0x1b4: {  	v2 =	vor.u32 v0, v2;
	_ =	sdelay $0x3  }
0x1b5: {  	[tilespmem:s8+$0x1400] =	vst v1  }
0x1b6: {  	v1 =	vld.idx.msk [tilespmem:v2+s29+$0x0], $0xffff;
	_ =	sdelay $0x1  }
0x1b7: {  	v3 =	vor.u32 $0x1, v2;
	_ =	sdelay $0x2  }
0x1b8: {  	s8 =	sadd.s32 $0x10, s8  }
0x1b9: {  	[tilespmem:s8+$0xFFFFEC00] =	vst v1  }
0x1ba: {  	v1 =	vld.idx.msk [tilespmem:v3+s29+$0x0], $0xffff;
	_ =	sdelay $0x1  }
0x1bb: {  	v3 =	vor.u32 $0x2, v2  }
.Ltmp6:
0x1bc: {  	(pc) =	sbr.rel @p0 .LBB2_14-.Ltmp6, $3  }
0x1bd: {  	_ =	sdelay $0x1  }
0x1be: {  	[tilespmem:s8+$0x0] =	vst v1  }
0x1bf: {  	v2 =	vmov s10;
	s10 =	sadd.s32 $0x10, s10;
	v1 =	vld.idx.msk [tilespmem:v3+s29+$0x0], $0xffff  }
0x1c0: {  	v2 =	vshll.u32 v2, $0x3  }
0x1c1: {  	v2 =	vor.u32 v0, v2;
	_ =	sdelay $0x3  }
0x1c2: {  	[tilespmem:s8+$0x1400] =	vst v1  }
0x1c3: {  	v1 =	vld.idx.msk [tilespmem:v2+s29+$0x0], $0xffff  }
0x1c4: {  	v3 =	vor.u32 $0x1, v2;
	_ =	sdelay $0x2  }
0x1c5: {  	s10 =	sadd.s32 $0x10, s8  }
0x1c6: {  	[tilespmem:s10+$0xFFFFEC00] =	vst v1  }
0x1c7: {  	v1 =	vld.idx.msk [tilespmem:v3+s29+$0x0], $0xffff  }
0x1c8: {  	v2 =	vor.u32 $0x2, v2;
	_ =	sdelay $0x3  }
0x1c9: {  	[tilespmem:s10+$0x0] =	vst v1  }
0x1ca: {  	v1 =	vld.idx.msk [tilespmem:v2+s29+$0x0], $0xffff;
	_ =	sdelay $0x4  }
0x1cb: {  	s11 =	rddreg [dreg:$0x11];
	[tilespmem:s10+$0x1400] =	vst v1;
	s10 =	simm.s32 $0x0  }
0x1cc: {  	[hbm4b:s11+s10] =	stream.linear.scatter [tilespmem:s0], [sflag:$0x4], $0x1400, $0x38;
	[tilespmem:$0x1A400] =	vst v63  }
0x1cd: {  	_ =	swait.ge [sflag:s2], $0x1400  }
0x1ce: {  	s11 =	sld [smem:$0x7F0]  }
0x1cf: {  	[sflag:s2] =	ssyncset.done $0x0  }
0x1d0: {  	s8 =	simm.s32 $0x17C00;
	[sflag:s2] =	ssyncadd.s32 $0xFFFFEC00  }
0x1d1: {  	[hbm4b:s11+s10] =	stream.linear.scatter [tilespmem:s8], [sflag:$0x4], $0x1400, $0x38;
	[tilespmem:$0x1A400] =	vst v63  }
0x1d2: {  	_ =	swait.ge [sflag:s2], $0x1400  }
0x1d3: {  	s11 =	sld [smem:$0x7F1]  }
0x1d4: {  	[sflag:s2] =	ssyncset.done $0x0  }
0x1d5: {  	[sflag:s2] =	ssyncadd.s32 $0xFFFFEC00  }
0x1d6: {  	[hbm4b:s11+s10] =	stream.linear.scatter [tilespmem:s3], [sflag:$0x4], $0x1400, $0x38;
	[tilespmem:$0x1A400] =	vst v63  }
0x1d7: {  	_ =	swait.ge [sflag:s2], $0x1400  }
0x1d8: {  	[sflag:s2] =	ssyncset.done $0x0  }
0x1d9: {  	[sflag:s2] =	ssyncadd.s32 $0xFFFFEC00  }
0x1da: {  	_ =	swait.ge [sflag:s26], $0x1400  }
0x1db: {  	[sflag:s26] =	ssyncset.done $0x0  }
0x1dc: {  	v1 =	vmov s10;
	[sflag:s26] =	ssyncadd.s32 $0xFFFFEC00  }
0x1dd: {  	v1 =	vshll.u32 v1, $0x3;
	_ =	swait.ge [sflag:s4], $0xA000  }
0x1de: {  	v1 =	vor.u32 v0, v1;
	[sflag:s4] =	ssyncset.done $0x0  }
0x1df: {  	[sflag:s4] =	ssyncadd.s32 $0xFFFF6000  }
0x1e0: {  	[tilespmem:s29], [sflag:$0x2] =	stream.indirect.gather [hbm4b:s9+s28], $0x8, s10, s28, $0xb8;
	[tilespmem:$0x1A400] =	vst v63  }
0x1e1: {  	s11 =	rddreg [dreg:$0x12]  }
0x1e2: {  	[tilespmem:s28], [sflag:$0x1] =	stream.linear.gather [hbm4b:s11+s10], $0x1400, $0x38;
	[tilespmem:$0x1A400] =	vst v63  }
0x1e3: {  	v2 =	vld.idx.msk [tilespmem:v1+s31+$0x0], $0xffff  }
0x1e4: {  	v3 =	vor.u32 $0x1, v1;
	_ =	sdelay $0x3  }
0x1e5: {  	[tilespmem:s8+$0xFFFFEC00] =	vst v2  }
0x1e6: {  	v2 =	vld.idx.msk [tilespmem:v3+s31+$0x0], $0xffff  }
0x1e7: {  	v1 =	vor.u32 $0x2, v1;
	_ =	sdelay $0x3  }
0x1e8: {  	s11 =	simm.s32 $0x10;
	[tilespmem:s8+$0x0] =	vst v2  }
0x1e9: {  	s10 =	simm.s32 $0x20;
	v2 =	vmov s11;
	v1 =	vld.idx.msk [tilespmem:v1+s31+$0x0], $0xffff  }
.LBB2_16:
0x1ea: {  	p0 =	sne.s32 s10, $0x13F0;
	v2 =	vshll.u32 v2, $0x3  }
0x1eb: {  	v2 =	vor.u32 v0, v2;
	_ =	sdelay $0x3  }
0x1ec: {  	[tilespmem:s8+$0x1400] =	vst v1  }
0x1ed: {  	v1 =	vld.idx.msk [tilespmem:v2+s31+$0x0], $0xffff;
	_ =	sdelay $0x1  }
0x1ee: {  	v3 =	vor.u32 $0x1, v2;
	_ =	sdelay $0x2  }
0x1ef: {  	s8 =	sadd.s32 $0x10, s8  }
0x1f0: {  	[tilespmem:s8+$0xFFFFEC00] =	vst v1  }
0x1f1: {  	v1 =	vld.idx.msk [tilespmem:v3+s31+$0x0], $0xffff;
	_ =	sdelay $0x1  }
0x1f2: {  	v3 =	vor.u32 $0x2, v2  }
.Ltmp7:
0x1f3: {  	(pc) =	sbr.rel @p0 .LBB2_16-.Ltmp7, $3  }
0x1f4: {  	_ =	sdelay $0x1  }
0x1f5: {  	[tilespmem:s8+$0x0] =	vst v1  }
0x1f6: {  	v2 =	vmov s10;
	s10 =	sadd.s32 $0x10, s10;
	v1 =	vld.idx.msk [tilespmem:v3+s31+$0x0], $0xffff  }
0x1f7: {  	v2 =	vshll.u32 v2, $0x3  }
0x1f8: {  	v2 =	vor.u32 v0, v2;
	_ =	sdelay $0x3  }
0x1f9: {  	[tilespmem:s8+$0x1400] =	vst v1  }
0x1fa: {  	v1 =	vld.idx.msk [tilespmem:v2+s31+$0x0], $0xffff  }
0x1fb: {  	v3 =	vor.u32 $0x1, v2;
	_ =	sdelay $0x2  }
0x1fc: {  	s10 =	sadd.s32 $0x10, s8  }
0x1fd: {  	[tilespmem:s10+$0xFFFFEC00] =	vst v1  }
0x1fe: {  	v1 =	vld.idx.msk [tilespmem:v3+s31+$0x0], $0xffff  }
0x1ff: {  	v2 =	vor.u32 $0x2, v2;
	_ =	sdelay $0x3  }
0x200: {  	[tilespmem:s10+$0x0] =	vst v1  }
0x201: {  	v1 =	vld.idx.msk [tilespmem:v2+s31+$0x0], $0xffff;
	_ =	sdelay $0x4  }
0x202: {  	s11 =	rddreg [dreg:$0x13];
	[tilespmem:s10+$0x1400] =	vst v1;
	s10 =	simm.s32 $0x0  }
0x203: {  	[hbm4b:s11+s10] =	stream.linear.scatter [tilespmem:s0], [sflag:$0x4], $0x1400, $0x38;
	[tilespmem:$0x1A400] =	vst v63  }
0x204: {  	_ =	swait.ge [sflag:s2], $0x1400  }
0x205: {  	s11 =	sld [smem:$0x7F2]  }
0x206: {  	[sflag:s2] =	ssyncset.done $0x0  }
0x207: {  	s8 =	simm.s32 $0x17C00;
	[sflag:s2] =	ssyncadd.s32 $0xFFFFEC00  }
0x208: {  	[hbm4b:s11+s10] =	stream.linear.scatter [tilespmem:s8], [sflag:$0x4], $0x1400, $0x38;
	[tilespmem:$0x1A400] =	vst v63  }
0x209: {  	_ =	swait.ge [sflag:s2], $0x1400  }
0x20a: {  	s11 =	sld [smem:$0x7F3]  }
0x20b: {  	[sflag:s2] =	ssyncset.done $0x0  }
0x20c: {  	[sflag:s2] =	ssyncadd.s32 $0xFFFFEC00  }
0x20d: {  	[hbm4b:s11+s10] =	stream.linear.scatter [tilespmem:s3], [sflag:$0x4], $0x1400, $0x38;
	[tilespmem:$0x1A400] =	vst v63  }
0x20e: {  	_ =	swait.ge [sflag:s2], $0x1400  }
0x20f: {  	[sflag:s2] =	ssyncset.done $0x0  }
0x210: {  	[sflag:s2] =	ssyncadd.s32 $0xFFFFEC00  }
0x211: {  	_ =	swait.ge [sflag:s26], $0x1400  }
0x212: {  	[sflag:s26] =	ssyncset.done $0x0  }
0x213: {  	v1 =	vmov s10;
	[sflag:s26] =	ssyncadd.s32 $0xFFFFEC00  }
0x214: {  	v1 =	vshll.u32 v1, $0x3;
	_ =	swait.ge [sflag:s30], $0xA000  }
0x215: {  	v1 =	vor.u32 v0, v1;
	[sflag:s30] =	ssyncset.done $0x0  }
0x216: {  	[sflag:s30] =	ssyncadd.s32 $0xFFFF6000  }
0x217: {  	[tilespmem:s31], [sflag:$0x3] =	stream.indirect.gather [hbm4b:s9+s28], $0x8, s28, s28, $0xb8;
	[tilespmem:$0x1A400] =	vst v63  }
0x218: {  	s11 =	rddreg [dreg:$0x14]  }
0x219: {  	[tilespmem:s10], [sflag:$0x1] =	stream.linear.gather [hbm4b:s11+s10], $0x1400, $0x38;
	[tilespmem:$0x1A400] =	vst v63  }
0x21a: {  	v2 =	vld.idx.msk [tilespmem:v1+s29+$0x0], $0xffff  }
0x21b: {  	v3 =	vor.u32 $0x1, v1;
	_ =	sdelay $0x3  }
0x21c: {  	[tilespmem:s8+$0xFFFFEC00] =	vst v2  }
0x21d: {  	v2 =	vld.idx.msk [tilespmem:v3+s29+$0x0], $0xffff  }
0x21e: {  	v1 =	vor.u32 $0x2, v1;
	_ =	sdelay $0x3  }
0x21f: {  	s11 =	simm.s32 $0x10;
	[tilespmem:s8+$0x0] =	vst v2  }
0x220: {  	s10 =	simm.s32 $0x20;
	v2 =	vmov s11;
	v1 =	vld.idx.msk [tilespmem:v1+s29+$0x0], $0xffff  }
.LBB2_18:
0x221: {  	p0 =	sne.s32 s10, $0x13F0;
	v2 =	vshll.u32 v2, $0x3  }
0x222: {  	v2 =	vor.u32 v0, v2;
	_ =	sdelay $0x3  }
0x223: {  	[tilespmem:s8+$0x1400] =	vst v1  }
0x224: {  	v1 =	vld.idx.msk [tilespmem:v2+s29+$0x0], $0xffff;
	_ =	sdelay $0x1  }
0x225: {  	v3 =	vor.u32 $0x1, v2;
	_ =	sdelay $0x2  }
0x226: {  	s8 =	sadd.s32 $0x10, s8  }
0x227: {  	[tilespmem:s8+$0xFFFFEC00] =	vst v1  }
0x228: {  	v1 =	vld.idx.msk [tilespmem:v3+s29+$0x0], $0xffff;
	_ =	sdelay $0x1  }
0x229: {  	v3 =	vor.u32 $0x2, v2  }
.Ltmp8:
0x22a: {  	(pc) =	sbr.rel @p0 .LBB2_18-.Ltmp8, $3  }
0x22b: {  	_ =	sdelay $0x1  }
0x22c: {  	[tilespmem:s8+$0x0] =	vst v1  }
0x22d: {  	v2 =	vmov s10;
	s10 =	sadd.s32 $0x10, s10;
	v1 =	vld.idx.msk [tilespmem:v3+s29+$0x0], $0xffff  }
0x22e: {  	v2 =	vshll.u32 v2, $0x3  }
0x22f: {  	v2 =	vor.u32 v0, v2;
	_ =	sdelay $0x3  }
0x230: {  	[tilespmem:s8+$0x1400] =	vst v1  }
0x231: {  	v1 =	vld.idx.msk [tilespmem:v2+s29+$0x0], $0xffff  }
0x232: {  	v3 =	vor.u32 $0x1, v2;
	_ =	sdelay $0x2  }
0x233: {  	s10 =	sadd.s32 $0x10, s8  }
0x234: {  	[tilespmem:s10+$0xFFFFEC00] =	vst v1  }
0x235: {  	v1 =	vld.idx.msk [tilespmem:v3+s29+$0x0], $0xffff  }
0x236: {  	v2 =	vor.u32 $0x2, v2;
	_ =	sdelay $0x3  }
0x237: {  	[tilespmem:s10+$0x0] =	vst v1  }
0x238: {  	v1 =	vld.idx.msk [tilespmem:v2+s29+$0x0], $0xffff;
	_ =	sdelay $0x4  }
0x239: {  	s11 =	rddreg [dreg:$0x15];
	[tilespmem:s10+$0x1400] =	vst v1;
	s10 =	simm.s32 $0x0  }
0x23a: {  	[hbm4b:s11+s10] =	stream.linear.scatter [tilespmem:s0], [sflag:$0x4], $0x1400, $0x38;
	[tilespmem:$0x1A400] =	vst v63  }
0x23b: {  	_ =	swait.ge [sflag:s2], $0x1400  }
0x23c: {  	s11 =	sld [smem:$0x7F4]  }
0x23d: {  	[sflag:s2] =	ssyncset.done $0x0  }
0x23e: {  	s8 =	simm.s32 $0x17C00;
	[sflag:s2] =	ssyncadd.s32 $0xFFFFEC00  }
0x23f: {  	[hbm4b:s11+s10] =	stream.linear.scatter [tilespmem:s8], [sflag:$0x4], $0x1400, $0x38;
	[tilespmem:$0x1A400] =	vst v63  }
0x240: {  	_ =	swait.ge [sflag:s2], $0x1400  }
0x241: {  	s11 =	sld [smem:$0x7F5]  }
0x242: {  	[sflag:s2] =	ssyncset.done $0x0  }
0x243: {  	[sflag:s2] =	ssyncadd.s32 $0xFFFFEC00  }
0x244: {  	[hbm4b:s11+s10] =	stream.linear.scatter [tilespmem:s3], [sflag:$0x4], $0x1400, $0x38;
	[tilespmem:$0x1A400] =	vst v63  }
0x245: {  	_ =	swait.ge [sflag:s2], $0x1400  }
0x246: {  	[sflag:s2] =	ssyncset.done $0x0  }
0x247: {  	[sflag:s2] =	ssyncadd.s32 $0xFFFFEC00  }
0x248: {  	_ =	swait.ge [sflag:s26], $0x1400  }
0x249: {  	[sflag:s26] =	ssyncset.done $0x0  }
0x24a: {  	v1 =	vmov s10;
	[sflag:s26] =	ssyncadd.s32 $0xFFFFEC00  }
0x24b: {  	v1 =	vshll.u32 v1, $0x3;
	_ =	swait.ge [sflag:s4], $0xA000  }
0x24c: {  	v1 =	vor.u32 v0, v1;
	[sflag:s4] =	ssyncset.done $0x0  }
0x24d: {  	[sflag:s4] =	ssyncadd.s32 $0xFFFF6000  }
0x24e: {  	[tilespmem:s29], [sflag:$0x2] =	stream.indirect.gather [hbm4b:s9+s28], $0x8, s10, s28, $0xb8;
	[tilespmem:$0x1A400] =	vst v63  }
0x24f: {  	s11 =	rddreg [dreg:$0x18]  }
0x250: {  	[tilespmem:s28], [sflag:$0x1] =	stream.linear.gather [hbm4b:s11+s10], $0x1400, $0x38;
	[tilespmem:$0x1A400] =	vst v63  }
0x251: {  	v2 =	vld.idx.msk [tilespmem:v1+s31+$0x0], $0xffff  }
0x252: {  	v3 =	vor.u32 $0x1, v1;
	_ =	sdelay $0x3  }
0x253: {  	[tilespmem:s8+$0xFFFFEC00] =	vst v2  }
0x254: {  	v2 =	vld.idx.msk [tilespmem:v3+s31+$0x0], $0xffff  }
0x255: {  	v1 =	vor.u32 $0x2, v1;
	_ =	sdelay $0x3  }
0x256: {  	s11 =	simm.s32 $0x10;
	[tilespmem:s8+$0x0] =	vst v2  }
0x257: {  	s10 =	simm.s32 $0x20;
	v2 =	vmov s11;
	v1 =	vld.idx.msk [tilespmem:v1+s31+$0x0], $0xffff  }
.LBB2_20:
0x258: {  	p0 =	sne.s32 s10, $0x13F0;
	v2 =	vshll.u32 v2, $0x3  }
0x259: {  	v2 =	vor.u32 v0, v2;
	_ =	sdelay $0x3  }
0x25a: {  	[tilespmem:s8+$0x1400] =	vst v1  }
0x25b: {  	v1 =	vld.idx.msk [tilespmem:v2+s31+$0x0], $0xffff;
	_ =	sdelay $0x1  }
0x25c: {  	v3 =	vor.u32 $0x1, v2;
	_ =	sdelay $0x2  }
0x25d: {  	s8 =	sadd.s32 $0x10, s8  }
0x25e: {  	[tilespmem:s8+$0xFFFFEC00] =	vst v1  }
0x25f: {  	v1 =	vld.idx.msk [tilespmem:v3+s31+$0x0], $0xffff;
	_ =	sdelay $0x1  }
0x260: {  	v3 =	vor.u32 $0x2, v2  }
.Ltmp9:
0x261: {  	(pc) =	sbr.rel @p0 .LBB2_20-.Ltmp9, $3  }
0x262: {  	_ =	sdelay $0x1  }
0x263: {  	[tilespmem:s8+$0x0] =	vst v1  }
0x264: {  	v2 =	vmov s10;
	s10 =	sadd.s32 $0x10, s10;
	v1 =	vld.idx.msk [tilespmem:v3+s31+$0x0], $0xffff  }
0x265: {  	v2 =	vshll.u32 v2, $0x3  }
0x266: {  	v2 =	vor.u32 v0, v2;
	_ =	sdelay $0x3  }
0x267: {  	[tilespmem:s8+$0x1400] =	vst v1  }
0x268: {  	v1 =	vld.idx.msk [tilespmem:v2+s31+$0x0], $0xffff  }
0x269: {  	v3 =	vor.u32 $0x1, v2;
	_ =	sdelay $0x2  }
0x26a: {  	s10 =	sadd.s32 $0x10, s8  }
0x26b: {  	[tilespmem:s10+$0xFFFFEC00] =	vst v1  }
0x26c: {  	v1 =	vld.idx.msk [tilespmem:v3+s31+$0x0], $0xffff  }
0x26d: {  	v2 =	vor.u32 $0x2, v2;
	_ =	sdelay $0x3  }
0x26e: {  	[tilespmem:s10+$0x0] =	vst v1  }
0x26f: {  	v1 =	vld.idx.msk [tilespmem:v2+s31+$0x0], $0xffff;
	_ =	sdelay $0x4  }
0x270: {  	s11 =	rddreg [dreg:$0x16];
	[tilespmem:s10+$0x1400] =	vst v1;
	s10 =	simm.s32 $0x0  }
0x271: {  	[hbm4b:s11+s10] =	stream.linear.scatter [tilespmem:s0], [sflag:$0x4], $0x1400, $0x38;
	[tilespmem:$0x1A400] =	vst v63  }
0x272: {  	_ =	swait.ge [sflag:s2], $0x1400  }
0x273: {  	s11 =	sld [smem:$0x7F6]  }
0x274: {  	[sflag:s2] =	ssyncset.done $0x0  }
0x275: {  	s8 =	simm.s32 $0x17C00;
	[sflag:s2] =	ssyncadd.s32 $0xFFFFEC00  }
0x276: {  	[hbm4b:s11+s10] =	stream.linear.scatter [tilespmem:s8], [sflag:$0x4], $0x1400, $0x38;
	[tilespmem:$0x1A400] =	vst v63  }
0x277: {  	_ =	swait.ge [sflag:s2], $0x1400  }
0x278: {  	s11 =	sld [smem:$0x7F7]  }
0x279: {  	[sflag:s2] =	ssyncset.done $0x0  }
0x27a: {  	[sflag:s2] =	ssyncadd.s32 $0xFFFFEC00  }
0x27b: {  	[hbm4b:s11+s10] =	stream.linear.scatter [tilespmem:s3], [sflag:$0x4], $0x1400, $0x38;
	[tilespmem:$0x1A400] =	vst v63  }
0x27c: {  	_ =	swait.ge [sflag:s2], $0x1400  }
0x27d: {  	[sflag:s2] =	ssyncset.done $0x0  }
0x27e: {  	[sflag:s2] =	ssyncadd.s32 $0xFFFFEC00  }
0x27f: {  	_ =	swait.ge [sflag:s26], $0x1400  }
0x280: {  	[sflag:s26] =	ssyncset.done $0x0  }
0x281: {  	v1 =	vmov s10;
	[sflag:s26] =	ssyncadd.s32 $0xFFFFEC00  }
0x282: {  	v1 =	vshll.u32 v1, $0x3;
	_ =	swait.ge [sflag:s30], $0xA000  }
0x283: {  	v1 =	vor.u32 v0, v1;
	[sflag:s30] =	ssyncset.done $0x0  }
0x284: {  	[sflag:s30] =	ssyncadd.s32 $0xFFFF6000  }
0x285: {  	[tilespmem:s31], [sflag:$0x3] =	stream.indirect.gather [hbm4b:s9+s28], $0x8, s28, s28, $0xb8;
	[tilespmem:$0x1A400] =	vst v63  }
0x286: {  	s11 =	rddreg [dreg:$0x1a]  }
0x287: {  	[tilespmem:s10], [sflag:$0x1] =	stream.linear.gather [hbm4b:s11+s10], $0x1400, $0x38;
	[tilespmem:$0x1A400] =	vst v63  }
0x288: {  	v2 =	vld.idx.msk [tilespmem:v1+s29+$0x0], $0xffff  }
0x289: {  	v3 =	vor.u32 $0x1, v1;
	_ =	sdelay $0x3  }
0x28a: {  	[tilespmem:s8+$0xFFFFEC00] =	vst v2  }
0x28b: {  	v2 =	vld.idx.msk [tilespmem:v3+s29+$0x0], $0xffff  }
0x28c: {  	v1 =	vor.u32 $0x2, v1;
	_ =	sdelay $0x3  }
0x28d: {  	s11 =	simm.s32 $0x10;
	[tilespmem:s8+$0x0] =	vst v2  }
0x28e: {  	s10 =	simm.s32 $0x20;
	v2 =	vmov s11;
	v1 =	vld.idx.msk [tilespmem:v1+s29+$0x0], $0xffff  }
.LBB2_22:
0x28f: {  	p0 =	sne.s32 s10, $0x13F0;
	v2 =	vshll.u32 v2, $0x3  }
0x290: {  	v2 =	vor.u32 v0, v2;
	_ =	sdelay $0x3  }
0x291: {  	[tilespmem:s8+$0x1400] =	vst v1  }
0x292: {  	v1 =	vld.idx.msk [tilespmem:v2+s29+$0x0], $0xffff;
	_ =	sdelay $0x1  }
0x293: {  	v3 =	vor.u32 $0x1, v2;
	_ =	sdelay $0x2  }
0x294: {  	s8 =	sadd.s32 $0x10, s8  }
0x295: {  	[tilespmem:s8+$0xFFFFEC00] =	vst v1  }
0x296: {  	v1 =	vld.idx.msk [tilespmem:v3+s29+$0x0], $0xffff;
	_ =	sdelay $0x1  }
0x297: {  	v3 =	vor.u32 $0x2, v2  }
.Ltmp10:
0x298: {  	(pc) =	sbr.rel @p0 .LBB2_22-.Ltmp10, $3  }
0x299: {  	_ =	sdelay $0x1  }
0x29a: {  	[tilespmem:s8+$0x0] =	vst v1  }
0x29b: {  	v2 =	vmov s10;
	s10 =	sadd.s32 $0x10, s10;
	v1 =	vld.idx.msk [tilespmem:v3+s29+$0x0], $0xffff  }
0x29c: {  	v2 =	vshll.u32 v2, $0x3  }
0x29d: {  	v2 =	vor.u32 v0, v2;
	_ =	sdelay $0x3  }
0x29e: {  	[tilespmem:s8+$0x1400] =	vst v1  }
0x29f: {  	v1 =	vld.idx.msk [tilespmem:v2+s29+$0x0], $0xffff  }
0x2a0: {  	v3 =	vor.u32 $0x1, v2;
	_ =	sdelay $0x2  }
0x2a1: {  	s10 =	sadd.s32 $0x10, s8  }
0x2a2: {  	[tilespmem:s10+$0xFFFFEC00] =	vst v1  }
0x2a3: {  	v1 =	vld.idx.msk [tilespmem:v3+s29+$0x0], $0xffff  }
0x2a4: {  	v2 =	vor.u32 $0x2, v2;
	_ =	sdelay $0x3  }
0x2a5: {  	[tilespmem:s10+$0x0] =	vst v1  }
0x2a6: {  	v1 =	vld.idx.msk [tilespmem:v2+s29+$0x0], $0xffff;
	_ =	sdelay $0x4  }
0x2a7: {  	s11 =	rddreg [dreg:$0x17];
	[tilespmem:s10+$0x1400] =	vst v1;
	s10 =	simm.s32 $0x0  }
0x2a8: {  	[hbm4b:s11+s10] =	stream.linear.scatter [tilespmem:s0], [sflag:$0x4], $0x1400, $0x38;
	[tilespmem:$0x1A400] =	vst v63  }
0x2a9: {  	_ =	swait.ge [sflag:s2], $0x1400  }
0x2aa: {  	s11 =	sld [smem:$0x7F8]  }
0x2ab: {  	[sflag:s2] =	ssyncset.done $0x0  }
0x2ac: {  	s8 =	simm.s32 $0x17C00;
	[sflag:s2] =	ssyncadd.s32 $0xFFFFEC00  }
0x2ad: {  	[hbm4b:s11+s10] =	stream.linear.scatter [tilespmem:s8], [sflag:$0x4], $0x1400, $0x38;
	[tilespmem:$0x1A400] =	vst v63  }
0x2ae: {  	_ =	swait.ge [sflag:s2], $0x1400  }
0x2af: {  	s11 =	sld [smem:$0x7F9]  }
0x2b0: {  	[sflag:s2] =	ssyncset.done $0x0  }
0x2b1: {  	[sflag:s2] =	ssyncadd.s32 $0xFFFFEC00  }
0x2b2: {  	[hbm4b:s11+s10] =	stream.linear.scatter [tilespmem:s3], [sflag:$0x4], $0x1400, $0x38;
	[tilespmem:$0x1A400] =	vst v63  }
0x2b3: {  	_ =	swait.ge [sflag:s2], $0x1400  }
0x2b4: {  	[sflag:s2] =	ssyncset.done $0x0  }
0x2b5: {  	[sflag:s2] =	ssyncadd.s32 $0xFFFFEC00  }
0x2b6: {  	_ =	swait.ge [sflag:s26], $0x1400  }
0x2b7: {  	[sflag:s26] =	ssyncset.done $0x0  }
0x2b8: {  	v1 =	vmov s10;
	[sflag:s26] =	ssyncadd.s32 $0xFFFFEC00  }
0x2b9: {  	v1 =	vshll.u32 v1, $0x3;
	_ =	swait.ge [sflag:s4], $0xA000  }
0x2ba: {  	v1 =	vor.u32 v0, v1;
	[sflag:s4] =	ssyncset.done $0x0  }
0x2bb: {  	[sflag:s4] =	ssyncadd.s32 $0xFFFF6000  }
0x2bc: {  	[tilespmem:s29], [sflag:$0x2] =	stream.indirect.gather [hbm4b:s9+s28], $0x8, s10, s28, $0xb8;
	[tilespmem:$0x1A400] =	vst v63  }
0x2bd: {  	s11 =	rddreg [dreg:$0x1c]  }
0x2be: {  	[tilespmem:s28], [sflag:$0x1] =	stream.linear.gather [hbm4b:s11+s10], $0x1400, $0x38;
	[tilespmem:$0x1A400] =	vst v63  }
0x2bf: {  	v2 =	vld.idx.msk [tilespmem:v1+s31+$0x0], $0xffff  }
0x2c0: {  	v3 =	vor.u32 $0x1, v1;
	_ =	sdelay $0x3  }
0x2c1: {  	[tilespmem:s8+$0xFFFFEC00] =	vst v2  }
0x2c2: {  	v2 =	vld.idx.msk [tilespmem:v3+s31+$0x0], $0xffff  }
0x2c3: {  	v1 =	vor.u32 $0x2, v1;
	_ =	sdelay $0x3  }
0x2c4: {  	s11 =	simm.s32 $0x10;
	[tilespmem:s8+$0x0] =	vst v2  }
0x2c5: {  	s10 =	simm.s32 $0x20;
	v2 =	vmov s11;
	v1 =	vld.idx.msk [tilespmem:v1+s31+$0x0], $0xffff  }
.LBB2_24:
0x2c6: {  	p0 =	sne.s32 s10, $0x13F0;
	v2 =	vshll.u32 v2, $0x3  }
0x2c7: {  	v2 =	vor.u32 v0, v2;
	_ =	sdelay $0x3  }
0x2c8: {  	[tilespmem:s8+$0x1400] =	vst v1  }
0x2c9: {  	v1 =	vld.idx.msk [tilespmem:v2+s31+$0x0], $0xffff;
	_ =	sdelay $0x1  }
0x2ca: {  	v3 =	vor.u32 $0x1, v2;
	_ =	sdelay $0x2  }
0x2cb: {  	s8 =	sadd.s32 $0x10, s8  }
0x2cc: {  	[tilespmem:s8+$0xFFFFEC00] =	vst v1  }
0x2cd: {  	v1 =	vld.idx.msk [tilespmem:v3+s31+$0x0], $0xffff;
	_ =	sdelay $0x1  }
0x2ce: {  	v3 =	vor.u32 $0x2, v2  }
.Ltmp11:
0x2cf: {  	(pc) =	sbr.rel @p0 .LBB2_24-.Ltmp11, $3  }
0x2d0: {  	_ =	sdelay $0x1  }
0x2d1: {  	[tilespmem:s8+$0x0] =	vst v1  }
0x2d2: {  	v2 =	vmov s10;
	s10 =	sadd.s32 $0x10, s10;
	v1 =	vld.idx.msk [tilespmem:v3+s31+$0x0], $0xffff  }
0x2d3: {  	v2 =	vshll.u32 v2, $0x3  }
0x2d4: {  	v2 =	vor.u32 v0, v2;
	_ =	sdelay $0x3  }
0x2d5: {  	[tilespmem:s8+$0x1400] =	vst v1  }
0x2d6: {  	v1 =	vld.idx.msk [tilespmem:v2+s31+$0x0], $0xffff  }
0x2d7: {  	v3 =	vor.u32 $0x1, v2;
	_ =	sdelay $0x2  }
0x2d8: {  	s10 =	sadd.s32 $0x10, s8  }
0x2d9: {  	[tilespmem:s10+$0xFFFFEC00] =	vst v1  }
0x2da: {  	v1 =	vld.idx.msk [tilespmem:v3+s31+$0x0], $0xffff  }
0x2db: {  	v2 =	vor.u32 $0x2, v2;
	_ =	sdelay $0x3  }
0x2dc: {  	[tilespmem:s10+$0x0] =	vst v1  }
0x2dd: {  	v1 =	vld.idx.msk [tilespmem:v2+s31+$0x0], $0xffff;
	_ =	sdelay $0x4  }
0x2de: {  	s11 =	rddreg [dreg:$0x19];
	[tilespmem:s10+$0x1400] =	vst v1;
	s10 =	simm.s32 $0x0  }
0x2df: {  	[hbm4b:s11+s10] =	stream.linear.scatter [tilespmem:s0], [sflag:$0x4], $0x1400, $0x38;
	[tilespmem:$0x1A400] =	vst v63  }
0x2e0: {  	_ =	swait.ge [sflag:s2], $0x1400  }
0x2e1: {  	s11 =	sld [smem:$0x7FA]  }
0x2e2: {  	[sflag:s2] =	ssyncset.done $0x0  }
0x2e3: {  	s8 =	simm.s32 $0x17C00;
	[sflag:s2] =	ssyncadd.s32 $0xFFFFEC00  }
0x2e4: {  	[hbm4b:s11+s10] =	stream.linear.scatter [tilespmem:s8], [sflag:$0x4], $0x1400, $0x38;
	[tilespmem:$0x1A400] =	vst v63  }
0x2e5: {  	_ =	swait.ge [sflag:s2], $0x1400  }
0x2e6: {  	s11 =	sld [smem:$0x7FB]  }
0x2e7: {  	[sflag:s2] =	ssyncset.done $0x0  }
0x2e8: {  	[sflag:s2] =	ssyncadd.s32 $0xFFFFEC00  }
0x2e9: {  	[hbm4b:s11+s10] =	stream.linear.scatter [tilespmem:s3], [sflag:$0x4], $0x1400, $0x38;
	[tilespmem:$0x1A400] =	vst v63  }
0x2ea: {  	_ =	swait.ge [sflag:s2], $0x1400  }
0x2eb: {  	[sflag:s2] =	ssyncset.done $0x0  }
0x2ec: {  	[sflag:s2] =	ssyncadd.s32 $0xFFFFEC00  }
0x2ed: {  	_ =	swait.ge [sflag:s26], $0x1400  }
0x2ee: {  	[sflag:s26] =	ssyncset.done $0x0  }
0x2ef: {  	v1 =	vmov s10;
	[sflag:s26] =	ssyncadd.s32 $0xFFFFEC00  }
0x2f0: {  	v1 =	vshll.u32 v1, $0x3;
	_ =	swait.ge [sflag:s30], $0xA000  }
0x2f1: {  	v1 =	vor.u32 v0, v1;
	[sflag:s30] =	ssyncset.done $0x0  }
0x2f2: {  	[sflag:s30] =	ssyncadd.s32 $0xFFFF6000  }
0x2f3: {  	[tilespmem:s31], [sflag:$0x3] =	stream.indirect.gather [hbm4b:s9+s28], $0x8, s28, s28, $0xb8;
	[tilespmem:$0x1A400] =	vst v63  }
0x2f4: {  	s11 =	rddreg [dreg:$0x1e]  }
0x2f5: {  	[tilespmem:s10], [sflag:$0x1] =	stream.linear.gather [hbm4b:s11+s10], $0x1400, $0x38;
	[tilespmem:$0x1A400] =	vst v63  }
0x2f6: {  	v2 =	vld.idx.msk [tilespmem:v1+s29+$0x0], $0xffff  }
0x2f7: {  	v3 =	vor.u32 $0x1, v1;
	_ =	sdelay $0x3  }
0x2f8: {  	[tilespmem:s8+$0xFFFFEC00] =	vst v2  }
0x2f9: {  	v2 =	vld.idx.msk [tilespmem:v3+s29+$0x0], $0xffff  }
0x2fa: {  	v1 =	vor.u32 $0x2, v1;
	_ =	sdelay $0x3  }
0x2fb: {  	s11 =	simm.s32 $0x10;
	[tilespmem:s8+$0x0] =	vst v2  }
0x2fc: {  	s10 =	simm.s32 $0x20;
	v2 =	vmov s11;
	v1 =	vld.idx.msk [tilespmem:v1+s29+$0x0], $0xffff  }
.LBB2_26:
0x2fd: {  	p0 =	sne.s32 s10, $0x13F0;
	v2 =	vshll.u32 v2, $0x3  }
0x2fe: {  	v2 =	vor.u32 v0, v2;
	_ =	sdelay $0x3  }
0x2ff: {  	[tilespmem:s8+$0x1400] =	vst v1  }
0x300: {  	v1 =	vld.idx.msk [tilespmem:v2+s29+$0x0], $0xffff;
	_ =	sdelay $0x1  }
0x301: {  	v3 =	vor.u32 $0x1, v2;
	_ =	sdelay $0x2  }
0x302: {  	s8 =	sadd.s32 $0x10, s8  }
0x303: {  	[tilespmem:s8+$0xFFFFEC00] =	vst v1  }
0x304: {  	v1 =	vld.idx.msk [tilespmem:v3+s29+$0x0], $0xffff;
	_ =	sdelay $0x1  }
0x305: {  	v3 =	vor.u32 $0x2, v2  }
.Ltmp12:
0x306: {  	(pc) =	sbr.rel @p0 .LBB2_26-.Ltmp12, $3  }
0x307: {  	_ =	sdelay $0x1  }
0x308: {  	[tilespmem:s8+$0x0] =	vst v1  }
0x309: {  	v2 =	vmov s10;
	s10 =	sadd.s32 $0x10, s10;
	v1 =	vld.idx.msk [tilespmem:v3+s29+$0x0], $0xffff  }
0x30a: {  	v2 =	vshll.u32 v2, $0x3  }
0x30b: {  	v2 =	vor.u32 v0, v2;
	_ =	sdelay $0x3  }
0x30c: {  	[tilespmem:s8+$0x1400] =	vst v1  }
0x30d: {  	v1 =	vld.idx.msk [tilespmem:v2+s29+$0x0], $0xffff  }
0x30e: {  	v3 =	vor.u32 $0x1, v2;
	_ =	sdelay $0x2  }
0x30f: {  	s10 =	sadd.s32 $0x10, s8  }
0x310: {  	[tilespmem:s10+$0xFFFFEC00] =	vst v1  }
0x311: {  	v1 =	vld.idx.msk [tilespmem:v3+s29+$0x0], $0xffff  }
0x312: {  	v2 =	vor.u32 $0x2, v2;
	_ =	sdelay $0x3  }
0x313: {  	[tilespmem:s10+$0x0] =	vst v1  }
0x314: {  	v1 =	vld.idx.msk [tilespmem:v2+s29+$0x0], $0xffff;
	_ =	sdelay $0x4  }
0x315: {  	s11 =	rddreg [dreg:$0x1b];
	[tilespmem:s10+$0x1400] =	vst v1;
	s10 =	simm.s32 $0x0  }
0x316: {  	[hbm4b:s11+s10] =	stream.linear.scatter [tilespmem:s0], [sflag:$0x4], $0x1400, $0x38;
	[tilespmem:$0x1A400] =	vst v63  }
0x317: {  	_ =	swait.ge [sflag:s2], $0x1400  }
0x318: {  	s11 =	sld [smem:$0x7FC]  }
0x319: {  	[sflag:s2] =	ssyncset.done $0x0  }
0x31a: {  	s8 =	simm.s32 $0x17C00;
	[sflag:s2] =	ssyncadd.s32 $0xFFFFEC00  }
0x31b: {  	[hbm4b:s11+s10] =	stream.linear.scatter [tilespmem:s8], [sflag:$0x4], $0x1400, $0x38;
	[tilespmem:$0x1A400] =	vst v63  }
0x31c: {  	_ =	swait.ge [sflag:s2], $0x1400  }
0x31d: {  	s11 =	sld [smem:$0x7FD]  }
0x31e: {  	[sflag:s2] =	ssyncset.done $0x0  }
0x31f: {  	[sflag:s2] =	ssyncadd.s32 $0xFFFFEC00  }
0x320: {  	[hbm4b:s11+s10] =	stream.linear.scatter [tilespmem:s3], [sflag:$0x4], $0x1400, $0x38;
	[tilespmem:$0x1A400] =	vst v63  }
0x321: {  	_ =	swait.ge [sflag:s2], $0x1400  }
0x322: {  	[sflag:s2] =	ssyncset.done $0x0  }
0x323: {  	[sflag:s2] =	ssyncadd.s32 $0xFFFFEC00  }
0x324: {  	_ =	swait.ge [sflag:s26], $0x1400  }
0x325: {  	[sflag:s26] =	ssyncset.done $0x0  }
0x326: {  	v1 =	vmov s10;
	[sflag:s26] =	ssyncadd.s32 $0xFFFFEC00  }
0x327: {  	v1 =	vshll.u32 v1, $0x3;
	_ =	swait.ge [sflag:s4], $0xA000  }
0x328: {  	v1 =	vor.u32 v0, v1;
	[sflag:s4] =	ssyncset.done $0x0  }
0x329: {  	s11 =	sld [smem:$0x7D8];
	[sflag:s4] =	ssyncadd.s32 $0xFFFF6000  }
0x32a: {  	[tilespmem:s29], [sflag:$0x2] =	stream.indirect.gather [hbm4b:s9+s28], $0x8, s10, s28, $0xb8;
	[tilespmem:$0x1A400] =	vst v63  }
0x32b: {  	_ = 	snop  }
0x32c: {  	[tilespmem:s28], [sflag:$0x1] =	stream.linear.gather [hbm4b:s11+s10], $0x1400, $0x38;
	[tilespmem:$0x1A400] =	vst v63  }
0x32d: {  	v2 =	vld.idx.msk [tilespmem:v1+s31+$0x0], $0xffff  }
0x32e: {  	v3 =	vor.u32 $0x1, v1;
	_ =	sdelay $0x3  }
0x32f: {  	[tilespmem:s8+$0xFFFFEC00] =	vst v2  }
0x330: {  	v2 =	vld.idx.msk [tilespmem:v3+s31+$0x0], $0xffff  }
0x331: {  	v1 =	vor.u32 $0x2, v1;
	_ =	sdelay $0x3  }
0x332: {  	s11 =	simm.s32 $0x10;
	[tilespmem:s8+$0x0] =	vst v2  }
0x333: {  	s10 =	simm.s32 $0x20;
	v2 =	vmov s11;
	v1 =	vld.idx.msk [tilespmem:v1+s31+$0x0], $0xffff  }
.LBB2_28:
0x334: {  	p0 =	sne.s32 s10, $0x13F0;
	v2 =	vshll.u32 v2, $0x3  }
0x335: {  	v2 =	vor.u32 v0, v2;
	_ =	sdelay $0x3  }
0x336: {  	[tilespmem:s8+$0x1400] =	vst v1  }
0x337: {  	v1 =	vld.idx.msk [tilespmem:v2+s31+$0x0], $0xffff;
	_ =	sdelay $0x1  }
0x338: {  	v3 =	vor.u32 $0x1, v2;
	_ =	sdelay $0x2  }
0x339: {  	s8 =	sadd.s32 $0x10, s8  }
0x33a: {  	[tilespmem:s8+$0xFFFFEC00] =	vst v1  }
0x33b: {  	v1 =	vld.idx.msk [tilespmem:v3+s31+$0x0], $0xffff;
	_ =	sdelay $0x1  }
0x33c: {  	v3 =	vor.u32 $0x2, v2  }
.Ltmp13:
0x33d: {  	(pc) =	sbr.rel @p0 .LBB2_28-.Ltmp13, $3  }
0x33e: {  	_ =	sdelay $0x1  }
0x33f: {  	[tilespmem:s8+$0x0] =	vst v1  }
0x340: {  	v2 =	vmov s10;
	s10 =	sadd.s32 $0x10, s10;
	v1 =	vld.idx.msk [tilespmem:v3+s31+$0x0], $0xffff  }
0x341: {  	v2 =	vshll.u32 v2, $0x3  }
0x342: {  	v2 =	vor.u32 v0, v2;
	_ =	sdelay $0x3  }
0x343: {  	[tilespmem:s8+$0x1400] =	vst v1  }
0x344: {  	v1 =	vld.idx.msk [tilespmem:v2+s31+$0x0], $0xffff  }
0x345: {  	v3 =	vor.u32 $0x1, v2;
	_ =	sdelay $0x2  }
0x346: {  	s10 =	sadd.s32 $0x10, s8  }
0x347: {  	[tilespmem:s10+$0xFFFFEC00] =	vst v1  }
0x348: {  	v1 =	vld.idx.msk [tilespmem:v3+s31+$0x0], $0xffff  }
0x349: {  	v2 =	vor.u32 $0x2, v2;
	_ =	sdelay $0x3  }
0x34a: {  	[tilespmem:s10+$0x0] =	vst v1  }
0x34b: {  	v1 =	vld.idx.msk [tilespmem:v2+s31+$0x0], $0xffff;
	_ =	sdelay $0x4  }
0x34c: {  	s11 =	rddreg [dreg:$0x1d];
	[tilespmem:s10+$0x1400] =	vst v1;
	s10 =	simm.s32 $0x0  }
0x34d: {  	[hbm4b:s11+s10] =	stream.linear.scatter [tilespmem:s0], [sflag:$0x4], $0x1400, $0x38;
	[tilespmem:$0x1A400] =	vst v63  }
0x34e: {  	_ =	swait.ge [sflag:s2], $0x1400  }
0x34f: {  	[sflag:s2] =	ssyncset.done $0x0  }
0x350: {  	s8 =	simm.s32 $0x17C00;
	[sflag:s2] =	ssyncadd.s32 $0xFFFFEC00  }
0x351: {  	[hbm4b:s12+s10] =	stream.linear.scatter [tilespmem:s8], [sflag:$0x4], $0x1400, $0x38;
	[tilespmem:$0x1A400] =	vst v63  }
0x352: {  	_ =	swait.ge [sflag:s2], $0x1400  }
0x353: {  	[sflag:s2] =	ssyncset.done $0x0  }
0x354: {  	[sflag:s2] =	ssyncadd.s32 $0xFFFFEC00  }
0x355: {  	[hbm4b:s13+s10] =	stream.linear.scatter [tilespmem:s3], [sflag:$0x4], $0x1400, $0x38;
	[tilespmem:$0x1A400] =	vst v63  }
0x356: {  	_ =	swait.ge [sflag:s2], $0x1400  }
0x357: {  	[sflag:s2] =	ssyncset.done $0x0  }
0x358: {  	[sflag:s2] =	ssyncadd.s32 $0xFFFFEC00  }
0x359: {  	_ =	swait.ge [sflag:s26], $0x1400  }
0x35a: {  	[sflag:s26] =	ssyncset.done $0x0  }
0x35b: {  	v1 =	vmov s10;
	[sflag:s26] =	ssyncadd.s32 $0xFFFFEC00  }
0x35c: {  	v1 =	vshll.u32 v1, $0x3;
	_ =	swait.ge [sflag:s30], $0xA000  }
0x35d: {  	v1 =	vor.u32 v0, v1;
	[sflag:s30] =	ssyncset.done $0x0  }
0x35e: {  	s11 =	sld [smem:$0x7DA];
	[sflag:s30] =	ssyncadd.s32 $0xFFFF6000  }
0x35f: {  	[tilespmem:s31], [sflag:$0x3] =	stream.indirect.gather [hbm4b:s9+s28], $0x8, s28, s28, $0xb8;
	[tilespmem:$0x1A400] =	vst v63  }
0x360: {  	_ = 	snop  }
0x361: {  	[tilespmem:s10], [sflag:$0x1] =	stream.linear.gather [hbm4b:s11+s10], $0x1400, $0x38;
	[tilespmem:$0x1A400] =	vst v63  }
0x362: {  	v2 =	vld.idx.msk [tilespmem:v1+s29+$0x0], $0xffff  }
0x363: {  	v3 =	vor.u32 $0x1, v1;
	_ =	sdelay $0x3  }
0x364: {  	[tilespmem:s8+$0xFFFFEC00] =	vst v2  }
0x365: {  	v2 =	vld.idx.msk [tilespmem:v3+s29+$0x0], $0xffff  }
0x366: {  	v1 =	vor.u32 $0x2, v1;
	_ =	sdelay $0x3  }
0x367: {  	s11 =	simm.s32 $0x10;
	[tilespmem:s8+$0x0] =	vst v2  }
0x368: {  	s10 =	simm.s32 $0x20;
	v2 =	vmov s11;
	v1 =	vld.idx.msk [tilespmem:v1+s29+$0x0], $0xffff  }
.LBB2_30:
0x369: {  	p0 =	sne.s32 s10, $0x13F0;
	v2 =	vshll.u32 v2, $0x3  }
0x36a: {  	v2 =	vor.u32 v0, v2;
	_ =	sdelay $0x3  }
0x36b: {  	[tilespmem:s8+$0x1400] =	vst v1  }
0x36c: {  	v1 =	vld.idx.msk [tilespmem:v2+s29+$0x0], $0xffff;
	_ =	sdelay $0x1  }
0x36d: {  	v3 =	vor.u32 $0x1, v2;
	_ =	sdelay $0x2  }
0x36e: {  	s8 =	sadd.s32 $0x10, s8  }
0x36f: {  	[tilespmem:s8+$0xFFFFEC00] =	vst v1  }
0x370: {  	v1 =	vld.idx.msk [tilespmem:v3+s29+$0x0], $0xffff;
	_ =	sdelay $0x1  }
0x371: {  	v3 =	vor.u32 $0x2, v2  }
.Ltmp14:
0x372: {  	(pc) =	sbr.rel @p0 .LBB2_30-.Ltmp14, $3  }
0x373: {  	_ =	sdelay $0x1  }
0x374: {  	[tilespmem:s8+$0x0] =	vst v1  }
0x375: {  	v2 =	vmov s10;
	s10 =	sadd.s32 $0x10, s10;
	v1 =	vld.idx.msk [tilespmem:v3+s29+$0x0], $0xffff  }
0x376: {  	v2 =	vshll.u32 v2, $0x3  }
0x377: {  	v2 =	vor.u32 v0, v2;
	_ =	sdelay $0x3  }
0x378: {  	[tilespmem:s8+$0x1400] =	vst v1  }
0x379: {  	v1 =	vld.idx.msk [tilespmem:v2+s29+$0x0], $0xffff  }
0x37a: {  	v3 =	vor.u32 $0x1, v2;
	_ =	sdelay $0x2  }
0x37b: {  	s10 =	sadd.s32 $0x10, s8  }
0x37c: {  	[tilespmem:s10+$0xFFFFEC00] =	vst v1  }
0x37d: {  	v1 =	vld.idx.msk [tilespmem:v3+s29+$0x0], $0xffff  }
0x37e: {  	v2 =	vor.u32 $0x2, v2;
	_ =	sdelay $0x3  }
0x37f: {  	[tilespmem:s10+$0x0] =	vst v1  }
0x380: {  	v1 =	vld.idx.msk [tilespmem:v2+s29+$0x0], $0xffff;
	_ =	sdelay $0x4  }
0x381: {  	s11 =	rddreg [dreg:$0x1f];
	[tilespmem:s10+$0x1400] =	vst v1;
	s10 =	simm.s32 $0x0  }
0x382: {  	[hbm4b:s11+s10] =	stream.linear.scatter [tilespmem:s0], [sflag:$0x4], $0x1400, $0x38;
	[tilespmem:$0x1A400] =	vst v63  }
0x383: {  	_ =	swait.ge [sflag:s2], $0x1400  }
0x384: {  	[sflag:s2] =	ssyncset.done $0x0  }
0x385: {  	s8 =	simm.s32 $0x17C00;
	[sflag:s2] =	ssyncadd.s32 $0xFFFFEC00  }
0x386: {  	[hbm4b:s14+s10] =	stream.linear.scatter [tilespmem:s8], [sflag:$0x4], $0x1400, $0x38;
	[tilespmem:$0x1A400] =	vst v63  }
0x387: {  	_ =	swait.ge [sflag:s2], $0x1400  }
0x388: {  	[sflag:s2] =	ssyncset.done $0x0  }
0x389: {  	[sflag:s2] =	ssyncadd.s32 $0xFFFFEC00  }
0x38a: {  	[hbm4b:s15+s10] =	stream.linear.scatter [tilespmem:s3], [sflag:$0x4], $0x1400, $0x38;
	[tilespmem:$0x1A400] =	vst v63  }
0x38b: {  	_ =	swait.ge [sflag:s2], $0x1400  }
0x38c: {  	[sflag:s2] =	ssyncset.done $0x0  }
0x38d: {  	[sflag:s2] =	ssyncadd.s32 $0xFFFFEC00  }
0x38e: {  	_ =	swait.ge [sflag:s26], $0x1400  }
0x38f: {  	[sflag:s26] =	ssyncset.done $0x0  }
0x390: {  	v1 =	vmov s10;
	[sflag:s26] =	ssyncadd.s32 $0xFFFFEC00  }
0x391: {  	v1 =	vshll.u32 v1, $0x3;
	_ =	swait.ge [sflag:s4], $0xA000  }
0x392: {  	v1 =	vor.u32 v0, v1;
	[sflag:s4] =	ssyncset.done $0x0  }
0x393: {  	s11 =	sld [smem:$0x7DD];
	[sflag:s4] =	ssyncadd.s32 $0xFFFF6000  }
0x394: {  	[tilespmem:s29], [sflag:$0x2] =	stream.indirect.gather [hbm4b:s9+s28], $0x8, s10, s28, $0xb8;
	[tilespmem:$0x1A400] =	vst v63  }
0x395: {  	_ = 	snop  }
0x396: {  	[tilespmem:s28], [sflag:$0x1] =	stream.linear.gather [hbm4b:s11+s10], $0x1400, $0x38;
	[tilespmem:$0x1A400] =	vst v63  }
0x397: {  	v2 =	vld.idx.msk [tilespmem:v1+s31+$0x0], $0xffff  }
0x398: {  	v3 =	vor.u32 $0x1, v1;
	_ =	sdelay $0x3  }
0x399: {  	[tilespmem:s8+$0xFFFFEC00] =	vst v2  }
0x39a: {  	v2 =	vld.idx.msk [tilespmem:v3+s31+$0x0], $0xffff  }
0x39b: {  	v1 =	vor.u32 $0x2, v1;
	_ =	sdelay $0x3  }
0x39c: {  	s11 =	simm.s32 $0x10;
	[tilespmem:s8+$0x0] =	vst v2  }
0x39d: {  	s10 =	simm.s32 $0x20;
	v2 =	vmov s11;
	v1 =	vld.idx.msk [tilespmem:v1+s31+$0x0], $0xffff  }
.LBB2_32:
0x39e: {  	p0 =	sne.s32 s10, $0x13F0;
	v2 =	vshll.u32 v2, $0x3  }
0x39f: {  	v2 =	vor.u32 v0, v2;
	_ =	sdelay $0x3  }
0x3a0: {  	[tilespmem:s8+$0x1400] =	vst v1  }
0x3a1: {  	v1 =	vld.idx.msk [tilespmem:v2+s31+$0x0], $0xffff;
	_ =	sdelay $0x1  }
0x3a2: {  	v3 =	vor.u32 $0x1, v2;
	_ =	sdelay $0x2  }
0x3a3: {  	s8 =	sadd.s32 $0x10, s8  }
0x3a4: {  	[tilespmem:s8+$0xFFFFEC00] =	vst v1  }
0x3a5: {  	v1 =	vld.idx.msk [tilespmem:v3+s31+$0x0], $0xffff;
	_ =	sdelay $0x1  }
0x3a6: {  	v3 =	vor.u32 $0x2, v2  }
.Ltmp15:
0x3a7: {  	(pc) =	sbr.rel @p0 .LBB2_32-.Ltmp15, $3  }
0x3a8: {  	_ =	sdelay $0x1  }
0x3a9: {  	[tilespmem:s8+$0x0] =	vst v1  }
0x3aa: {  	v2 =	vmov s10;
	s10 =	sadd.s32 $0x10, s10;
	v1 =	vld.idx.msk [tilespmem:v3+s31+$0x0], $0xffff  }
0x3ab: {  	v2 =	vshll.u32 v2, $0x3  }
0x3ac: {  	v2 =	vor.u32 v0, v2;
	_ =	sdelay $0x3  }
0x3ad: {  	[tilespmem:s8+$0x1400] =	vst v1  }
0x3ae: {  	v1 =	vld.idx.msk [tilespmem:v2+s31+$0x0], $0xffff  }
0x3af: {  	v3 =	vor.u32 $0x1, v2;
	_ =	sdelay $0x2  }
0x3b0: {  	s10 =	sadd.s32 $0x10, s8  }
0x3b1: {  	[tilespmem:s10+$0xFFFFEC00] =	vst v1  }
0x3b2: {  	v1 =	vld.idx.msk [tilespmem:v3+s31+$0x0], $0xffff  }
0x3b3: {  	v2 =	vor.u32 $0x2, v2;
	_ =	sdelay $0x3  }
0x3b4: {  	[tilespmem:s10+$0x0] =	vst v1  }
0x3b5: {  	v1 =	vld.idx.msk [tilespmem:v2+s31+$0x0], $0xffff;
	_ =	sdelay $0x2  }
0x3b6: {  	s11 =	sld [smem:$0x7D9];
	_ =	sdelay $0x1  }
0x3b7: {  	[tilespmem:s10+$0x1400] =	vst v1;
	s10 =	simm.s32 $0x0  }
0x3b8: {  	[hbm4b:s11+s10] =	stream.linear.scatter [tilespmem:s0], [sflag:$0x4], $0x1400, $0x38;
	[tilespmem:$0x1A400] =	vst v63  }
0x3b9: {  	_ =	swait.ge [sflag:s2], $0x1400  }
0x3ba: {  	[sflag:s2] =	ssyncset.done $0x0  }
0x3bb: {  	s8 =	simm.s32 $0x17C00;
	[sflag:s2] =	ssyncadd.s32 $0xFFFFEC00  }
0x3bc: {  	[hbm4b:s16+s10] =	stream.linear.scatter [tilespmem:s8], [sflag:$0x4], $0x1400, $0x38;
	[tilespmem:$0x1A400] =	vst v63  }
0x3bd: {  	_ =	swait.ge [sflag:s2], $0x1400  }
0x3be: {  	[sflag:s2] =	ssyncset.done $0x0  }
0x3bf: {  	[sflag:s2] =	ssyncadd.s32 $0xFFFFEC00  }
0x3c0: {  	[hbm4b:s17+s10] =	stream.linear.scatter [tilespmem:s3], [sflag:$0x4], $0x1400, $0x38;
	[tilespmem:$0x1A400] =	vst v63  }
0x3c1: {  	_ =	swait.ge [sflag:s2], $0x1400  }
0x3c2: {  	[sflag:s2] =	ssyncset.done $0x0  }
0x3c3: {  	[sflag:s2] =	ssyncadd.s32 $0xFFFFEC00  }
0x3c4: {  	_ =	swait.ge [sflag:s26], $0x1400  }
0x3c5: {  	[sflag:s26] =	ssyncset.done $0x0  }
0x3c6: {  	v1 =	vmov s10;
	[sflag:s26] =	ssyncadd.s32 $0xFFFFEC00  }
0x3c7: {  	v1 =	vshll.u32 v1, $0x3;
	_ =	swait.ge [sflag:s30], $0xA000  }
0x3c8: {  	v1 =	vor.u32 v0, v1;
	[sflag:s30] =	ssyncset.done $0x0  }
0x3c9: {  	s11 =	sld [smem:$0x7DE];
	[sflag:s30] =	ssyncadd.s32 $0xFFFF6000  }
0x3ca: {  	[tilespmem:s31], [sflag:$0x3] =	stream.indirect.gather [hbm4b:s9+s28], $0x8, s28, s28, $0xb8;
	[tilespmem:$0x1A400] =	vst v63  }
0x3cb: {  	_ = 	snop  }
0x3cc: {  	[tilespmem:s10], [sflag:$0x1] =	stream.linear.gather [hbm4b:s11+s10], $0x1400, $0x38;
	[tilespmem:$0x1A400] =	vst v63  }
0x3cd: {  	v2 =	vld.idx.msk [tilespmem:v1+s29+$0x0], $0xffff  }
0x3ce: {  	v3 =	vor.u32 $0x1, v1;
	_ =	sdelay $0x3  }
0x3cf: {  	[tilespmem:s8+$0xFFFFEC00] =	vst v2  }
0x3d0: {  	v2 =	vld.idx.msk [tilespmem:v3+s29+$0x0], $0xffff  }
0x3d1: {  	v1 =	vor.u32 $0x2, v1;
	_ =	sdelay $0x3  }
0x3d2: {  	s11 =	simm.s32 $0x10;
	[tilespmem:s8+$0x0] =	vst v2  }
0x3d3: {  	s10 =	simm.s32 $0x20;
	v2 =	vmov s11;
	v1 =	vld.idx.msk [tilespmem:v1+s29+$0x0], $0xffff  }
.LBB2_34:
0x3d4: {  	p0 =	sne.s32 s10, $0x13F0;
	v2 =	vshll.u32 v2, $0x3  }
0x3d5: {  	v2 =	vor.u32 v0, v2;
	_ =	sdelay $0x3  }
0x3d6: {  	[tilespmem:s8+$0x1400] =	vst v1  }
0x3d7: {  	v1 =	vld.idx.msk [tilespmem:v2+s29+$0x0], $0xffff;
	_ =	sdelay $0x1  }
0x3d8: {  	v3 =	vor.u32 $0x1, v2;
	_ =	sdelay $0x2  }
0x3d9: {  	s8 =	sadd.s32 $0x10, s8  }
0x3da: {  	[tilespmem:s8+$0xFFFFEC00] =	vst v1  }
0x3db: {  	v1 =	vld.idx.msk [tilespmem:v3+s29+$0x0], $0xffff;
	_ =	sdelay $0x1  }
0x3dc: {  	v3 =	vor.u32 $0x2, v2  }
.Ltmp16:
0x3dd: {  	(pc) =	sbr.rel @p0 .LBB2_34-.Ltmp16, $3  }
0x3de: {  	_ =	sdelay $0x1  }
0x3df: {  	[tilespmem:s8+$0x0] =	vst v1  }
0x3e0: {  	v2 =	vmov s10;
	s10 =	sadd.s32 $0x10, s10;
	v1 =	vld.idx.msk [tilespmem:v3+s29+$0x0], $0xffff  }
0x3e1: {  	v2 =	vshll.u32 v2, $0x3  }
0x3e2: {  	v2 =	vor.u32 v0, v2;
	_ =	sdelay $0x3  }
0x3e3: {  	[tilespmem:s8+$0x1400] =	vst v1  }
0x3e4: {  	v1 =	vld.idx.msk [tilespmem:v2+s29+$0x0], $0xffff  }
0x3e5: {  	v3 =	vor.u32 $0x1, v2;
	_ =	sdelay $0x2  }
0x3e6: {  	s10 =	sadd.s32 $0x10, s8  }
0x3e7: {  	[tilespmem:s10+$0xFFFFEC00] =	vst v1  }
0x3e8: {  	v1 =	vld.idx.msk [tilespmem:v3+s29+$0x0], $0xffff  }
0x3e9: {  	v2 =	vor.u32 $0x2, v2;
	_ =	sdelay $0x3  }
0x3ea: {  	[tilespmem:s10+$0x0] =	vst v1  }
0x3eb: {  	v1 =	vld.idx.msk [tilespmem:v2+s29+$0x0], $0xffff;
	_ =	sdelay $0x2  }
0x3ec: {  	s11 =	sld [smem:$0x7DB];
	_ =	sdelay $0x1  }
0x3ed: {  	[tilespmem:s10+$0x1400] =	vst v1;
	s10 =	simm.s32 $0x0  }
0x3ee: {  	[hbm4b:s11+s10] =	stream.linear.scatter [tilespmem:s0], [sflag:$0x4], $0x1400, $0x38;
	[tilespmem:$0x1A400] =	vst v63  }
0x3ef: {  	_ =	swait.ge [sflag:s2], $0x1400  }
0x3f0: {  	[sflag:s2] =	ssyncset.done $0x0  }
0x3f1: {  	s8 =	simm.s32 $0x17C00;
	[sflag:s2] =	ssyncadd.s32 $0xFFFFEC00  }
0x3f2: {  	[hbm4b:s18+s10] =	stream.linear.scatter [tilespmem:s8], [sflag:$0x4], $0x1400, $0x38;
	[tilespmem:$0x1A400] =	vst v63  }
0x3f3: {  	_ =	swait.ge [sflag:s2], $0x1400  }
0x3f4: {  	[sflag:s2] =	ssyncset.done $0x0  }
0x3f5: {  	[sflag:s2] =	ssyncadd.s32 $0xFFFFEC00  }
0x3f6: {  	[hbm4b:s19+s10] =	stream.linear.scatter [tilespmem:s3], [sflag:$0x4], $0x1400, $0x38;
	[tilespmem:$0x1A400] =	vst v63  }
0x3f7: {  	_ =	swait.ge [sflag:s2], $0x1400  }
0x3f8: {  	[sflag:s2] =	ssyncset.done $0x0  }
0x3f9: {  	[sflag:s2] =	ssyncadd.s32 $0xFFFFEC00  }
0x3fa: {  	_ =	swait.ge [sflag:s26], $0x1400  }
0x3fb: {  	[sflag:s26] =	ssyncset.done $0x0  }
0x3fc: {  	v1 =	vmov s10;
	[sflag:s26] =	ssyncadd.s32 $0xFFFFEC00  }
0x3fd: {  	v1 =	vshll.u32 v1, $0x3;
	_ =	swait.ge [sflag:s4], $0xA000  }
0x3fe: {  	v1 =	vor.u32 v0, v1;
	[sflag:s4] =	ssyncset.done $0x0  }
0x3ff: {  	s11 =	sld [smem:$0x7DF];
	[sflag:s4] =	ssyncadd.s32 $0xFFFF6000  }
0x400: {  	[tilespmem:s29], [sflag:$0x2] =	stream.indirect.gather [hbm4b:s9+s28], $0x8, s10, s28, $0xb8;
	[tilespmem:$0x1A400] =	vst v63  }
0x401: {  	_ = 	snop  }
0x402: {  	[tilespmem:s28], [sflag:$0x1] =	stream.linear.gather [hbm4b:s11+s10], $0x1400, $0x38;
	[tilespmem:$0x1A400] =	vst v63  }
0x403: {  	v2 =	vld.idx.msk [tilespmem:v1+s31+$0x0], $0xffff  }
0x404: {  	v3 =	vor.u32 $0x1, v1;
	_ =	sdelay $0x3  }
0x405: {  	[tilespmem:s8+$0xFFFFEC00] =	vst v2  }
0x406: {  	v2 =	vld.idx.msk [tilespmem:v3+s31+$0x0], $0xffff  }
0x407: {  	v1 =	vor.u32 $0x2, v1;
	_ =	sdelay $0x3  }
0x408: {  	s11 =	simm.s32 $0x10;
	[tilespmem:s8+$0x0] =	vst v2  }
0x409: {  	s10 =	simm.s32 $0x20;
	v2 =	vmov s11;
	v1 =	vld.idx.msk [tilespmem:v1+s31+$0x0], $0xffff  }
.LBB2_36:
0x40a: {  	p0 =	sne.s32 s10, $0x13F0;
	v2 =	vshll.u32 v2, $0x3  }
0x40b: {  	v2 =	vor.u32 v0, v2;
	_ =	sdelay $0x3  }
0x40c: {  	[tilespmem:s8+$0x1400] =	vst v1  }
0x40d: {  	v1 =	vld.idx.msk [tilespmem:v2+s31+$0x0], $0xffff;
	_ =	sdelay $0x1  }
0x40e: {  	v3 =	vor.u32 $0x1, v2;
	_ =	sdelay $0x2  }
0x40f: {  	s8 =	sadd.s32 $0x10, s8  }
0x410: {  	[tilespmem:s8+$0xFFFFEC00] =	vst v1  }
0x411: {  	v1 =	vld.idx.msk [tilespmem:v3+s31+$0x0], $0xffff;
	_ =	sdelay $0x1  }
0x412: {  	v3 =	vor.u32 $0x2, v2  }
.Ltmp17:
0x413: {  	(pc) =	sbr.rel @p0 .LBB2_36-.Ltmp17, $3  }
0x414: {  	_ =	sdelay $0x1  }
0x415: {  	[tilespmem:s8+$0x0] =	vst v1  }
0x416: {  	v2 =	vmov s10;
	s10 =	sadd.s32 $0x10, s10;
	v1 =	vld.idx.msk [tilespmem:v3+s31+$0x0], $0xffff  }
0x417: {  	v2 =	vshll.u32 v2, $0x3  }
0x418: {  	v2 =	vor.u32 v0, v2;
	_ =	sdelay $0x3  }
0x419: {  	[tilespmem:s8+$0x1400] =	vst v1  }
0x41a: {  	v1 =	vld.idx.msk [tilespmem:v2+s31+$0x0], $0xffff  }
0x41b: {  	v3 =	vor.u32 $0x1, v2;
	_ =	sdelay $0x2  }
0x41c: {  	s10 =	sadd.s32 $0x10, s8  }
0x41d: {  	[tilespmem:s10+$0xFFFFEC00] =	vst v1  }
0x41e: {  	v1 =	vld.idx.msk [tilespmem:v3+s31+$0x0], $0xffff  }
0x41f: {  	v2 =	vor.u32 $0x2, v2;
	_ =	sdelay $0x3  }
0x420: {  	[tilespmem:s10+$0x0] =	vst v1  }
0x421: {  	v1 =	vld.idx.msk [tilespmem:v2+s31+$0x0], $0xffff;
	_ =	sdelay $0x2  }
0x422: {  	s11 =	sld [smem:$0x7E0];
	_ =	sdelay $0x1  }
0x423: {  	[tilespmem:s10+$0x1400] =	vst v1;
	s10 =	simm.s32 $0x0  }
0x424: {  	[hbm4b:s11+s10] =	stream.linear.scatter [tilespmem:s0], [sflag:$0x4], $0x1400, $0x38;
	[tilespmem:$0x1A400] =	vst v63  }
0x425: {  	_ =	swait.ge [sflag:s2], $0x1400  }
0x426: {  	[sflag:s2] =	ssyncset.done $0x0  }
0x427: {  	s8 =	simm.s32 $0x17C00;
	[sflag:s2] =	ssyncadd.s32 $0xFFFFEC00  }
0x428: {  	[hbm4b:s20+s10] =	stream.linear.scatter [tilespmem:s8], [sflag:$0x4], $0x1400, $0x38;
	[tilespmem:$0x1A400] =	vst v63  }
0x429: {  	_ =	swait.ge [sflag:s2], $0x1400  }
0x42a: {  	[sflag:s2] =	ssyncset.done $0x0  }
0x42b: {  	[sflag:s2] =	ssyncadd.s32 $0xFFFFEC00  }
0x42c: {  	[hbm4b:s21+s10] =	stream.linear.scatter [tilespmem:s3], [sflag:$0x4], $0x1400, $0x38;
	[tilespmem:$0x1A400] =	vst v63  }
0x42d: {  	_ =	swait.ge [sflag:s2], $0x1400  }
0x42e: {  	[sflag:s2] =	ssyncset.done $0x0  }
0x42f: {  	[sflag:s2] =	ssyncadd.s32 $0xFFFFEC00  }
0x430: {  	v1 =	vmov s10;
	_ =	swait.ge [sflag:s26], $0x1400  }
0x431: {  	v1 =	vshll.u32 v1, $0x3;
	[sflag:s26] =	ssyncset.done $0x0  }
0x432: {  	v1 =	vor.u32 v0, v1;
	[sflag:s26] =	ssyncadd.s32 $0xFFFFEC00  }
0x433: {  	_ =	swait.ge [sflag:s30], $0xA000  }
0x434: {  	[sflag:s30] =	ssyncset.done $0x0  }
0x435: {  	[sflag:s30] =	ssyncadd.s32 $0xFFFF6000  }
0x436: {  	[tilespmem:s31], [sflag:$0x3] =	stream.indirect.gather [hbm4b:s9+s28], $0x8, s28, s28, $0xb8;
	[tilespmem:$0x1A400] =	vst v63  }
0x437: {  	v2 =	vld.idx.msk [tilespmem:v1+s29+$0x0], $0xffff  }
0x438: {  	v3 =	vor.u32 $0x1, v1;
	_ =	sdelay $0x3  }
0x439: {  	[tilespmem:s8+$0xFFFFEC00] =	vst v2  }
0x43a: {  	v2 =	vld.idx.msk [tilespmem:v3+s29+$0x0], $0xffff  }
0x43b: {  	v1 =	vor.u32 $0x2, v1;
	_ =	sdelay $0x3  }
0x43c: {  	s11 =	simm.s32 $0x10;
	[tilespmem:s8+$0x0] =	vst v2  }
0x43d: {  	s10 =	simm.s32 $0x20;
	v2 =	vmov s11;
	v1 =	vld.idx.msk [tilespmem:v1+s29+$0x0], $0xffff  }
.LBB2_38:
0x43e: {  	p0 =	sne.s32 s10, $0x13F0;
	v2 =	vshll.u32 v2, $0x3  }
0x43f: {  	v2 =	vor.u32 v0, v2;
	_ =	sdelay $0x3  }
0x440: {  	[tilespmem:s8+$0x1400] =	vst v1  }
0x441: {  	v1 =	vld.idx.msk [tilespmem:v2+s29+$0x0], $0xffff;
	_ =	sdelay $0x1  }
0x442: {  	v3 =	vor.u32 $0x1, v2;
	_ =	sdelay $0x2  }
0x443: {  	s8 =	sadd.s32 $0x10, s8  }
0x444: {  	[tilespmem:s8+$0xFFFFEC00] =	vst v1  }
0x445: {  	v1 =	vld.idx.msk [tilespmem:v3+s29+$0x0], $0xffff;
	_ =	sdelay $0x1  }
0x446: {  	v3 =	vor.u32 $0x2, v2  }
.Ltmp18:
0x447: {  	(pc) =	sbr.rel @p0 .LBB2_38-.Ltmp18, $3  }
0x448: {  	_ =	sdelay $0x1  }
0x449: {  	[tilespmem:s8+$0x0] =	vst v1  }
0x44a: {  	v2 =	vmov s10;
	s10 =	sadd.s32 $0x10, s10;
	v1 =	vld.idx.msk [tilespmem:v3+s29+$0x0], $0xffff  }
0x44b: {  	v2 =	vshll.u32 v2, $0x3  }
0x44c: {  	v2 =	vor.u32 v0, v2;
	_ =	sdelay $0x3  }
0x44d: {  	[tilespmem:s8+$0x1400] =	vst v1  }
0x44e: {  	v1 =	vld.idx.msk [tilespmem:v2+s29+$0x0], $0xffff  }
0x44f: {  	v3 =	vor.u32 $0x1, v2;
	_ =	sdelay $0x2  }
0x450: {  	s10 =	sadd.s32 $0x10, s8  }
0x451: {  	[tilespmem:s10+$0xFFFFEC00] =	vst v1  }
0x452: {  	v1 =	vld.idx.msk [tilespmem:v3+s29+$0x0], $0xffff  }
0x453: {  	v2 =	vor.u32 $0x2, v2;
	_ =	sdelay $0x3  }
0x454: {  	[tilespmem:s10+$0x0] =	vst v1  }
0x455: {  	v1 =	vld.idx.msk [tilespmem:v2+s29+$0x0], $0xffff;
	_ =	sdelay $0x2  }
0x456: {  	s11 =	sld [smem:$0x7E1];
	_ =	sdelay $0x1  }
0x457: {  	[tilespmem:s10+$0x1400] =	vst v1;
	s10 =	simm.s32 $0x0  }
0x458: {  	[hbm4b:s11+s10] =	stream.linear.scatter [tilespmem:s0], [sflag:$0x4], $0x1400, $0x38;
	[tilespmem:$0x1A400] =	vst v63  }
0x459: {  	_ =	swait.ge [sflag:s2], $0x1400  }
0x45a: {  	[sflag:s2] =	ssyncset.done $0x0  }
0x45b: {  	s8 =	simm.s32 $0x17C00;
	[sflag:s2] =	ssyncadd.s32 $0xFFFFEC00  }
0x45c: {  	[hbm4b:s22+s10] =	stream.linear.scatter [tilespmem:s8], [sflag:$0x4], $0x1400, $0x38;
	[tilespmem:$0x1A400] =	vst v63  }
0x45d: {  	_ =	swait.ge [sflag:s2], $0x1400  }
0x45e: {  	[sflag:s2] =	ssyncset.done $0x0  }
0x45f: {  	[sflag:s2] =	ssyncadd.s32 $0xFFFFEC00  }
0x460: {  	v1 =	vmov s10;
	[hbm4b:s23+s10] =	stream.linear.scatter [tilespmem:s3], [sflag:$0x4], $0x1400, $0x38;
	[tilespmem:$0x1A400] =	vst v63  }
0x461: {  	v1 =	vshll.u32 v1, $0x3;
	_ =	swait.ge [sflag:s2], $0x1400  }
0x462: {  	v1 =	vor.u32 v0, v1;
	[sflag:s2] =	ssyncset.done $0x0  }
0x463: {  	[sflag:s2] =	ssyncadd.s32 $0xFFFFEC00  }
0x464: {  	_ =	swait.ge [sflag:s4], $0xA000  }
0x465: {  	[sflag:s4] =	ssyncset.done $0x0  }
0x466: {  	[sflag:s4] =	ssyncadd.s32 $0xFFFF6000  }
0x467: {  	v2 =	vld.idx.msk [tilespmem:v1+s31+$0x0], $0xffff  }
0x468: {  	v3 =	vor.u32 $0x1, v1;
	_ =	sdelay $0x3  }
0x469: {  	[tilespmem:s8+$0xFFFFEC00] =	vst v2  }
0x46a: {  	v2 =	vld.idx.msk [tilespmem:v3+s31+$0x0], $0xffff  }
0x46b: {  	v1 =	vor.u32 $0x2, v1;
	_ =	sdelay $0x3  }
0x46c: {  	s11 =	simm.s32 $0x10;
	[tilespmem:s8+$0x0] =	vst v2  }
0x46d: {  	s10 =	simm.s32 $0x20;
	v2 =	vmov s11;
	v1 =	vld.idx.msk [tilespmem:v1+s31+$0x0], $0xffff  }
.LBB2_40:
0x46e: {  	p0 =	sne.s32 s10, $0x13F0;
	v2 =	vshll.u32 v2, $0x3  }
0x46f: {  	v2 =	vor.u32 v0, v2;
	_ =	sdelay $0x3  }
0x470: {  	[tilespmem:s8+$0x1400] =	vst v1  }
0x471: {  	v1 =	vld.idx.msk [tilespmem:v2+s31+$0x0], $0xffff;
	_ =	sdelay $0x1  }
0x472: {  	v3 =	vor.u32 $0x1, v2;
	_ =	sdelay $0x2  }
0x473: {  	s8 =	sadd.s32 $0x10, s8  }
0x474: {  	[tilespmem:s8+$0xFFFFEC00] =	vst v1  }
0x475: {  	v1 =	vld.idx.msk [tilespmem:v3+s31+$0x0], $0xffff;
	_ =	sdelay $0x1  }
0x476: {  	v3 =	vor.u32 $0x2, v2  }
.Ltmp19:
0x477: {  	(pc) =	sbr.rel @p0 .LBB2_40-.Ltmp19, $3  }
0x478: {  	_ =	sdelay $0x1  }
0x479: {  	[tilespmem:s8+$0x0] =	vst v1  }
0x47a: {  	v2 =	vmov s10;
	s10 =	sadd.s32 $0x10, s10;
	v1 =	vld.idx.msk [tilespmem:v3+s31+$0x0], $0xffff  }
0x47b: {  	v2 =	vshll.u32 v2, $0x3  }
0x47c: {  	v2 =	vor.u32 v0, v2;
	_ =	sdelay $0x3  }
0x47d: {  	[tilespmem:s8+$0x1400] =	vst v1  }
0x47e: {  	v1 =	vld.idx.msk [tilespmem:v2+s31+$0x0], $0xffff  }
0x47f: {  	v3 =	vor.u32 $0x1, v2;
	_ =	sdelay $0x2  }
0x480: {  	s11 =	sadd.s32 $0x10, s8  }
0x481: {  	[tilespmem:s11+$0xFFFFEC00] =	vst v1  }
0x482: {  	v1 =	vld.idx.msk [tilespmem:v3+s31+$0x0], $0xffff  }
0x483: {  	v2 =	vor.u32 $0x2, v2;
	_ =	sdelay $0x3  }
0x484: {  	[tilespmem:s11+$0x0] =	vst v1  }
0x485: {  	v1 =	vld.idx.msk [tilespmem:v2+s31+$0x0], $0xffff;
	_ =	sdelay $0x2  }
0x486: {  	s10 =	sld [smem:$0x7E2];
	_ =	sdelay $0x1  }
0x487: {  	[tilespmem:s11+$0x1400] =	vst v1  }
0x488: {  	[hbm4b:s10+s1] =	stream.linear.scatter [tilespmem:s0], [sflag:$0x4], $0x1400, $0x38;
	[tilespmem:$0x1A400] =	vst v63  }
0x489: {  	_ =	swait.ge [sflag:s2], $0x1400  }
0x48a: {  	[sflag:s2] =	ssyncset.done $0x0  }
0x48b: {  	[sflag:s2] =	ssyncadd.s32 $0xFFFFEC00  }
0x48c: {  	[hbm4b:s24+s1] =	stream.linear.scatter [tilespmem:s6], [sflag:$0x4], $0x1400, $0x38;
	[tilespmem:$0x1A400] =	vst v63  }
0x48d: {  	_ =	swait.ge [sflag:s2], $0x1400  }
0x48e: {  	[sflag:s2] =	ssyncset.done $0x0  }
0x48f: {  	[sflag:s2] =	ssyncadd.s32 $0xFFFFEC00  }
0x490: {  	[hbm4b:s25+s1] =	stream.linear.scatter [tilespmem:s3], [sflag:$0x4], $0x1400, $0x38;
	[tilespmem:$0x1A400] =	vst v63  }
0x491: {  	_ =	swait.ge [sflag:s2], $0x1400  }
0x492: {  	s11 =	sld [smem:$0x7E3];
	_ =	sdelay $0x1  }
0x493: {  	s7 =	sadd.s32 $0x1, s7  }
0x494: {  	p0 =	sne.s32 s7, s11  }
.Ltmp20:
0x495: {  	_ = 	snop;
	(pc) =	sbr.rel @p0 .LBB2_1-.Ltmp20, $3  }
0x496: {  	_ =	sdelay $0x1  }
0x497: {  	[sflag:s2] =	ssyncset.done $0x0  }
0x498: {  	[sflag:s2] =	ssyncadd.s32 $0xFFFFEC00  }
0x499: {  	_ =	sfence.sel $0x180000  }
0x49a: {  	[bflag:$0x0] =	sbarrier.arrive $0xFFFF  }
0x49b: {  	_ =	strace $0x9000004A  }
0x49c: {  	s0 =	stileid.u32;
	[bflag:$0x2] =	sbarrier.arrive $0xFFFF  }
0x49d: {  	p0 =	sne.s32 s0, $0x0;
	s0 =	rddreg [dreg:$0x3]  }
0x49e: {  	s0 =	sadd.s32 @!p0 $0x100000, s0  }
0x49f: {  	[sflag:s0] =	ssyncadd.tile.s32 @!p0 $0x1;
	_ =	shalt  }
.Lfunc_end2:
_tile_overlayer_lowered:
.L_overlay_start_2:
0x4a0: {  	(tag) =	ssettag $0x2  }
0x4a1: {  	s0 =	rddreg [dreg:$0x0];
	s2 =	stileid.u32  }
0x4a2: {  	s1 =	rddreg [dreg:$0x1];
	p0 =	sne.s32 s2, $0x0  }
0x4a3: {  	s3 =	rddreg [dreg:$0x2];
	[bflag:$0x3] =	sbarrier.arrive $0xFFFF;
	s2 =	simm.s32 @!p0 $0x1C04  }
0x4a4: {  	[timem:s3], [sflag:s2] =	dma.local @!p0 [hbm:s0], s1  }
0x4a5: {  	s0 =	simm.s32 @!p0 $0x4  }
0x4a6: {  	_ =	swait.ge @!p0 [sflag:s0], s1  }
0x4a7: {  	s1 =	ssub.s32 @!p0 $0x0, s1;
	[sflag:s0] =	ssyncset.done @!p0 $0x0  }
0x4a8: {  	[sflag:s0] =	ssyncadd.s32 @!p0 s1  }
0x4a9: {  	[bflag:$0x3] =	sbarrier.arrive $0xFFFF  }
0x4aa: {  	_ =	shalt  }

</sc_bundles>
